<compile_context>
chip_gen: v7x
topology: tpu7x:2x2x1
jax: 0.10.2.dev20260603
libtpu: 0.0.44.dev20260713+nightly
codegen_flags: <defaults>
</compile_context>

<pallas_src>
import jax
import jax.numpy as jnp
from jax import lax
from jax.experimental import pallas as pl
from jax.experimental.pallas import tpu as pltpu
from jax.experimental.pallas import tpu_sc as plsc

_NC, _NS = 2, 16
_NW = _NC * _NS


def _splat16(x):
    return lax.broadcast(x, (16,))


def _lang_mean_kernel(lang_ref, out_ref):
    out_ref[...] = jnp.mean(lang_ref[...], axis=1)


def _lang_mean(lang_embeddings):
    B, L, D_lang = lang_embeddings.shape
    BB = 8
    return pl.pallas_call(
        _lang_mean_kernel,
        grid=(B // BB,),
        in_specs=[pl.BlockSpec((BB, L, D_lang), lambda i: (i, 0, 0))],
        out_specs=pl.BlockSpec((BB, D_lang), lambda i: (i, 0)),
        out_shape=jax.ShapeDtypeStruct((B, D_lang), jnp.float32),
    )(lang_embeddings)


def _make_sc_kernel(B, T, T_vis, D_vis, T_prop, D_prop, D_lang):
    D_out = D_vis + D_prop + D_lang
    SPW = B // _NW
    CH = 16
    NCH = T // CH

    def body(vis_f, vis_t, prop_f, prop_t, lang_avg, tgt, out,
             tgt_v, vist_v, propt_v,
             visidxL_v, visidxR_v, visw_v, propidx_v, propw_v,
             propfeat_v, langsum_v,
             fused0_v, fused1_v, visL0_v, visL1_v, visR0_v, visR1_v,
             gsem, osem):
        wid = lax.axis_index("s") * _NC + lax.axis_index("c")
        fused = (fused0_v, fused1_v)
        visL = (visL0_v, visL1_v)
        visR = (visR0_v, visR1_v)

        def searchsorted(track_v, T_src, n_steps, base_row,
                         idxL_v, idxR_v, w_v):
            def chunk(i, carry):
                t16 = tgt_v[pl.ds(i * 16, 16)]
                lo = jnp.zeros((16,), jnp.int32)
                hi = jnp.full((16,), T_src, jnp.int32)
                for _ in range(n_steps):
                    mid = jnp.minimum(lax.shift_right_logical(lo + hi, 1),
                                      T_src - 1)
                    tm = plsc.load_gather(track_v, [mid])
                    pred = tm < t16
                    lo = jnp.where(pred, mid + 1, lo)
                    hi = jnp.where(pred, hi, mid)
                idx = jnp.minimum(lo, T_src - 2)
                tl = plsc.load_gather(track_v, [idx])
                tr = plsc.load_gather(track_v, [idx + 1])
                w = jnp.clip((t16 - tl) / (tr - tl + 1e-8), 0.0, 1.0)
                idxL_v[pl.ds(i * 16, 16)] = idx + base_row
                if idxR_v is not None:
                    idxR_v[pl.ds(i * 16, 16)] = idx + 1 + base_row
                w_v[pl.ds(i * 16, 16)] = w
                return carry
            lax.fori_loop(0, T // 16, chunk, 0)

        def issue_gathers(k, p):
            pltpu.async_copy(
                vis_f.at[visidxL_v.at[pl.ds(k * CH, CH)]], visL[p], gsem)
            pltpu.async_copy(
                vis_f.at[visidxR_v.at[pl.ds(k * CH, CH)]], visR[p], gsem)

        def drain_gathers(p):
            pltpu.make_async_copy(vis_f.at[pl.ds(0, CH)], visL[p],
                                  gsem).wait()
            pltpu.make_async_copy(vis_f.at[pl.ds(0, CH)], visR[p],
                                  gsem).wait()

        def drain_out(b, p):
            pltpu.make_async_copy(fused[p], out.at[b, pl.ds(0, CH), :],
                                  osem).wait()

        def sample(s, carry):
            b = wid * SPW + s
            pltpu.sync_copy(tgt.at[b], tgt_v)
            pltpu.sync_copy(vis_t.at[b], vist_v)
            pltpu.sync_copy(prop_t.at[b], propt_v)
            pltpu.sync_copy(prop_f.at[b], propfeat_v)
            pltpu.sync_copy(lang_avg.at[b], langsum_v)

            searchsorted(vist_v, T_vis, 8, b * T_vis,
                         visidxL_v, visidxR_v, visw_v)
            searchsorted(propt_v, T_prop, 10, 0,
                         propidx_v, None, propw_v)

            for p in (0, 1):
                def fill(r, carry, _p=p):
                    for c in range(D_lang // 16):
                        fused[_p][r, pl.ds(D_vis + D_prop + c * 16, 16)] = (
                            langsum_v[pl.ds(c * 16, 16)])
                    return carry
                lax.fori_loop(0, CH, fill, 0)

            lane = lax.iota(jnp.int32, 16)

            def process(k, p):
                @pl.when(k + 1 < NCH)
                def _():
                    issue_gathers(k + 1, 1 - p)
                drain_gathers(p)

                @pl.when(k >= 2)
                def _():
                    drain_out(b, p)

                fz = fused[p]
                vL = visL[p]
                vR = visR[p]

                @plsc.parallel_loop(0, CH, unroll=2)
                def _(r):
                    g = _splat16(k * CH + r)
                    wv = plsc.load_gather(visw_v, [g])
                    for c in range(D_vis // 16):
                        sl = pl.ds(c * 16, 16)
                        lv = vL[r, sl]
                        rv = vR[r, sl]
                        fz[r, sl] = lv + wv * (rv - lv)
                    wp = plsc.load_gather(propw_v, [g])
                    pi = plsc.load_gather(propidx_v, [g])
                    for c in range(D_prop // 16):
                        col = lane + c * 16
                        lv = plsc.load_gather(propfeat_v, [pi, col])
                        rv = plsc.load_gather(propfeat_v, [pi + 1, col])
                        fz[r, pl.ds(D_vis + c * 16, 16)] = (
                            lv + wp * (rv - lv))

                pltpu.async_copy(fz, out.at[b, pl.ds(k * CH, CH), :], osem)

            issue_gathers(0, 0)

            def chunk_pair(j, carry):
                process(2 * j, 0)
                process(2 * j + 1, 1)
                return carry
            lax.fori_loop(0, NCH // 2, chunk_pair, 0)

            drain_out(b, 0)
            drain_out(b, 1)
            return carry

        lax.fori_loop(0, SPW, sample, 0)

    mesh = plsc.VectorSubcoreMesh(core_axis_name="c", subcore_axis_name="s")
    return pl.kernel(
        body,
        out_type=jax.ShapeDtypeStruct((B, T, D_out), jnp.float32),
        mesh=mesh,
        compiler_params=pltpu.CompilerParams(needs_layout_passes=False),
        scratch_types=[
            pltpu.VMEM((T,), jnp.float32),
            pltpu.VMEM((T_vis,), jnp.float32),
            pltpu.VMEM((T_prop,), jnp.float32),
            pltpu.VMEM((T,), jnp.int32),
            pltpu.VMEM((T,), jnp.int32),
            pltpu.VMEM((T,), jnp.float32),
            pltpu.VMEM((T,), jnp.int32),
            pltpu.VMEM((T,), jnp.float32),
            pltpu.VMEM((T_prop, D_prop), jnp.float32),
            pltpu.VMEM((D_lang,), jnp.float32),
            pltpu.VMEM((CH, D_out), jnp.float32),
            pltpu.VMEM((CH, D_out), jnp.float32),
            pltpu.VMEM((CH, D_vis), jnp.float32),
            pltpu.VMEM((CH, D_vis), jnp.float32),
            pltpu.VMEM((CH, D_vis), jnp.float32),
            pltpu.VMEM((CH, D_vis), jnp.float32),
            pltpu.SemaphoreType.DMA,
            pltpu.SemaphoreType.DMA,
        ],
    )


def kernel(vision_features, vision_timestamps, proprio_features,
           proprio_timestamps, lang_embeddings, target_timestamps):
    B, T_vis, D_vis = vision_features.shape
    _, T_prop, D_prop = proprio_features.shape
    _, L, D_lang = lang_embeddings.shape
    T = target_timestamps.shape[1]

    lang_avg = _lang_mean(lang_embeddings)
    k = _make_sc_kernel(B, T, T_vis, D_vis, T_prop, D_prop, D_lang)
    return k(vision_features.reshape(B * T_vis, D_vis), vision_timestamps,
             proprio_features, proprio_timestamps, lang_avg,
             target_timestamps)

# --- scband reference (transcript-rebuilt; emitter-appended) ---
"""Pipeline reference for scband-multimodal-fusion-module-74929999446262 (READ-ONLY COPY).

The authoritative reference and input builder live on the scoring server;
editing this copy changes nothing except your own understanding.
"""

import jax, jax.numpy as jnp
import numpy as np


def setup_inputs(seed: int = 0) -> dict:
    key = jax.random.key(seed)
    ks = jax.random.split(key, 6)
    B = 128
    T_vis, D_vis = 128, 256
    T_prop, D_prop = 512, 64
    L, D_lang = 77, 512
    T = 512
    vision_features = jax.random.normal(ks[0], (B, T_vis, D_vis), dtype=jnp.float32)
    vision_timestamps = jnp.sort(jax.random.uniform(ks[1], (B, T_vis), dtype=jnp.float32), axis=-1)
    proprio_features = jax.random.normal(ks[2], (B, T_prop, D_prop), dtype=jnp.float32)
    proprio_timestamps = jnp.sort(jax.random.uniform(ks[3], (B, T_prop), dtype=jnp.float32), axis=-1)
    lang_embeddings = jax.random.normal(ks[4], (B, L, D_lang), dtype=jnp.float32)
    target_timestamps = jnp.sort(jax.random.uniform(ks[5], (B, T), dtype=jnp.float32), axis=-1)
    return {
        "vision_features": vision_features,
        "vision_timestamps": vision_timestamps,
        "proprio_features": proprio_features,
        "proprio_timestamps": proprio_timestamps,
        "lang_embeddings": lang_embeddings,
        "target_timestamps": target_timestamps,
    }


def _interp_one(feats, times, tgt):
    # feats: [T_src, D], times: [T_src], tgt: [T]
    T_src = times.shape[0]
    idx = jnp.clip(jnp.searchsorted(times, tgt, side='left'), 0, T_src - 2)
    left = jnp.take(feats, idx, axis=0)
    right = jnp.take(feats, idx + 1, axis=0)
    t_left = jnp.take(times, idx)
    t_right = jnp.take(times, idx + 1)
    w = jnp.clip((tgt - t_left) / (t_right - t_left + 1e-8), 0.0, 1.0)[:, None]
    return (1.0 - w) * left + w * right


def reference(vision_features, vision_timestamps, proprio_features,
              proprio_timestamps, lang_embeddings, target_timestamps):
    vis_interp = jax.vmap(_interp_one)(vision_features, vision_timestamps, target_timestamps)
    prop_interp = jax.vmap(_interp_one)(proprio_features, proprio_timestamps, target_timestamps)
    B, T = target_timestamps.shape
    lang_avg = jnp.mean(lang_embeddings, axis=1)  # [B, D_lang]
    lang_tiled = jnp.broadcast_to(lang_avg[:, None, :], (B, T, lang_avg.shape[-1]))
    fused = jnp.concatenate([vis_interp, prop_interp, lang_tiled], axis=-1)
    return fused

if __name__ == "__main__":
    import jax
    _d = setup_inputs()
    print(jax.jit(kernel)(*tuple(_d.values())))

</pallas_src>

<mosaic_0001>
#map = affine_map<(d0, d1) -> (0, 0)>
#map1 = affine_map<(d0, d1) -> (0, 0, 0)>
module attributes {stable_mosaic.version = 14 : i64} {
  func.func @body(%arg0: i32, %arg1: i32, %arg2: memref<16384x256xf32, #tpu.memory_space<hbm>>, %arg3: memref<128x128xf32, #tpu.memory_space<hbm>>, %arg4: memref<128x512x64xf32, #tpu.memory_space<hbm>>, %arg5: memref<128x512xf32, #tpu.memory_space<hbm>>, %arg6: memref<128x512xf32, #tpu.memory_space<hbm>>, %arg7: memref<128x512xf32, #tpu.memory_space<hbm>>, %arg8: memref<128x512x832xf32, #tpu.memory_space<hbm>>, %arg9: memref<512xf32, #tpu.memory_space<vmem>>, %arg10: memref<128xf32, #tpu.memory_space<vmem>>, %arg11: memref<512xf32, #tpu.memory_space<vmem>>, %arg12: memref<512xi32, #tpu.memory_space<vmem>>, %arg13: memref<512xi32, #tpu.memory_space<vmem>>, %arg14: memref<512xf32, #tpu.memory_space<vmem>>, %arg15: memref<512xi32, #tpu.memory_space<vmem>>, %arg16: memref<512xf32, #tpu.memory_space<vmem>>, %arg17: memref<512x64xf32, #tpu.memory_space<vmem>>, %arg18: memref<512xf32, #tpu.memory_space<vmem>>, %arg19: memref<16x832xf32, #tpu.memory_space<vmem>>, %arg20: memref<16x832xf32, #tpu.memory_space<vmem>>, %arg21: memref<16x256xf32, #tpu.memory_space<vmem>>, %arg22: memref<16x256xf32, #tpu.memory_space<vmem>>, %arg23: memref<16x256xf32, #tpu.memory_space<vmem>>, %arg24: memref<16x256xf32, #tpu.memory_space<vmem>>, %arg25: memref<!tpu.dma_semaphore, #tpu.memory_space<semaphore_mem>>, %arg26: memref<!tpu.dma_semaphore, #tpu.memory_space<semaphore_mem>>) attributes {dimension_semantics = [#tpu.dimension_semantics<core_parallel>, #tpu.dimension_semantics<subcore_parallel>], iteration_bounds = array<i64: 2, 16>, scalar_prefetch = 0 : i64, scratch_operands = 18 : i64, tpu.core_type = #tpu.core_type<sc_vector_subcore>, window_params = [{transform_indices = #map}, {transform_indices = #map}, {transform_indices = #map1}, {transform_indices = #map}, {transform_indices = #map}, {transform_indices = #map}, {transform_indices = #map1}]} {
    %mul3A = arith.constant 2 : i32
    %mul3A_0 = arith.muli %arg1, %mul3A : i32
    %add3A = arith.addi %mul3A_0, %arg0 : i32
    %scan3A = arith.constant 0 : i32
    %scan3A_1 = arith.constant 0 : i32
    %scan3A_2 = arith.constant 4 : i32
    %scan3A_3 = arith.addi %scan3A_1, %scan3A_2 : i32
    %scan3A_4 = arith.constant 1 : i32
    scf.for %scan3A_6 = %scan3A_1 to %scan3A_3 step %scan3A_4  : i32 {
      %mul3A_7 = arith.constant 4 : i32
      %mul3A_8 = arith.muli %add3A, %mul3A_7 : i32
      %add3A_9 = arith.addi %mul3A_8, %scan3A_6 : i32
      "tpu.region"() ({
        %run_scoped3A = tpu.sem_alloc : memref<!tpu.dma_semaphore, #tpu.memory_space<semaphore_mem>>
        %dma_start3A_66 = arith.constant 0 : i32
        %dma_start3A_67 = tpu.memref_slice %arg7[%add3A_9, %dma_start3A_66] : memref<128x512xf32, #tpu.memory_space<hbm>> -> memref<1x512xf32, #tpu.memory_space<hbm>>
        %dma_start3A_68 = tpu.memref_squeeze %dma_start3A_67 : memref<1x512xf32, #tpu.memory_space<hbm>> -> memref<512xf32, #tpu.memory_space<hbm>>
        %dma_start3A_69 = arith.constant 0 : i32
        %dma_start3A_70 = tpu.memref_slice %arg7[%add3A_9, %dma_start3A_69] : memref<128x512xf32, #tpu.memory_space<hbm>> -> memref<1x512xf32, #tpu.memory_space<hbm>>
        %dma_start3A_71 = tpu.memref_squeeze %dma_start3A_70 : memref<1x512xf32, #tpu.memory_space<hbm>> -> memref<512xf32, #tpu.memory_space<hbm>>
        tpu.enqueue_dma source(%dma_start3A_71 : memref<512xf32, #tpu.memory_space<hbm>>) target(%arg9 : memref<512xf32, #tpu.memory_space<vmem>>) target_semaphore(%run_scoped3A : memref<!tpu.dma_semaphore, #tpu.memory_space<semaphore_mem>>)
        %dma_wait3A_72 = arith.constant 0 : i32
        %dma_wait3A_73 = tpu.memref_slice %arg7[%add3A_9, %dma_wait3A_72] : memref<128x512xf32, #tpu.memory_space<hbm>> -> memref<1x512xf32, #tpu.memory_space<hbm>>
        %dma_wait3A_74 = tpu.memref_squeeze %dma_wait3A_73 : memref<1x512xf32, #tpu.memory_space<hbm>> -> memref<512xf32, #tpu.memory_space<hbm>>
        %dma_wait3A_75 = arith.constant 0 : i32
        %dma_wait3A_76 = tpu.memref_slice %arg7[%add3A_9, %dma_wait3A_75] : memref<128x512xf32, #tpu.memory_space<hbm>> -> memref<1x512xf32, #tpu.memory_space<hbm>>
        %dma_wait3A_77 = tpu.memref_squeeze %dma_wait3A_76 : memref<1x512xf32, #tpu.memory_space<hbm>> -> memref<512xf32, #tpu.memory_space<hbm>>
        tpu.wait_dma2 semaphore(%run_scoped3A : memref<!tpu.dma_semaphore, #tpu.memory_space<semaphore_mem>>) src(%dma_wait3A_77 : memref<512xf32, #tpu.memory_space<hbm>>) dst(%arg9 : memref<512xf32, #tpu.memory_space<vmem>>)
        tpu.yield
      }) : () -> ()
      "tpu.region"() ({
        %run_scoped3A = tpu.sem_alloc : memref<!tpu.dma_semaphore, #tpu.memory_space<semaphore_mem>>
        %dma_start3A_66 = arith.constant 0 : i32
        %dma_start3A_67 = tpu.memref_slice %arg3[%add3A_9, %dma_start3A_66] : memref<128x128xf32, #tpu.memory_space<hbm>> -> memref<1x128xf32, #tpu.memory_space<hbm>>
        %dma_start3A_68 = tpu.memref_squeeze %dma_start3A_67 : memref<1x128xf32, #tpu.memory_space<hbm>> -> memref<128xf32, #tpu.memory_space<hbm>>
        %dma_start3A_69 = arith.constant 0 : i32
        %dma_start3A_70 = tpu.memref_slice %arg3[%add3A_9, %dma_start3A_69] : memref<128x128xf32, #tpu.memory_space<hbm>> -> memref<1x128xf32, #tpu.memory_space<hbm>>
        %dma_start3A_71 = tpu.memref_squeeze %dma_start3A_70 : memref<1x128xf32, #tpu.memory_space<hbm>> -> memref<128xf32, #tpu.memory_space<hbm>>
        tpu.enqueue_dma source(%dma_start3A_71 : memref<128xf32, #tpu.memory_space<hbm>>) target(%arg10 : memref<128xf32, #tpu.memory_space<vmem>>) target_semaphore(%run_scoped3A : memref<!tpu.dma_semaphore, #tpu.memory_space<semaphore_mem>>)
        %dma_wait3A_72 = arith.constant 0 : i32
        %dma_wait3A_73 = tpu.memref_slice %arg3[%add3A_9, %dma_wait3A_72] : memref<128x128xf32, #tpu.memory_space<hbm>> -> memref<1x128xf32, #tpu.memory_space<hbm>>
        %dma_wait3A_74 = tpu.memref_squeeze %dma_wait3A_73 : memref<1x128xf32, #tpu.memory_space<hbm>> -> memref<128xf32, #tpu.memory_space<hbm>>
        %dma_wait3A_75 = arith.constant 0 : i32
        %dma_wait3A_76 = tpu.memref_slice %arg3[%add3A_9, %dma_wait3A_75] : memref<128x128xf32, #tpu.memory_space<hbm>> -> memref<1x128xf32, #tpu.memory_space<hbm>>
        %dma_wait3A_77 = tpu.memref_squeeze %dma_wait3A_76 : memref<1x128xf32, #tpu.memory_space<hbm>> -> memref<128xf32, #tpu.memory_space<hbm>>
        tpu.wait_dma2 semaphore(%run_scoped3A : memref<!tpu.dma_semaphore, #tpu.memory_space<semaphore_mem>>) src(%dma_wait3A_77 : memref<128xf32, #tpu.memory_space<hbm>>) dst(%arg10 : memref<128xf32, #tpu.memory_space<vmem>>)
        tpu.yield
      }) : () -> ()
      "tpu.region"() ({
        %run_scoped3A = tpu.sem_alloc : memref<!tpu.dma_semaphore, #tpu.memory_space<semaphore_mem>>
        %dma_start3A_66 = arith.constant 0 : i32
        %dma_start3A_67 = tpu.memref_slice %arg5[%add3A_9, %dma_start3A_66] : memref<128x512xf32, #tpu.memory_space<hbm>> -> memref<1x512xf32, #tpu.memory_space<hbm>>
        %dma_start3A_68 = tpu.memref_squeeze %dma_start3A_67 : memref<1x512xf32, #tpu.memory_space<hbm>> -> memref<512xf32, #tpu.memory_space<hbm>>
        %dma_start3A_69 = arith.constant 0 : i32
        %dma_start3A_70 = tpu.memref_slice %arg5[%add3A_9, %dma_start3A_69] : memref<128x512xf32, #tpu.memory_space<hbm>> -> memref<1x512xf32, #tpu.memory_space<hbm>>
        %dma_start3A_71 = tpu.memref_squeeze %dma_start3A_70 : memref<1x512xf32, #tpu.memory_space<hbm>> -> memref<512xf32, #tpu.memory_space<hbm>>
        tpu.enqueue_dma source(%dma_start3A_71 : memref<512xf32, #tpu.memory_space<hbm>>) target(%arg11 : memref<512xf32, #tpu.memory_space<vmem>>) target_semaphore(%run_scoped3A : memref<!tpu.dma_semaphore, #tpu.memory_space<semaphore_mem>>)
        %dma_wait3A_72 = arith.constant 0 : i32
        %dma_wait3A_73 = tpu.memref_slice %arg5[%add3A_9, %dma_wait3A_72] : memref<128x512xf32, #tpu.memory_space<hbm>> -> memref<1x512xf32, #tpu.memory_space<hbm>>
        %dma_wait3A_74 = tpu.memref_squeeze %dma_wait3A_73 : memref<1x512xf32, #tpu.memory_space<hbm>> -> memref<512xf32, #tpu.memory_space<hbm>>
        %dma_wait3A_75 = arith.constant 0 : i32
        %dma_wait3A_76 = tpu.memref_slice %arg5[%add3A_9, %dma_wait3A_75] : memref<128x512xf32, #tpu.memory_space<hbm>> -> memref<1x512xf32, #tpu.memory_space<hbm>>
        %dma_wait3A_77 = tpu.memref_squeeze %dma_wait3A_76 : memref<1x512xf32, #tpu.memory_space<hbm>> -> memref<512xf32, #tpu.memory_space<hbm>>
        tpu.wait_dma2 semaphore(%run_scoped3A : memref<!tpu.dma_semaphore, #tpu.memory_space<semaphore_mem>>) src(%dma_wait3A_77 : memref<512xf32, #tpu.memory_space<hbm>>) dst(%arg11 : memref<512xf32, #tpu.memory_space<vmem>>)
        tpu.yield
      }) : () -> ()
      "tpu.region"() ({
        %run_scoped3A = tpu.sem_alloc : memref<!tpu.dma_semaphore, #tpu.memory_space<semaphore_mem>>
        %dma_start3A_66 = arith.constant 0 : i32
        %dma_start3A_67 = arith.constant 0 : i32
        %dma_start3A_68 = tpu.memref_slice %arg4[%add3A_9, %dma_start3A_66, %dma_start3A_67] : memref<128x512x64xf32, #tpu.memory_space<hbm>> -> memref<1x512x64xf32, #tpu.memory_space<hbm>>
        %dma_start3A_69 = tpu.memref_squeeze %dma_start3A_68 : memref<1x512x64xf32, #tpu.memory_space<hbm>> -> memref<512x64xf32, #tpu.memory_space<hbm>>
        %dma_start3A_70 = arith.constant 0 : i32
        %dma_start3A_71 = arith.constant 0 : i32
        %dma_start3A_72 = tpu.memref_slice %arg4[%add3A_9, %dma_start3A_70, %dma_start3A_71] : memref<128x512x64xf32, #tpu.memory_space<hbm>> -> memref<1x512x64xf32, #tpu.memory_space<hbm>>
        %dma_start3A_73 = tpu.memref_squeeze %dma_start3A_72 : memref<1x512x64xf32, #tpu.memory_space<hbm>> -> memref<512x64xf32, #tpu.memory_space<hbm>>
        tpu.enqueue_dma source(%dma_start3A_73 : memref<512x64xf32, #tpu.memory_space<hbm>>) target(%arg17 : memref<512x64xf32, #tpu.memory_space<vmem>>) target_semaphore(%run_scoped3A : memref<!tpu.dma_semaphore, #tpu.memory_space<semaphore_mem>>)
        %dma_wait3A_74 = arith.constant 0 : i32
        %dma_wait3A_75 = arith.constant 0 : i32
        %dma_wait3A_76 = tpu.memref_slice %arg4[%add3A_9, %dma_wait3A_74, %dma_wait3A_75] : memref<128x512x64xf32, #tpu.memory_space<hbm>> -> memref<1x512x64xf32, #tpu.memory_space<hbm>>
        %dma_wait3A_77 = tpu.memref_squeeze %dma_wait3A_76 : memref<1x512x64xf32, #tpu.memory_space<hbm>> -> memref<512x64xf32, #tpu.memory_space<hbm>>
        %dma_wait3A_78 = arith.constant 0 : i32
        %dma_wait3A_79 = arith.constant 0 : i32
        %dma_wait3A_80 = tpu.memref_slice %arg4[%add3A_9, %dma_wait3A_78, %dma_wait3A_79] : memref<128x512x64xf32, #tpu.memory_space<hbm>> -> memref<1x512x64xf32, #tpu.memory_space<hbm>>
        %dma_wait3A_81 = tpu.memref_squeeze %dma_wait3A_80 : memref<1x512x64xf32, #tpu.memory_space<hbm>> -> memref<512x64xf32, #tpu.memory_space<hbm>>
        tpu.wait_dma2 semaphore(%run_scoped3A : memref<!tpu.dma_semaphore, #tpu.memory_space<semaphore_mem>>) src(%dma_wait3A_81 : memref<512x64xf32, #tpu.memory_space<hbm>>) dst(%arg17 : memref<512x64xf32, #tpu.memory_space<vmem>>)
        tpu.yield
      }) : () -> ()
      "tpu.region"() ({
        %run_scoped3A = tpu.sem_alloc : memref<!tpu.dma_semaphore, #tpu.memory_space<semaphore_mem>>
        %dma_start3A_66 = arith.constant 0 : i32
        %dma_start3A_67 = tpu.memref_slice %arg6[%add3A_9, %dma_start3A_66] : memref<128x512xf32, #tpu.memory_space<hbm>> -> memref<1x512xf32, #tpu.memory_space<hbm>>
        %dma_start3A_68 = tpu.memref_squeeze %dma_start3A_67 : memref<1x512xf32, #tpu.memory_space<hbm>> -> memref<512xf32, #tpu.memory_space<hbm>>
        %dma_start3A_69 = arith.constant 0 : i32
        %dma_start3A_70 = tpu.memref_slice %arg6[%add3A_9, %dma_start3A_69] : memref<128x512xf32, #tpu.memory_space<hbm>> -> memref<1x512xf32, #tpu.memory_space<hbm>>
        %dma_start3A_71 = tpu.memref_squeeze %dma_start3A_70 : memref<1x512xf32, #tpu.memory_space<hbm>> -> memref<512xf32, #tpu.memory_space<hbm>>
        tpu.enqueue_dma source(%dma_start3A_71 : memref<512xf32, #tpu.memory_space<hbm>>) target(%arg18 : memref<512xf32, #tpu.memory_space<vmem>>) target_semaphore(%run_scoped3A : memref<!tpu.dma_semaphore, #tpu.memory_space<semaphore_mem>>)
        %dma_wait3A_72 = arith.constant 0 : i32
        %dma_wait3A_73 = tpu.memref_slice %arg6[%add3A_9, %dma_wait3A_72] : memref<128x512xf32, #tpu.memory_space<hbm>> -> memref<1x512xf32, #tpu.memory_space<hbm>>
        %dma_wait3A_74 = tpu.memref_squeeze %dma_wait3A_73 : memref<1x512xf32, #tpu.memory_space<hbm>> -> memref<512xf32, #tpu.memory_space<hbm>>
        %dma_wait3A_75 = arith.constant 0 : i32
        %dma_wait3A_76 = tpu.memref_slice %arg6[%add3A_9, %dma_wait3A_75] : memref<128x512xf32, #tpu.memory_space<hbm>> -> memref<1x512xf32, #tpu.memory_space<hbm>>
        %dma_wait3A_77 = tpu.memref_squeeze %dma_wait3A_76 : memref<1x512xf32, #tpu.memory_space<hbm>> -> memref<512xf32, #tpu.memory_space<hbm>>
        tpu.wait_dma2 semaphore(%run_scoped3A : memref<!tpu.dma_semaphore, #tpu.memory_space<semaphore_mem>>) src(%dma_wait3A_77 : memref<512xf32, #tpu.memory_space<hbm>>) dst(%arg18 : memref<512xf32, #tpu.memory_space<vmem>>)
        tpu.yield
      }) : () -> ()
      %mul3A_10 = arith.constant 128 : i32
      %mul3A_11 = arith.muli %add3A_9, %mul3A_10 : i32
      %scan3A_12 = arith.constant 0 : i32
      %scan3A_13 = arith.constant 0 : i32
      %scan3A_14 = arith.constant 32 : i32
      %scan3A_15 = arith.addi %scan3A_13, %scan3A_14 : i32
      %scan3A_16 = arith.constant 1 : i32
      scf.for %scan3A_66 = %scan3A_13 to %scan3A_15 step %scan3A_16  : i32 {
        %mul3A_67 = arith.constant 16 : i32
        %mul3A_68 = arith.muli %scan3A_66, %mul3A_67 : i32
        %get3A = arith.index_cast %mul3A_68 : i32 to index
        %get3A_69 = tpu.vector_load %arg9[%get3A] {strides = array<i32>} : memref<512xf32, #tpu.memory_space<vmem>>, vector<16xf32>,
        %broadcast_in_dim3A = arith.constant 0 : i32
        %broadcast_in_dim3A_70 = vector.broadcast %broadcast_in_dim3A : i32 to vector<16xi32>
        %broadcast_in_dim3A_71 = arith.constant 128 : i32
        %broadcast_in_dim3A_72 = vector.broadcast %broadcast_in_dim3A_71 : i32 to vector<16xi32>
        %add3A_73 = arith.addi %broadcast_in_dim3A_70, %broadcast_in_dim3A_72 : vector<16xi32>
        %shift_right_logical3A = arith.constant 1 : i32
        %shift_right_logical3A_74 = vector.broadcast %shift_right_logical3A : i32 to vector<16xi32>
        %shift_right_logical3A_75 = arith.shrui %add3A_73, %shift_right_logical3A_74 : vector<16xi32>
        %min3A = arith.constant 127 : i32
        %min3A_76 = vector.broadcast %min3A : i32 to vector<16xi32>
        %min3A_77 = arith.minsi %shift_right_logical3A_75, %min3A_76 : vector<16xi32>
        %gather3A = tpu.vector_load_idx %arg10[%min3A_77] : memref<128xf32, #tpu.memory_space<vmem>>[vector<16xi32>], vector<16xf32>,
        %lt3A = arith.cmpf olt, %gather3A, %get3A_69 : vector<16xf32>
        %add3A_78 = arith.constant 1 : i32
        %add3A_79 = vector.broadcast %add3A_78 : i32 to vector<16xi32>
        %add3A_80 = arith.addi %min3A_77, %add3A_79 : vector<16xi32>
        %select_n3A = arith.select %lt3A, %add3A_80, %broadcast_in_dim3A_70 : vector<16xi1>, vector<16xi32>
        %select_n3A_81 = arith.select %lt3A, %broadcast_in_dim3A_72, %min3A_77 : vector<16xi1>, vector<16xi32>
        %add3A_82 = arith.addi %select_n3A, %select_n3A_81 : vector<16xi32>
        %shift_right_logical3A_83 = arith.constant 1 : i32
        %shift_right_logical3A_84 = vector.broadcast %shift_right_logical3A_83 : i32 to vector<16xi32>
        %shift_right_logical3A_85 = arith.shrui %add3A_82, %shift_right_logical3A_84 : vector<16xi32>
        %min3A_86 = arith.constant 127 : i32
        %min3A_87 = vector.broadcast %min3A_86 : i32 to vector<16xi32>
        %min3A_88 = arith.minsi %shift_right_logical3A_85, %min3A_87 : vector<16xi32>
        %gather3A_89 = tpu.vector_load_idx %arg10[%min3A_88] : memref<128xf32, #tpu.memory_space<vmem>>[vector<16xi32>], vector<16xf32>,
        %lt3A_90 = arith.cmpf olt, %gather3A_89, %get3A_69 : vector<16xf32>
        %add3A_91 = arith.constant 1 : i32
        %add3A_92 = vector.broadcast %add3A_91 : i32 to vector<16xi32>
        %add3A_93 = arith.addi %min3A_88, %add3A_92 : vector<16xi32>
        %select_n3A_94 = arith.select %lt3A_90, %add3A_93, %select_n3A : vector<16xi1>, vector<16xi32>
        %select_n3A_95 = arith.select %lt3A_90, %select_n3A_81, %min3A_88 : vector<16xi1>, vector<16xi32>
        %add3A_96 = arith.addi %select_n3A_94, %select_n3A_95 : vector<16xi32>
        %shift_right_logical3A_97 = arith.constant 1 : i32
        %shift_right_logical3A_98 = vector.broadcast %shift_right_logical3A_97 : i32 to vector<16xi32>
        %shift_right_logical3A_99 = arith.shrui %add3A_96, %shift_right_logical3A_98 : vector<16xi32>
        %min3A_100 = arith.constant 127 : i32
        %min3A_101 = vector.broadcast %min3A_100 : i32 to vector<16xi32>
        %min3A_102 = arith.minsi %shift_right_logical3A_99, %min3A_101 : vector<16xi32>
        %gather3A_103 = tpu.vector_load_idx %arg10[%min3A_102] : memref<128xf32, #tpu.memory_space<vmem>>[vector<16xi32>], vector<16xf32>,
        %lt3A_104 = arith.cmpf olt, %gather3A_103, %get3A_69 : vector<16xf32>
        %add3A_105 = arith.constant 1 : i32
        %add3A_106 = vector.broadcast %add3A_105 : i32 to vector<16xi32>
        %add3A_107 = arith.addi %min3A_102, %add3A_106 : vector<16xi32>
        %select_n3A_108 = arith.select %lt3A_104, %add3A_107, %select_n3A_94 : vector<16xi1>, vector<16xi32>
        %select_n3A_109 = arith.select %lt3A_104, %select_n3A_95, %min3A_102 : vector<16xi1>, vector<16xi32>
        %add3A_110 = arith.addi %select_n3A_108, %select_n3A_109 : vector<16xi32>
        %shift_right_logical3A_111 = arith.constant 1 : i32
        %shift_right_logical3A_112 = vector.broadcast %shift_right_logical3A_111 : i32 to vector<16xi32>
        %shift_right_logical3A_113 = arith.shrui %add3A_110, %shift_right_logical3A_112 : vector<16xi32>
        %min3A_114 = arith.constant 127 : i32
        %min3A_115 = vector.broadcast %min3A_114 : i32 to vector<16xi32>
        %min3A_116 = arith.minsi %shift_right_logical3A_113, %min3A_115 : vector<16xi32>
        %gather3A_117 = tpu.vector_load_idx %arg10[%min3A_116] : memref<128xf32, #tpu.memory_space<vmem>>[vector<16xi32>], vector<16xf32>,
        %lt3A_118 = arith.cmpf olt, %gather3A_117, %get3A_69 : vector<16xf32>
        %add3A_119 = arith.constant 1 : i32
        %add3A_120 = vector.broadcast %add3A_119 : i32 to vector<16xi32>
        %add3A_121 = arith.addi %min3A_116, %add3A_120 : vector<16xi32>
        %select_n3A_122 = arith.select %lt3A_118, %add3A_121, %select_n3A_108 : vector<16xi1>, vector<16xi32>
        %select_n3A_123 = arith.select %lt3A_118, %select_n3A_109, %min3A_116 : vector<16xi1>, vector<16xi32>
        %add3A_124 = arith.addi %select_n3A_122, %select_n3A_123 : vector<16xi32>
        %shift_right_logical3A_125 = arith.constant 1 : i32
        %shift_right_logical3A_126 = vector.broadcast %shift_right_logical3A_125 : i32 to vector<16xi32>
        %shift_right_logical3A_127 = arith.shrui %add3A_124, %shift_right_logical3A_126 : vector<16xi32>
        %min3A_128 = arith.constant 127 : i32
        %min3A_129 = vector.broadcast %min3A_128 : i32 to vector<16xi32>
        %min3A_130 = arith.minsi %shift_right_logical3A_127, %min3A_129 : vector<16xi32>
        %gather3A_131 = tpu.vector_load_idx %arg10[%min3A_130] : memref<128xf32, #tpu.memory_space<vmem>>[vector<16xi32>], vector<16xf32>,
        %lt3A_132 = arith.cmpf olt, %gather3A_131, %get3A_69 : vector<16xf32>
        %add3A_133 = arith.constant 1 : i32
        %add3A_134 = vector.broadcast %add3A_133 : i32 to vector<16xi32>
        %add3A_135 = arith.addi %min3A_130, %add3A_134 : vector<16xi32>
        %select_n3A_136 = arith.select %lt3A_132, %add3A_135, %select_n3A_122 : vector<16xi1>, vector<16xi32>
        %select_n3A_137 = arith.select %lt3A_132, %select_n3A_123, %min3A_130 : vector<16xi1>, vector<16xi32>
        %add3A_138 = arith.addi %select_n3A_136, %select_n3A_137 : vector<16xi32>
        %shift_right_logical3A_139 = arith.constant 1 : i32
        %shift_right_logical3A_140 = vector.broadcast %shift_right_logical3A_139 : i32 to vector<16xi32>
        %shift_right_logical3A_141 = arith.shrui %add3A_138, %shift_right_logical3A_140 : vector<16xi32>
        %min3A_142 = arith.constant 127 : i32
        %min3A_143 = vector.broadcast %min3A_142 : i32 to vector<16xi32>
        %min3A_144 = arith.minsi %shift_right_logical3A_141, %min3A_143 : vector<16xi32>
        %gather3A_145 = tpu.vector_load_idx %arg10[%min3A_144] : memref<128xf32, #tpu.memory_space<vmem>>[vector<16xi32>], vector<16xf32>,
        %lt3A_146 = arith.cmpf olt, %gather3A_145, %get3A_69 : vector<16xf32>
        %add3A_147 = arith.constant 1 : i32
        %add3A_148 = vector.broadcast %add3A_147 : i32 to vector<16xi32>
        %add3A_149 = arith.addi %min3A_144, %add3A_148 : vector<16xi32>
        %select_n3A_150 = arith.select %lt3A_146, %add3A_149, %select_n3A_136 : vector<16xi1>, vector<16xi32>
        %select_n3A_151 = arith.select %lt3A_146, %select_n3A_137, %min3A_144 : vector<16xi1>, vector<16xi32>
        %add3A_152 = arith.addi %select_n3A_150, %select_n3A_151 : vector<16xi32>
        %shift_right_logical3A_153 = arith.constant 1 : i32
        %shift_right_logical3A_154 = vector.broadcast %shift_right_logical3A_153 : i32 to vector<16xi32>
        %shift_right_logical3A_155 = arith.shrui %add3A_152, %shift_right_logical3A_154 : vector<16xi32>
        %min3A_156 = arith.constant 127 : i32
        %min3A_157 = vector.broadcast %min3A_156 : i32 to vector<16xi32>
        %min3A_158 = arith.minsi %shift_right_logical3A_155, %min3A_157 : vector<16xi32>
        %gather3A_159 = tpu.vector_load_idx %arg10[%min3A_158] : memref<128xf32, #tpu.memory_space<vmem>>[vector<16xi32>], vector<16xf32>,
        %lt3A_160 = arith.cmpf olt, %gather3A_159, %get3A_69 : vector<16xf32>
        %add3A_161 = arith.constant 1 : i32
        %add3A_162 = vector.broadcast %add3A_161 : i32 to vector<16xi32>
        %add3A_163 = arith.addi %min3A_158, %add3A_162 : vector<16xi32>
        %select_n3A_164 = arith.select %lt3A_160, %add3A_163, %select_n3A_150 : vector<16xi1>, vector<16xi32>
        %select_n3A_165 = arith.select %lt3A_160, %select_n3A_151, %min3A_158 : vector<16xi1>, vector<16xi32>
        %add3A_166 = arith.addi %select_n3A_164, %select_n3A_165 : vector<16xi32>
        %shift_right_logical3A_167 = arith.constant 1 : i32
        %shift_right_logical3A_168 = vector.broadcast %shift_right_logical3A_167 : i32 to vector<16xi32>
        %shift_right_logical3A_169 = arith.shrui %add3A_166, %shift_right_logical3A_168 : vector<16xi32>
        %min3A_170 = arith.constant 127 : i32
        %min3A_171 = vector.broadcast %min3A_170 : i32 to vector<16xi32>
        %min3A_172 = arith.minsi %shift_right_logical3A_169, %min3A_171 : vector<16xi32>
        %gather3A_173 = tpu.vector_load_idx %arg10[%min3A_172] : memref<128xf32, #tpu.memory_space<vmem>>[vector<16xi32>], vector<16xf32>,
        %lt3A_174 = arith.cmpf olt, %gather3A_173, %get3A_69 : vector<16xf32>
        %add3A_175 = arith.constant 1 : i32
        %add3A_176 = vector.broadcast %add3A_175 : i32 to vector<16xi32>
        %add3A_177 = arith.addi %min3A_172, %add3A_176 : vector<16xi32>
        %select_n3A_178 = arith.select %lt3A_174, %add3A_177, %select_n3A_164 : vector<16xi1>, vector<16xi32>
        %select_n3A_179 = arith.select %lt3A_174, %select_n3A_165, %min3A_172 : vector<16xi1>, vector<16xi32>
        %min3A_180 = arith.constant 126 : i32
        %min3A_181 = vector.broadcast %min3A_180 : i32 to vector<16xi32>
        %min3A_182 = arith.minsi %select_n3A_178, %min3A_181 : vector<16xi32>
        %gather3A_183 = tpu.vector_load_idx %arg10[%min3A_182] : memref<128xf32, #tpu.memory_space<vmem>>[vector<16xi32>], vector<16xf32>,
        %add3A_184 = arith.constant 1 : i32
        %add3A_185 = vector.broadcast %add3A_184 : i32 to vector<16xi32>
        %add3A_186 = arith.addi %min3A_182, %add3A_185 : vector<16xi32>
        %gather3A_187 = tpu.vector_load_idx %arg10[%add3A_186] : memref<128xf32, #tpu.memory_space<vmem>>[vector<16xi32>], vector<16xf32>,
        %sub3A = arith.subf %get3A_69, %gather3A_183 : vector<16xf32>
        %sub3A_188 = arith.subf %gather3A_187, %gather3A_183 : vector<16xf32>
        %add3A_189 = arith.constant 9.99999993E-9 : f32
        %add3A_190 = vector.broadcast %add3A_189 : f32 to vector<16xf32>
        %add3A_191 = arith.addf %sub3A_188, %add3A_190 : vector<16xf32>
        %div3A = arith.divf %sub3A, %add3A_191 : vector<16xf32>
        %jit3A = arith.constant 0.000000e+00 : f32
        %jit3A_192 = arith.constant 1.000000e+00 : f32
        %max3A = vector.broadcast %jit3A : f32 to vector<16xf32>
        %max3A_193 = arith.maximumf %max3A, %div3A : vector<16xf32>
        %min3A_194 = vector.broadcast %jit3A_192 : f32 to vector<16xf32>
        %min3A_195 = arith.minimumf %min3A_194, %max3A_193 : vector<16xf32>
        %add3A_196 = vector.broadcast %mul3A_11 : i32 to vector<16xi32>
        %add3A_197 = arith.addi %min3A_182, %add3A_196 : vector<16xi32>
        %mul3A_198 = arith.constant 16 : i32
        %mul3A_199 = arith.muli %scan3A_66, %mul3A_198 : i32
        %swap3A = arith.index_cast %mul3A_199 : i32 to index
        %swap3A_200 = tpu.vector_load %arg12[%swap3A] {strides = array<i32>} : memref<512xi32, #tpu.memory_space<vmem>>, vector<16xi32>,
        tpu.vector_store %arg12[%swap3A], %add3A_197 {strides = array<i32>} : memref<512xi32, #tpu.memory_space<vmem>>, vector<16xi32>,
        %add3A_201 = arith.constant 1 : i32
        %add3A_202 = vector.broadcast %add3A_201 : i32 to vector<16xi32>
        %add3A_203 = arith.addi %min3A_182, %add3A_202 : vector<16xi32>
        %add3A_204 = vector.broadcast %mul3A_11 : i32 to vector<16xi32>
        %add3A_205 = arith.addi %add3A_203, %add3A_204 : vector<16xi32>
        %mul3A_206 = arith.constant 16 : i32
        %mul3A_207 = arith.muli %scan3A_66, %mul3A_206 : i32
        %swap3A_208 = arith.index_cast %mul3A_207 : i32 to index
        %swap3A_209 = tpu.vector_load %arg13[%swap3A_208] {strides = array<i32>} : memref<512xi32, #tpu.memory_space<vmem>>, vector<16xi32>,
        tpu.vector_store %arg13[%swap3A_208], %add3A_205 {strides = array<i32>} : memref<512xi32, #tpu.memory_space<vmem>>, vector<16xi32>,
        %mul3A_210 = arith.constant 16 : i32
        %mul3A_211 = arith.muli %scan3A_66, %mul3A_210 : i32
        %swap3A_212 = arith.index_cast %mul3A_211 : i32 to index
        %swap3A_213 = tpu.vector_load %arg14[%swap3A_212] {strides = array<i32>} : memref<512xf32, #tpu.memory_space<vmem>>, vector<16xf32>,
        tpu.vector_store %arg14[%swap3A_212], %min3A_195 {strides = array<i32>} : memref<512xf32, #tpu.memory_space<vmem>>, vector<16xf32>,
      }
      %scan3A_17 = arith.constant 32 : i32
      %scan3A_18 = arith.constant 0 : i32
      %scan3A_19 = arith.constant 0 : i32
      %scan3A_20 = arith.constant 32 : i32
      %scan3A_21 = arith.addi %scan3A_19, %scan3A_20 : i32
      %scan3A_22 = arith.constant 1 : i32
      scf.for %scan3A_66 = %scan3A_19 to %scan3A_21 step %scan3A_22  : i32 {
        %mul3A_67 = arith.constant 16 : i32
        %mul3A_68 = arith.muli %scan3A_66, %mul3A_67 : i32
        %get3A = arith.index_cast %mul3A_68 : i32 to index
        %get3A_69 = tpu.vector_load %arg9[%get3A] {strides = array<i32>} : memref<512xf32, #tpu.memory_space<vmem>>, vector<16xf32>,
        %broadcast_in_dim3A = arith.constant 0 : i32
        %broadcast_in_dim3A_70 = vector.broadcast %broadcast_in_dim3A : i32 to vector<16xi32>
        %broadcast_in_dim3A_71 = arith.constant 512 : i32
        %broadcast_in_dim3A_72 = vector.broadcast %broadcast_in_dim3A_71 : i32 to vector<16xi32>
        %add3A_73 = arith.addi %broadcast_in_dim3A_70, %broadcast_in_dim3A_72 : vector<16xi32>
        %shift_right_logical3A = arith.constant 1 : i32
        %shift_right_logical3A_74 = vector.broadcast %shift_right_logical3A : i32 to vector<16xi32>
        %shift_right_logical3A_75 = arith.shrui %add3A_73, %shift_right_logical3A_74 : vector<16xi32>
        %min3A = arith.constant 511 : i32
        %min3A_76 = vector.broadcast %min3A : i32 to vector<16xi32>
        %min3A_77 = arith.minsi %shift_right_logical3A_75, %min3A_76 : vector<16xi32>
        %gather3A = tpu.vector_load_idx %arg11[%min3A_77] : memref<512xf32, #tpu.memory_space<vmem>>[vector<16xi32>], vector<16xf32>,
        %lt3A = arith.cmpf olt, %gather3A, %get3A_69 : vector<16xf32>
        %add3A_78 = arith.constant 1 : i32
        %add3A_79 = vector.broadcast %add3A_78 : i32 to vector<16xi32>
        %add3A_80 = arith.addi %min3A_77, %add3A_79 : vector<16xi32>
        %select_n3A = arith.select %lt3A, %add3A_80, %broadcast_in_dim3A_70 : vector<16xi1>, vector<16xi32>
        %select_n3A_81 = arith.select %lt3A, %broadcast_in_dim3A_72, %min3A_77 : vector<16xi1>, vector<16xi32>
        %add3A_82 = arith.addi %select_n3A, %select_n3A_81 : vector<16xi32>
        %shift_right_logical3A_83 = arith.constant 1 : i32
        %shift_right_logical3A_84 = vector.broadcast %shift_right_logical3A_83 : i32 to vector<16xi32>
        %shift_right_logical3A_85 = arith.shrui %add3A_82, %shift_right_logical3A_84 : vector<16xi32>
        %min3A_86 = arith.constant 511 : i32
        %min3A_87 = vector.broadcast %min3A_86 : i32 to vector<16xi32>
        %min3A_88 = arith.minsi %shift_right_logical3A_85, %min3A_87 : vector<16xi32>
        %gather3A_89 = tpu.vector_load_idx %arg11[%min3A_88] : memref<512xf32, #tpu.memory_space<vmem>>[vector<16xi32>], vector<16xf32>,
        %lt3A_90 = arith.cmpf olt, %gather3A_89, %get3A_69 : vector<16xf32>
        %add3A_91 = arith.constant 1 : i32
        %add3A_92 = vector.broadcast %add3A_91 : i32 to vector<16xi32>
        %add3A_93 = arith.addi %min3A_88, %add3A_92 : vector<16xi32>
        %select_n3A_94 = arith.select %lt3A_90, %add3A_93, %select_n3A : vector<16xi1>, vector<16xi32>
        %select_n3A_95 = arith.select %lt3A_90, %select_n3A_81, %min3A_88 : vector<16xi1>, vector<16xi32>
        %add3A_96 = arith.addi %select_n3A_94, %select_n3A_95 : vector<16xi32>
        %shift_right_logical3A_97 = arith.constant 1 : i32
        %shift_right_logical3A_98 = vector.broadcast %shift_right_logical3A_97 : i32 to vector<16xi32>
        %shift_right_logical3A_99 = arith.shrui %add3A_96, %shift_right_logical3A_98 : vector<16xi32>
        %min3A_100 = arith.constant 511 : i32
        %min3A_101 = vector.broadcast %min3A_100 : i32 to vector<16xi32>
        %min3A_102 = arith.minsi %shift_right_logical3A_99, %min3A_101 : vector<16xi32>
        %gather3A_103 = tpu.vector_load_idx %arg11[%min3A_102] : memref<512xf32, #tpu.memory_space<vmem>>[vector<16xi32>], vector<16xf32>,
        %lt3A_104 = arith.cmpf olt, %gather3A_103, %get3A_69 : vector<16xf32>
        %add3A_105 = arith.constant 1 : i32
        %add3A_106 = vector.broadcast %add3A_105 : i32 to vector<16xi32>
        %add3A_107 = arith.addi %min3A_102, %add3A_106 : vector<16xi32>
        %select_n3A_108 = arith.select %lt3A_104, %add3A_107, %select_n3A_94 : vector<16xi1>, vector<16xi32>
        %select_n3A_109 = arith.select %lt3A_104, %select_n3A_95, %min3A_102 : vector<16xi1>, vector<16xi32>
        %add3A_110 = arith.addi %select_n3A_108, %select_n3A_109 : vector<16xi32>
        %shift_right_logical3A_111 = arith.constant 1 : i32
        %shift_right_logical3A_112 = vector.broadcast %shift_right_logical3A_111 : i32 to vector<16xi32>
        %shift_right_logical3A_113 = arith.shrui %add3A_110, %shift_right_logical3A_112 : vector<16xi32>
        %min3A_114 = arith.constant 511 : i32
        %min3A_115 = vector.broadcast %min3A_114 : i32 to vector<16xi32>
        %min3A_116 = arith.minsi %shift_right_logical3A_113, %min3A_115 : vector<16xi32>
        %gather3A_117 = tpu.vector_load_idx %arg11[%min3A_116] : memref<512xf32, #tpu.memory_space<vmem>>[vector<16xi32>], vector<16xf32>,
        %lt3A_118 = arith.cmpf olt, %gather3A_117, %get3A_69 : vector<16xf32>
        %add3A_119 = arith.constant 1 : i32
        %add3A_120 = vector.broadcast %add3A_119 : i32 to vector<16xi32>
        %add3A_121 = arith.addi %min3A_116, %add3A_120 : vector<16xi32>
        %select_n3A_122 = arith.select %lt3A_118, %add3A_121, %select_n3A_108 : vector<16xi1>, vector<16xi32>
        %select_n3A_123 = arith.select %lt3A_118, %select_n3A_109, %min3A_116 : vector<16xi1>, vector<16xi32>
        %add3A_124 = arith.addi %select_n3A_122, %select_n3A_123 : vector<16xi32>
        %shift_right_logical3A_125 = arith.constant 1 : i32
        %shift_right_logical3A_126 = vector.broadcast %shift_right_logical3A_125 : i32 to vector<16xi32>
        %shift_right_logical3A_127 = arith.shrui %add3A_124, %shift_right_logical3A_126 : vector<16xi32>
        %min3A_128 = arith.constant 511 : i32
        %min3A_129 = vector.broadcast %min3A_128 : i32 to vector<16xi32>
        %min3A_130 = arith.minsi %shift_right_logical3A_127, %min3A_129 : vector<16xi32>
        %gather3A_131 = tpu.vector_load_idx %arg11[%min3A_130] : memref<512xf32, #tpu.memory_space<vmem>>[vector<16xi32>], vector<16xf32>,
        %lt3A_132 = arith.cmpf olt, %gather3A_131, %get3A_69 : vector<16xf32>
        %add3A_133 = arith.constant 1 : i32
        %add3A_134 = vector.broadcast %add3A_133 : i32 to vector<16xi32>
        %add3A_135 = arith.addi %min3A_130, %add3A_134 : vector<16xi32>
        %select_n3A_136 = arith.select %lt3A_132, %add3A_135, %select_n3A_122 : vector<16xi1>, vector<16xi32>
        %select_n3A_137 = arith.select %lt3A_132, %select_n3A_123, %min3A_130 : vector<16xi1>, vector<16xi32>
        %add3A_138 = arith.addi %select_n3A_136, %select_n3A_137 : vector<16xi32>
        %shift_right_logical3A_139 = arith.constant 1 : i32
        %shift_right_logical3A_140 = vector.broadcast %shift_right_logical3A_139 : i32 to vector<16xi32>
        %shift_right_logical3A_141 = arith.shrui %add3A_138, %shift_right_logical3A_140 : vector<16xi32>
        %min3A_142 = arith.constant 511 : i32
        %min3A_143 = vector.broadcast %min3A_142 : i32 to vector<16xi32>
        %min3A_144 = arith.minsi %shift_right_logical3A_141, %min3A_143 : vector<16xi32>
        %gather3A_145 = tpu.vector_load_idx %arg11[%min3A_144] : memref<512xf32, #tpu.memory_space<vmem>>[vector<16xi32>], vector<16xf32>,
        %lt3A_146 = arith.cmpf olt, %gather3A_145, %get3A_69 : vector<16xf32>
        %add3A_147 = arith.constant 1 : i32
        %add3A_148 = vector.broadcast %add3A_147 : i32 to vector<16xi32>
        %add3A_149 = arith.addi %min3A_144, %add3A_148 : vector<16xi32>
        %select_n3A_150 = arith.select %lt3A_146, %add3A_149, %select_n3A_136 : vector<16xi1>, vector<16xi32>
        %select_n3A_151 = arith.select %lt3A_146, %select_n3A_137, %min3A_144 : vector<16xi1>, vector<16xi32>
        %add3A_152 = arith.addi %select_n3A_150, %select_n3A_151 : vector<16xi32>
        %shift_right_logical3A_153 = arith.constant 1 : i32
        %shift_right_logical3A_154 = vector.broadcast %shift_right_logical3A_153 : i32 to vector<16xi32>
        %shift_right_logical3A_155 = arith.shrui %add3A_152, %shift_right_logical3A_154 : vector<16xi32>
        %min3A_156 = arith.constant 511 : i32
        %min3A_157 = vector.broadcast %min3A_156 : i32 to vector<16xi32>
        %min3A_158 = arith.minsi %shift_right_logical3A_155, %min3A_157 : vector<16xi32>
        %gather3A_159 = tpu.vector_load_idx %arg11[%min3A_158] : memref<512xf32, #tpu.memory_space<vmem>>[vector<16xi32>], vector<16xf32>,
        %lt3A_160 = arith.cmpf olt, %gather3A_159, %get3A_69 : vector<16xf32>
        %add3A_161 = arith.constant 1 : i32
        %add3A_162 = vector.broadcast %add3A_161 : i32 to vector<16xi32>
        %add3A_163 = arith.addi %min3A_158, %add3A_162 : vector<16xi32>
        %select_n3A_164 = arith.select %lt3A_160, %add3A_163, %select_n3A_150 : vector<16xi1>, vector<16xi32>
        %select_n3A_165 = arith.select %lt3A_160, %select_n3A_151, %min3A_158 : vector<16xi1>, vector<16xi32>
        %add3A_166 = arith.addi %select_n3A_164, %select_n3A_165 : vector<16xi32>
        %shift_right_logical3A_167 = arith.constant 1 : i32
        %shift_right_logical3A_168 = vector.broadcast %shift_right_logical3A_167 : i32 to vector<16xi32>
        %shift_right_logical3A_169 = arith.shrui %add3A_166, %shift_right_logical3A_168 : vector<16xi32>
        %min3A_170 = arith.constant 511 : i32
        %min3A_171 = vector.broadcast %min3A_170 : i32 to vector<16xi32>
        %min3A_172 = arith.minsi %shift_right_logical3A_169, %min3A_171 : vector<16xi32>
        %gather3A_173 = tpu.vector_load_idx %arg11[%min3A_172] : memref<512xf32, #tpu.memory_space<vmem>>[vector<16xi32>], vector<16xf32>,
        %lt3A_174 = arith.cmpf olt, %gather3A_173, %get3A_69 : vector<16xf32>
        %add3A_175 = arith.constant 1 : i32
        %add3A_176 = vector.broadcast %add3A_175 : i32 to vector<16xi32>
        %add3A_177 = arith.addi %min3A_172, %add3A_176 : vector<16xi32>
        %select_n3A_178 = arith.select %lt3A_174, %add3A_177, %select_n3A_164 : vector<16xi1>, vector<16xi32>
        %select_n3A_179 = arith.select %lt3A_174, %select_n3A_165, %min3A_172 : vector<16xi1>, vector<16xi32>
        %add3A_180 = arith.addi %select_n3A_178, %select_n3A_179 : vector<16xi32>
        %shift_right_logical3A_181 = arith.constant 1 : i32
        %shift_right_logical3A_182 = vector.broadcast %shift_right_logical3A_181 : i32 to vector<16xi32>
        %shift_right_logical3A_183 = arith.shrui %add3A_180, %shift_right_logical3A_182 : vector<16xi32>
        %min3A_184 = arith.constant 511 : i32
        %min3A_185 = vector.broadcast %min3A_184 : i32 to vector<16xi32>
        %min3A_186 = arith.minsi %shift_right_logical3A_183, %min3A_185 : vector<16xi32>
        %gather3A_187 = tpu.vector_load_idx %arg11[%min3A_186] : memref<512xf32, #tpu.memory_space<vmem>>[vector<16xi32>], vector<16xf32>,
        %lt3A_188 = arith.cmpf olt, %gather3A_187, %get3A_69 : vector<16xf32>
        %add3A_189 = arith.constant 1 : i32
        %add3A_190 = vector.broadcast %add3A_189 : i32 to vector<16xi32>
        %add3A_191 = arith.addi %min3A_186, %add3A_190 : vector<16xi32>
        %select_n3A_192 = arith.select %lt3A_188, %add3A_191, %select_n3A_178 : vector<16xi1>, vector<16xi32>
        %select_n3A_193 = arith.select %lt3A_188, %select_n3A_179, %min3A_186 : vector<16xi1>, vector<16xi32>
        %add3A_194 = arith.addi %select_n3A_192, %select_n3A_193 : vector<16xi32>
        %shift_right_logical3A_195 = arith.constant 1 : i32
        %shift_right_logical3A_196 = vector.broadcast %shift_right_logical3A_195 : i32 to vector<16xi32>
        %shift_right_logical3A_197 = arith.shrui %add3A_194, %shift_right_logical3A_196 : vector<16xi32>
        %min3A_198 = arith.constant 511 : i32
        %min3A_199 = vector.broadcast %min3A_198 : i32 to vector<16xi32>
        %min3A_200 = arith.minsi %shift_right_logical3A_197, %min3A_199 : vector<16xi32>
        %gather3A_201 = tpu.vector_load_idx %arg11[%min3A_200] : memref<512xf32, #tpu.memory_space<vmem>>[vector<16xi32>], vector<16xf32>,
        %lt3A_202 = arith.cmpf olt, %gather3A_201, %get3A_69 : vector<16xf32>
        %add3A_203 = arith.constant 1 : i32
        %add3A_204 = vector.broadcast %add3A_203 : i32 to vector<16xi32>
        %add3A_205 = arith.addi %min3A_200, %add3A_204 : vector<16xi32>
        %select_n3A_206 = arith.select %lt3A_202, %add3A_205, %select_n3A_192 : vector<16xi1>, vector<16xi32>
        %select_n3A_207 = arith.select %lt3A_202, %select_n3A_193, %min3A_200 : vector<16xi1>, vector<16xi32>
        %min3A_208 = arith.constant 510 : i32
        %min3A_209 = vector.broadcast %min3A_208 : i32 to vector<16xi32>
        %min3A_210 = arith.minsi %select_n3A_206, %min3A_209 : vector<16xi32>
        %gather3A_211 = tpu.vector_load_idx %arg11[%min3A_210] : memref<512xf32, #tpu.memory_space<vmem>>[vector<16xi32>], vector<16xf32>,
        %add3A_212 = arith.constant 1 : i32
        %add3A_213 = vector.broadcast %add3A_212 : i32 to vector<16xi32>
        %add3A_214 = arith.addi %min3A_210, %add3A_213 : vector<16xi32>
        %gather3A_215 = tpu.vector_load_idx %arg11[%add3A_214] : memref<512xf32, #tpu.memory_space<vmem>>[vector<16xi32>], vector<16xf32>,
        %sub3A = arith.subf %get3A_69, %gather3A_211 : vector<16xf32>
        %sub3A_216 = arith.subf %gather3A_215, %gather3A_211 : vector<16xf32>
        %add3A_217 = arith.constant 9.99999993E-9 : f32
        %add3A_218 = vector.broadcast %add3A_217 : f32 to vector<16xf32>
        %add3A_219 = arith.addf %sub3A_216, %add3A_218 : vector<16xf32>
        %div3A = arith.divf %sub3A, %add3A_219 : vector<16xf32>
        %jit3A = arith.constant 0.000000e+00 : f32
        %jit3A_220 = arith.constant 1.000000e+00 : f32
        %max3A = vector.broadcast %jit3A : f32 to vector<16xf32>
        %max3A_221 = arith.maximumf %max3A, %div3A : vector<16xf32>
        %min3A_222 = vector.broadcast %jit3A_220 : f32 to vector<16xf32>
        %min3A_223 = arith.minimumf %min3A_222, %max3A_221 : vector<16xf32>
        %add3A_224 = arith.constant 0 : i32
        %add3A_225 = vector.broadcast %add3A_224 : i32 to vector<16xi32>
        %add3A_226 = arith.addi %min3A_210, %add3A_225 : vector<16xi32>
        %mul3A_227 = arith.constant 16 : i32
        %mul3A_228 = arith.muli %scan3A_66, %mul3A_227 : i32
        %swap3A = arith.index_cast %mul3A_228 : i32 to index
        %swap3A_229 = tpu.vector_load %arg15[%swap3A] {strides = array<i32>} : memref<512xi32, #tpu.memory_space<vmem>>, vector<16xi32>,
        tpu.vector_store %arg15[%swap3A], %add3A_226 {strides = array<i32>} : memref<512xi32, #tpu.memory_space<vmem>>, vector<16xi32>,
        %mul3A_230 = arith.constant 16 : i32
        %mul3A_231 = arith.muli %scan3A_66, %mul3A_230 : i32
        %swap3A_232 = arith.index_cast %mul3A_231 : i32 to index
        %swap3A_233 = tpu.vector_load %arg16[%swap3A_232] {strides = array<i32>} : memref<512xf32, #tpu.memory_space<vmem>>, vector<16xf32>,
        tpu.vector_store %arg16[%swap3A_232], %min3A_223 {strides = array<i32>} : memref<512xf32, #tpu.memory_space<vmem>>, vector<16xf32>,
      }
      %scan3A_23 = arith.constant 32 : i32
      %scan3A_24 = arith.constant 0 : i32
      %scan3A_25 = arith.constant 0 : i32
      %scan3A_26 = arith.constant 16 : i32
      %scan3A_27 = arith.addi %scan3A_25, %scan3A_26 : i32
      %scan3A_28 = arith.constant 1 : i32
      scf.for %scan3A_66 = %scan3A_25 to %scan3A_27 step %scan3A_28  : i32 {
        %get3A = arith.constant 0 : index
        %get3A_67 = tpu.vector_load %arg18[%get3A] {strides = array<i32>} : memref<512xf32, #tpu.memory_space<vmem>>, vector<16xf32>,
        %swap3A = arith.index_cast %scan3A_66 : i32 to index
        %swap3A_68 = arith.constant 320 : index
        %swap3A_69 = tpu.vector_load %arg19[%swap3A, %swap3A_68] {strides = array<i32>} : memref<16x832xf32, #tpu.memory_space<vmem>>, vector<16xf32>,
        tpu.vector_store %arg19[%swap3A, %swap3A_68], %get3A_67 {strides = array<i32>} : memref<16x832xf32, #tpu.memory_space<vmem>>, vector<16xf32>,
        %get3A_70 = arith.constant 16 : index
        %get3A_71 = tpu.vector_load %arg18[%get3A_70] {strides = array<i32>} : memref<512xf32, #tpu.memory_space<vmem>>, vector<16xf32>,
        %swap3A_72 = arith.index_cast %scan3A_66 : i32 to index
        %swap3A_73 = arith.constant 336 : index
        %swap3A_74 = tpu.vector_load %arg19[%swap3A_72, %swap3A_73] {strides = array<i32>} : memref<16x832xf32, #tpu.memory_space<vmem>>, vector<16xf32>,
        tpu.vector_store %arg19[%swap3A_72, %swap3A_73], %get3A_71 {strides = array<i32>} : memref<16x832xf32, #tpu.memory_space<vmem>>, vector<16xf32>,
        %get3A_75 = arith.constant 32 : index
        %get3A_76 = tpu.vector_load %arg18[%get3A_75] {strides = array<i32>} : memref<512xf32, #tpu.memory_space<vmem>>, vector<16xf32>,
        %swap3A_77 = arith.index_cast %scan3A_66 : i32 to index
        %swap3A_78 = arith.constant 352 : index
        %swap3A_79 = tpu.vector_load %arg19[%swap3A_77, %swap3A_78] {strides = array<i32>} : memref<16x832xf32, #tpu.memory_space<vmem>>, vector<16xf32>,
        tpu.vector_store %arg19[%swap3A_77, %swap3A_78], %get3A_76 {strides = array<i32>} : memref<16x832xf32, #tpu.memory_space<vmem>>, vector<16xf32>,
        %get3A_80 = arith.constant 48 : index
        %get3A_81 = tpu.vector_load %arg18[%get3A_80] {strides = array<i32>} : memref<512xf32, #tpu.memory_space<vmem>>, vector<16xf32>,
        %swap3A_82 = arith.index_cast %scan3A_66 : i32 to index
        %swap3A_83 = arith.constant 368 : index
        %swap3A_84 = tpu.vector_load %arg19[%swap3A_82, %swap3A_83] {strides = array<i32>} : memref<16x832xf32, #tpu.memory_space<vmem>>, vector<16xf32>,
        tpu.vector_store %arg19[%swap3A_82, %swap3A_83], %get3A_81 {strides = array<i32>} : memref<16x832xf32, #tpu.memory_space<vmem>>, vector<16xf32>,
        %get3A_85 = arith.constant 64 : index
        %get3A_86 = tpu.vector_load %arg18[%get3A_85] {strides = array<i32>} : memref<512xf32, #tpu.memory_space<vmem>>, vector<16xf32>,
        %swap3A_87 = arith.index_cast %scan3A_66 : i32 to index
        %swap3A_88 = arith.constant 384 : index
        %swap3A_89 = tpu.vector_load %arg19[%swap3A_87, %swap3A_88] {strides = array<i32>} : memref<16x832xf32, #tpu.memory_space<vmem>>, vector<16xf32>,
        tpu.vector_store %arg19[%swap3A_87, %swap3A_88], %get3A_86 {strides = array<i32>} : memref<16x832xf32, #tpu.memory_space<vmem>>, vector<16xf32>,
        %get3A_90 = arith.constant 80 : index
        %get3A_91 = tpu.vector_load %arg18[%get3A_90] {strides = array<i32>} : memref<512xf32, #tpu.memory_space<vmem>>, vector<16xf32>,
        %swap3A_92 = arith.index_cast %scan3A_66 : i32 to index
        %swap3A_93 = arith.constant 400 : index
        %swap3A_94 = tpu.vector_load %arg19[%swap3A_92, %swap3A_93] {strides = array<i32>} : memref<16x832xf32, #tpu.memory_space<vmem>>, vector<16xf32>,
        tpu.vector_store %arg19[%swap3A_92, %swap3A_93], %get3A_91 {strides = array<i32>} : memref<16x832xf32, #tpu.memory_space<vmem>>, vector<16xf32>,
        %get3A_95 = arith.constant 96 : index
        %get3A_96 = tpu.vector_load %arg18[%get3A_95] {strides = array<i32>} : memref<512xf32, #tpu.memory_space<vmem>>, vector<16xf32>,
        %swap3A_97 = arith.index_cast %scan3A_66 : i32 to index
        %swap3A_98 = arith.constant 416 : index
        %swap3A_99 = tpu.vector_load %arg19[%swap3A_97, %swap3A_98] {strides = array<i32>} : memref<16x832xf32, #tpu.memory_space<vmem>>, vector<16xf32>,
        tpu.vector_store %arg19[%swap3A_97, %swap3A_98], %get3A_96 {strides = array<i32>} : memref<16x832xf32, #tpu.memory_space<vmem>>, vector<16xf32>,
        %get3A_100 = arith.constant 112 : index
        %get3A_101 = tpu.vector_load %arg18[%get3A_100] {strides = array<i32>} : memref<512xf32, #tpu.memory_space<vmem>>, vector<16xf32>,
        %swap3A_102 = arith.index_cast %scan3A_66 : i32 to index
        %swap3A_103 = arith.constant 432 : index
        %swap3A_104 = tpu.vector_load %arg19[%swap3A_102, %swap3A_103] {strides = array<i32>} : memref<16x832xf32, #tpu.memory_space<vmem>>, vector<16xf32>,
        tpu.vector_store %arg19[%swap3A_102, %swap3A_103], %get3A_101 {strides = array<i32>} : memref<16x832xf32, #tpu.memory_space<vmem>>, vector<16xf32>,
        %get3A_105 = arith.constant 128 : index
        %get3A_106 = tpu.vector_load %arg18[%get3A_105] {strides = array<i32>} : memref<512xf32, #tpu.memory_space<vmem>>, vector<16xf32>,
        %swap3A_107 = arith.index_cast %scan3A_66 : i32 to index
        %swap3A_108 = arith.constant 448 : index
        %swap3A_109 = tpu.vector_load %arg19[%swap3A_107, %swap3A_108] {strides = array<i32>} : memref<16x832xf32, #tpu.memory_space<vmem>>, vector<16xf32>,
        tpu.vector_store %arg19[%swap3A_107, %swap3A_108], %get3A_106 {strides = array<i32>} : memref<16x832xf32, #tpu.memory_space<vmem>>, vector<16xf32>,
        %get3A_110 = arith.constant 144 : index
        %get3A_111 = tpu.vector_load %arg18[%get3A_110] {strides = array<i32>} : memref<512xf32, #tpu.memory_space<vmem>>, vector<16xf32>,
        %swap3A_112 = arith.index_cast %scan3A_66 : i32 to index
        %swap3A_113 = arith.constant 464 : index
        %swap3A_114 = tpu.vector_load %arg19[%swap3A_112, %swap3A_113] {strides = array<i32>} : memref<16x832xf32, #tpu.memory_space<vmem>>, vector<16xf32>,
        tpu.vector_store %arg19[%swap3A_112, %swap3A_113], %get3A_111 {strides = array<i32>} : memref<16x832xf32, #tpu.memory_space<vmem>>, vector<16xf32>,
        %get3A_115 = arith.constant 160 : index
        %get3A_116 = tpu.vector_load %arg18[%get3A_115] {strides = array<i32>} : memref<512xf32, #tpu.memory_space<vmem>>, vector<16xf32>,
        %swap3A_117 = arith.index_cast %scan3A_66 : i32 to index
        %swap3A_118 = arith.constant 480 : index
        %swap3A_119 = tpu.vector_load %arg19[%swap3A_117, %swap3A_118] {strides = array<i32>} : memref<16x832xf32, #tpu.memory_space<vmem>>, vector<16xf32>,
        tpu.vector_store %arg19[%swap3A_117, %swap3A_118], %get3A_116 {strides = array<i32>} : memref<16x832xf32, #tpu.memory_space<vmem>>, vector<16xf32>,
        %get3A_120 = arith.constant 176 : index
        %get3A_121 = tpu.vector_load %arg18[%get3A_120] {strides = array<i32>} : memref<512xf32, #tpu.memory_space<vmem>>, vector<16xf32>,
        %swap3A_122 = arith.index_cast %scan3A_66 : i32 to index
        %swap3A_123 = arith.constant 496 : index
        %swap3A_124 = tpu.vector_load %arg19[%swap3A_122, %swap3A_123] {strides = array<i32>} : memref<16x832xf32, #tpu.memory_space<vmem>>, vector<16xf32>,
        tpu.vector_store %arg19[%swap3A_122, %swap3A_123], %get3A_121 {strides = array<i32>} : memref<16x832xf32, #tpu.memory_space<vmem>>, vector<16xf32>,
        %get3A_125 = arith.constant 192 : index
        %get3A_126 = tpu.vector_load %arg18[%get3A_125] {strides = array<i32>} : memref<512xf32, #tpu.memory_space<vmem>>, vector<16xf32>,
        %swap3A_127 = arith.index_cast %scan3A_66 : i32 to index
        %swap3A_128 = arith.constant 512 : index
        %swap3A_129 = tpu.vector_load %arg19[%swap3A_127, %swap3A_128] {strides = array<i32>} : memref<16x832xf32, #tpu.memory_space<vmem>>, vector<16xf32>,
        tpu.vector_store %arg19[%swap3A_127, %swap3A_128], %get3A_126 {strides = array<i32>} : memref<16x832xf32, #tpu.memory_space<vmem>>, vector<16xf32>,
        %get3A_130 = arith.constant 208 : index
        %get3A_131 = tpu.vector_load %arg18[%get3A_130] {strides = array<i32>} : memref<512xf32, #tpu.memory_space<vmem>>, vector<16xf32>,
        %swap3A_132 = arith.index_cast %scan3A_66 : i32 to index
        %swap3A_133 = arith.constant 528 : index
        %swap3A_134 = tpu.vector_load %arg19[%swap3A_132, %swap3A_133] {strides = array<i32>} : memref<16x832xf32, #tpu.memory_space<vmem>>, vector<16xf32>,
        tpu.vector_store %arg19[%swap3A_132, %swap3A_133], %get3A_131 {strides = array<i32>} : memref<16x832xf32, #tpu.memory_space<vmem>>, vector<16xf32>,
        %get3A_135 = arith.constant 224 : index
        %get3A_136 = tpu.vector_load %arg18[%get3A_135] {strides = array<i32>} : memref<512xf32, #tpu.memory_space<vmem>>, vector<16xf32>,
        %swap3A_137 = arith.index_cast %scan3A_66 : i32 to index
        %swap3A_138 = arith.constant 544 : index
        %swap3A_139 = tpu.vector_load %arg19[%swap3A_137, %swap3A_138] {strides = array<i32>} : memref<16x832xf32, #tpu.memory_space<vmem>>, vector<16xf32>,
        tpu.vector_store %arg19[%swap3A_137, %swap3A_138], %get3A_136 {strides = array<i32>} : memref<16x832xf32, #tpu.memory_space<vmem>>, vector<16xf32>,
        %get3A_140 = arith.constant 240 : index
        %get3A_141 = tpu.vector_load %arg18[%get3A_140] {strides = array<i32>} : memref<512xf32, #tpu.memory_space<vmem>>, vector<16xf32>,
        %swap3A_142 = arith.index_cast %scan3A_66 : i32 to index
        %swap3A_143 = arith.constant 560 : index
        %swap3A_144 = tpu.vector_load %arg19[%swap3A_142, %swap3A_143] {strides = array<i32>} : memref<16x832xf32, #tpu.memory_space<vmem>>, vector<16xf32>,
        tpu.vector_store %arg19[%swap3A_142, %swap3A_143], %get3A_141 {strides = array<i32>} : memref<16x832xf32, #tpu.memory_space<vmem>>, vector<16xf32>,
        %get3A_145 = arith.constant 256 : index
        %get3A_146 = tpu.vector_load %arg18[%get3A_145] {strides = array<i32>} : memref<512xf32, #tpu.memory_space<vmem>>, vector<16xf32>,
        %swap3A_147 = arith.index_cast %scan3A_66 : i32 to index
        %swap3A_148 = arith.constant 576 : index
        %swap3A_149 = tpu.vector_load %arg19[%swap3A_147, %swap3A_148] {strides = array<i32>} : memref<16x832xf32, #tpu.memory_space<vmem>>, vector<16xf32>,
        tpu.vector_store %arg19[%swap3A_147, %swap3A_148], %get3A_146 {strides = array<i32>} : memref<16x832xf32, #tpu.memory_space<vmem>>, vector<16xf32>,
        %get3A_150 = arith.constant 272 : index
        %get3A_151 = tpu.vector_load %arg18[%get3A_150] {strides = array<i32>} : memref<512xf32, #tpu.memory_space<vmem>>, vector<16xf32>,
        %swap3A_152 = arith.index_cast %scan3A_66 : i32 to index
        %swap3A_153 = arith.constant 592 : index
        %swap3A_154 = tpu.vector_load %arg19[%swap3A_152, %swap3A_153] {strides = array<i32>} : memref<16x832xf32, #tpu.memory_space<vmem>>, vector<16xf32>,
        tpu.vector_store %arg19[%swap3A_152, %swap3A_153], %get3A_151 {strides = array<i32>} : memref<16x832xf32, #tpu.memory_space<vmem>>, vector<16xf32>,
        %get3A_155 = arith.constant 288 : index
        %get3A_156 = tpu.vector_load %arg18[%get3A_155] {strides = array<i32>} : memref<512xf32, #tpu.memory_space<vmem>>, vector<16xf32>,
        %swap3A_157 = arith.index_cast %scan3A_66 : i32 to index
        %swap3A_158 = arith.constant 608 : index
        %swap3A_159 = tpu.vector_load %arg19[%swap3A_157, %swap3A_158] {strides = array<i32>} : memref<16x832xf32, #tpu.memory_space<vmem>>, vector<16xf32>,
        tpu.vector_store %arg19[%swap3A_157, %swap3A_158], %get3A_156 {strides = array<i32>} : memref<16x832xf32, #tpu.memory_space<vmem>>, vector<16xf32>,
        %get3A_160 = arith.constant 304 : index
        %get3A_161 = tpu.vector_load %arg18[%get3A_160] {strides = array<i32>} : memref<512xf32, #tpu.memory_space<vmem>>, vector<16xf32>,
        %swap3A_162 = arith.index_cast %scan3A_66 : i32 to index
        %swap3A_163 = arith.constant 624 : index
        %swap3A_164 = tpu.vector_load %arg19[%swap3A_162, %swap3A_163] {strides = array<i32>} : memref<16x832xf32, #tpu.memory_space<vmem>>, vector<16xf32>,
        tpu.vector_store %arg19[%swap3A_162, %swap3A_163], %get3A_161 {strides = array<i32>} : memref<16x832xf32, #tpu.memory_space<vmem>>, vector<16xf32>,
        %get3A_165 = arith.constant 320 : index
        %get3A_166 = tpu.vector_load %arg18[%get3A_165] {strides = array<i32>} : memref<512xf32, #tpu.memory_space<vmem>>, vector<16xf32>,
        %swap3A_167 = arith.index_cast %scan3A_66 : i32 to index
        %swap3A_168 = arith.constant 640 : index
        %swap3A_169 = tpu.vector_load %arg19[%swap3A_167, %swap3A_168] {strides = array<i32>} : memref<16x832xf32, #tpu.memory_space<vmem>>, vector<16xf32>,
        tpu.vector_store %arg19[%swap3A_167, %swap3A_168], %get3A_166 {strides = array<i32>} : memref<16x832xf32, #tpu.memory_space<vmem>>, vector<16xf32>,
        %get3A_170 = arith.constant 336 : index
        %get3A_171 = tpu.vector_load %arg18[%get3A_170] {strides = array<i32>} : memref<512xf32, #tpu.memory_space<vmem>>, vector<16xf32>,
        %swap3A_172 = arith.index_cast %scan3A_66 : i32 to index
        %swap3A_173 = arith.constant 656 : index
        %swap3A_174 = tpu.vector_load %arg19[%swap3A_172, %swap3A_173] {strides = array<i32>} : memref<16x832xf32, #tpu.memory_space<vmem>>, vector<16xf32>,
        tpu.vector_store %arg19[%swap3A_172, %swap3A_173], %get3A_171 {strides = array<i32>} : memref<16x832xf32, #tpu.memory_space<vmem>>, vector<16xf32>,
        %get3A_175 = arith.constant 352 : index
        %get3A_176 = tpu.vector_load %arg18[%get3A_175] {strides = array<i32>} : memref<512xf32, #tpu.memory_space<vmem>>, vector<16xf32>,
        %swap3A_177 = arith.index_cast %scan3A_66 : i32 to index
        %swap3A_178 = arith.constant 672 : index
        %swap3A_179 = tpu.vector_load %arg19[%swap3A_177, %swap3A_178] {strides = array<i32>} : memref<16x832xf32, #tpu.memory_space<vmem>>, vector<16xf32>,
        tpu.vector_store %arg19[%swap3A_177, %swap3A_178], %get3A_176 {strides = array<i32>} : memref<16x832xf32, #tpu.memory_space<vmem>>, vector<16xf32>,
        %get3A_180 = arith.constant 368 : index
        %get3A_181 = tpu.vector_load %arg18[%get3A_180] {strides = array<i32>} : memref<512xf32, #tpu.memory_space<vmem>>, vector<16xf32>,
        %swap3A_182 = arith.index_cast %scan3A_66 : i32 to index
        %swap3A_183 = arith.constant 688 : index
        %swap3A_184 = tpu.vector_load %arg19[%swap3A_182, %swap3A_183] {strides = array<i32>} : memref<16x832xf32, #tpu.memory_space<vmem>>, vector<16xf32>,
        tpu.vector_store %arg19[%swap3A_182, %swap3A_183], %get3A_181 {strides = array<i32>} : memref<16x832xf32, #tpu.memory_space<vmem>>, vector<16xf32>,
        %get3A_185 = arith.constant 384 : index
        %get3A_186 = tpu.vector_load %arg18[%get3A_185] {strides = array<i32>} : memref<512xf32, #tpu.memory_space<vmem>>, vector<16xf32>,
        %swap3A_187 = arith.index_cast %scan3A_66 : i32 to index
        %swap3A_188 = arith.constant 704 : index
        %swap3A_189 = tpu.vector_load %arg19[%swap3A_187, %swap3A_188] {strides = array<i32>} : memref<16x832xf32, #tpu.memory_space<vmem>>, vector<16xf32>,
        tpu.vector_store %arg19[%swap3A_187, %swap3A_188], %get3A_186 {strides = array<i32>} : memref<16x832xf32, #tpu.memory_space<vmem>>, vector<16xf32>,
        %get3A_190 = arith.constant 400 : index
        %get3A_191 = tpu.vector_load %arg18[%get3A_190] {strides = array<i32>} : memref<512xf32, #tpu.memory_space<vmem>>, vector<16xf32>,
        %swap3A_192 = arith.index_cast %scan3A_66 : i32 to index
        %swap3A_193 = arith.constant 720 : index
        %swap3A_194 = tpu.vector_load %arg19[%swap3A_192, %swap3A_193] {strides = array<i32>} : memref<16x832xf32, #tpu.memory_space<vmem>>, vector<16xf32>,
        tpu.vector_store %arg19[%swap3A_192, %swap3A_193], %get3A_191 {strides = array<i32>} : memref<16x832xf32, #tpu.memory_space<vmem>>, vector<16xf32>,
        %get3A_195 = arith.constant 416 : index
        %get3A_196 = tpu.vector_load %arg18[%get3A_195] {strides = array<i32>} : memref<512xf32, #tpu.memory_space<vmem>>, vector<16xf32>,
        %swap3A_197 = arith.index_cast %scan3A_66 : i32 to index
        %swap3A_198 = arith.constant 736 : index
        %swap3A_199 = tpu.vector_load %arg19[%swap3A_197, %swap3A_198] {strides = array<i32>} : memref<16x832xf32, #tpu.memory_space<vmem>>, vector<16xf32>,
        tpu.vector_store %arg19[%swap3A_197, %swap3A_198], %get3A_196 {strides = array<i32>} : memref<16x832xf32, #tpu.memory_space<vmem>>, vector<16xf32>,
        %get3A_200 = arith.constant 432 : index
        %get3A_201 = tpu.vector_load %arg18[%get3A_200] {strides = array<i32>} : memref<512xf32, #tpu.memory_space<vmem>>, vector<16xf32>,
        %swap3A_202 = arith.index_cast %scan3A_66 : i32 to index
        %swap3A_203 = arith.constant 752 : index
        %swap3A_204 = tpu.vector_load %arg19[%swap3A_202, %swap3A_203] {strides = array<i32>} : memref<16x832xf32, #tpu.memory_space<vmem>>, vector<16xf32>,
        tpu.vector_store %arg19[%swap3A_202, %swap3A_203], %get3A_201 {strides = array<i32>} : memref<16x832xf32, #tpu.memory_space<vmem>>, vector<16xf32>,
        %get3A_205 = arith.constant 448 : index
        %get3A_206 = tpu.vector_load %arg18[%get3A_205] {strides = array<i32>} : memref<512xf32, #tpu.memory_space<vmem>>, vector<16xf32>,
        %swap3A_207 = arith.index_cast %scan3A_66 : i32 to index
        %swap3A_208 = arith.constant 768 : index
        %swap3A_209 = tpu.vector_load %arg19[%swap3A_207, %swap3A_208] {strides = array<i32>} : memref<16x832xf32, #tpu.memory_space<vmem>>, vector<16xf32>,
        tpu.vector_store %arg19[%swap3A_207, %swap3A_208], %get3A_206 {strides = array<i32>} : memref<16x832xf32, #tpu.memory_space<vmem>>, vector<16xf32>,
        %get3A_210 = arith.constant 464 : index
        %get3A_211 = tpu.vector_load %arg18[%get3A_210] {strides = array<i32>} : memref<512xf32, #tpu.memory_space<vmem>>, vector<16xf32>,
        %swap3A_212 = arith.index_cast %scan3A_66 : i32 to index
        %swap3A_213 = arith.constant 784 : index
        %swap3A_214 = tpu.vector_load %arg19[%swap3A_212, %swap3A_213] {strides = array<i32>} : memref<16x832xf32, #tpu.memory_space<vmem>>, vector<16xf32>,
        tpu.vector_store %arg19[%swap3A_212, %swap3A_213], %get3A_211 {strides = array<i32>} : memref<16x832xf32, #tpu.memory_space<vmem>>, vector<16xf32>,
        %get3A_215 = arith.constant 480 : index
        %get3A_216 = tpu.vector_load %arg18[%get3A_215] {strides = array<i32>} : memref<512xf32, #tpu.memory_space<vmem>>, vector<16xf32>,
        %swap3A_217 = arith.index_cast %scan3A_66 : i32 to index
        %swap3A_218 = arith.constant 800 : index
        %swap3A_219 = tpu.vector_load %arg19[%swap3A_217, %swap3A_218] {strides = array<i32>} : memref<16x832xf32, #tpu.memory_space<vmem>>, vector<16xf32>,
        tpu.vector_store %arg19[%swap3A_217, %swap3A_218], %get3A_216 {strides = array<i32>} : memref<16x832xf32, #tpu.memory_space<vmem>>, vector<16xf32>,
        %get3A_220 = arith.constant 496 : index
        %get3A_221 = tpu.vector_load %arg18[%get3A_220] {strides = array<i32>} : memref<512xf32, #tpu.memory_space<vmem>>, vector<16xf32>,
        %swap3A_222 = arith.index_cast %scan3A_66 : i32 to index
        %swap3A_223 = arith.constant 816 : index
        %swap3A_224 = tpu.vector_load %arg19[%swap3A_222, %swap3A_223] {strides = array<i32>} : memref<16x832xf32, #tpu.memory_space<vmem>>, vector<16xf32>,
        tpu.vector_store %arg19[%swap3A_222, %swap3A_223], %get3A_221 {strides = array<i32>} : memref<16x832xf32, #tpu.memory_space<vmem>>, vector<16xf32>,
      }
      %scan3A_29 = arith.constant 16 : i32
      %scan3A_30 = arith.constant 0 : i32
      %scan3A_31 = arith.constant 0 : i32
      %scan3A_32 = arith.constant 16 : i32
      %scan3A_33 = arith.addi %scan3A_31, %scan3A_32 : i32
      %scan3A_34 = arith.constant 1 : i32
      scf.for %scan3A_66 = %scan3A_31 to %scan3A_33 step %scan3A_34  : i32 {
        %get3A = arith.constant 0 : index
        %get3A_67 = tpu.vector_load %arg18[%get3A] {strides = array<i32>} : memref<512xf32, #tpu.memory_space<vmem>>, vector<16xf32>,
        %swap3A = arith.index_cast %scan3A_66 : i32 to index
        %swap3A_68 = arith.constant 320 : index
        %swap3A_69 = tpu.vector_load %arg20[%swap3A, %swap3A_68] {strides = array<i32>} : memref<16x832xf32, #tpu.memory_space<vmem>>, vector<16xf32>,
        tpu.vector_store %arg20[%swap3A, %swap3A_68], %get3A_67 {strides = array<i32>} : memref<16x832xf32, #tpu.memory_space<vmem>>, vector<16xf32>,
        %get3A_70 = arith.constant 16 : index
        %get3A_71 = tpu.vector_load %arg18[%get3A_70] {strides = array<i32>} : memref<512xf32, #tpu.memory_space<vmem>>, vector<16xf32>,
        %swap3A_72 = arith.index_cast %scan3A_66 : i32 to index
        %swap3A_73 = arith.constant 336 : index
        %swap3A_74 = tpu.vector_load %arg20[%swap3A_72, %swap3A_73] {strides = array<i32>} : memref<16x832xf32, #tpu.memory_space<vmem>>, vector<16xf32>,
        tpu.vector_store %arg20[%swap3A_72, %swap3A_73], %get3A_71 {strides = array<i32>} : memref<16x832xf32, #tpu.memory_space<vmem>>, vector<16xf32>,
        %get3A_75 = arith.constant 32 : index
        %get3A_76 = tpu.vector_load %arg18[%get3A_75] {strides = array<i32>} : memref<512xf32, #tpu.memory_space<vmem>>, vector<16xf32>,
        %swap3A_77 = arith.index_cast %scan3A_66 : i32 to index
        %swap3A_78 = arith.constant 352 : index
        %swap3A_79 = tpu.vector_load %arg20[%swap3A_77, %swap3A_78] {strides = array<i32>} : memref<16x832xf32, #tpu.memory_space<vmem>>, vector<16xf32>,
        tpu.vector_store %arg20[%swap3A_77, %swap3A_78], %get3A_76 {strides = array<i32>} : memref<16x832xf32, #tpu.memory_space<vmem>>, vector<16xf32>,
        %get3A_80 = arith.constant 48 : index
        %get3A_81 = tpu.vector_load %arg18[%get3A_80] {strides = array<i32>} : memref<512xf32, #tpu.memory_space<vmem>>, vector<16xf32>,
        %swap3A_82 = arith.index_cast %scan3A_66 : i32 to index
        %swap3A_83 = arith.constant 368 : index
        %swap3A_84 = tpu.vector_load %arg20[%swap3A_82, %swap3A_83] {strides = array<i32>} : memref<16x832xf32, #tpu.memory_space<vmem>>, vector<16xf32>,
        tpu.vector_store %arg20[%swap3A_82, %swap3A_83], %get3A_81 {strides = array<i32>} : memref<16x832xf32, #tpu.memory_space<vmem>>, vector<16xf32>,
        %get3A_85 = arith.constant 64 : index
        %get3A_86 = tpu.vector_load %arg18[%get3A_85] {strides = array<i32>} : memref<512xf32, #tpu.memory_space<vmem>>, vector<16xf32>,
        %swap3A_87 = arith.index_cast %scan3A_66 : i32 to index
        %swap3A_88 = arith.constant 384 : index
        %swap3A_89 = tpu.vector_load %arg20[%swap3A_87, %swap3A_88] {strides = array<i32>} : memref<16x832xf32, #tpu.memory_space<vmem>>, vector<16xf32>,
        tpu.vector_store %arg20[%swap3A_87, %swap3A_88], %get3A_86 {strides = array<i32>} : memref<16x832xf32, #tpu.memory_space<vmem>>, vector<16xf32>,
        %get3A_90 = arith.constant 80 : index
        %get3A_91 = tpu.vector_load %arg18[%get3A_90] {strides = array<i32>} : memref<512xf32, #tpu.memory_space<vmem>>, vector<16xf32>,
        %swap3A_92 = arith.index_cast %scan3A_66 : i32 to index
        %swap3A_93 = arith.constant 400 : index
        %swap3A_94 = tpu.vector_load %arg20[%swap3A_92, %swap3A_93] {strides = array<i32>} : memref<16x832xf32, #tpu.memory_space<vmem>>, vector<16xf32>,
        tpu.vector_store %arg20[%swap3A_92, %swap3A_93], %get3A_91 {strides = array<i32>} : memref<16x832xf32, #tpu.memory_space<vmem>>, vector<16xf32>,
        %get3A_95 = arith.constant 96 : index
        %get3A_96 = tpu.vector_load %arg18[%get3A_95] {strides = array<i32>} : memref<512xf32, #tpu.memory_space<vmem>>, vector<16xf32>,
        %swap3A_97 = arith.index_cast %scan3A_66 : i32 to index
        %swap3A_98 = arith.constant 416 : index
        %swap3A_99 = tpu.vector_load %arg20[%swap3A_97, %swap3A_98] {strides = array<i32>} : memref<16x832xf32, #tpu.memory_space<vmem>>, vector<16xf32>,
        tpu.vector_store %arg20[%swap3A_97, %swap3A_98], %get3A_96 {strides = array<i32>} : memref<16x832xf32, #tpu.memory_space<vmem>>, vector<16xf32>,
        %get3A_100 = arith.constant 112 : index
        %get3A_101 = tpu.vector_load %arg18[%get3A_100] {strides = array<i32>} : memref<512xf32, #tpu.memory_space<vmem>>, vector<16xf32>,
        %swap3A_102 = arith.index_cast %scan3A_66 : i32 to index
        %swap3A_103 = arith.constant 432 : index
        %swap3A_104 = tpu.vector_load %arg20[%swap3A_102, %swap3A_103] {strides = array<i32>} : memref<16x832xf32, #tpu.memory_space<vmem>>, vector<16xf32>,
        tpu.vector_store %arg20[%swap3A_102, %swap3A_103], %get3A_101 {strides = array<i32>} : memref<16x832xf32, #tpu.memory_space<vmem>>, vector<16xf32>,
        %get3A_105 = arith.constant 128 : index
        %get3A_106 = tpu.vector_load %arg18[%get3A_105] {strides = array<i32>} : memref<512xf32, #tpu.memory_space<vmem>>, vector<16xf32>,
        %swap3A_107 = arith.index_cast %scan3A_66 : i32 to index
        %swap3A_108 = arith.constant 448 : index
        %swap3A_109 = tpu.vector_load %arg20[%swap3A_107, %swap3A_108] {strides = array<i32>} : memref<16x832xf32, #tpu.memory_space<vmem>>, vector<16xf32>,
        tpu.vector_store %arg20[%swap3A_107, %swap3A_108], %get3A_106 {strides = array<i32>} : memref<16x832xf32, #tpu.memory_space<vmem>>, vector<16xf32>,
        %get3A_110 = arith.constant 144 : index
        %get3A_111 = tpu.vector_load %arg18[%get3A_110] {strides = array<i32>} : memref<512xf32, #tpu.memory_space<vmem>>, vector<16xf32>,
        %swap3A_112 = arith.index_cast %scan3A_66 : i32 to index
        %swap3A_113 = arith.constant 464 : index
        %swap3A_114 = tpu.vector_load %arg20[%swap3A_112, %swap3A_113] {strides = array<i32>} : memref<16x832xf32, #tpu.memory_space<vmem>>, vector<16xf32>,
        tpu.vector_store %arg20[%swap3A_112, %swap3A_113], %get3A_111 {strides = array<i32>} : memref<16x832xf32, #tpu.memory_space<vmem>>, vector<16xf32>,
        %get3A_115 = arith.constant 160 : index
        %get3A_116 = tpu.vector_load %arg18[%get3A_115] {strides = array<i32>} : memref<512xf32, #tpu.memory_space<vmem>>, vector<16xf32>,
        %swap3A_117 = arith.index_cast %scan3A_66 : i32 to index
        %swap3A_118 = arith.constant 480 : index
        %swap3A_119 = tpu.vector_load %arg20[%swap3A_117, %swap3A_118] {strides = array<i32>} : memref<16x832xf32, #tpu.memory_space<vmem>>, vector<16xf32>,
        tpu.vector_store %arg20[%swap3A_117, %swap3A_118], %get3A_116 {strides = array<i32>} : memref<16x832xf32, #tpu.memory_space<vmem>>, vector<16xf32>,
        %get3A_120 = arith.constant 176 : index
        %get3A_121 = tpu.vector_load %arg18[%get3A_120] {strides = array<i32>} : memref<512xf32, #tpu.memory_space<vmem>>, vector<16xf32>,
        %swap3A_122 = arith.index_cast %scan3A_66 : i32 to index
        %swap3A_123 = arith.constant 496 : index
        %swap3A_124 = tpu.vector_load %arg20[%swap3A_122, %swap3A_123] {strides = array<i32>} : memref<16x832xf32, #tpu.memory_space<vmem>>, vector<16xf32>,
        tpu.vector_store %arg20[%swap3A_122, %swap3A_123], %get3A_121 {strides = array<i32>} : memref<16x832xf32, #tpu.memory_space<vmem>>, vector<16xf32>,
        %get3A_125 = arith.constant 192 : index
        %get3A_126 = tpu.vector_load %arg18[%get3A_125] {strides = array<i32>} : memref<512xf32, #tpu.memory_space<vmem>>, vector<16xf32>,
        %swap3A_127 = arith.index_cast %scan3A_66 : i32 to index
        %swap3A_128 = arith.constant 512 : index
        %swap3A_129 = tpu.vector_load %arg20[%swap3A_127, %swap3A_128] {strides = array<i32>} : memref<16x832xf32, #tpu.memory_space<vmem>>, vector<16xf32>,
        tpu.vector_store %arg20[%swap3A_127, %swap3A_128], %get3A_126 {strides = array<i32>} : memref<16x832xf32, #tpu.memory_space<vmem>>, vector<16xf32>,
        %get3A_130 = arith.constant 208 : index
        %get3A_131 = tpu.vector_load %arg18[%get3A_130] {strides = array<i32>} : memref<512xf32, #tpu.memory_space<vmem>>, vector<16xf32>,
        %swap3A_132 = arith.index_cast %scan3A_66 : i32 to index
        %swap3A_133 = arith.constant 528 : index
        %swap3A_134 = tpu.vector_load %arg20[%swap3A_132, %swap3A_133] {strides = array<i32>} : memref<16x832xf32, #tpu.memory_space<vmem>>, vector<16xf32>,
        tpu.vector_store %arg20[%swap3A_132, %swap3A_133], %get3A_131 {strides = array<i32>} : memref<16x832xf32, #tpu.memory_space<vmem>>, vector<16xf32>,
        %get3A_135 = arith.constant 224 : index
        %get3A_136 = tpu.vector_load %arg18[%get3A_135] {strides = array<i32>} : memref<512xf32, #tpu.memory_space<vmem>>, vector<16xf32>,
        %swap3A_137 = arith.index_cast %scan3A_66 : i32 to index
        %swap3A_138 = arith.constant 544 : index
        %swap3A_139 = tpu.vector_load %arg20[%swap3A_137, %swap3A_138] {strides = array<i32>} : memref<16x832xf32, #tpu.memory_space<vmem>>, vector<16xf32>,
        tpu.vector_store %arg20[%swap3A_137, %swap3A_138], %get3A_136 {strides = array<i32>} : memref<16x832xf32, #tpu.memory_space<vmem>>, vector<16xf32>,
        %get3A_140 = arith.constant 240 : index
        %get3A_141 = tpu.vector_load %arg18[%get3A_140] {strides = array<i32>} : memref<512xf32, #tpu.memory_space<vmem>>, vector<16xf32>,
        %swap3A_142 = arith.index_cast %scan3A_66 : i32 to index
        %swap3A_143 = arith.constant 560 : index
        %swap3A_144 = tpu.vector_load %arg20[%swap3A_142, %swap3A_143] {strides = array<i32>} : memref<16x832xf32, #tpu.memory_space<vmem>>, vector<16xf32>,
        tpu.vector_store %arg20[%swap3A_142, %swap3A_143], %get3A_141 {strides = array<i32>} : memref<16x832xf32, #tpu.memory_space<vmem>>, vector<16xf32>,
        %get3A_145 = arith.constant 256 : index
        %get3A_146 = tpu.vector_load %arg18[%get3A_145] {strides = array<i32>} : memref<512xf32, #tpu.memory_space<vmem>>, vector<16xf32>,
        %swap3A_147 = arith.index_cast %scan3A_66 : i32 to index
        %swap3A_148 = arith.constant 576 : index
        %swap3A_149 = tpu.vector_load %arg20[%swap3A_147, %swap3A_148] {strides = array<i32>} : memref<16x832xf32, #tpu.memory_space<vmem>>, vector<16xf32>,
        tpu.vector_store %arg20[%swap3A_147, %swap3A_148], %get3A_146 {strides = array<i32>} : memref<16x832xf32, #tpu.memory_space<vmem>>, vector<16xf32>,
        %get3A_150 = arith.constant 272 : index
        %get3A_151 = tpu.vector_load %arg18[%get3A_150] {strides = array<i32>} : memref<512xf32, #tpu.memory_space<vmem>>, vector<16xf32>,
        %swap3A_152 = arith.index_cast %scan3A_66 : i32 to index
        %swap3A_153 = arith.constant 592 : index
        %swap3A_154 = tpu.vector_load %arg20[%swap3A_152, %swap3A_153] {strides = array<i32>} : memref<16x832xf32, #tpu.memory_space<vmem>>, vector<16xf32>,
        tpu.vector_store %arg20[%swap3A_152, %swap3A_153], %get3A_151 {strides = array<i32>} : memref<16x832xf32, #tpu.memory_space<vmem>>, vector<16xf32>,
        %get3A_155 = arith.constant 288 : index
        %get3A_156 = tpu.vector_load %arg18[%get3A_155] {strides = array<i32>} : memref<512xf32, #tpu.memory_space<vmem>>, vector<16xf32>,
        %swap3A_157 = arith.index_cast %scan3A_66 : i32 to index
        %swap3A_158 = arith.constant 608 : index
        %swap3A_159 = tpu.vector_load %arg20[%swap3A_157, %swap3A_158] {strides = array<i32>} : memref<16x832xf32, #tpu.memory_space<vmem>>, vector<16xf32>,
        tpu.vector_store %arg20[%swap3A_157, %swap3A_158], %get3A_156 {strides = array<i32>} : memref<16x832xf32, #tpu.memory_space<vmem>>, vector<16xf32>,
        %get3A_160 = arith.constant 304 : index
        %get3A_161 = tpu.vector_load %arg18[%get3A_160] {strides = array<i32>} : memref<512xf32, #tpu.memory_space<vmem>>, vector<16xf32>,
        %swap3A_162 = arith.index_cast %scan3A_66 : i32 to index
        %swap3A_163 = arith.constant 624 : index
        %swap3A_164 = tpu.vector_load %arg20[%swap3A_162, %swap3A_163] {strides = array<i32>} : memref<16x832xf32, #tpu.memory_space<vmem>>, vector<16xf32>,
        tpu.vector_store %arg20[%swap3A_162, %swap3A_163], %get3A_161 {strides = array<i32>} : memref<16x832xf32, #tpu.memory_space<vmem>>, vector<16xf32>,
        %get3A_165 = arith.constant 320 : index
        %get3A_166 = tpu.vector_load %arg18[%get3A_165] {strides = array<i32>} : memref<512xf32, #tpu.memory_space<vmem>>, vector<16xf32>,
        %swap3A_167 = arith.index_cast %scan3A_66 : i32 to index
        %swap3A_168 = arith.constant 640 : index
        %swap3A_169 = tpu.vector_load %arg20[%swap3A_167, %swap3A_168] {strides = array<i32>} : memref<16x832xf32, #tpu.memory_space<vmem>>, vector<16xf32>,
        tpu.vector_store %arg20[%swap3A_167, %swap3A_168], %get3A_166 {strides = array<i32>} : memref<16x832xf32, #tpu.memory_space<vmem>>, vector<16xf32>,
        %get3A_170 = arith.constant 336 : index
        %get3A_171 = tpu.vector_load %arg18[%get3A_170] {strides = array<i32>} : memref<512xf32, #tpu.memory_space<vmem>>, vector<16xf32>,
        %swap3A_172 = arith.index_cast %scan3A_66 : i32 to index
        %swap3A_173 = arith.constant 656 : index
        %swap3A_174 = tpu.vector_load %arg20[%swap3A_172, %swap3A_173] {strides = array<i32>} : memref<16x832xf32, #tpu.memory_space<vmem>>, vector<16xf32>,
        tpu.vector_store %arg20[%swap3A_172, %swap3A_173], %get3A_171 {strides = array<i32>} : memref<16x832xf32, #tpu.memory_space<vmem>>, vector<16xf32>,
        %get3A_175 = arith.constant 352 : index
        %get3A_176 = tpu.vector_load %arg18[%get3A_175] {strides = array<i32>} : memref<512xf32, #tpu.memory_space<vmem>>, vector<16xf32>,
        %swap3A_177 = arith.index_cast %scan3A_66 : i32 to index
        %swap3A_178 = arith.constant 672 : index
        %swap3A_179 = tpu.vector_load %arg20[%swap3A_177, %swap3A_178] {strides = array<i32>} : memref<16x832xf32, #tpu.memory_space<vmem>>, vector<16xf32>,
        tpu.vector_store %arg20[%swap3A_177, %swap3A_178], %get3A_176 {strides = array<i32>} : memref<16x832xf32, #tpu.memory_space<vmem>>, vector<16xf32>,
        %get3A_180 = arith.constant 368 : index
        %get3A_181 = tpu.vector_load %arg18[%get3A_180] {strides = array<i32>} : memref<512xf32, #tpu.memory_space<vmem>>, vector<16xf32>,
        %swap3A_182 = arith.index_cast %scan3A_66 : i32 to index
        %swap3A_183 = arith.constant 688 : index
        %swap3A_184 = tpu.vector_load %arg20[%swap3A_182, %swap3A_183] {strides = array<i32>} : memref<16x832xf32, #tpu.memory_space<vmem>>, vector<16xf32>,
        tpu.vector_store %arg20[%swap3A_182, %swap3A_183], %get3A_181 {strides = array<i32>} : memref<16x832xf32, #tpu.memory_space<vmem>>, vector<16xf32>,
        %get3A_185 = arith.constant 384 : index
        %get3A_186 = tpu.vector_load %arg18[%get3A_185] {strides = array<i32>} : memref<512xf32, #tpu.memory_space<vmem>>, vector<16xf32>,
        %swap3A_187 = arith.index_cast %scan3A_66 : i32 to index
        %swap3A_188 = arith.constant 704 : index
        %swap3A_189 = tpu.vector_load %arg20[%swap3A_187, %swap3A_188] {strides = array<i32>} : memref<16x832xf32, #tpu.memory_space<vmem>>, vector<16xf32>,
        tpu.vector_store %arg20[%swap3A_187, %swap3A_188], %get3A_186 {strides = array<i32>} : memref<16x832xf32, #tpu.memory_space<vmem>>, vector<16xf32>,
        %get3A_190 = arith.constant 400 : index
        %get3A_191 = tpu.vector_load %arg18[%get3A_190] {strides = array<i32>} : memref<512xf32, #tpu.memory_space<vmem>>, vector<16xf32>,
        %swap3A_192 = arith.index_cast %scan3A_66 : i32 to index
        %swap3A_193 = arith.constant 720 : index
        %swap3A_194 = tpu.vector_load %arg20[%swap3A_192, %swap3A_193] {strides = array<i32>} : memref<16x832xf32, #tpu.memory_space<vmem>>, vector<16xf32>,
        tpu.vector_store %arg20[%swap3A_192, %swap3A_193], %get3A_191 {strides = array<i32>} : memref<16x832xf32, #tpu.memory_space<vmem>>, vector<16xf32>,
        %get3A_195 = arith.constant 416 : index
        %get3A_196 = tpu.vector_load %arg18[%get3A_195] {strides = array<i32>} : memref<512xf32, #tpu.memory_space<vmem>>, vector<16xf32>,
        %swap3A_197 = arith.index_cast %scan3A_66 : i32 to index
        %swap3A_198 = arith.constant 736 : index
        %swap3A_199 = tpu.vector_load %arg20[%swap3A_197, %swap3A_198] {strides = array<i32>} : memref<16x832xf32, #tpu.memory_space<vmem>>, vector<16xf32>,
        tpu.vector_store %arg20[%swap3A_197, %swap3A_198], %get3A_196 {strides = array<i32>} : memref<16x832xf32, #tpu.memory_space<vmem>>, vector<16xf32>,
        %get3A_200 = arith.constant 432 : index
        %get3A_201 = tpu.vector_load %arg18[%get3A_200] {strides = array<i32>} : memref<512xf32, #tpu.memory_space<vmem>>, vector<16xf32>,
        %swap3A_202 = arith.index_cast %scan3A_66 : i32 to index
        %swap3A_203 = arith.constant 752 : index
        %swap3A_204 = tpu.vector_load %arg20[%swap3A_202, %swap3A_203] {strides = array<i32>} : memref<16x832xf32, #tpu.memory_space<vmem>>, vector<16xf32>,
        tpu.vector_store %arg20[%swap3A_202, %swap3A_203], %get3A_201 {strides = array<i32>} : memref<16x832xf32, #tpu.memory_space<vmem>>, vector<16xf32>,
        %get3A_205 = arith.constant 448 : index
        %get3A_206 = tpu.vector_load %arg18[%get3A_205] {strides = array<i32>} : memref<512xf32, #tpu.memory_space<vmem>>, vector<16xf32>,
        %swap3A_207 = arith.index_cast %scan3A_66 : i32 to index
        %swap3A_208 = arith.constant 768 : index
        %swap3A_209 = tpu.vector_load %arg20[%swap3A_207, %swap3A_208] {strides = array<i32>} : memref<16x832xf32, #tpu.memory_space<vmem>>, vector<16xf32>,
        tpu.vector_store %arg20[%swap3A_207, %swap3A_208], %get3A_206 {strides = array<i32>} : memref<16x832xf32, #tpu.memory_space<vmem>>, vector<16xf32>,
        %get3A_210 = arith.constant 464 : index
        %get3A_211 = tpu.vector_load %arg18[%get3A_210] {strides = array<i32>} : memref<512xf32, #tpu.memory_space<vmem>>, vector<16xf32>,
        %swap3A_212 = arith.index_cast %scan3A_66 : i32 to index
        %swap3A_213 = arith.constant 784 : index
        %swap3A_214 = tpu.vector_load %arg20[%swap3A_212, %swap3A_213] {strides = array<i32>} : memref<16x832xf32, #tpu.memory_space<vmem>>, vector<16xf32>,
        tpu.vector_store %arg20[%swap3A_212, %swap3A_213], %get3A_211 {strides = array<i32>} : memref<16x832xf32, #tpu.memory_space<vmem>>, vector<16xf32>,
        %get3A_215 = arith.constant 480 : index
        %get3A_216 = tpu.vector_load %arg18[%get3A_215] {strides = array<i32>} : memref<512xf32, #tpu.memory_space<vmem>>, vector<16xf32>,
        %swap3A_217 = arith.index_cast %scan3A_66 : i32 to index
        %swap3A_218 = arith.constant 800 : index
        %swap3A_219 = tpu.vector_load %arg20[%swap3A_217, %swap3A_218] {strides = array<i32>} : memref<16x832xf32, #tpu.memory_space<vmem>>, vector<16xf32>,
        tpu.vector_store %arg20[%swap3A_217, %swap3A_218], %get3A_216 {strides = array<i32>} : memref<16x832xf32, #tpu.memory_space<vmem>>, vector<16xf32>,
        %get3A_220 = arith.constant 496 : index
        %get3A_221 = tpu.vector_load %arg18[%get3A_220] {strides = array<i32>} : memref<512xf32, #tpu.memory_space<vmem>>, vector<16xf32>,
        %swap3A_222 = arith.index_cast %scan3A_66 : i32 to index
        %swap3A_223 = arith.constant 816 : index
        %swap3A_224 = tpu.vector_load %arg20[%swap3A_222, %swap3A_223] {strides = array<i32>} : memref<16x832xf32, #tpu.memory_space<vmem>>, vector<16xf32>,
        tpu.vector_store %arg20[%swap3A_222, %swap3A_223], %get3A_221 {strides = array<i32>} : memref<16x832xf32, #tpu.memory_space<vmem>>, vector<16xf32>,
      }
      %scan3A_35 = arith.constant 16 : i32
      %iota3A = tpu.iota {dimensions = array<i32: 0>} : vector<16xi32>
      %dma_start3A = arith.constant 0 : i32
      %dma_start3A_36 = tpu.memref_slice %arg12[%dma_start3A] : memref<512xi32, #tpu.memory_space<vmem>> -> memref<16xi32, #tpu.memory_space<vmem>>
      %dma_start3A_37 = arith.constant 0 : i32
      %dma_start3A_38 = arith.constant 0 : i32
      %dma_start3A_39 = tpu.memref_slice %arg2[%dma_start3A_37, %dma_start3A_38] : memref<16384x256xf32, #tpu.memory_space<hbm>> -> memref<16384x256xf32, #tpu.memory_space<hbm>>
      tpu.enqueue_indirect_dma source(%dma_start3A_39 : memref<16384x256xf32, #tpu.memory_space<hbm>>) target(%arg21 : memref<16x256xf32, #tpu.memory_space<vmem>>) offsets(%dma_start3A_36 : memref<16xi32, #tpu.memory_space<vmem>>) semaphore(%arg25 : memref<!tpu.dma_semaphore, #tpu.memory_space<semaphore_mem>>)
      %dma_start3A_40 = arith.constant 0 : i32
      %dma_start3A_41 = tpu.memref_slice %arg13[%dma_start3A_40] : memref<512xi32, #tpu.memory_space<vmem>> -> memref<16xi32, #tpu.memory_space<vmem>>
      %dma_start3A_42 = arith.constant 0 : i32
      %dma_start3A_43 = arith.constant 0 : i32
      %dma_start3A_44 = tpu.memref_slice %arg2[%dma_start3A_42, %dma_start3A_43] : memref<16384x256xf32, #tpu.memory_space<hbm>> -> memref<16384x256xf32, #tpu.memory_space<hbm>>
      tpu.enqueue_indirect_dma source(%dma_start3A_44 : memref<16384x256xf32, #tpu.memory_space<hbm>>) target(%arg23 : memref<16x256xf32, #tpu.memory_space<vmem>>) offsets(%dma_start3A_41 : memref<16xi32, #tpu.memory_space<vmem>>) semaphore(%arg25 : memref<!tpu.dma_semaphore, #tpu.memory_space<semaphore_mem>>)
      %scan3A_45 = arith.constant 0 : i32
      %scan3A_46 = arith.constant 0 : i32
      %scan3A_47 = arith.constant 16 : i32
      %scan3A_48 = arith.addi %scan3A_46, %scan3A_47 : i32
      %scan3A_49 = arith.constant 1 : i32
      scf.for %scan3A_66 = %scan3A_46 to %scan3A_48 step %scan3A_49  : i32 {
        %mul3A_67 = arith.constant 2 : i32
        %mul3A_68 = arith.muli %mul3A_67, %scan3A_66 : i32
        %add3A_69 = arith.constant 1 : i32
        %add3A_70 = arith.addi %mul3A_68, %add3A_69 : i32
        %lt3A = arith.constant 32 : i32
        %lt3A_71 = arith.cmpi slt, %add3A_70, %lt3A : i32
        %convert_element_type3A = arith.extui %lt3A_71 : i1 to i32
        %cond3A = arith.constant 0 : i32
        %cond3A_72 = arith.cmpi ne, %convert_element_type3A, %cond3A : i32
        scf.if %cond3A_72 {
          %add3A_138 = arith.constant 1 : i32
          %add3A_139 = arith.addi %mul3A_68, %add3A_138 : i32
          %mul3A_140 = arith.constant 16 : i32
          %mul3A_141 = arith.muli %add3A_139, %mul3A_140 : i32
          %dma_start3A_142 = tpu.memref_slice %arg12[%mul3A_141] : memref<512xi32, #tpu.memory_space<vmem>> -> memref<16xi32, #tpu.memory_space<vmem>>
          %dma_start3A_143 = arith.constant 0 : i32
          %dma_start3A_144 = arith.constant 0 : i32
          %dma_start3A_145 = tpu.memref_slice %arg2[%dma_start3A_143, %dma_start3A_144] : memref<16384x256xf32, #tpu.memory_space<hbm>> -> memref<16384x256xf32, #tpu.memory_space<hbm>>
          tpu.enqueue_indirect_dma source(%dma_start3A_145 : memref<16384x256xf32, #tpu.memory_space<hbm>>) target(%arg22 : memref<16x256xf32, #tpu.memory_space<vmem>>) offsets(%dma_start3A_142 : memref<16xi32, #tpu.memory_space<vmem>>) semaphore(%arg25 : memref<!tpu.dma_semaphore, #tpu.memory_space<semaphore_mem>>)
          %mul3A_146 = arith.constant 16 : i32
          %mul3A_147 = arith.muli %add3A_139, %mul3A_146 : i32
          %dma_start3A_148 = tpu.memref_slice %arg13[%mul3A_147] : memref<512xi32, #tpu.memory_space<vmem>> -> memref<16xi32, #tpu.memory_space<vmem>>
          %dma_start3A_149 = arith.constant 0 : i32
          %dma_start3A_150 = arith.constant 0 : i32
          %dma_start3A_151 = tpu.memref_slice %arg2[%dma_start3A_149, %dma_start3A_150] : memref<16384x256xf32, #tpu.memory_space<hbm>> -> memref<16384x256xf32, #tpu.memory_space<hbm>>
          tpu.enqueue_indirect_dma source(%dma_start3A_151 : memref<16384x256xf32, #tpu.memory_space<hbm>>) target(%arg24 : memref<16x256xf32, #tpu.memory_space<vmem>>) offsets(%dma_start3A_148 : memref<16xi32, #tpu.memory_space<vmem>>) semaphore(%arg25 : memref<!tpu.dma_semaphore, #tpu.memory_space<semaphore_mem>>)
        } else {
        }
        %dma_wait3A_73 = arith.constant 0 : i32
        %dma_wait3A_74 = arith.constant 0 : i32
        %dma_wait3A_75 = tpu.memref_slice %arg2[%dma_wait3A_73, %dma_wait3A_74] : memref<16384x256xf32, #tpu.memory_space<hbm>> -> memref<16x256xf32, #tpu.memory_space<hbm>>
        %dma_wait3A_76 = arith.constant 0 : i32
        %dma_wait3A_77 = arith.constant 0 : i32
        %dma_wait3A_78 = tpu.memref_slice %arg2[%dma_wait3A_76, %dma_wait3A_77] : memref<16384x256xf32, #tpu.memory_space<hbm>> -> memref<16x256xf32, #tpu.memory_space<hbm>>
        tpu.wait_dma2 semaphore(%arg25 : memref<!tpu.dma_semaphore, #tpu.memory_space<semaphore_mem>>) src(%dma_wait3A_78 : memref<16x256xf32, #tpu.memory_space<hbm>>) dst(%arg21 : memref<16x256xf32, #tpu.memory_space<vmem>>)
        %dma_wait3A_79 = arith.constant 0 : i32
        %dma_wait3A_80 = arith.constant 0 : i32
        %dma_wait3A_81 = tpu.memref_slice %arg2[%dma_wait3A_79, %dma_wait3A_80] : memref<16384x256xf32, #tpu.memory_space<hbm>> -> memref<16x256xf32, #tpu.memory_space<hbm>>
        %dma_wait3A_82 = arith.constant 0 : i32
        %dma_wait3A_83 = arith.constant 0 : i32
        %dma_wait3A_84 = tpu.memref_slice %arg2[%dma_wait3A_82, %dma_wait3A_83] : memref<16384x256xf32, #tpu.memory_space<hbm>> -> memref<16x256xf32, #tpu.memory_space<hbm>>
        tpu.wait_dma2 semaphore(%arg25 : memref<!tpu.dma_semaphore, #tpu.memory_space<semaphore_mem>>) src(%dma_wait3A_84 : memref<16x256xf32, #tpu.memory_space<hbm>>) dst(%arg23 : memref<16x256xf32, #tpu.memory_space<vmem>>)
        %ge3A = arith.constant 2 : i32
        %ge3A_85 = arith.cmpi sge, %mul3A_68, %ge3A : i32
        %convert_element_type3A_86 = arith.extui %ge3A_85 : i1 to i32
        %cond3A_87 = arith.constant 0 : i32
        %cond3A_88 = arith.cmpi ne, %convert_element_type3A_86, %cond3A_87 : i32
        scf.if %cond3A_88 {
          %dma_wait3A_138 = arith.constant 0 : i32
          %dma_wait3A_139 = arith.constant 0 : i32
          %dma_wait3A_140 = tpu.memref_slice %arg8[%add3A_9, %dma_wait3A_138, %dma_wait3A_139] : memref<128x512x832xf32, #tpu.memory_space<hbm>> -> memref<1x16x832xf32, #tpu.memory_space<hbm>>
          %dma_wait3A_141 = tpu.memref_squeeze %dma_wait3A_140 : memref<1x16x832xf32, #tpu.memory_space<hbm>> -> memref<16x832xf32, #tpu.memory_space<hbm>>
          %dma_wait3A_142 = arith.constant 0 : i32
          %dma_wait3A_143 = arith.constant 0 : i32
          %dma_wait3A_144 = tpu.memref_slice %arg8[%add3A_9, %dma_wait3A_142, %dma_wait3A_143] : memref<128x512x832xf32, #tpu.memory_space<hbm>> -> memref<1x16x832xf32, #tpu.memory_space<hbm>>
          %dma_wait3A_145 = tpu.memref_squeeze %dma_wait3A_144 : memref<1x16x832xf32, #tpu.memory_space<hbm>> -> memref<16x832xf32, #tpu.memory_space<hbm>>
          tpu.wait_dma2 semaphore(%arg26 : memref<!tpu.dma_semaphore, #tpu.memory_space<semaphore_mem>>) src(%arg19 : memref<16x832xf32, #tpu.memory_space<vmem>>) dst(%dma_wait3A_145 : memref<16x832xf32, #tpu.memory_space<hbm>>)
        } else {
        }
        %parallel_loop3A = arith.constant 0 : i32
        %parallel_loop3A_89 = arith.constant 16 : i32
        %parallel_loop3A_90 = arith.constant 1 : i32
        scf.for %parallel_loop3A_138 = %parallel_loop3A to %parallel_loop3A_89 step %parallel_loop3A_90  : i32 {
          %parallel_loop3A_139 = arith.constant 16 : i32
          %parallel_loop3A_140 = arith.muli %mul3A_68, %parallel_loop3A_139 : i32
          %parallel_loop3A_141 = arith.addi %parallel_loop3A_140, %parallel_loop3A_138 : i32
          %parallel_loop3A_142 = vector.broadcast %parallel_loop3A_141 : i32 to vector<16xi32>
          %parallel_loop3A_143 = tpu.vector_load_idx %arg14[%parallel_loop3A_142] : memref<512xf32, #tpu.memory_space<vmem>>[vector<16xi32>], vector<16xf32>,
          %parallel_loop3A_144 = arith.index_cast %parallel_loop3A_138 : i32 to index
          %parallel_loop3A_145 = arith.constant 0 : index
          %parallel_loop3A_146 = tpu.vector_load %arg21[%parallel_loop3A_144, %parallel_loop3A_145] {strides = array<i32>} : memref<16x256xf32, #tpu.memory_space<vmem>>, vector<16xf32>,
          %parallel_loop3A_147 = arith.index_cast %parallel_loop3A_138 : i32 to index
          %parallel_loop3A_148 = arith.constant 0 : index
          %parallel_loop3A_149 = tpu.vector_load %arg23[%parallel_loop3A_147, %parallel_loop3A_148] {strides = array<i32>} : memref<16x256xf32, #tpu.memory_space<vmem>>, vector<16xf32>,
          %parallel_loop3A_150 = arith.subf %parallel_loop3A_149, %parallel_loop3A_146 : vector<16xf32>
          %parallel_loop3A_151 = arith.mulf %parallel_loop3A_143, %parallel_loop3A_150 : vector<16xf32>
          %parallel_loop3A_152 = arith.addf %parallel_loop3A_146, %parallel_loop3A_151 : vector<16xf32>
          %parallel_loop3A_153 = arith.index_cast %parallel_loop3A_138 : i32 to index
          %parallel_loop3A_154 = arith.constant 0 : index
          %parallel_loop3A_155 = tpu.vector_load %arg19[%parallel_loop3A_153, %parallel_loop3A_154] {strides = array<i32>} : memref<16x832xf32, #tpu.memory_space<vmem>>, vector<16xf32>,
          tpu.vector_store %arg19[%parallel_loop3A_153, %parallel_loop3A_154], %parallel_loop3A_152 {strides = array<i32>} : memref<16x832xf32, #tpu.memory_space<vmem>>, vector<16xf32>,
          %parallel_loop3A_156 = arith.index_cast %parallel_loop3A_138 : i32 to index
          %parallel_loop3A_157 = arith.constant 16 : index
          %parallel_loop3A_158 = tpu.vector_load %arg21[%parallel_loop3A_156, %parallel_loop3A_157] {strides = array<i32>} : memref<16x256xf32, #tpu.memory_space<vmem>>, vector<16xf32>,
          %parallel_loop3A_159 = arith.index_cast %parallel_loop3A_138 : i32 to index
          %parallel_loop3A_160 = arith.constant 16 : index
          %parallel_loop3A_161 = tpu.vector_load %arg23[%parallel_loop3A_159, %parallel_loop3A_160] {strides = array<i32>} : memref<16x256xf32, #tpu.memory_space<vmem>>, vector<16xf32>,
          %parallel_loop3A_162 = arith.subf %parallel_loop3A_161, %parallel_loop3A_158 : vector<16xf32>
          %parallel_loop3A_163 = arith.mulf %parallel_loop3A_143, %parallel_loop3A_162 : vector<16xf32>
          %parallel_loop3A_164 = arith.addf %parallel_loop3A_158, %parallel_loop3A_163 : vector<16xf32>
          %parallel_loop3A_165 = arith.index_cast %parallel_loop3A_138 : i32 to index
          %parallel_loop3A_166 = arith.constant 16 : index
          %parallel_loop3A_167 = tpu.vector_load %arg19[%parallel_loop3A_165, %parallel_loop3A_166] {strides = array<i32>} : memref<16x832xf32, #tpu.memory_space<vmem>>, vector<16xf32>,
          tpu.vector_store %arg19[%parallel_loop3A_165, %parallel_loop3A_166], %parallel_loop3A_164 {strides = array<i32>} : memref<16x832xf32, #tpu.memory_space<vmem>>, vector<16xf32>,
          %parallel_loop3A_168 = arith.index_cast %parallel_loop3A_138 : i32 to index
          %parallel_loop3A_169 = arith.constant 32 : index
          %parallel_loop3A_170 = tpu.vector_load %arg21[%parallel_loop3A_168, %parallel_loop3A_169] {strides = array<i32>} : memref<16x256xf32, #tpu.memory_space<vmem>>, vector<16xf32>,
          %parallel_loop3A_171 = arith.index_cast %parallel_loop3A_138 : i32 to index
          %parallel_loop3A_172 = arith.constant 32 : index
          %parallel_loop3A_173 = tpu.vector_load %arg23[%parallel_loop3A_171, %parallel_loop3A_172] {strides = array<i32>} : memref<16x256xf32, #tpu.memory_space<vmem>>, vector<16xf32>,
          %parallel_loop3A_174 = arith.subf %parallel_loop3A_173, %parallel_loop3A_170 : vector<16xf32>
          %parallel_loop3A_175 = arith.mulf %parallel_loop3A_143, %parallel_loop3A_174 : vector<16xf32>
          %parallel_loop3A_176 = arith.addf %parallel_loop3A_170, %parallel_loop3A_175 : vector<16xf32>
          %parallel_loop3A_177 = arith.index_cast %parallel_loop3A_138 : i32 to index
          %parallel_loop3A_178 = arith.constant 32 : index
          %parallel_loop3A_179 = tpu.vector_load %arg19[%parallel_loop3A_177, %parallel_loop3A_178] {strides = array<i32>} : memref<16x832xf32, #tpu.memory_space<vmem>>, vector<16xf32>,
          tpu.vector_store %arg19[%parallel_loop3A_177, %parallel_loop3A_178], %parallel_loop3A_176 {strides = array<i32>} : memref<16x832xf32, #tpu.memory_space<vmem>>, vector<16xf32>,
          %parallel_loop3A_180 = arith.index_cast %parallel_loop3A_138 : i32 to index
          %parallel_loop3A_181 = arith.constant 48 : index
          %parallel_loop3A_182 = tpu.vector_load %arg21[%parallel_loop3A_180, %parallel_loop3A_181] {strides = array<i32>} : memref<16x256xf32, #tpu.memory_space<vmem>>, vector<16xf32>,
          %parallel_loop3A_183 = arith.index_cast %parallel_loop3A_138 : i32 to index
          %parallel_loop3A_184 = arith.constant 48 : index
          %parallel_loop3A_185 = tpu.vector_load %arg23[%parallel_loop3A_183, %parallel_loop3A_184] {strides = array<i32>} : memref<16x256xf32, #tpu.memory_space<vmem>>, vector<16xf32>,
          %parallel_loop3A_186 = arith.subf %parallel_loop3A_185, %parallel_loop3A_182 : vector<16xf32>
          %parallel_loop3A_187 = arith.mulf %parallel_loop3A_143, %parallel_loop3A_186 : vector<16xf32>
          %parallel_loop3A_188 = arith.addf %parallel_loop3A_182, %parallel_loop3A_187 : vector<16xf32>
          %parallel_loop3A_189 = arith.index_cast %parallel_loop3A_138 : i32 to index
          %parallel_loop3A_190 = arith.constant 48 : index
          %parallel_loop3A_191 = tpu.vector_load %arg19[%parallel_loop3A_189, %parallel_loop3A_190] {strides = array<i32>} : memref<16x832xf32, #tpu.memory_space<vmem>>, vector<16xf32>,
          tpu.vector_store %arg19[%parallel_loop3A_189, %parallel_loop3A_190], %parallel_loop3A_188 {strides = array<i32>} : memref<16x832xf32, #tpu.memory_space<vmem>>, vector<16xf32>,
          %parallel_loop3A_192 = arith.index_cast %parallel_loop3A_138 : i32 to index
          %parallel_loop3A_193 = arith.constant 64 : index
          %parallel_loop3A_194 = tpu.vector_load %arg21[%parallel_loop3A_192, %parallel_loop3A_193] {strides = array<i32>} : memref<16x256xf32, #tpu.memory_space<vmem>>, vector<16xf32>,
          %parallel_loop3A_195 = arith.index_cast %parallel_loop3A_138 : i32 to index
          %parallel_loop3A_196 = arith.constant 64 : index
          %parallel_loop3A_197 = tpu.vector_load %arg23[%parallel_loop3A_195, %parallel_loop3A_196] {strides = array<i32>} : memref<16x256xf32, #tpu.memory_space<vmem>>, vector<16xf32>,
          %parallel_loop3A_198 = arith.subf %parallel_loop3A_197, %parallel_loop3A_194 : vector<16xf32>
          %parallel_loop3A_199 = arith.mulf %parallel_loop3A_143, %parallel_loop3A_198 : vector<16xf32>
          %parallel_loop3A_200 = arith.addf %parallel_loop3A_194, %parallel_loop3A_199 : vector<16xf32>
          %parallel_loop3A_201 = arith.index_cast %parallel_loop3A_138 : i32 to index
          %parallel_loop3A_202 = arith.constant 64 : index
          %parallel_loop3A_203 = tpu.vector_load %arg19[%parallel_loop3A_201, %parallel_loop3A_202] {strides = array<i32>} : memref<16x832xf32, #tpu.memory_space<vmem>>, vector<16xf32>,
          tpu.vector_store %arg19[%parallel_loop3A_201, %parallel_loop3A_202], %parallel_loop3A_200 {strides = array<i32>} : memref<16x832xf32, #tpu.memory_space<vmem>>, vector<16xf32>,
          %parallel_loop3A_204 = arith.index_cast %parallel_loop3A_138 : i32 to index
          %parallel_loop3A_205 = arith.constant 80 : index
          %parallel_loop3A_206 = tpu.vector_load %arg21[%parallel_loop3A_204, %parallel_loop3A_205] {strides = array<i32>} : memref<16x256xf32, #tpu.memory_space<vmem>>, vector<16xf32>,
          %parallel_loop3A_207 = arith.index_cast %parallel_loop3A_138 : i32 to index
          %parallel_loop3A_208 = arith.constant 80 : index
          %parallel_loop3A_209 = tpu.vector_load %arg23[%parallel_loop3A_207, %parallel_loop3A_208] {strides = array<i32>} : memref<16x256xf32, #tpu.memory_space<vmem>>, vector<16xf32>,
          %parallel_loop3A_210 = arith.subf %parallel_loop3A_209, %parallel_loop3A_206 : vector<16xf32>
          %parallel_loop3A_211 = arith.mulf %parallel_loop3A_143, %parallel_loop3A_210 : vector<16xf32>
          %parallel_loop3A_212 = arith.addf %parallel_loop3A_206, %parallel_loop3A_211 : vector<16xf32>
          %parallel_loop3A_213 = arith.index_cast %parallel_loop3A_138 : i32 to index
          %parallel_loop3A_214 = arith.constant 80 : index
          %parallel_loop3A_215 = tpu.vector_load %arg19[%parallel_loop3A_213, %parallel_loop3A_214] {strides = array<i32>} : memref<16x832xf32, #tpu.memory_space<vmem>>, vector<16xf32>,
          tpu.vector_store %arg19[%parallel_loop3A_213, %parallel_loop3A_214], %parallel_loop3A_212 {strides = array<i32>} : memref<16x832xf32, #tpu.memory_space<vmem>>, vector<16xf32>,
          %parallel_loop3A_216 = arith.index_cast %parallel_loop3A_138 : i32 to index
          %parallel_loop3A_217 = arith.constant 96 : index
          %parallel_loop3A_218 = tpu.vector_load %arg21[%parallel_loop3A_216, %parallel_loop3A_217] {strides = array<i32>} : memref<16x256xf32, #tpu.memory_space<vmem>>, vector<16xf32>,
          %parallel_loop3A_219 = arith.index_cast %parallel_loop3A_138 : i32 to index
          %parallel_loop3A_220 = arith.constant 96 : index
          %parallel_loop3A_221 = tpu.vector_load %arg23[%parallel_loop3A_219, %parallel_loop3A_220] {strides = array<i32>} : memref<16x256xf32, #tpu.memory_space<vmem>>, vector<16xf32>,
          %parallel_loop3A_222 = arith.subf %parallel_loop3A_221, %parallel_loop3A_218 : vector<16xf32>
          %parallel_loop3A_223 = arith.mulf %parallel_loop3A_143, %parallel_loop3A_222 : vector<16xf32>
          %parallel_loop3A_224 = arith.addf %parallel_loop3A_218, %parallel_loop3A_223 : vector<16xf32>
          %parallel_loop3A_225 = arith.index_cast %parallel_loop3A_138 : i32 to index
          %parallel_loop3A_226 = arith.constant 96 : index
          %parallel_loop3A_227 = tpu.vector_load %arg19[%parallel_loop3A_225, %parallel_loop3A_226] {strides = array<i32>} : memref<16x832xf32, #tpu.memory_space<vmem>>, vector<16xf32>,
          tpu.vector_store %arg19[%parallel_loop3A_225, %parallel_loop3A_226], %parallel_loop3A_224 {strides = array<i32>} : memref<16x832xf32, #tpu.memory_space<vmem>>, vector<16xf32>,
          %parallel_loop3A_228 = arith.index_cast %parallel_loop3A_138 : i32 to index
          %parallel_loop3A_229 = arith.constant 112 : index
          %parallel_loop3A_230 = tpu.vector_load %arg21[%parallel_loop3A_228, %parallel_loop3A_229] {strides = array<i32>} : memref<16x256xf32, #tpu.memory_space<vmem>>, vector<16xf32>,
          %parallel_loop3A_231 = arith.index_cast %parallel_loop3A_138 : i32 to index
          %parallel_loop3A_232 = arith.constant 112 : index
          %parallel_loop3A_233 = tpu.vector_load %arg23[%parallel_loop3A_231, %parallel_loop3A_232] {strides = array<i32>} : memref<16x256xf32, #tpu.memory_space<vmem>>, vector<16xf32>,
          %parallel_loop3A_234 = arith.subf %parallel_loop3A_233, %parallel_loop3A_230 : vector<16xf32>
          %parallel_loop3A_235 = arith.mulf %parallel_loop3A_143, %parallel_loop3A_234 : vector<16xf32>
          %parallel_loop3A_236 = arith.addf %parallel_loop3A_230, %parallel_loop3A_235 : vector<16xf32>
          %parallel_loop3A_237 = arith.index_cast %parallel_loop3A_138 : i32 to index
          %parallel_loop3A_238 = arith.constant 112 : index
          %parallel_loop3A_239 = tpu.vector_load %arg19[%parallel_loop3A_237, %parallel_loop3A_238] {strides = array<i32>} : memref<16x832xf32, #tpu.memory_space<vmem>>, vector<16xf32>,
          tpu.vector_store %arg19[%parallel_loop3A_237, %parallel_loop3A_238], %parallel_loop3A_236 {strides = array<i32>} : memref<16x832xf32, #tpu.memory_space<vmem>>, vector<16xf32>,
          %parallel_loop3A_240 = arith.index_cast %parallel_loop3A_138 : i32 to index
          %parallel_loop3A_241 = arith.constant 128 : index
          %parallel_loop3A_242 = tpu.vector_load %arg21[%parallel_loop3A_240, %parallel_loop3A_241] {strides = array<i32>} : memref<16x256xf32, #tpu.memory_space<vmem>>, vector<16xf32>,
          %parallel_loop3A_243 = arith.index_cast %parallel_loop3A_138 : i32 to index
          %parallel_loop3A_244 = arith.constant 128 : index
          %parallel_loop3A_245 = tpu.vector_load %arg23[%parallel_loop3A_243, %parallel_loop3A_244] {strides = array<i32>} : memref<16x256xf32, #tpu.memory_space<vmem>>, vector<16xf32>,
          %parallel_loop3A_246 = arith.subf %parallel_loop3A_245, %parallel_loop3A_242 : vector<16xf32>
          %parallel_loop3A_247 = arith.mulf %parallel_loop3A_143, %parallel_loop3A_246 : vector<16xf32>
          %parallel_loop3A_248 = arith.addf %parallel_loop3A_242, %parallel_loop3A_247 : vector<16xf32>
          %parallel_loop3A_249 = arith.index_cast %parallel_loop3A_138 : i32 to index
          %parallel_loop3A_250 = arith.constant 128 : index
          %parallel_loop3A_251 = tpu.vector_load %arg19[%parallel_loop3A_249, %parallel_loop3A_250] {strides = array<i32>} : memref<16x832xf32, #tpu.memory_space<vmem>>, vector<16xf32>,
          tpu.vector_store %arg19[%parallel_loop3A_249, %parallel_loop3A_250], %parallel_loop3A_248 {strides = array<i32>} : memref<16x832xf32, #tpu.memory_space<vmem>>, vector<16xf32>,
          %parallel_loop3A_252 = arith.index_cast %parallel_loop3A_138 : i32 to index
          %parallel_loop3A_253 = arith.constant 144 : index
          %parallel_loop3A_254 = tpu.vector_load %arg21[%parallel_loop3A_252, %parallel_loop3A_253] {strides = array<i32>} : memref<16x256xf32, #tpu.memory_space<vmem>>, vector<16xf32>,
          %parallel_loop3A_255 = arith.index_cast %parallel_loop3A_138 : i32 to index
          %parallel_loop3A_256 = arith.constant 144 : index
          %parallel_loop3A_257 = tpu.vector_load %arg23[%parallel_loop3A_255, %parallel_loop3A_256] {strides = array<i32>} : memref<16x256xf32, #tpu.memory_space<vmem>>, vector<16xf32>,
          %parallel_loop3A_258 = arith.subf %parallel_loop3A_257, %parallel_loop3A_254 : vector<16xf32>
          %parallel_loop3A_259 = arith.mulf %parallel_loop3A_143, %parallel_loop3A_258 : vector<16xf32>
          %parallel_loop3A_260 = arith.addf %parallel_loop3A_254, %parallel_loop3A_259 : vector<16xf32>
          %parallel_loop3A_261 = arith.index_cast %parallel_loop3A_138 : i32 to index
          %parallel_loop3A_262 = arith.constant 144 : index
          %parallel_loop3A_263 = tpu.vector_load %arg19[%parallel_loop3A_261, %parallel_loop3A_262] {strides = array<i32>} : memref<16x832xf32, #tpu.memory_space<vmem>>, vector<16xf32>,
          tpu.vector_store %arg19[%parallel_loop3A_261, %parallel_loop3A_262], %parallel_loop3A_260 {strides = array<i32>} : memref<16x832xf32, #tpu.memory_space<vmem>>, vector<16xf32>,
          %parallel_loop3A_264 = arith.index_cast %parallel_loop3A_138 : i32 to index
          %parallel_loop3A_265 = arith.constant 160 : index
          %parallel_loop3A_266 = tpu.vector_load %arg21[%parallel_loop3A_264, %parallel_loop3A_265] {strides = array<i32>} : memref<16x256xf32, #tpu.memory_space<vmem>>, vector<16xf32>,
          %parallel_loop3A_267 = arith.index_cast %parallel_loop3A_138 : i32 to index
          %parallel_loop3A_268 = arith.constant 160 : index
          %parallel_loop3A_269 = tpu.vector_load %arg23[%parallel_loop3A_267, %parallel_loop3A_268] {strides = array<i32>} : memref<16x256xf32, #tpu.memory_space<vmem>>, vector<16xf32>,
          %parallel_loop3A_270 = arith.subf %parallel_loop3A_269, %parallel_loop3A_266 : vector<16xf32>
          %parallel_loop3A_271 = arith.mulf %parallel_loop3A_143, %parallel_loop3A_270 : vector<16xf32>
          %parallel_loop3A_272 = arith.addf %parallel_loop3A_266, %parallel_loop3A_271 : vector<16xf32>
          %parallel_loop3A_273 = arith.index_cast %parallel_loop3A_138 : i32 to index
          %parallel_loop3A_274 = arith.constant 160 : index
          %parallel_loop3A_275 = tpu.vector_load %arg19[%parallel_loop3A_273, %parallel_loop3A_274] {strides = array<i32>} : memref<16x832xf32, #tpu.memory_space<vmem>>, vector<16xf32>,
          tpu.vector_store %arg19[%parallel_loop3A_273, %parallel_loop3A_274], %parallel_loop3A_272 {strides = array<i32>} : memref<16x832xf32, #tpu.memory_space<vmem>>, vector<16xf32>,
          %parallel_loop3A_276 = arith.index_cast %parallel_loop3A_138 : i32 to index
          %parallel_loop3A_277 = arith.constant 176 : index
          %parallel_loop3A_278 = tpu.vector_load %arg21[%parallel_loop3A_276, %parallel_loop3A_277] {strides = array<i32>} : memref<16x256xf32, #tpu.memory_space<vmem>>, vector<16xf32>,
          %parallel_loop3A_279 = arith.index_cast %parallel_loop3A_138 : i32 to index
          %parallel_loop3A_280 = arith.constant 176 : index
          %parallel_loop3A_281 = tpu.vector_load %arg23[%parallel_loop3A_279, %parallel_loop3A_280] {strides = array<i32>} : memref<16x256xf32, #tpu.memory_space<vmem>>, vector<16xf32>,
          %parallel_loop3A_282 = arith.subf %parallel_loop3A_281, %parallel_loop3A_278 : vector<16xf32>
          %parallel_loop3A_283 = arith.mulf %parallel_loop3A_143, %parallel_loop3A_282 : vector<16xf32>
          %parallel_loop3A_284 = arith.addf %parallel_loop3A_278, %parallel_loop3A_283 : vector<16xf32>
          %parallel_loop3A_285 = arith.index_cast %parallel_loop3A_138 : i32 to index
          %parallel_loop3A_286 = arith.constant 176 : index
          %parallel_loop3A_287 = tpu.vector_load %arg19[%parallel_loop3A_285, %parallel_loop3A_286] {strides = array<i32>} : memref<16x832xf32, #tpu.memory_space<vmem>>, vector<16xf32>,
          tpu.vector_store %arg19[%parallel_loop3A_285, %parallel_loop3A_286], %parallel_loop3A_284 {strides = array<i32>} : memref<16x832xf32, #tpu.memory_space<vmem>>, vector<16xf32>,
          %parallel_loop3A_288 = arith.index_cast %parallel_loop3A_138 : i32 to index
          %parallel_loop3A_289 = arith.constant 192 : index
          %parallel_loop3A_290 = tpu.vector_load %arg21[%parallel_loop3A_288, %parallel_loop3A_289] {strides = array<i32>} : memref<16x256xf32, #tpu.memory_space<vmem>>, vector<16xf32>,
          %parallel_loop3A_291 = arith.index_cast %parallel_loop3A_138 : i32 to index
          %parallel_loop3A_292 = arith.constant 192 : index
          %parallel_loop3A_293 = tpu.vector_load %arg23[%parallel_loop3A_291, %parallel_loop3A_292] {strides = array<i32>} : memref<16x256xf32, #tpu.memory_space<vmem>>, vector<16xf32>,
          %parallel_loop3A_294 = arith.subf %parallel_loop3A_293, %parallel_loop3A_290 : vector<16xf32>
          %parallel_loop3A_295 = arith.mulf %parallel_loop3A_143, %parallel_loop3A_294 : vector<16xf32>
          %parallel_loop3A_296 = arith.addf %parallel_loop3A_290, %parallel_loop3A_295 : vector<16xf32>
          %parallel_loop3A_297 = arith.index_cast %parallel_loop3A_138 : i32 to index
          %parallel_loop3A_298 = arith.constant 192 : index
          %parallel_loop3A_299 = tpu.vector_load %arg19[%parallel_loop3A_297, %parallel_loop3A_298] {strides = array<i32>} : memref<16x832xf32, #tpu.memory_space<vmem>>, vector<16xf32>,
          tpu.vector_store %arg19[%parallel_loop3A_297, %parallel_loop3A_298], %parallel_loop3A_296 {strides = array<i32>} : memref<16x832xf32, #tpu.memory_space<vmem>>, vector<16xf32>,
          %parallel_loop3A_300 = arith.index_cast %parallel_loop3A_138 : i32 to index
          %parallel_loop3A_301 = arith.constant 208 : index
          %parallel_loop3A_302 = tpu.vector_load %arg21[%parallel_loop3A_300, %parallel_loop3A_301] {strides = array<i32>} : memref<16x256xf32, #tpu.memory_space<vmem>>, vector<16xf32>,
          %parallel_loop3A_303 = arith.index_cast %parallel_loop3A_138 : i32 to index
          %parallel_loop3A_304 = arith.constant 208 : index
          %parallel_loop3A_305 = tpu.vector_load %arg23[%parallel_loop3A_303, %parallel_loop3A_304] {strides = array<i32>} : memref<16x256xf32, #tpu.memory_space<vmem>>, vector<16xf32>,
          %parallel_loop3A_306 = arith.subf %parallel_loop3A_305, %parallel_loop3A_302 : vector<16xf32>
          %parallel_loop3A_307 = arith.mulf %parallel_loop3A_143, %parallel_loop3A_306 : vector<16xf32>
          %parallel_loop3A_308 = arith.addf %parallel_loop3A_302, %parallel_loop3A_307 : vector<16xf32>
          %parallel_loop3A_309 = arith.index_cast %parallel_loop3A_138 : i32 to index
          %parallel_loop3A_310 = arith.constant 208 : index
          %parallel_loop3A_311 = tpu.vector_load %arg19[%parallel_loop3A_309, %parallel_loop3A_310] {strides = array<i32>} : memref<16x832xf32, #tpu.memory_space<vmem>>, vector<16xf32>,
          tpu.vector_store %arg19[%parallel_loop3A_309, %parallel_loop3A_310], %parallel_loop3A_308 {strides = array<i32>} : memref<16x832xf32, #tpu.memory_space<vmem>>, vector<16xf32>,
          %parallel_loop3A_312 = arith.index_cast %parallel_loop3A_138 : i32 to index
          %parallel_loop3A_313 = arith.constant 224 : index
          %parallel_loop3A_314 = tpu.vector_load %arg21[%parallel_loop3A_312, %parallel_loop3A_313] {strides = array<i32>} : memref<16x256xf32, #tpu.memory_space<vmem>>, vector<16xf32>,
          %parallel_loop3A_315 = arith.index_cast %parallel_loop3A_138 : i32 to index
          %parallel_loop3A_316 = arith.constant 224 : index
          %parallel_loop3A_317 = tpu.vector_load %arg23[%parallel_loop3A_315, %parallel_loop3A_316] {strides = array<i32>} : memref<16x256xf32, #tpu.memory_space<vmem>>, vector<16xf32>,
          %parallel_loop3A_318 = arith.subf %parallel_loop3A_317, %parallel_loop3A_314 : vector<16xf32>
          %parallel_loop3A_319 = arith.mulf %parallel_loop3A_143, %parallel_loop3A_318 : vector<16xf32>
          %parallel_loop3A_320 = arith.addf %parallel_loop3A_314, %parallel_loop3A_319 : vector<16xf32>
          %parallel_loop3A_321 = arith.index_cast %parallel_loop3A_138 : i32 to index
          %parallel_loop3A_322 = arith.constant 224 : index
          %parallel_loop3A_323 = tpu.vector_load %arg19[%parallel_loop3A_321, %parallel_loop3A_322] {strides = array<i32>} : memref<16x832xf32, #tpu.memory_space<vmem>>, vector<16xf32>,
          tpu.vector_store %arg19[%parallel_loop3A_321, %parallel_loop3A_322], %parallel_loop3A_320 {strides = array<i32>} : memref<16x832xf32, #tpu.memory_space<vmem>>, vector<16xf32>,
          %parallel_loop3A_324 = arith.index_cast %parallel_loop3A_138 : i32 to index
          %parallel_loop3A_325 = arith.constant 240 : index
          %parallel_loop3A_326 = tpu.vector_load %arg21[%parallel_loop3A_324, %parallel_loop3A_325] {strides = array<i32>} : memref<16x256xf32, #tpu.memory_space<vmem>>, vector<16xf32>,
          %parallel_loop3A_327 = arith.index_cast %parallel_loop3A_138 : i32 to index
          %parallel_loop3A_328 = arith.constant 240 : index
          %parallel_loop3A_329 = tpu.vector_load %arg23[%parallel_loop3A_327, %parallel_loop3A_328] {strides = array<i32>} : memref<16x256xf32, #tpu.memory_space<vmem>>, vector<16xf32>,
          %parallel_loop3A_330 = arith.subf %parallel_loop3A_329, %parallel_loop3A_326 : vector<16xf32>
          %parallel_loop3A_331 = arith.mulf %parallel_loop3A_143, %parallel_loop3A_330 : vector<16xf32>
          %parallel_loop3A_332 = arith.addf %parallel_loop3A_326, %parallel_loop3A_331 : vector<16xf32>
          %parallel_loop3A_333 = arith.index_cast %parallel_loop3A_138 : i32 to index
          %parallel_loop3A_334 = arith.constant 240 : index
          %parallel_loop3A_335 = tpu.vector_load %arg19[%parallel_loop3A_333, %parallel_loop3A_334] {strides = array<i32>} : memref<16x832xf32, #tpu.memory_space<vmem>>, vector<16xf32>,
          tpu.vector_store %arg19[%parallel_loop3A_333, %parallel_loop3A_334], %parallel_loop3A_332 {strides = array<i32>} : memref<16x832xf32, #tpu.memory_space<vmem>>, vector<16xf32>,
          %parallel_loop3A_336 = tpu.vector_load_idx %arg16[%parallel_loop3A_142] : memref<512xf32, #tpu.memory_space<vmem>>[vector<16xi32>], vector<16xf32>,
          %parallel_loop3A_337 = tpu.vector_load_idx %arg15[%parallel_loop3A_142] : memref<512xi32, #tpu.memory_space<vmem>>[vector<16xi32>], vector<16xi32>,
          %parallel_loop3A_338 = arith.constant 0 : i32
          %parallel_loop3A_339 = vector.broadcast %parallel_loop3A_338 : i32 to vector<16xi32>
          %parallel_loop3A_340 = arith.addi %iota3A, %parallel_loop3A_339 : vector<16xi32>
          %parallel_loop3A_341 = tpu.vector_load_idx %arg17[%parallel_loop3A_337, %parallel_loop3A_340] : memref<512x64xf32, #tpu.memory_space<vmem>>[vector<16xi32>, vector<16xi32>], vector<16xf32>,
          %parallel_loop3A_342 = arith.constant 1 : i32
          %parallel_loop3A_343 = vector.broadcast %parallel_loop3A_342 : i32 to vector<16xi32>
          %parallel_loop3A_344 = arith.addi %parallel_loop3A_337, %parallel_loop3A_343 : vector<16xi32>
          %parallel_loop3A_345 = tpu.vector_load_idx %arg17[%parallel_loop3A_344, %parallel_loop3A_340] : memref<512x64xf32, #tpu.memory_space<vmem>>[vector<16xi32>, vector<16xi32>], vector<16xf32>,
          %parallel_loop3A_346 = arith.subf %parallel_loop3A_345, %parallel_loop3A_341 : vector<16xf32>
          %parallel_loop3A_347 = arith.mulf %parallel_loop3A_336, %parallel_loop3A_346 : vector<16xf32>
          %parallel_loop3A_348 = arith.addf %parallel_loop3A_341, %parallel_loop3A_347 : vector<16xf32>
          %parallel_loop3A_349 = arith.index_cast %parallel_loop3A_138 : i32 to index
          %parallel_loop3A_350 = arith.constant 256 : index
          %parallel_loop3A_351 = tpu.vector_load %arg19[%parallel_loop3A_349, %parallel_loop3A_350] {strides = array<i32>} : memref<16x832xf32, #tpu.memory_space<vmem>>, vector<16xf32>,
          tpu.vector_store %arg19[%parallel_loop3A_349, %parallel_loop3A_350], %parallel_loop3A_348 {strides = array<i32>} : memref<16x832xf32, #tpu.memory_space<vmem>>, vector<16xf32>,
          %parallel_loop3A_352 = arith.constant 16 : i32
          %parallel_loop3A_353 = vector.broadcast %parallel_loop3A_352 : i32 to vector<16xi32>
          %parallel_loop3A_354 = arith.addi %iota3A, %parallel_loop3A_353 : vector<16xi32>
          %parallel_loop3A_355 = tpu.vector_load_idx %arg17[%parallel_loop3A_337, %parallel_loop3A_354] : memref<512x64xf32, #tpu.memory_space<vmem>>[vector<16xi32>, vector<16xi32>], vector<16xf32>,
          %parallel_loop3A_356 = arith.constant 1 : i32
          %parallel_loop3A_357 = vector.broadcast %parallel_loop3A_356 : i32 to vector<16xi32>
          %parallel_loop3A_358 = arith.addi %parallel_loop3A_337, %parallel_loop3A_357 : vector<16xi32>
          %parallel_loop3A_359 = tpu.vector_load_idx %arg17[%parallel_loop3A_358, %parallel_loop3A_354] : memref<512x64xf32, #tpu.memory_space<vmem>>[vector<16xi32>, vector<16xi32>], vector<16xf32>,
          %parallel_loop3A_360 = arith.subf %parallel_loop3A_359, %parallel_loop3A_355 : vector<16xf32>
          %parallel_loop3A_361 = arith.mulf %parallel_loop3A_336, %parallel_loop3A_360 : vector<16xf32>
          %parallel_loop3A_362 = arith.addf %parallel_loop3A_355, %parallel_loop3A_361 : vector<16xf32>
          %parallel_loop3A_363 = arith.index_cast %parallel_loop3A_138 : i32 to index
          %parallel_loop3A_364 = arith.constant 272 : index
          %parallel_loop3A_365 = tpu.vector_load %arg19[%parallel_loop3A_363, %parallel_loop3A_364] {strides = array<i32>} : memref<16x832xf32, #tpu.memory_space<vmem>>, vector<16xf32>,
          tpu.vector_store %arg19[%parallel_loop3A_363, %parallel_loop3A_364], %parallel_loop3A_362 {strides = array<i32>} : memref<16x832xf32, #tpu.memory_space<vmem>>, vector<16xf32>,
          %parallel_loop3A_366 = arith.constant 32 : i32
          %parallel_loop3A_367 = vector.broadcast %parallel_loop3A_366 : i32 to vector<16xi32>
          %parallel_loop3A_368 = arith.addi %iota3A, %parallel_loop3A_367 : vector<16xi32>
          %parallel_loop3A_369 = tpu.vector_load_idx %arg17[%parallel_loop3A_337, %parallel_loop3A_368] : memref<512x64xf32, #tpu.memory_space<vmem>>[vector<16xi32>, vector<16xi32>], vector<16xf32>,
          %parallel_loop3A_370 = arith.constant 1 : i32
          %parallel_loop3A_371 = vector.broadcast %parallel_loop3A_370 : i32 to vector<16xi32>
          %parallel_loop3A_372 = arith.addi %parallel_loop3A_337, %parallel_loop3A_371 : vector<16xi32>
          %parallel_loop3A_373 = tpu.vector_load_idx %arg17[%parallel_loop3A_372, %parallel_loop3A_368] : memref<512x64xf32, #tpu.memory_space<vmem>>[vector<16xi32>, vector<16xi32>], vector<16xf32>,
          %parallel_loop3A_374 = arith.subf %parallel_loop3A_373, %parallel_loop3A_369 : vector<16xf32>
          %parallel_loop3A_375 = arith.mulf %parallel_loop3A_336, %parallel_loop3A_374 : vector<16xf32>
          %parallel_loop3A_376 = arith.addf %parallel_loop3A_369, %parallel_loop3A_375 : vector<16xf32>
          %parallel_loop3A_377 = arith.index_cast %parallel_loop3A_138 : i32 to index
          %parallel_loop3A_378 = arith.constant 288 : index
          %parallel_loop3A_379 = tpu.vector_load %arg19[%parallel_loop3A_377, %parallel_loop3A_378] {strides = array<i32>} : memref<16x832xf32, #tpu.memory_space<vmem>>, vector<16xf32>,
          tpu.vector_store %arg19[%parallel_loop3A_377, %parallel_loop3A_378], %parallel_loop3A_376 {strides = array<i32>} : memref<16x832xf32, #tpu.memory_space<vmem>>, vector<16xf32>,
          %parallel_loop3A_380 = arith.constant 48 : i32
          %parallel_loop3A_381 = vector.broadcast %parallel_loop3A_380 : i32 to vector<16xi32>
          %parallel_loop3A_382 = arith.addi %iota3A, %parallel_loop3A_381 : vector<16xi32>
          %parallel_loop3A_383 = tpu.vector_load_idx %arg17[%parallel_loop3A_337, %parallel_loop3A_382] : memref<512x64xf32, #tpu.memory_space<vmem>>[vector<16xi32>, vector<16xi32>], vector<16xf32>,
          %parallel_loop3A_384 = arith.constant 1 : i32
          %parallel_loop3A_385 = vector.broadcast %parallel_loop3A_384 : i32 to vector<16xi32>
          %parallel_loop3A_386 = arith.addi %parallel_loop3A_337, %parallel_loop3A_385 : vector<16xi32>
          %parallel_loop3A_387 = tpu.vector_load_idx %arg17[%parallel_loop3A_386, %parallel_loop3A_382] : memref<512x64xf32, #tpu.memory_space<vmem>>[vector<16xi32>, vector<16xi32>], vector<16xf32>,
          %parallel_loop3A_388 = arith.subf %parallel_loop3A_387, %parallel_loop3A_383 : vector<16xf32>
          %parallel_loop3A_389 = arith.mulf %parallel_loop3A_336, %parallel_loop3A_388 : vector<16xf32>
          %parallel_loop3A_390 = arith.addf %parallel_loop3A_383, %parallel_loop3A_389 : vector<16xf32>
          %parallel_loop3A_391 = arith.index_cast %parallel_loop3A_138 : i32 to index
          %parallel_loop3A_392 = arith.constant 304 : index
          %parallel_loop3A_393 = tpu.vector_load %arg19[%parallel_loop3A_391, %parallel_loop3A_392] {strides = array<i32>} : memref<16x832xf32, #tpu.memory_space<vmem>>, vector<16xf32>,
          tpu.vector_store %arg19[%parallel_loop3A_391, %parallel_loop3A_392], %parallel_loop3A_390 {strides = array<i32>} : memref<16x832xf32, #tpu.memory_space<vmem>>, vector<16xf32>,
        } {sc.loop_unroll_factor = 2 : i64, sc.parallel_access}
        %mul3A_91 = arith.constant 16 : i32
        %mul3A_92 = arith.muli %mul3A_68, %mul3A_91 : i32
        %dma_start3A_93 = arith.constant 0 : i32
        %dma_start3A_94 = tpu.memref_slice %arg8[%add3A_9, %mul3A_92, %dma_start3A_93] : memref<128x512x832xf32, #tpu.memory_space<hbm>> -> memref<1x16x832xf32, #tpu.memory_space<hbm>>
        %dma_start3A_95 = tpu.memref_squeeze %dma_start3A_94 : memref<1x16x832xf32, #tpu.memory_space<hbm>> -> memref<16x832xf32, #tpu.memory_space<hbm>>
        %dma_start3A_96 = arith.constant 0 : i32
        %dma_start3A_97 = tpu.memref_slice %arg8[%add3A_9, %mul3A_92, %dma_start3A_96] : memref<128x512x832xf32, #tpu.memory_space<hbm>> -> memref<1x16x832xf32, #tpu.memory_space<hbm>>
        %dma_start3A_98 = tpu.memref_squeeze %dma_start3A_97 : memref<1x16x832xf32, #tpu.memory_space<hbm>> -> memref<16x832xf32, #tpu.memory_space<hbm>>
        tpu.enqueue_dma source(%arg19 : memref<16x832xf32, #tpu.memory_space<vmem>>) target(%dma_start3A_98 : memref<16x832xf32, #tpu.memory_space<hbm>>) target_semaphore(%arg26 : memref<!tpu.dma_semaphore, #tpu.memory_space<semaphore_mem>>)
        %mul3A_99 = arith.constant 2 : i32
        %mul3A_100 = arith.muli %mul3A_99, %scan3A_66 : i32
        %add3A_101 = arith.constant 1 : i32
        %add3A_102 = arith.addi %mul3A_100, %add3A_101 : i32
        %add3A_103 = arith.constant 1 : i32
        %add3A_104 = arith.addi %add3A_102, %add3A_103 : i32
        %lt3A_105 = arith.constant 32 : i32
        %lt3A_106 = arith.cmpi slt, %add3A_104, %lt3A_105 : i32
        %convert_element_type3A_107 = arith.extui %lt3A_106 : i1 to i32
        %cond3A_108 = arith.constant 0 : i32
        %cond3A_109 = arith.cmpi ne, %convert_element_type3A_107, %cond3A_108 : i32
        scf.if %cond3A_109 {
          %add3A_138 = arith.constant 1 : i32
          %add3A_139 = arith.addi %add3A_102, %add3A_138 : i32
          %mul3A_140 = arith.constant 16 : i32
          %mul3A_141 = arith.muli %add3A_139, %mul3A_140 : i32
          %dma_start3A_142 = tpu.memref_slice %arg12[%mul3A_141] : memref<512xi32, #tpu.memory_space<vmem>> -> memref<16xi32, #tpu.memory_space<vmem>>
          %dma_start3A_143 = arith.constant 0 : i32
          %dma_start3A_144 = arith.constant 0 : i32
          %dma_start3A_145 = tpu.memref_slice %arg2[%dma_start3A_143, %dma_start3A_144] : memref<16384x256xf32, #tpu.memory_space<hbm>> -> memref<16384x256xf32, #tpu.memory_space<hbm>>
          tpu.enqueue_indirect_dma source(%dma_start3A_145 : memref<16384x256xf32, #tpu.memory_space<hbm>>) target(%arg21 : memref<16x256xf32, #tpu.memory_space<vmem>>) offsets(%dma_start3A_142 : memref<16xi32, #tpu.memory_space<vmem>>) semaphore(%arg25 : memref<!tpu.dma_semaphore, #tpu.memory_space<semaphore_mem>>)
          %mul3A_146 = arith.constant 16 : i32
          %mul3A_147 = arith.muli %add3A_139, %mul3A_146 : i32
          %dma_start3A_148 = tpu.memref_slice %arg13[%mul3A_147] : memref<512xi32, #tpu.memory_space<vmem>> -> memref<16xi32, #tpu.memory_space<vmem>>
          %dma_start3A_149 = arith.constant 0 : i32
          %dma_start3A_150 = arith.constant 0 : i32
          %dma_start3A_151 = tpu.memref_slice %arg2[%dma_start3A_149, %dma_start3A_150] : memref<16384x256xf32, #tpu.memory_space<hbm>> -> memref<16384x256xf32, #tpu.memory_space<hbm>>
          tpu.enqueue_indirect_dma source(%dma_start3A_151 : memref<16384x256xf32, #tpu.memory_space<hbm>>) target(%arg23 : memref<16x256xf32, #tpu.memory_space<vmem>>) offsets(%dma_start3A_148 : memref<16xi32, #tpu.memory_space<vmem>>) semaphore(%arg25 : memref<!tpu.dma_semaphore, #tpu.memory_space<semaphore_mem>>)
        } else {
        }
        %dma_wait3A_110 = arith.constant 0 : i32
        %dma_wait3A_111 = arith.constant 0 : i32
        %dma_wait3A_112 = tpu.memref_slice %arg2[%dma_wait3A_110, %dma_wait3A_111] : memref<16384x256xf32, #tpu.memory_space<hbm>> -> memref<16x256xf32, #tpu.memory_space<hbm>>
        %dma_wait3A_113 = arith.constant 0 : i32
        %dma_wait3A_114 = arith.constant 0 : i32
        %dma_wait3A_115 = tpu.memref_slice %arg2[%dma_wait3A_113, %dma_wait3A_114] : memref<16384x256xf32, #tpu.memory_space<hbm>> -> memref<16x256xf32, #tpu.memory_space<hbm>>
        tpu.wait_dma2 semaphore(%arg25 : memref<!tpu.dma_semaphore, #tpu.memory_space<semaphore_mem>>) src(%dma_wait3A_115 : memref<16x256xf32, #tpu.memory_space<hbm>>) dst(%arg22 : memref<16x256xf32, #tpu.memory_space<vmem>>)
        %dma_wait3A_116 = arith.constant 0 : i32
        %dma_wait3A_117 = arith.constant 0 : i32
        %dma_wait3A_118 = tpu.memref_slice %arg2[%dma_wait3A_116, %dma_wait3A_117] : memref<16384x256xf32, #tpu.memory_space<hbm>> -> memref<16x256xf32, #tpu.memory_space<hbm>>
        %dma_wait3A_119 = arith.constant 0 : i32
        %dma_wait3A_120 = arith.constant 0 : i32
        %dma_wait3A_121 = tpu.memref_slice %arg2[%dma_wait3A_119, %dma_wait3A_120] : memref<16384x256xf32, #tpu.memory_space<hbm>> -> memref<16x256xf32, #tpu.memory_space<hbm>>
        tpu.wait_dma2 semaphore(%arg25 : memref<!tpu.dma_semaphore, #tpu.memory_space<semaphore_mem>>) src(%dma_wait3A_121 : memref<16x256xf32, #tpu.memory_space<hbm>>) dst(%arg24 : memref<16x256xf32, #tpu.memory_space<vmem>>)
        %ge3A_122 = arith.constant 2 : i32
        %ge3A_123 = arith.cmpi sge, %add3A_102, %ge3A_122 : i32
        %convert_element_type3A_124 = arith.extui %ge3A_123 : i1 to i32
        %cond3A_125 = arith.constant 0 : i32
        %cond3A_126 = arith.cmpi ne, %convert_element_type3A_124, %cond3A_125 : i32
        scf.if %cond3A_126 {
          %dma_wait3A_138 = arith.constant 0 : i32
          %dma_wait3A_139 = arith.constant 0 : i32
          %dma_wait3A_140 = tpu.memref_slice %arg8[%add3A_9, %dma_wait3A_138, %dma_wait3A_139] : memref<128x512x832xf32, #tpu.memory_space<hbm>> -> memref<1x16x832xf32, #tpu.memory_space<hbm>>
          %dma_wait3A_141 = tpu.memref_squeeze %dma_wait3A_140 : memref<1x16x832xf32, #tpu.memory_space<hbm>> -> memref<16x832xf32, #tpu.memory_space<hbm>>
          %dma_wait3A_142 = arith.constant 0 : i32
          %dma_wait3A_143 = arith.constant 0 : i32
          %dma_wait3A_144 = tpu.memref_slice %arg8[%add3A_9, %dma_wait3A_142, %dma_wait3A_143] : memref<128x512x832xf32, #tpu.memory_space<hbm>> -> memref<1x16x832xf32, #tpu.memory_space<hbm>>
          %dma_wait3A_145 = tpu.memref_squeeze %dma_wait3A_144 : memref<1x16x832xf32, #tpu.memory_space<hbm>> -> memref<16x832xf32, #tpu.memory_space<hbm>>
          tpu.wait_dma2 semaphore(%arg26 : memref<!tpu.dma_semaphore, #tpu.memory_space<semaphore_mem>>) src(%arg20 : memref<16x832xf32, #tpu.memory_space<vmem>>) dst(%dma_wait3A_145 : memref<16x832xf32, #tpu.memory_space<hbm>>)
        } else {
        }
        %parallel_loop3A_127 = arith.constant 0 : i32
        %parallel_loop3A_128 = arith.constant 16 : i32
        %parallel_loop3A_129 = arith.constant 1 : i32
        scf.for %parallel_loop3A_138 = %parallel_loop3A_127 to %parallel_loop3A_128 step %parallel_loop3A_129  : i32 {
          %parallel_loop3A_139 = arith.constant 16 : i32
          %parallel_loop3A_140 = arith.muli %add3A_102, %parallel_loop3A_139 : i32
          %parallel_loop3A_141 = arith.addi %parallel_loop3A_140, %parallel_loop3A_138 : i32
          %parallel_loop3A_142 = vector.broadcast %parallel_loop3A_141 : i32 to vector<16xi32>
          %parallel_loop3A_143 = tpu.vector_load_idx %arg14[%parallel_loop3A_142] : memref<512xf32, #tpu.memory_space<vmem>>[vector<16xi32>], vector<16xf32>,
          %parallel_loop3A_144 = arith.index_cast %parallel_loop3A_138 : i32 to index
          %parallel_loop3A_145 = arith.constant 0 : index
          %parallel_loop3A_146 = tpu.vector_load %arg22[%parallel_loop3A_144, %parallel_loop3A_145] {strides = array<i32>} : memref<16x256xf32, #tpu.memory_space<vmem>>, vector<16xf32>,
          %parallel_loop3A_147 = arith.index_cast %parallel_loop3A_138 : i32 to index
          %parallel_loop3A_148 = arith.constant 0 : index
          %parallel_loop3A_149 = tpu.vector_load %arg24[%parallel_loop3A_147, %parallel_loop3A_148] {strides = array<i32>} : memref<16x256xf32, #tpu.memory_space<vmem>>, vector<16xf32>,
          %parallel_loop3A_150 = arith.subf %parallel_loop3A_149, %parallel_loop3A_146 : vector<16xf32>
          %parallel_loop3A_151 = arith.mulf %parallel_loop3A_143, %parallel_loop3A_150 : vector<16xf32>
          %parallel_loop3A_152 = arith.addf %parallel_loop3A_146, %parallel_loop3A_151 : vector<16xf32>
          %parallel_loop3A_153 = arith.index_cast %parallel_loop3A_138 : i32 to index
          %parallel_loop3A_154 = arith.constant 0 : index
          %parallel_loop3A_155 = tpu.vector_load %arg20[%parallel_loop3A_153, %parallel_loop3A_154] {strides = array<i32>} : memref<16x832xf32, #tpu.memory_space<vmem>>, vector<16xf32>,
          tpu.vector_store %arg20[%parallel_loop3A_153, %parallel_loop3A_154], %parallel_loop3A_152 {strides = array<i32>} : memref<16x832xf32, #tpu.memory_space<vmem>>, vector<16xf32>,
          %parallel_loop3A_156 = arith.index_cast %parallel_loop3A_138 : i32 to index
          %parallel_loop3A_157 = arith.constant 16 : index
          %parallel_loop3A_158 = tpu.vector_load %arg22[%parallel_loop3A_156, %parallel_loop3A_157] {strides = array<i32>} : memref<16x256xf32, #tpu.memory_space<vmem>>, vector<16xf32>,
          %parallel_loop3A_159 = arith.index_cast %parallel_loop3A_138 : i32 to index
          %parallel_loop3A_160 = arith.constant 16 : index
          %parallel_loop3A_161 = tpu.vector_load %arg24[%parallel_loop3A_159, %parallel_loop3A_160] {strides = array<i32>} : memref<16x256xf32, #tpu.memory_space<vmem>>, vector<16xf32>,
          %parallel_loop3A_162 = arith.subf %parallel_loop3A_161, %parallel_loop3A_158 : vector<16xf32>
          %parallel_loop3A_163 = arith.mulf %parallel_loop3A_143, %parallel_loop3A_162 : vector<16xf32>
          %parallel_loop3A_164 = arith.addf %parallel_loop3A_158, %parallel_loop3A_163 : vector<16xf32>
          %parallel_loop3A_165 = arith.index_cast %parallel_loop3A_138 : i32 to index
          %parallel_loop3A_166 = arith.constant 16 : index
          %parallel_loop3A_167 = tpu.vector_load %arg20[%parallel_loop3A_165, %parallel_loop3A_166] {strides = array<i32>} : memref<16x832xf32, #tpu.memory_space<vmem>>, vector<16xf32>,
          tpu.vector_store %arg20[%parallel_loop3A_165, %parallel_loop3A_166], %parallel_loop3A_164 {strides = array<i32>} : memref<16x832xf32, #tpu.memory_space<vmem>>, vector<16xf32>,
          %parallel_loop3A_168 = arith.index_cast %parallel_loop3A_138 : i32 to index
          %parallel_loop3A_169 = arith.constant 32 : index
          %parallel_loop3A_170 = tpu.vector_load %arg22[%parallel_loop3A_168, %parallel_loop3A_169] {strides = array<i32>} : memref<16x256xf32, #tpu.memory_space<vmem>>, vector<16xf32>,
          %parallel_loop3A_171 = arith.index_cast %parallel_loop3A_138 : i32 to index
          %parallel_loop3A_172 = arith.constant 32 : index
          %parallel_loop3A_173 = tpu.vector_load %arg24[%parallel_loop3A_171, %parallel_loop3A_172] {strides = array<i32>} : memref<16x256xf32, #tpu.memory_space<vmem>>, vector<16xf32>,
          %parallel_loop3A_174 = arith.subf %parallel_loop3A_173, %parallel_loop3A_170 : vector<16xf32>
          %parallel_loop3A_175 = arith.mulf %parallel_loop3A_143, %parallel_loop3A_174 : vector<16xf32>
          %parallel_loop3A_176 = arith.addf %parallel_loop3A_170, %parallel_loop3A_175 : vector<16xf32>
          %parallel_loop3A_177 = arith.index_cast %parallel_loop3A_138 : i32 to index
          %parallel_loop3A_178 = arith.constant 32 : index
          %parallel_loop3A_179 = tpu.vector_load %arg20[%parallel_loop3A_177, %parallel_loop3A_178] {strides = array<i32>} : memref<16x832xf32, #tpu.memory_space<vmem>>, vector<16xf32>,
          tpu.vector_store %arg20[%parallel_loop3A_177, %parallel_loop3A_178], %parallel_loop3A_176 {strides = array<i32>} : memref<16x832xf32, #tpu.memory_space<vmem>>, vector<16xf32>,
          %parallel_loop3A_180 = arith.index_cast %parallel_loop3A_138 : i32 to index
          %parallel_loop3A_181 = arith.constant 48 : index
          %parallel_loop3A_182 = tpu.vector_load %arg22[%parallel_loop3A_180, %parallel_loop3A_181] {strides = array<i32>} : memref<16x256xf32, #tpu.memory_space<vmem>>, vector<16xf32>,
          %parallel_loop3A_183 = arith.index_cast %parallel_loop3A_138 : i32 to index
          %parallel_loop3A_184 = arith.constant 48 : index
          %parallel_loop3A_185 = tpu.vector_load %arg24[%parallel_loop3A_183, %parallel_loop3A_184] {strides = array<i32>} : memref<16x256xf32, #tpu.memory_space<vmem>>, vector<16xf32>,
          %parallel_loop3A_186 = arith.subf %parallel_loop3A_185, %parallel_loop3A_182 : vector<16xf32>
          %parallel_loop3A_187 = arith.mulf %parallel_loop3A_143, %parallel_loop3A_186 : vector<16xf32>
          %parallel_loop3A_188 = arith.addf %parallel_loop3A_182, %parallel_loop3A_187 : vector<16xf32>
          %parallel_loop3A_189 = arith.index_cast %parallel_loop3A_138 : i32 to index
          %parallel_loop3A_190 = arith.constant 48 : index
          %parallel_loop3A_191 = tpu.vector_load %arg20[%parallel_loop3A_189, %parallel_loop3A_190] {strides = array<i32>} : memref<16x832xf32, #tpu.memory_space<vmem>>, vector<16xf32>,
          tpu.vector_store %arg20[%parallel_loop3A_189, %parallel_loop3A_190], %parallel_loop3A_188 {strides = array<i32>} : memref<16x832xf32, #tpu.memory_space<vmem>>, vector<16xf32>,
          %parallel_loop3A_192 = arith.index_cast %parallel_loop3A_138 : i32 to index
          %parallel_loop3A_193 = arith.constant 64 : index
          %parallel_loop3A_194 = tpu.vector_load %arg22[%parallel_loop3A_192, %parallel_loop3A_193] {strides = array<i32>} : memref<16x256xf32, #tpu.memory_space<vmem>>, vector<16xf32>,
          %parallel_loop3A_195 = arith.index_cast %parallel_loop3A_138 : i32 to index
          %parallel_loop3A_196 = arith.constant 64 : index
          %parallel_loop3A_197 = tpu.vector_load %arg24[%parallel_loop3A_195, %parallel_loop3A_196] {strides = array<i32>} : memref<16x256xf32, #tpu.memory_space<vmem>>, vector<16xf32>,
          %parallel_loop3A_198 = arith.subf %parallel_loop3A_197, %parallel_loop3A_194 : vector<16xf32>
          %parallel_loop3A_199 = arith.mulf %parallel_loop3A_143, %parallel_loop3A_198 : vector<16xf32>
          %parallel_loop3A_200 = arith.addf %parallel_loop3A_194, %parallel_loop3A_199 : vector<16xf32>
          %parallel_loop3A_201 = arith.index_cast %parallel_loop3A_138 : i32 to index
          %parallel_loop3A_202 = arith.constant 64 : index
          %parallel_loop3A_203 = tpu.vector_load %arg20[%parallel_loop3A_201, %parallel_loop3A_202] {strides = array<i32>} : memref<16x832xf32, #tpu.memory_space<vmem>>, vector<16xf32>,
          tpu.vector_store %arg20[%parallel_loop3A_201, %parallel_loop3A_202], %parallel_loop3A_200 {strides = array<i32>} : memref<16x832xf32, #tpu.memory_space<vmem>>, vector<16xf32>,
          %parallel_loop3A_204 = arith.index_cast %parallel_loop3A_138 : i32 to index
          %parallel_loop3A_205 = arith.constant 80 : index
          %parallel_loop3A_206 = tpu.vector_load %arg22[%parallel_loop3A_204, %parallel_loop3A_205] {strides = array<i32>} : memref<16x256xf32, #tpu.memory_space<vmem>>, vector<16xf32>,
          %parallel_loop3A_207 = arith.index_cast %parallel_loop3A_138 : i32 to index
          %parallel_loop3A_208 = arith.constant 80 : index
          %parallel_loop3A_209 = tpu.vector_load %arg24[%parallel_loop3A_207, %parallel_loop3A_208] {strides = array<i32>} : memref<16x256xf32, #tpu.memory_space<vmem>>, vector<16xf32>,
          %parallel_loop3A_210 = arith.subf %parallel_loop3A_209, %parallel_loop3A_206 : vector<16xf32>
          %parallel_loop3A_211 = arith.mulf %parallel_loop3A_143, %parallel_loop3A_210 : vector<16xf32>
          %parallel_loop3A_212 = arith.addf %parallel_loop3A_206, %parallel_loop3A_211 : vector<16xf32>
          %parallel_loop3A_213 = arith.index_cast %parallel_loop3A_138 : i32 to index
          %parallel_loop3A_214 = arith.constant 80 : index
          %parallel_loop3A_215 = tpu.vector_load %arg20[%parallel_loop3A_213, %parallel_loop3A_214] {strides = array<i32>} : memref<16x832xf32, #tpu.memory_space<vmem>>, vector<16xf32>,
          tpu.vector_store %arg20[%parallel_loop3A_213, %parallel_loop3A_214], %parallel_loop3A_212 {strides = array<i32>} : memref<16x832xf32, #tpu.memory_space<vmem>>, vector<16xf32>,
          %parallel_loop3A_216 = arith.index_cast %parallel_loop3A_138 : i32 to index
          %parallel_loop3A_217 = arith.constant 96 : index
          %parallel_loop3A_218 = tpu.vector_load %arg22[%parallel_loop3A_216, %parallel_loop3A_217] {strides = array<i32>} : memref<16x256xf32, #tpu.memory_space<vmem>>, vector<16xf32>,
          %parallel_loop3A_219 = arith.index_cast %parallel_loop3A_138 : i32 to index
          %parallel_loop3A_220 = arith.constant 96 : index
          %parallel_loop3A_221 = tpu.vector_load %arg24[%parallel_loop3A_219, %parallel_loop3A_220] {strides = array<i32>} : memref<16x256xf32, #tpu.memory_space<vmem>>, vector<16xf32>,
          %parallel_loop3A_222 = arith.subf %parallel_loop3A_221, %parallel_loop3A_218 : vector<16xf32>
          %parallel_loop3A_223 = arith.mulf %parallel_loop3A_143, %parallel_loop3A_222 : vector<16xf32>
          %parallel_loop3A_224 = arith.addf %parallel_loop3A_218, %parallel_loop3A_223 : vector<16xf32>
          %parallel_loop3A_225 = arith.index_cast %parallel_loop3A_138 : i32 to index
          %parallel_loop3A_226 = arith.constant 96 : index
          %parallel_loop3A_227 = tpu.vector_load %arg20[%parallel_loop3A_225, %parallel_loop3A_226] {strides = array<i32>} : memref<16x832xf32, #tpu.memory_space<vmem>>, vector<16xf32>,
          tpu.vector_store %arg20[%parallel_loop3A_225, %parallel_loop3A_226], %parallel_loop3A_224 {strides = array<i32>} : memref<16x832xf32, #tpu.memory_space<vmem>>, vector<16xf32>,
          %parallel_loop3A_228 = arith.index_cast %parallel_loop3A_138 : i32 to index
          %parallel_loop3A_229 = arith.constant 112 : index
          %parallel_loop3A_230 = tpu.vector_load %arg22[%parallel_loop3A_228, %parallel_loop3A_229] {strides = array<i32>} : memref<16x256xf32, #tpu.memory_space<vmem>>, vector<16xf32>,
          %parallel_loop3A_231 = arith.index_cast %parallel_loop3A_138 : i32 to index
          %parallel_loop3A_232 = arith.constant 112 : index
          %parallel_loop3A_233 = tpu.vector_load %arg24[%parallel_loop3A_231, %parallel_loop3A_232] {strides = array<i32>} : memref<16x256xf32, #tpu.memory_space<vmem>>, vector<16xf32>,
          %parallel_loop3A_234 = arith.subf %parallel_loop3A_233, %parallel_loop3A_230 : vector<16xf32>
          %parallel_loop3A_235 = arith.mulf %parallel_loop3A_143, %parallel_loop3A_234 : vector<16xf32>
          %parallel_loop3A_236 = arith.addf %parallel_loop3A_230, %parallel_loop3A_235 : vector<16xf32>
          %parallel_loop3A_237 = arith.index_cast %parallel_loop3A_138 : i32 to index
          %parallel_loop3A_238 = arith.constant 112 : index
          %parallel_loop3A_239 = tpu.vector_load %arg20[%parallel_loop3A_237, %parallel_loop3A_238] {strides = array<i32>} : memref<16x832xf32, #tpu.memory_space<vmem>>, vector<16xf32>,
          tpu.vector_store %arg20[%parallel_loop3A_237, %parallel_loop3A_238], %parallel_loop3A_236 {strides = array<i32>} : memref<16x832xf32, #tpu.memory_space<vmem>>, vector<16xf32>,
          %parallel_loop3A_240 = arith.index_cast %parallel_loop3A_138 : i32 to index
          %parallel_loop3A_241 = arith.constant 128 : index
          %parallel_loop3A_242 = tpu.vector_load %arg22[%parallel_loop3A_240, %parallel_loop3A_241] {strides = array<i32>} : memref<16x256xf32, #tpu.memory_space<vmem>>, vector<16xf32>,
          %parallel_loop3A_243 = arith.index_cast %parallel_loop3A_138 : i32 to index
          %parallel_loop3A_244 = arith.constant 128 : index
          %parallel_loop3A_245 = tpu.vector_load %arg24[%parallel_loop3A_243, %parallel_loop3A_244] {strides = array<i32>} : memref<16x256xf32, #tpu.memory_space<vmem>>, vector<16xf32>,
          %parallel_loop3A_246 = arith.subf %parallel_loop3A_245, %parallel_loop3A_242 : vector<16xf32>
          %parallel_loop3A_247 = arith.mulf %parallel_loop3A_143, %parallel_loop3A_246 : vector<16xf32>
          %parallel_loop3A_248 = arith.addf %parallel_loop3A_242, %parallel_loop3A_247 : vector<16xf32>
          %parallel_loop3A_249 = arith.index_cast %parallel_loop3A_138 : i32 to index
          %parallel_loop3A_250 = arith.constant 128 : index
          %parallel_loop3A_251 = tpu.vector_load %arg20[%parallel_loop3A_249, %parallel_loop3A_250] {strides = array<i32>} : memref<16x832xf32, #tpu.memory_space<vmem>>, vector<16xf32>,
          tpu.vector_store %arg20[%parallel_loop3A_249, %parallel_loop3A_250], %parallel_loop3A_248 {strides = array<i32>} : memref<16x832xf32, #tpu.memory_space<vmem>>, vector<16xf32>,
          %parallel_loop3A_252 = arith.index_cast %parallel_loop3A_138 : i32 to index
          %parallel_loop3A_253 = arith.constant 144 : index
          %parallel_loop3A_254 = tpu.vector_load %arg22[%parallel_loop3A_252, %parallel_loop3A_253] {strides = array<i32>} : memref<16x256xf32, #tpu.memory_space<vmem>>, vector<16xf32>,
          %parallel_loop3A_255 = arith.index_cast %parallel_loop3A_138 : i32 to index
          %parallel_loop3A_256 = arith.constant 144 : index
          %parallel_loop3A_257 = tpu.vector_load %arg24[%parallel_loop3A_255, %parallel_loop3A_256] {strides = array<i32>} : memref<16x256xf32, #tpu.memory_space<vmem>>, vector<16xf32>,
          %parallel_loop3A_258 = arith.subf %parallel_loop3A_257, %parallel_loop3A_254 : vector<16xf32>
          %parallel_loop3A_259 = arith.mulf %parallel_loop3A_143, %parallel_loop3A_258 : vector<16xf32>
          %parallel_loop3A_260 = arith.addf %parallel_loop3A_254, %parallel_loop3A_259 : vector<16xf32>
          %parallel_loop3A_261 = arith.index_cast %parallel_loop3A_138 : i32 to index
          %parallel_loop3A_262 = arith.constant 144 : index
          %parallel_loop3A_263 = tpu.vector_load %arg20[%parallel_loop3A_261, %parallel_loop3A_262] {strides = array<i32>} : memref<16x832xf32, #tpu.memory_space<vmem>>, vector<16xf32>,
          tpu.vector_store %arg20[%parallel_loop3A_261, %parallel_loop3A_262], %parallel_loop3A_260 {strides = array<i32>} : memref<16x832xf32, #tpu.memory_space<vmem>>, vector<16xf32>,
          %parallel_loop3A_264 = arith.index_cast %parallel_loop3A_138 : i32 to index
          %parallel_loop3A_265 = arith.constant 160 : index
          %parallel_loop3A_266 = tpu.vector_load %arg22[%parallel_loop3A_264, %parallel_loop3A_265] {strides = array<i32>} : memref<16x256xf32, #tpu.memory_space<vmem>>, vector<16xf32>,
          %parallel_loop3A_267 = arith.index_cast %parallel_loop3A_138 : i32 to index
          %parallel_loop3A_268 = arith.constant 160 : index
          %parallel_loop3A_269 = tpu.vector_load %arg24[%parallel_loop3A_267, %parallel_loop3A_268] {strides = array<i32>} : memref<16x256xf32, #tpu.memory_space<vmem>>, vector<16xf32>,
          %parallel_loop3A_270 = arith.subf %parallel_loop3A_269, %parallel_loop3A_266 : vector<16xf32>
          %parallel_loop3A_271 = arith.mulf %parallel_loop3A_143, %parallel_loop3A_270 : vector<16xf32>
          %parallel_loop3A_272 = arith.addf %parallel_loop3A_266, %parallel_loop3A_271 : vector<16xf32>
          %parallel_loop3A_273 = arith.index_cast %parallel_loop3A_138 : i32 to index
          %parallel_loop3A_274 = arith.constant 160 : index
          %parallel_loop3A_275 = tpu.vector_load %arg20[%parallel_loop3A_273, %parallel_loop3A_274] {strides = array<i32>} : memref<16x832xf32, #tpu.memory_space<vmem>>, vector<16xf32>,
          tpu.vector_store %arg20[%parallel_loop3A_273, %parallel_loop3A_274], %parallel_loop3A_272 {strides = array<i32>} : memref<16x832xf32, #tpu.memory_space<vmem>>, vector<16xf32>,
          %parallel_loop3A_276 = arith.index_cast %parallel_loop3A_138 : i32 to index
          %parallel_loop3A_277 = arith.constant 176 : index
          %parallel_loop3A_278 = tpu.vector_load %arg22[%parallel_loop3A_276, %parallel_loop3A_277] {strides = array<i32>} : memref<16x256xf32, #tpu.memory_space<vmem>>, vector<16xf32>,
          %parallel_loop3A_279 = arith.index_cast %parallel_loop3A_138 : i32 to index
          %parallel_loop3A_280 = arith.constant 176 : index
          %parallel_loop3A_281 = tpu.vector_load %arg24[%parallel_loop3A_279, %parallel_loop3A_280] {strides = array<i32>} : memref<16x256xf32, #tpu.memory_space<vmem>>, vector<16xf32>,
          %parallel_loop3A_282 = arith.subf %parallel_loop3A_281, %parallel_loop3A_278 : vector<16xf32>
          %parallel_loop3A_283 = arith.mulf %parallel_loop3A_143, %parallel_loop3A_282 : vector<16xf32>
          %parallel_loop3A_284 = arith.addf %parallel_loop3A_278, %parallel_loop3A_283 : vector<16xf32>
          %parallel_loop3A_285 = arith.index_cast %parallel_loop3A_138 : i32 to index
          %parallel_loop3A_286 = arith.constant 176 : index
          %parallel_loop3A_287 = tpu.vector_load %arg20[%parallel_loop3A_285, %parallel_loop3A_286] {strides = array<i32>} : memref<16x832xf32, #tpu.memory_space<vmem>>, vector<16xf32>,
          tpu.vector_store %arg20[%parallel_loop3A_285, %parallel_loop3A_286], %parallel_loop3A_284 {strides = array<i32>} : memref<16x832xf32, #tpu.memory_space<vmem>>, vector<16xf32>,
          %parallel_loop3A_288 = arith.index_cast %parallel_loop3A_138 : i32 to index
          %parallel_loop3A_289 = arith.constant 192 : index
          %parallel_loop3A_290 = tpu.vector_load %arg22[%parallel_loop3A_288, %parallel_loop3A_289] {strides = array<i32>} : memref<16x256xf32, #tpu.memory_space<vmem>>, vector<16xf32>,
          %parallel_loop3A_291 = arith.index_cast %parallel_loop3A_138 : i32 to index
          %parallel_loop3A_292 = arith.constant 192 : index
          %parallel_loop3A_293 = tpu.vector_load %arg24[%parallel_loop3A_291, %parallel_loop3A_292] {strides = array<i32>} : memref<16x256xf32, #tpu.memory_space<vmem>>, vector<16xf32>,
          %parallel_loop3A_294 = arith.subf %parallel_loop3A_293, %parallel_loop3A_290 : vector<16xf32>
          %parallel_loop3A_295 = arith.mulf %parallel_loop3A_143, %parallel_loop3A_294 : vector<16xf32>
          %parallel_loop3A_296 = arith.addf %parallel_loop3A_290, %parallel_loop3A_295 : vector<16xf32>
          %parallel_loop3A_297 = arith.index_cast %parallel_loop3A_138 : i32 to index
          %parallel_loop3A_298 = arith.constant 192 : index
          %parallel_loop3A_299 = tpu.vector_load %arg20[%parallel_loop3A_297, %parallel_loop3A_298] {strides = array<i32>} : memref<16x832xf32, #tpu.memory_space<vmem>>, vector<16xf32>,
          tpu.vector_store %arg20[%parallel_loop3A_297, %parallel_loop3A_298], %parallel_loop3A_296 {strides = array<i32>} : memref<16x832xf32, #tpu.memory_space<vmem>>, vector<16xf32>,
          %parallel_loop3A_300 = arith.index_cast %parallel_loop3A_138 : i32 to index
          %parallel_loop3A_301 = arith.constant 208 : index
          %parallel_loop3A_302 = tpu.vector_load %arg22[%parallel_loop3A_300, %parallel_loop3A_301] {strides = array<i32>} : memref<16x256xf32, #tpu.memory_space<vmem>>, vector<16xf32>,
          %parallel_loop3A_303 = arith.index_cast %parallel_loop3A_138 : i32 to index
          %parallel_loop3A_304 = arith.constant 208 : index
          %parallel_loop3A_305 = tpu.vector_load %arg24[%parallel_loop3A_303, %parallel_loop3A_304] {strides = array<i32>} : memref<16x256xf32, #tpu.memory_space<vmem>>, vector<16xf32>,
          %parallel_loop3A_306 = arith.subf %parallel_loop3A_305, %parallel_loop3A_302 : vector<16xf32>
          %parallel_loop3A_307 = arith.mulf %parallel_loop3A_143, %parallel_loop3A_306 : vector<16xf32>
          %parallel_loop3A_308 = arith.addf %parallel_loop3A_302, %parallel_loop3A_307 : vector<16xf32>
          %parallel_loop3A_309 = arith.index_cast %parallel_loop3A_138 : i32 to index
          %parallel_loop3A_310 = arith.constant 208 : index
          %parallel_loop3A_311 = tpu.vector_load %arg20[%parallel_loop3A_309, %parallel_loop3A_310] {strides = array<i32>} : memref<16x832xf32, #tpu.memory_space<vmem>>, vector<16xf32>,
          tpu.vector_store %arg20[%parallel_loop3A_309, %parallel_loop3A_310], %parallel_loop3A_308 {strides = array<i32>} : memref<16x832xf32, #tpu.memory_space<vmem>>, vector<16xf32>,
          %parallel_loop3A_312 = arith.index_cast %parallel_loop3A_138 : i32 to index
          %parallel_loop3A_313 = arith.constant 224 : index
          %parallel_loop3A_314 = tpu.vector_load %arg22[%parallel_loop3A_312, %parallel_loop3A_313] {strides = array<i32>} : memref<16x256xf32, #tpu.memory_space<vmem>>, vector<16xf32>,
          %parallel_loop3A_315 = arith.index_cast %parallel_loop3A_138 : i32 to index
          %parallel_loop3A_316 = arith.constant 224 : index
          %parallel_loop3A_317 = tpu.vector_load %arg24[%parallel_loop3A_315, %parallel_loop3A_316] {strides = array<i32>} : memref<16x256xf32, #tpu.memory_space<vmem>>, vector<16xf32>,
          %parallel_loop3A_318 = arith.subf %parallel_loop3A_317, %parallel_loop3A_314 : vector<16xf32>
          %parallel_loop3A_319 = arith.mulf %parallel_loop3A_143, %parallel_loop3A_318 : vector<16xf32>
          %parallel_loop3A_320 = arith.addf %parallel_loop3A_314, %parallel_loop3A_319 : vector<16xf32>
          %parallel_loop3A_321 = arith.index_cast %parallel_loop3A_138 : i32 to index
          %parallel_loop3A_322 = arith.constant 224 : index
          %parallel_loop3A_323 = tpu.vector_load %arg20[%parallel_loop3A_321, %parallel_loop3A_322] {strides = array<i32>} : memref<16x832xf32, #tpu.memory_space<vmem>>, vector<16xf32>,
          tpu.vector_store %arg20[%parallel_loop3A_321, %parallel_loop3A_322], %parallel_loop3A_320 {strides = array<i32>} : memref<16x832xf32, #tpu.memory_space<vmem>>, vector<16xf32>,
          %parallel_loop3A_324 = arith.index_cast %parallel_loop3A_138 : i32 to index
          %parallel_loop3A_325 = arith.constant 240 : index
          %parallel_loop3A_326 = tpu.vector_load %arg22[%parallel_loop3A_324, %parallel_loop3A_325] {strides = array<i32>} : memref<16x256xf32, #tpu.memory_space<vmem>>, vector<16xf32>,
          %parallel_loop3A_327 = arith.index_cast %parallel_loop3A_138 : i32 to index
          %parallel_loop3A_328 = arith.constant 240 : index
          %parallel_loop3A_329 = tpu.vector_load %arg24[%parallel_loop3A_327, %parallel_loop3A_328] {strides = array<i32>} : memref<16x256xf32, #tpu.memory_space<vmem>>, vector<16xf32>,
          %parallel_loop3A_330 = arith.subf %parallel_loop3A_329, %parallel_loop3A_326 : vector<16xf32>
          %parallel_loop3A_331 = arith.mulf %parallel_loop3A_143, %parallel_loop3A_330 : vector<16xf32>
          %parallel_loop3A_332 = arith.addf %parallel_loop3A_326, %parallel_loop3A_331 : vector<16xf32>
          %parallel_loop3A_333 = arith.index_cast %parallel_loop3A_138 : i32 to index
          %parallel_loop3A_334 = arith.constant 240 : index
          %parallel_loop3A_335 = tpu.vector_load %arg20[%parallel_loop3A_333, %parallel_loop3A_334] {strides = array<i32>} : memref<16x832xf32, #tpu.memory_space<vmem>>, vector<16xf32>,
          tpu.vector_store %arg20[%parallel_loop3A_333, %parallel_loop3A_334], %parallel_loop3A_332 {strides = array<i32>} : memref<16x832xf32, #tpu.memory_space<vmem>>, vector<16xf32>,
          %parallel_loop3A_336 = tpu.vector_load_idx %arg16[%parallel_loop3A_142] : memref<512xf32, #tpu.memory_space<vmem>>[vector<16xi32>], vector<16xf32>,
          %parallel_loop3A_337 = tpu.vector_load_idx %arg15[%parallel_loop3A_142] : memref<512xi32, #tpu.memory_space<vmem>>[vector<16xi32>], vector<16xi32>,
          %parallel_loop3A_338 = arith.constant 0 : i32
          %parallel_loop3A_339 = vector.broadcast %parallel_loop3A_338 : i32 to vector<16xi32>
          %parallel_loop3A_340 = arith.addi %iota3A, %parallel_loop3A_339 : vector<16xi32>
          %parallel_loop3A_341 = tpu.vector_load_idx %arg17[%parallel_loop3A_337, %parallel_loop3A_340] : memref<512x64xf32, #tpu.memory_space<vmem>>[vector<16xi32>, vector<16xi32>], vector<16xf32>,
          %parallel_loop3A_342 = arith.constant 1 : i32
          %parallel_loop3A_343 = vector.broadcast %parallel_loop3A_342 : i32 to vector<16xi32>
          %parallel_loop3A_344 = arith.addi %parallel_loop3A_337, %parallel_loop3A_343 : vector<16xi32>
          %parallel_loop3A_345 = tpu.vector_load_idx %arg17[%parallel_loop3A_344, %parallel_loop3A_340] : memref<512x64xf32, #tpu.memory_space<vmem>>[vector<16xi32>, vector<16xi32>], vector<16xf32>,
          %parallel_loop3A_346 = arith.subf %parallel_loop3A_345, %parallel_loop3A_341 : vector<16xf32>
          %parallel_loop3A_347 = arith.mulf %parallel_loop3A_336, %parallel_loop3A_346 : vector<16xf32>
          %parallel_loop3A_348 = arith.addf %parallel_loop3A_341, %parallel_loop3A_347 : vector<16xf32>
          %parallel_loop3A_349 = arith.index_cast %parallel_loop3A_138 : i32 to index
          %parallel_loop3A_350 = arith.constant 256 : index
          %parallel_loop3A_351 = tpu.vector_load %arg20[%parallel_loop3A_349, %parallel_loop3A_350] {strides = array<i32>} : memref<16x832xf32, #tpu.memory_space<vmem>>, vector<16xf32>,
          tpu.vector_store %arg20[%parallel_loop3A_349, %parallel_loop3A_350], %parallel_loop3A_348 {strides = array<i32>} : memref<16x832xf32, #tpu.memory_space<vmem>>, vector<16xf32>,
          %parallel_loop3A_352 = arith.constant 16 : i32
          %parallel_loop3A_353 = vector.broadcast %parallel_loop3A_352 : i32 to vector<16xi32>
          %parallel_loop3A_354 = arith.addi %iota3A, %parallel_loop3A_353 : vector<16xi32>
          %parallel_loop3A_355 = tpu.vector_load_idx %arg17[%parallel_loop3A_337, %parallel_loop3A_354] : memref<512x64xf32, #tpu.memory_space<vmem>>[vector<16xi32>, vector<16xi32>], vector<16xf32>,
          %parallel_loop3A_356 = arith.constant 1 : i32
          %parallel_loop3A_357 = vector.broadcast %parallel_loop3A_356 : i32 to vector<16xi32>
          %parallel_loop3A_358 = arith.addi %parallel_loop3A_337, %parallel_loop3A_357 : vector<16xi32>
          %parallel_loop3A_359 = tpu.vector_load_idx %arg17[%parallel_loop3A_358, %parallel_loop3A_354] : memref<512x64xf32, #tpu.memory_space<vmem>>[vector<16xi32>, vector<16xi32>], vector<16xf32>,
          %parallel_loop3A_360 = arith.subf %parallel_loop3A_359, %parallel_loop3A_355 : vector<16xf32>
          %parallel_loop3A_361 = arith.mulf %parallel_loop3A_336, %parallel_loop3A_360 : vector<16xf32>
          %parallel_loop3A_362 = arith.addf %parallel_loop3A_355, %parallel_loop3A_361 : vector<16xf32>
          %parallel_loop3A_363 = arith.index_cast %parallel_loop3A_138 : i32 to index
          %parallel_loop3A_364 = arith.constant 272 : index
          %parallel_loop3A_365 = tpu.vector_load %arg20[%parallel_loop3A_363, %parallel_loop3A_364] {strides = array<i32>} : memref<16x832xf32, #tpu.memory_space<vmem>>, vector<16xf32>,
          tpu.vector_store %arg20[%parallel_loop3A_363, %parallel_loop3A_364], %parallel_loop3A_362 {strides = array<i32>} : memref<16x832xf32, #tpu.memory_space<vmem>>, vector<16xf32>,
          %parallel_loop3A_366 = arith.constant 32 : i32
          %parallel_loop3A_367 = vector.broadcast %parallel_loop3A_366 : i32 to vector<16xi32>
          %parallel_loop3A_368 = arith.addi %iota3A, %parallel_loop3A_367 : vector<16xi32>
          %parallel_loop3A_369 = tpu.vector_load_idx %arg17[%parallel_loop3A_337, %parallel_loop3A_368] : memref<512x64xf32, #tpu.memory_space<vmem>>[vector<16xi32>, vector<16xi32>], vector<16xf32>,
          %parallel_loop3A_370 = arith.constant 1 : i32
          %parallel_loop3A_371 = vector.broadcast %parallel_loop3A_370 : i32 to vector<16xi32>
          %parallel_loop3A_372 = arith.addi %parallel_loop3A_337, %parallel_loop3A_371 : vector<16xi32>
          %parallel_loop3A_373 = tpu.vector_load_idx %arg17[%parallel_loop3A_372, %parallel_loop3A_368] : memref<512x64xf32, #tpu.memory_space<vmem>>[vector<16xi32>, vector<16xi32>], vector<16xf32>,
          %parallel_loop3A_374 = arith.subf %parallel_loop3A_373, %parallel_loop3A_369 : vector<16xf32>
          %parallel_loop3A_375 = arith.mulf %parallel_loop3A_336, %parallel_loop3A_374 : vector<16xf32>
          %parallel_loop3A_376 = arith.addf %parallel_loop3A_369, %parallel_loop3A_375 : vector<16xf32>
          %parallel_loop3A_377 = arith.index_cast %parallel_loop3A_138 : i32 to index
          %parallel_loop3A_378 = arith.constant 288 : index
          %parallel_loop3A_379 = tpu.vector_load %arg20[%parallel_loop3A_377, %parallel_loop3A_378] {strides = array<i32>} : memref<16x832xf32, #tpu.memory_space<vmem>>, vector<16xf32>,
          tpu.vector_store %arg20[%parallel_loop3A_377, %parallel_loop3A_378], %parallel_loop3A_376 {strides = array<i32>} : memref<16x832xf32, #tpu.memory_space<vmem>>, vector<16xf32>,
          %parallel_loop3A_380 = arith.constant 48 : i32
          %parallel_loop3A_381 = vector.broadcast %parallel_loop3A_380 : i32 to vector<16xi32>
          %parallel_loop3A_382 = arith.addi %iota3A, %parallel_loop3A_381 : vector<16xi32>
          %parallel_loop3A_383 = tpu.vector_load_idx %arg17[%parallel_loop3A_337, %parallel_loop3A_382] : memref<512x64xf32, #tpu.memory_space<vmem>>[vector<16xi32>, vector<16xi32>], vector<16xf32>,
          %parallel_loop3A_384 = arith.constant 1 : i32
          %parallel_loop3A_385 = vector.broadcast %parallel_loop3A_384 : i32 to vector<16xi32>
          %parallel_loop3A_386 = arith.addi %parallel_loop3A_337, %parallel_loop3A_385 : vector<16xi32>
          %parallel_loop3A_387 = tpu.vector_load_idx %arg17[%parallel_loop3A_386, %parallel_loop3A_382] : memref<512x64xf32, #tpu.memory_space<vmem>>[vector<16xi32>, vector<16xi32>], vector<16xf32>,
          %parallel_loop3A_388 = arith.subf %parallel_loop3A_387, %parallel_loop3A_383 : vector<16xf32>
          %parallel_loop3A_389 = arith.mulf %parallel_loop3A_336, %parallel_loop3A_388 : vector<16xf32>
          %parallel_loop3A_390 = arith.addf %parallel_loop3A_383, %parallel_loop3A_389 : vector<16xf32>
          %parallel_loop3A_391 = arith.index_cast %parallel_loop3A_138 : i32 to index
          %parallel_loop3A_392 = arith.constant 304 : index
          %parallel_loop3A_393 = tpu.vector_load %arg20[%parallel_loop3A_391, %parallel_loop3A_392] {strides = array<i32>} : memref<16x832xf32, #tpu.memory_space<vmem>>, vector<16xf32>,
          tpu.vector_store %arg20[%parallel_loop3A_391, %parallel_loop3A_392], %parallel_loop3A_390 {strides = array<i32>} : memref<16x832xf32, #tpu.memory_space<vmem>>, vector<16xf32>,
        } {sc.loop_unroll_factor = 2 : i64, sc.parallel_access}
        %mul3A_130 = arith.constant 16 : i32
        %mul3A_131 = arith.muli %add3A_102, %mul3A_130 : i32
        %dma_start3A_132 = arith.constant 0 : i32
        %dma_start3A_133 = tpu.memref_slice %arg8[%add3A_9, %mul3A_131, %dma_start3A_132] : memref<128x512x832xf32, #tpu.memory_space<hbm>> -> memref<1x16x832xf32, #tpu.memory_space<hbm>>
        %dma_start3A_134 = tpu.memref_squeeze %dma_start3A_133 : memref<1x16x832xf32, #tpu.memory_space<hbm>> -> memref<16x832xf32, #tpu.memory_space<hbm>>
        %dma_start3A_135 = arith.constant 0 : i32
        %dma_start3A_136 = tpu.memref_slice %arg8[%add3A_9, %mul3A_131, %dma_start3A_135] : memref<128x512x832xf32, #tpu.memory_space<hbm>> -> memref<1x16x832xf32, #tpu.memory_space<hbm>>
        %dma_start3A_137 = tpu.memref_squeeze %dma_start3A_136 : memref<1x16x832xf32, #tpu.memory_space<hbm>> -> memref<16x832xf32, #tpu.memory_space<hbm>>
        tpu.enqueue_dma source(%arg20 : memref<16x832xf32, #tpu.memory_space<vmem>>) target(%dma_start3A_137 : memref<16x832xf32, #tpu.memory_space<hbm>>) target_semaphore(%arg26 : memref<!tpu.dma_semaphore, #tpu.memory_space<semaphore_mem>>)
      }
      %scan3A_50 = arith.constant 16 : i32
      %dma_wait3A = arith.constant 0 : i32
      %dma_wait3A_51 = arith.constant 0 : i32
      %dma_wait3A_52 = tpu.memref_slice %arg8[%add3A_9, %dma_wait3A, %dma_wait3A_51] : memref<128x512x832xf32, #tpu.memory_space<hbm>> -> memref<1x16x832xf32, #tpu.memory_space<hbm>>
      %dma_wait3A_53 = tpu.memref_squeeze %dma_wait3A_52 : memref<1x16x832xf32, #tpu.memory_space<hbm>> -> memref<16x832xf32, #tpu.memory_space<hbm>>
      %dma_wait3A_54 = arith.constant 0 : i32
      %dma_wait3A_55 = arith.constant 0 : i32
      %dma_wait3A_56 = tpu.memref_slice %arg8[%add3A_9, %dma_wait3A_54, %dma_wait3A_55] : memref<128x512x832xf32, #tpu.memory_space<hbm>> -> memref<1x16x832xf32, #tpu.memory_space<hbm>>
      %dma_wait3A_57 = tpu.memref_squeeze %dma_wait3A_56 : memref<1x16x832xf32, #tpu.memory_space<hbm>> -> memref<16x832xf32, #tpu.memory_space<hbm>>
      tpu.wait_dma2 semaphore(%arg26 : memref<!tpu.dma_semaphore, #tpu.memory_space<semaphore_mem>>) src(%arg19 : memref<16x832xf32, #tpu.memory_space<vmem>>) dst(%dma_wait3A_57 : memref<16x832xf32, #tpu.memory_space<hbm>>)
      %dma_wait3A_58 = arith.constant 0 : i32
      %dma_wait3A_59 = arith.constant 0 : i32
      %dma_wait3A_60 = tpu.memref_slice %arg8[%add3A_9, %dma_wait3A_58, %dma_wait3A_59] : memref<128x512x832xf32, #tpu.memory_space<hbm>> -> memref<1x16x832xf32, #tpu.memory_space<hbm>>
      %dma_wait3A_61 = tpu.memref_squeeze %dma_wait3A_60 : memref<1x16x832xf32, #tpu.memory_space<hbm>> -> memref<16x832xf32, #tpu.memory_space<hbm>>
      %dma_wait3A_62 = arith.constant 0 : i32
      %dma_wait3A_63 = arith.constant 0 : i32
      %dma_wait3A_64 = tpu.memref_slice %arg8[%add3A_9, %dma_wait3A_62, %dma_wait3A_63] : memref<128x512x832xf32, #tpu.memory_space<hbm>> -> memref<1x16x832xf32, #tpu.memory_space<hbm>>
      %dma_wait3A_65 = tpu.memref_squeeze %dma_wait3A_64 : memref<1x16x832xf32, #tpu.memory_space<hbm>> -> memref<16x832xf32, #tpu.memory_space<hbm>>
      tpu.wait_dma2 semaphore(%arg26 : memref<!tpu.dma_semaphore, #tpu.memory_space<semaphore_mem>>) src(%arg20 : memref<16x832xf32, #tpu.memory_space<vmem>>) dst(%dma_wait3A_65 : memref<16x832xf32, #tpu.memory_space<hbm>>)
    }
    %scan3A_5 = arith.constant 4 : i32
    return
  }
}

module attributes {stable_mosaic.version = 14 : i64} {
  func.func @_lang_mean_kernel(%arg0: i32, %arg1: memref<8x77x512xf32, #tpu.memory_space<vmem>>, %arg2: memref<8x512xf32, #tpu.memory_space<vmem>>) attributes {dimension_semantics = [#tpu.dimension_semantics<arbitrary>], iteration_bounds = array<i64: 16>, scalar_prefetch = 0 : i64, scratch_operands = 0 : i64, tpu.core_type = #tpu.core_type<tc>, window_params = [{transform_indices = @transform_0, window_bounds = array<i64: 8, 77, 512>}, {transform_indices = @transform_1, window_bounds = array<i64: 8, 512>}]} {
    %get3A = arith.constant 0 : index
    %get3A_0 = arith.constant 0 : index
    %get3A_1 = arith.constant 0 : index
    %get3A_2 = vector.load %arg1[%get3A, %get3A_0, %get3A_1] : memref<8x77x512xf32, #tpu.memory_space<vmem>>, vector<8x77x512xf32>
    %reduce_sum3A = arith.constant dense<0.000000e+00> : vector<8x512xf32>
    %reduce_sum3A_3 = vector.multi_reduction <add>, %get3A_2, %reduce_sum3A [1] : vector<8x77x512xf32> to vector<8x512xf32>
    %div3A = arith.constant 7.700000e+01 : f32
    %div3A_4 = vector.broadcast %div3A : f32 to vector<8x512xf32>
    %div3A_5 = arith.divf %reduce_sum3A_3, %div3A_4 : vector<8x512xf32>
    %swap3A = arith.constant 0 : index
    %swap3A_6 = arith.constant 0 : index
    %swap3A_7 = vector.load %arg2[%swap3A, %swap3A_6] : memref<8x512xf32, #tpu.memory_space<vmem>>, vector<8x512xf32>
    tpu.vector_store %arg2[%swap3A, %swap3A_6], %div3A_5 {strides = array<i32>} : memref<8x512xf32, #tpu.memory_space<vmem>>, vector<8x512xf32>,
    return
  }
  func.func @transform_0(%arg0: i32) -> (i32, i32, i32) {
    %c0_i32 = arith.constant 0 : i32
    %c0_i32_0 = arith.constant 0 : i32
    %c0_i32_1 = arith.constant 0 : i32
    return %arg0, %c0_i32, %c0_i32_0 : i32, i32, i32
  }
  func.func @transform_1(%arg0: i32) -> (i32, i32) {
    %c0_i32 = arith.constant 0 : i32
    %c0_i32_0 = arith.constant 0 : i32
    return %arg0, %c0_i32 : i32, i32
  }
}

</mosaic_0001>

<sc_bundles>
// kernel: kernel.4.cloned.1.call-start
scs
__scs_entry_jumppad:
0x0: {  	(pc) =	sbr.rel $0x88, $3  }
0x1: {  	(tag) =	ssettag $0x0;
	lr =	simm.s32 $0x1  }
0x2: {  	[smem:$0x3F9B] =	sst lr;
	_ =	strace $0xD0000000  }
0x3: {  	_ = 	snop  }
0x4: {  	_ = 	snop  }
0x5: {  	_ = 	snop  }
0x6: {  	_ = 	snop  }
0x7: {  	_ = 	snop  }
__scs_overlays_trampoline_lowered:
0x8: {  	[smem:$0x3FAA] =	sst s0  }
0x9: {  	[smem:$0x3FAB] =	sst s1  }
0xa: {  	[smem:$0x3FAC] =	sst s2  }
0xb: {  	[smem:$0x3FAD] =	sst s3  }
0xc: {  	[smem:$0x3FAE] =	sst s4  }
0xd: {  	[smem:$0x3FAF] =	sst s5  }
0xe: {  	[smem:$0x3FB0] =	sst s6  }
0xf: {  	[smem:$0x3FB1] =	sst s7  }
0x10: {  	[smem:$0x3FB2] =	sst s8  }
0x11: {  	[smem:$0x3FB3] =	sst s9;
	s0 =	simm.s32 @!p0 $0x0  }
0x12: {  	s1 =	sld [smem:$0x3F99];
	s0 =	simm.s32 @p0 $0x1  }
0x13: {  	[smem:$0x3FB4] =	sst s0;
	s0 =	simm.s32 @!p1 $0x0  }
0x14: {  	s2 =	sld [smem:$0x3F98];
	s0 =	simm.s32 @p1 $0x1  }
0x15: {  	[smem:$0x3FB5] =	sst s0;
	s0 =	simm.s32 @!p2 $0x0  }
0x16: {  	s3 =	sld [smem:$0x3FDB];
	s0 =	simm.s32 @p2 $0x1  }
0x17: {  	s4 =	simm.s32 $0x1BF5;
	[smem:$0x3FB7] =	sst s0  }
0x18: {  	s0 =	sld [smem:$0x3F9A];
	_ =	swait.ge [sflag:s4], $0x0  }
0x19: {  	s7 =	sld [smem:$0x3F9B]  }
0x1a: {  	s8 =	sadd.s32 $0xFFFFE003, lr  }
0x1b: {  	s9 =	sadd.s32 $0xFFFFFEF7, lr;
	s5 =	simm.s32 $0xFFFFFFFF;
	p2 =	slt.u32 s8, $0xFFFFF086  }
0x1c: {  	p1 =	slt.u32 s9, $0xF7A;
	s5 =	simm.s32 @!p2 $0x0  }
0x1d: {  	s5 =	simm.s32 @p1 $0x1;
	p0 =	seq.s32 s7, s2  }
0x1e: {  	s7 =	smul.u32 @!p0 $0xF7A, s2;
	p2 =	seq.s32 @!p0 s5, $0x0  }
0x1f: {  	s9 =	smul.u32 $0xF7A, s1;
	s8 =	simm.s32 @!p0 $0x1BF5;
	p2 =	por !p2, p0  }
0x20: {  	[sflag:s8] =	ssyncset.s32 @!p0 $0xFFFFF086;
	s6 =	sadd.s32 @!p0 s3, s7;
	s7 =	simm.s32 @!p0 $0x108  }
0x21: {  	s3 =	sadd.s32 s3, s9;
	s6 =	sadd.s32 @!p0 $0x88, s6;
	s7 =	simm.s32 @p2 $0x1082  }
0x22: {  	[simem:s7], [sflag:s8] =	dma.local @!p0 [hbm:s6], $0xF7A  }
0x23: {  	s9 =	sor.u32 $0xD0000000, s2;
	s6 =	simm.s32 $0x108;
	_ =	swait.ge @!p0 [sflag:s8], $0x0  }
0x24: {  	s3 =	sadd.s32 $0x88, s3;
	s6 =	simm.s32 @!p1 $0x1082;
	[sflag:s4] =	ssyncset.s32 $0xFFFFF086  }
0x25: {  	[simem:s6], [sflag:s4] =	dma.local [hbm:s3], $0xF7A  }
0x26: {  	[smem:$0x3F9B] =	sst s1;
	(tag) =	ssettag s2;
	_ =	strace s9  }
0x27: {  	s1 =	sld [smem:$0x3FAB]  }
0x28: {  	s2 =	sld [smem:$0x3FAC]  }
0x29: {  	s4 =	sld [smem:$0x3FAE]  }
0x2a: {  	p0 =	seq.s32 s5, $0x0;
	s5 =	sld [smem:$0x3FAF]  }
0x2b: {  	s6 =	sld [smem:$0x3FB0]  }
0x2c: {  	s7 =	sld [smem:$0x3FB1]  }
0x2d: {  	s3 =	simm.s32 $0x108;
	s8 =	sld [smem:$0x3FB2]  }
0x2e: {  	s3 =	simm.s32 @!p0 $0x1082;
	s9 =	sld [smem:$0x3FB3]  }
0x2f: {  	lr =	sadd.s32 s0, s3;
	s0 =	sld [smem:$0x3FAA]  }
0x30: {  	s3 =	sld [smem:$0x3FAD]  }
0x31: {  	[smem:$0x3FB6] =	sst s10  }
0x32: {  	s10 =	sld [smem:$0x3FB4];
	_ =	sdelay $0x3  }
0x33: {  	p0 =	seq.s32 s10, $0x1;
	s10 =	sld [smem:$0x3FB6];
	_ =	sdelay $0x3  }
0x34: {  	[smem:$0x3FB6] =	sst s10  }
0x35: {  	s10 =	sld [smem:$0x3FB5];
	_ =	sdelay $0x3  }
0x36: {  	p1 =	seq.s32 s10, $0x1;
	s10 =	sld [smem:$0x3FB6];
	_ =	sdelay $0x3  }
0x37: {  	[smem:$0x3FB6] =	sst s10  }
0x38: {  	s10 =	sld [smem:$0x3FB7]  }
0x39: {  	_ = 	snop;
	(pc) =	sbr.ind lr, $3  }
0x3a: {  	_ = 	snop  }
0x3b: {  	_ = 	snop  }
0x3c: {  	p2 =	seq.s32 s10, $0x1;
	s10 =	sld [smem:$0x3FB6]  }
0x3d: {  	_ =	shalt  }
0x3e: {  	_ =	shalt  }
0x3f: {  	_ =	shalt  }
0x40: {  	_ =	shalt  }
0x41: {  	_ =	shalt  }
0x42: {  	_ =	shalt  }
0x43: {  	_ =	shalt  }
0x44: {  	_ =	shalt  }
0x45: {  	_ =	shalt  }
0x46: {  	_ =	shalt  }
0x47: {  	_ =	shalt  }
0x48: {  	_ =	shalt  }
0x49: {  	_ =	shalt  }
0x4a: {  	_ =	shalt  }
0x4b: {  	_ =	shalt  }
0x4c: {  	_ =	shalt  }
0x4d: {  	_ =	shalt  }
0x4e: {  	_ =	shalt  }
0x4f: {  	_ =	shalt  }
0x50: {  	_ =	shalt  }
0x51: {  	_ =	shalt  }
0x52: {  	_ =	shalt  }
0x53: {  	_ =	shalt  }
0x54: {  	_ =	shalt  }
0x55: {  	_ =	shalt  }
0x56: {  	_ =	shalt  }
0x57: {  	_ =	shalt  }
0x58: {  	_ =	shalt  }
0x59: {  	_ =	shalt  }
0x5a: {  	_ =	shalt  }
0x5b: {  	_ =	shalt  }
0x5c: {  	_ =	shalt  }
0x5d: {  	_ =	shalt  }
0x5e: {  	_ =	shalt  }
0x5f: {  	_ =	shalt  }
0x60: {  	_ =	shalt  }
0x61: {  	_ =	shalt  }
0x62: {  	_ =	shalt  }
0x63: {  	_ =	shalt  }
0x64: {  	_ =	shalt  }
0x65: {  	_ =	shalt  }
0x66: {  	_ =	shalt  }
0x67: {  	_ =	shalt  }
0x68: {  	_ =	shalt  }
0x69: {  	_ =	shalt  }
0x6a: {  	_ =	shalt  }
0x6b: {  	_ =	shalt  }
0x6c: {  	_ =	shalt  }
0x6d: {  	_ =	shalt  }
0x6e: {  	_ =	shalt  }
0x6f: {  	_ =	shalt  }
0x70: {  	_ =	shalt  }
0x71: {  	_ =	shalt  }
0x72: {  	_ =	shalt  }
0x73: {  	_ =	shalt  }
0x74: {  	_ =	shalt  }
0x75: {  	_ =	shalt  }
0x76: {  	_ =	shalt  }
0x77: {  	_ =	shalt  }
0x78: {  	_ =	shalt  }
0x79: {  	_ =	shalt  }
0x7a: {  	_ =	shalt  }
0x7b: {  	_ =	shalt  }
0x7c: {  	_ =	shalt  }
0x7d: {  	_ =	shalt  }
0x7e: {  	_ =	shalt  }
0x7f: {  	_ =	shalt  }
0x80: {  	_ =	shalt  }
0x81: {  	_ =	shalt  }
0x82: {  	_ =	shalt  }
0x83: {  	_ =	shalt  }
0x84: {  	_ =	shalt  }
0x85: {  	_ =	shalt  }
0x86: {  	_ =	shalt  }
0x87: {  	_ =	shalt  }
.Lfunc_end0:
.L_simem_size_0:
called_computation_lowered:
.L_overlay_start_0:
0x88: {  	s2 =	sld [smem:$0x3FD9]  }
0x89: {  	s3 =	sld [smem:$0x3FFE];
	_ =	sdelay $0x1  }
0x8a: {  	s1 =	srdreg.scid  }
0x8b: {  	s0 =	sand.u32 $0x1, s1  }
0x8c: {  	s17 =	sshll.u32 s0, $0xA;
	s2 =	sadd.s32 s3, s2  }
0x8d: {  	s2 =	sadd.s32 s2, s17  }
0x8e: {  	[smem:$0x3FC2] =	sst s2  }
0x8f: {  	_ = 	snop  }
0x90: {  	s2 =	sld [smem:$0x3FC9]  }
0x91: {  	s18 =	sld [smem:$0x3FC8]  }
0x92: {  	s4 =	sld [smem:$0x3FC6]  }
0x93: {  	s5 =	sld [smem:$0x3FC4]  }
0x94: {  	s6 =	sld [smem:$0x3FD0];
	(tm) =	ssettm $0x1  }
0x95: {  	s7 =	sld [smem:$0x3FFB];
	_ =	sdelay $0x3  }
0x96: {  	_ =	strace s7  }
0x97: {  	s7 =	sld [smem:$0x3FFC];
	_ =	sdelay $0x3  }
0x98: {  	_ =	strace s7  }
0x99: {  	s7 =	sld [smem:$0x3FFD];
	_ =	sdelay $0x3  }
0x9a: {  	_ =	strace s7  }
0x9b: {  	_ =	strace $0x8FFFFFFF  }
0x9c: {  	s19 =	sld [smem:$0x3FDB];
	_ =	sdelay $0x1  }
0x9d: {  	s8 =	simm.s32 $_scs_section_size  }
0x9e: {  	s9 =	simm.s32 $_size__tile_overlayer_lowered;
	s10 =	simm.s32 $_tile_overlayer_lowered  }
0x9f: {  	s22 =	simm.s32 $0x1BFF;
	s21 =	sshll.u32 s10, $0x1;
	s7 =	sadd.s32 s8, s19  }
0xa0: {  	s11 =	simm.s32 $0x0;
	s20 =	sshll.u32 s9, $0x1;
	s9 =	sadd.s32 s21, s7  }
0xa1: {  	[timem:s11], [sflag:s22] =	dma.local [hbm:s9], s20  }
0xa2: {  	_ =	swait.ge [sflag:s22], s20  }
0xa3: {  	s8 =	ssub.s32 $0x0, s20;
	[sflag:s22] =	ssyncset.done $0x0  }
0xa4: {  	[sflag:s22] =	ssyncadd.s32 s8;
	_ =	sdelay $0x1  }
0xa5: {  	s23 =	simm.s32 $0x1B8B  }
0xa6: {  	_ =	swait.ge [sflag:s23], $0x1  }
0xa7: {  	[sflag:s23] =	ssyncset.done $0x0  }
0xa8: {  	s25 =	simm.s32 $0x1B8E;
	s24 =	sld [smem:$0x3FFE];
	[sflag:s23] =	ssyncadd.s32 $0xFFFFFFFF  }
0xa9: {  	s26 =	simm.s32 $execute0_lowered;
	[smem:$0x3FD2] =	sst s25  }
0xaa: {  	s9 =	sshll.u32 s26, $0x1;
	_ =	strace $0x80000046;
	[dreg:$0x1] =	wrdreg $0xFFFFFFFF  }
0xab: {  	s28 =	simm.s32 $_size_execute0_lowered;
	s7 =	sadd.s32 s7, s9;
	[dreg:$0x0] =	wrdreg $0x0  }
0xac: {  	s9 =	sshll.u32 s28, $0x1;
	[dreg:$0x2] =	wrdreg s7  }
0xad: {  	[dreg:$0x3] =	wrdreg s9  }
0xae: {  	[dreg:$0x4] =	wrdreg $0xC0  }
0xaf: {  	_ =	task [dreg:s11], $0x5FFFF  }
0xb0: {  	[dreg:$0x1] =	wrdreg $0xFFFFFFFF  }
0xb1: {  	[dreg:$0x0] =	wrdreg $0x60  }
0xb2: {  	[dreg:$0x2] =	wrdreg s2  }
0xb3: {  	[dreg:$0x3] =	wrdreg s18  }
0xb4: {  	[dreg:$0x4] =	wrdreg s6  }
0xb5: {  	[dreg:$0x5] =	wrdreg s4  }
0xb6: {  	[dreg:$0x6] =	wrdreg s24  }
0xb7: {  	[dreg:$0x7] =	wrdreg s5  }
0xb8: {  	[dreg:$0x8] =	wrdreg $0x9  }
0xb9: {  	_ =	task.clear_ibuf [dreg:s11], $0x9FFFF;
	_ =	strace $0x90000046  }
0xba: {  	s29 =	simm.s32 $0x9;
	_ =	strace $0x80000048  }
0xbb: {  	_ =	swait.ge [sflag:s29], $0x1  }
0xbc: {  	[sflag:s29] =	ssyncadd.s32 $0xFFFFFFFF  }
0xbd: {  	_ =	strace $0x90000048  }
0xbe: {  	_ =	sfence  }
0xbf: {  	s30 =	sld [smem:$0x0];
	_ =	sdelay $0x2  }
0xc0: {  	s31 =	sshll.u32 s1, $0xD;
	s1 =	sshrl.u32 s1, $0x2  }
0xc1: {  	s3 =	sand.u32 $0x4000, s31;
	s1 =	sadd.s32 s1, s30  }
0xc2: {  	s0 =	sor.u32 s3, s0;
	s1 =	sshll.u32 s1, $0x11  }
0xc3: {  	s0 =	sor.u32 s1, s0  }
0xc4: {  	s0 =	sadd.s32 $0x8F2B, s0  }
0xc5: {  	[sflag:s0] =	ssyncadd.remote.s32 $0x1  }
0xc6: {  	_ =	sfence.sel $0xFFFF  }
0xc7: {  	[dreg:$0x0] =	wrdreg $0xFFFFFFFF;
	(pc) =	sbr.abs _section_cstart, $3  }
0xc8: {  	[dreg:$0x1] =	wrdreg $0xFFFFFFFF  }
0xc9: {  	_ =	task.clear_ibuf [dreg:s11], $0x2FFFF;
	_ =	strace $0x9FFFFFFF  }
0xca: {  	(tm) =	ssettm $0x7FFFFFFF  }
0xcb: {  	_ =	shalt  }
tec
execute0_lowered:
.L_overlay_start_1:
0x0: {  	(tag) =	ssettag $0x1  }
0x1: {  	s0 =	rddreg [dreg:$0x4]  }
0x2: {  	s12 =	simm.s32 $0x0;
	s1 =	srdreg.scid;
	s3 =	stileid.u32  }
0x3: {  	s11 =	simm.s32 $0x200;
	s13 =	simm.s32 $0x280;
	s19 =	simm.s32 $0xE80  }
0x4: {  	s31 =	simm.s32 $0x880;
	[smem:$0x7FF] =	sst s12;
	s1 =	sand.u32 $0x1, s1  }
0x5: {  	s2 =	sadd.s32 $0x600, s0;
	s0 =	sadd.s32 $0x2600, s0;
	s28 =	sshll.u32 s3, $0x3  }
0x6: {  	s29 =	sshll.u32 s3, $0xC;
	_ =	strace $0x80000047;
	[dreg:$0x7] =	wrdreg s2  }
0x7: {  	v0 =	vimm.s32 $0x40;
	s30 =	sshll.u32 s3, $0xA;
	s25 =	ssub.s32 $0x2, s1;
	[dreg:$0x8] =	wrdreg s0  }
0x8: {  	v1 =	vimm.s32 $0x0;
	s1 =	sshll.u32 s1, $0x2;
	[dreg:$0xa] =	wrdreg s29;
	s26 =	sshrl.u32 s25, $0x1  }
0x9: {  	v2 =	vimm.s32 $0x20;
	v3 =	vimm.s32 $0x100;
	v4 =	vlaneseq.u32;
	[dreg:$0xb] =	wrdreg s30;
	s1 =	sor.u32 s1, s28;
	s0 =	ssub.s32 s25, s26  }
0xa: {  	v5 =	vimm.s32 $0x80;
	s7 =	simm.s32 $0xA80;
	vm0 =	vmmov $0xffff;
	v7 =	vshrl.u32 v4, $0x3;
	[dreg:$0x9] =	wrdreg s1;
	s0 =	smax.u32 s0, $0x1  }
0xb: {  	v6 =	vand.u32 $0x7, v4;
	v8 =	vor.u32 $0x8, v4;
	v7 =	vmul.u32 $0x8, v7;
	s2 =	simm.s32 $0x0;
	[dreg:$0xc] =	wrdreg s0;
	s0 =	simm.s32 $0xC80  }
.LBB2_1:
0xc: {  	[dreg:$0xd] =	wrdreg s2;
	s2 =	simm.s32 $0x0  }
.LBB2_2:
0xd: {  	s1 =	rddreg [dreg:$0x9]  }
0xe: {  	s8 =	sadd.s32 s1, s2  }
0xf: {  	[dreg:$0xe] =	wrdreg s2;
	s2 =	sshll.u32 s8, $0x7  }
0x10: {  	s21 =	rddreg [dreg:$0xa];
	s3 =	sand.u32 $0x380, s2  }
0x11: {  	s22 =	rddreg [dreg:$0x5];
	s1 =	sor.u32 s21, s3  }
0x12: {  	s6 =	simm.s32 $0x80;
	s9 =	simm.s32 $0x400;
	s4 =	sshrl.u32 s1, $0x3  }
0x13: {  	s10 =	simm.s32 $0x3;
	s1 =	simm.s32 $0x0;
	s5 =	sadd.s32 s22, s4  }
0x14: {  	[tilespmem:s1], [sflag:$0x3] =	stream.strided.gather [hbm4b:s5+s6], $0x200, s9, s6, $0x38;
	[tilespmem:$0x1C080] =	vst v63  }
0x15: {  	_ =	swait.ge [sflag:s10], $0x200  }
0x16: {  	s23 =	rddreg [dreg:$0xb];
	[sflag:s10] =	ssyncset.done $0x0  }
0x17: {  	s3 =	sor.u32 s23, s3;
	[sflag:s10] =	ssyncadd.s32 $0xFFFFFE00  }
0x18: {  	s3 =	sshrl.u32 s3, $0x3;
	s24 =	rddreg [dreg:$0x1]  }
0x19: {  	s3 =	sadd.s32 s24, s3  }
0x1a: {  	[tilespmem:s11], [sflag:$0x3] =	stream.linear.gather [hbm4b:s3+s1], $0x80, $0x38;
	[tilespmem:$0x1C080] =	vst v63  }
0x1b: {  	_ =	swait.ge [sflag:s10], $0x80  }
0x1c: {  	[sflag:s10] =	ssyncset.done $0x0  }
0x1d: {  	[sflag:s10] =	ssyncadd.s32 $0xFFFFFF80  }
0x1e: {  	s25 =	rddreg [dreg:$0x3]  }
0x1f: {  	s3 =	sadd.s32 s25, s4  }
0x20: {  	[tilespmem:s13], [sflag:$0x3] =	stream.strided.gather [hbm4b:s3+s6], $0x200, s9, s6, $0x38;
	[tilespmem:$0x1C080] =	vst v63  }
0x21: {  	_ =	swait.ge [sflag:s10], $0x200  }
0x22: {  	[sflag:s10] =	ssyncset.done $0x0  }
0x23: {  	[sflag:s10] =	ssyncadd.s32 $0xFFFFFE00  }
0x24: {  	s26 =	sshll.u32 s8, $0xD;
	s28 =	rddreg [dreg:$0x2]  }
0x25: {  	s3 =	sadd.s32 s28, s26  }
0x26: {  	[tilespmem:s19], [sflag:$0x3] =	stream.linear.gather [hbm4b:s3+s1], $0x10000, $0x38;
	[tilespmem:$0x1C080] =	vst v63  }
0x27: {  	_ =	swait.ge [sflag:s10], $0x10000  }
0x28: {  	[sflag:s10] =	ssyncset.done $0x0;
	s29 =	rddreg [dreg:$0x7]  }
0x29: {  	s30 =	simm.s32 $0x10E80;
	[sflag:s10] =	ssyncadd.s32 $0xFFFF0000;
	s3 =	sadd.s32 s29, s4  }
0x2a: {  	[tilespmem:s30], [sflag:$0x3] =	stream.strided.gather [hbm4b:s3+s6], $0x200, s9, s6, $0x38;
	[tilespmem:$0x1C080] =	vst v63  }
0x2b: {  	_ =	swait.ge [sflag:s10], $0x200  }
0x2c: {  	v9 =	vmov s2;
	[sflag:s10] =	ssyncset.done $0x0  }
0x2d: {  	s2 =	simm.s32 $0x0;
	v10 =	vor.u32 $0x1, v9;
	[sflag:s10] =	ssyncadd.s32 $0xFFFFFE00  }
.LBB2_3:
0x2e: {  	s3 =	sshra.s32 s2, $0x2;
	v12 =	vld.idx.msk [tilespmem:v0+s11+$0x0], $0xffff  }
0x2f: {  	v11 =	vld [tilespmem:s3+$0x0];
	_ =	sdelay $0x4  }
0x30: {  	vm1 =	vlt.f32 v12, v11  }
0x31: {  	v12 =	vsel vm1, $0x60, v2;
	_ =	sdelay $0x4  }
0x32: {  	v13 =	vld.idx.msk [tilespmem:v12+s11+$0x0], $0xffff;
	_ =	sdelay $0x4  }
0x33: {  	v14 =	vsel vm1, $0x80, v0;
	vm2 =	vlt.f32 v13, v11  }
0x34: {  	v51 =	vsel vm1, $0x41, v1;
	v15 =	vor.u32 $0x1, v12;
	v12 =	vsel vm2, v14, v12  }
0x35: {  	v13 =	vsel vm2, v15, v51;
	v14 =	vadd.s32 $0xFFFFFFFF, v12  }
0x36: {  	v15 =	vxor.u32 v14, v13  }
0x37: {  	v14 =	vor.u32 v14, v13;
	v15 =	vshrl.u32 v15, $0x1  }
0x38: {  	v14 =	vsub.s32 v14, v15;
	_ =	sdelay $0x4  }
0x39: {  	v15 =	vld.idx.msk [tilespmem:v14+s11+$0x0], $0xffff;
	_ =	sdelay $0x4  }
0x3a: {  	v52 =	vor.u32 $0x1, v14;
	vm1 =	vlt.f32 v15, v11  }
0x3b: {  	v13 =	vsel vm1, v52, v13;
	v12 =	vsel vm1, v12, v14  }
0x3c: {  	v14 =	vxor.u32 v12, v13  }
0x3d: {  	v15 =	vand.u32 v12, v13;
	v14 =	vshrl.u32 v14, $0x1  }
0x3e: {  	v14 =	vadd.s32 v14, v15;
	_ =	sdelay $0x4  }
0x3f: {  	v15 =	vld.idx.msk [tilespmem:v14+s11+$0x0], $0xffff;
	_ =	sdelay $0x4  }
0x40: {  	v53 =	vadd.s32 $0x1, v14;
	vm1 =	vlt.f32 v15, v11  }
0x41: {  	v13 =	vsel vm1, v53, v13;
	v12 =	vsel vm1, v12, v14  }
0x42: {  	v14 =	vadd.s32 v12, v13  }
0x43: {  	v14 =	vshrl.u32 v14, $0x1;
	_ =	sdelay $0x4  }
0x44: {  	v54 =	vld.idx.msk [tilespmem:v14+s11+$0x0], $0xffff;
	_ =	sdelay $0x4  }
0x45: {  	v55 =	vadd.s32 $0x1, v14;
	vm1 =	vlt.f32 v54, v11  }
0x46: {  	v13 =	vsel vm1, v55, v13;
	v12 =	vsel vm1, v12, v14  }
0x47: {  	v14 =	vadd.s32 v12, v13  }
0x48: {  	v14 =	vshrl.u32 v14, $0x1;
	_ =	sdelay $0x4  }
0x49: {  	v56 =	vld.idx.msk [tilespmem:v14+s11+$0x0], $0xffff;
	_ =	sdelay $0x4  }
0x4a: {  	v57 =	vadd.s32 $0x1, v14;
	vm1 =	vlt.f32 v56, v11  }
0x4b: {  	v13 =	vsel vm1, v57, v13;
	v12 =	vsel vm1, v12, v14  }
0x4c: {  	v14 =	vadd.s32 v12, v13  }
0x4d: {  	v14 =	vshrl.u32 v14, $0x1;
	_ =	sdelay $0x4  }
0x4e: {  	v58 =	vld.idx.msk [tilespmem:v14+s11+$0x0], $0xffff;
	_ =	sdelay $0x4  }
0x4f: {  	v59 =	vadd.s32 $0x1, v14;
	vm1 =	vlt.f32 v58, v11  }
0x50: {  	v13 =	vsel vm1, v59, v13;
	v12 =	vsel vm1, v12, v14  }
0x51: {  	v12 =	vadd.s32 v12, v13  }
0x52: {  	v12 =	vshrl.u32 v12, $0x1  }
0x53: {  	v12 =	vmin.u32 v12, $0x7F;
	_ =	sdelay $0x4  }
0x54: {  	v60 =	vld.idx.msk [tilespmem:v12+s11+$0x0], $0xffff;
	_ =	sdelay $0x4  }
0x55: {  	v12 =	vadd.s32 $0x1, v12;
	vm1 =	vlt.f32 v60, v11  }
0x56: {  	v12 =	vsel vm1, v12, v13  }
0x57: {  	v12 =	vmin.u32 v12, $0x7E  }
0x58: {  	v61 =	vadd.s32 $0x1, v12;
	_ =	sdelay $0x3  }
0x59: {  	v62 =	vld.idx.msk [tilespmem:v12+s11+$0x0], $0xffff  }
0x5a: {  	v13 =	vld.idx.msk [tilespmem:v61+s11+$0x0], $0xffff;
	_ =	sdelay $0x4  }
0x5b: {  	v13 =	vsub.f32 v13, v62;
	_ =	sdelay $0x1  }
0x5c: {  	v13 =	vadd.f32 $9.999999930e-09, v13;
	_ =	sdelay $0x1  }
0x5d: {  	(erf) = vrcp.f32 v13;
	_ =	sdelay $0x7  }
0x5e: {  	v11 =	vsub.f32 v11, v62  }
0x5f: {  	p0 =	sne.s32 s2, $0x7C0;
	v13 =	vpop (erf)  }
.Ltmp0:
0x60: {  	v11 =	vmul.f32 v13, v11;
	(pc) =	sbr.rel @p0 .LBB2_3-.Ltmp0, $4  }
0x61: {  	v63 =	vor.u32 v9, v12  }
0x62: {  	v12 =	vadd.s32 v10, v12;
	[tilespmem:s3+$0x480] =	vst v63;
	v11 =	vmax.f32 v11, $0.0e+00  }
0x63: {  	[tilespmem:s3+$0x680] =	vst v12;
	v11 =	vmin.f32 v11, $1.000000000e+00  }
0x64: {  	s2 =	sadd.s32 $0x40, s2;
	[tilespmem:s3+$0x880] =	vst v11  }
.LBB2_4:
0x65: {  	s2 =	sshra.s32 s1, $0x2;
	v10 =	vld.idx.msk [tilespmem:v3+s13+$0x0], $0xffff  }
0x66: {  	v9 =	vld [tilespmem:s2+$0x0];
	_ =	sdelay $0x4  }
0x67: {  	vm1 =	vlt.f32 v10, v9  }
0x68: {  	v10 =	vsel vm1, $0x180, v5;
	_ =	sdelay $0x4  }
0x69: {  	v11 =	vld.idx.msk [tilespmem:v10+s13+$0x0], $0xffff;
	_ =	sdelay $0x4  }
0x6a: {  	v12 =	vsel vm1, $0x200, v3;
	vm2 =	vlt.f32 v11, v9  }
0x6b: {  	v13 =	vor.u32 $0x1, v10;
	v11 =	vsel vm1, $0x101, v1;
	v10 =	vsel vm2, v12, v10  }
0x6c: {  	v11 =	vsel vm2, v13, v11;
	v12 =	vadd.s32 $0xFFFFFFFF, v10  }
0x6d: {  	v13 =	vxor.u32 v12, v11  }
0x6e: {  	v12 =	vor.u32 v12, v11;
	v13 =	vshrl.u32 v13, $0x1  }
0x6f: {  	v12 =	vsub.s32 v12, v13;
	_ =	sdelay $0x4  }
0x70: {  	v13 =	vld.idx.msk [tilespmem:v12+s13+$0x0], $0xffff;
	_ =	sdelay $0x4  }
0x71: {  	v50 =	vor.u32 $0x1, v12;
	vm1 =	vlt.f32 v13, v9  }
0x72: {  	v11 =	vsel vm1, v50, v11;
	v10 =	vsel vm1, v10, v12  }
0x73: {  	v12 =	vxor.u32 v10, v11  }
0x74: {  	v13 =	vand.u32 v10, v11;
	v12 =	vshrl.u32 v12, $0x1  }
0x75: {  	v12 =	vadd.s32 v12, v13;
	_ =	sdelay $0x4  }
0x76: {  	v13 =	vld.idx.msk [tilespmem:v12+s13+$0x0], $0xffff;
	_ =	sdelay $0x4  }
0x77: {  	v51 =	vadd.s32 $0x1, v12;
	vm1 =	vlt.f32 v13, v9  }
0x78: {  	v11 =	vsel vm1, v51, v11;
	v10 =	vsel vm1, v10, v12  }
0x79: {  	v12 =	vadd.s32 v10, v11  }
0x7a: {  	v12 =	vshrl.u32 v12, $0x1;
	_ =	sdelay $0x4  }
0x7b: {  	v52 =	vld.idx.msk [tilespmem:v12+s13+$0x0], $0xffff;
	_ =	sdelay $0x4  }
0x7c: {  	v53 =	vadd.s32 $0x1, v12;
	vm1 =	vlt.f32 v52, v9  }
0x7d: {  	v11 =	vsel vm1, v53, v11;
	v10 =	vsel vm1, v10, v12  }
0x7e: {  	v12 =	vadd.s32 v10, v11  }
0x7f: {  	v12 =	vshrl.u32 v12, $0x1;
	_ =	sdelay $0x4  }
0x80: {  	v54 =	vld.idx.msk [tilespmem:v12+s13+$0x0], $0xffff;
	_ =	sdelay $0x4  }
0x81: {  	v55 =	vadd.s32 $0x1, v12;
	vm1 =	vlt.f32 v54, v9  }
0x82: {  	v11 =	vsel vm1, v55, v11;
	v10 =	vsel vm1, v10, v12  }
0x83: {  	v12 =	vadd.s32 v10, v11  }
0x84: {  	v12 =	vshrl.u32 v12, $0x1;
	_ =	sdelay $0x4  }
0x85: {  	v56 =	vld.idx.msk [tilespmem:v12+s13+$0x0], $0xffff;
	_ =	sdelay $0x4  }
0x86: {  	v57 =	vadd.s32 $0x1, v12;
	vm1 =	vlt.f32 v56, v9  }
0x87: {  	v11 =	vsel vm1, v57, v11;
	v10 =	vsel vm1, v10, v12  }
0x88: {  	v12 =	vadd.s32 v10, v11  }
0x89: {  	v12 =	vshrl.u32 v12, $0x1;
	_ =	sdelay $0x4  }
0x8a: {  	v58 =	vld.idx.msk [tilespmem:v12+s13+$0x0], $0xffff;
	_ =	sdelay $0x4  }
0x8b: {  	v59 =	vadd.s32 $0x1, v12;
	vm1 =	vlt.f32 v58, v9  }
0x8c: {  	v11 =	vsel vm1, v59, v11;
	v10 =	vsel vm1, v10, v12  }
0x8d: {  	v12 =	vadd.s32 v10, v11  }
0x8e: {  	v12 =	vshrl.u32 v12, $0x1;
	_ =	sdelay $0x4  }
0x8f: {  	v60 =	vld.idx.msk [tilespmem:v12+s13+$0x0], $0xffff;
	_ =	sdelay $0x4  }
0x90: {  	v61 =	vadd.s32 $0x1, v12;
	vm1 =	vlt.f32 v60, v9  }
0x91: {  	v11 =	vsel vm1, v61, v11;
	v10 =	vsel vm1, v10, v12  }
0x92: {  	v10 =	vadd.s32 v10, v11  }
0x93: {  	v10 =	vshrl.u32 v10, $0x1  }
0x94: {  	v10 =	vmin.u32 v10, $0x1FF;
	_ =	sdelay $0x4  }
0x95: {  	v62 =	vld.idx.msk [tilespmem:v10+s13+$0x0], $0xffff;
	_ =	sdelay $0x4  }
0x96: {  	v10 =	vadd.s32 $0x1, v10;
	vm1 =	vlt.f32 v62, v9  }
0x97: {  	v10 =	vsel vm1, v10, v11  }
0x98: {  	v10 =	vmin.u32 v10, $0x1FE  }
0x99: {  	v11 =	vadd.s32 $0x1, v10;
	_ =	sdelay $0x3  }
0x9a: {  	v63 =	vld.idx.msk [tilespmem:v10+s13+$0x0], $0xffff  }
0x9b: {  	v11 =	vld.idx.msk [tilespmem:v11+s13+$0x0], $0xffff;
	_ =	sdelay $0x4  }
0x9c: {  	v11 =	vsub.f32 v11, v63;
	_ =	sdelay $0x1  }
0x9d: {  	v11 =	vadd.f32 $9.999999930e-09, v11;
	_ =	sdelay $0x1  }
0x9e: {  	(erf) = vrcp.f32 v11;
	_ =	sdelay $0x7  }
0x9f: {  	v9 =	vsub.f32 v9, v63  }
0xa0: {  	p0 =	sne.s32 s1, $0x7C0;
	v11 =	vpop (erf)  }
.Ltmp1:
0xa1: {  	v9 =	vmul.f32 v11, v9;
	(pc) =	sbr.rel @p0 .LBB2_4-.Ltmp1, $4  }
0xa2: {  	_ = 	snop  }
0xa3: {  	v9 =	vmax.f32 v9, $0.0e+00  }
0xa4: {  	[tilespmem:s2+$0xA80] =	vst v10;
	v9 =	vmin.f32 v9, $1.000000000e+00  }
0xa5: {  	s1 =	sadd.s32 $0x40, s1;
	s3 =	simm.s32 $0x0;
	[tilespmem:s2+$0xC80] =	vst v9  }
0xa6: {  	s1 =	simm.s32 $0x0  }
0xa7: {  	v9 =	vld [tilespmem:$0x10E80];
	s1 =	smul.u32 $0x7000, s1;
	_ =	sdelay $0x1  }
0xa8: {  	s2 =	sand.u32 $0x380, s3;
	s1 =	sshra.s32 s1, $0x2  }
0xa9: {  	s2 =	sor.u32 s2, s1  }
0xaa: {  	s1 =	sadd.s32 $0x11880, s2  }
0xab: {  	[tilespmem:s1+$0x40] =	vst v9  }
0xac: {  	v9 =	vld [tilespmem:$0x10E90];
	_ =	sdelay $0x4  }
0xad: {  	[tilespmem:s1+$0x50] =	vst v9  }
0xae: {  	v9 =	vld [tilespmem:$0x10EA0];
	_ =	sdelay $0x4  }
0xaf: {  	[tilespmem:s1+$0x60] =	vst v9  }
0xb0: {  	v9 =	vld [tilespmem:$0x10EB0];
	_ =	sdelay $0x4  }
0xb1: {  	[tilespmem:s1+$0x70] =	vst v9  }
0xb2: {  	v9 =	vld [tilespmem:$0x10EC0];
	_ =	sdelay $0x4  }
0xb3: {  	[tilespmem:s2+$0x11C80] =	vst v9  }
0xb4: {  	v9 =	vld [tilespmem:$0x10ED0];
	_ =	sdelay $0x3  }
0xb5: {  	s28 =	sadd.s32 $0x11C80, s2  }
0xb6: {  	[tilespmem:s28+$0x10] =	vst v9  }
0xb7: {  	v9 =	vld [tilespmem:$0x10EE0];
	_ =	sdelay $0x4  }
0xb8: {  	[tilespmem:s28+$0x20] =	vst v9  }
0xb9: {  	v9 =	vld [tilespmem:$0x10EF0];
	_ =	sdelay $0x4  }
0xba: {  	[tilespmem:s28+$0x30] =	vst v9  }
0xbb: {  	v9 =	vld [tilespmem:$0x10F00];
	_ =	sdelay $0x4  }
0xbc: {  	[tilespmem:s28+$0x40] =	vst v9  }
0xbd: {  	v9 =	vld [tilespmem:$0x10F10];
	_ =	sdelay $0x4  }
0xbe: {  	[tilespmem:s28+$0x50] =	vst v9  }
0xbf: {  	v9 =	vld [tilespmem:$0x10F20];
	_ =	sdelay $0x4  }
0xc0: {  	[tilespmem:s28+$0x60] =	vst v9  }
0xc1: {  	v9 =	vld [tilespmem:$0x10F30];
	_ =	sdelay $0x4  }
0xc2: {  	[tilespmem:s28+$0x70] =	vst v9  }
0xc3: {  	v9 =	vld [tilespmem:$0x10F40];
	_ =	sdelay $0x4  }
0xc4: {  	[tilespmem:s2+$0x12080] =	vst v9  }
0xc5: {  	v9 =	vld [tilespmem:$0x10F50];
	_ =	sdelay $0x3  }
0xc6: {  	s29 =	sadd.s32 $0x12080, s2  }
0xc7: {  	[tilespmem:s29+$0x10] =	vst v9  }
0xc8: {  	v9 =	vld [tilespmem:$0x10F60];
	_ =	sdelay $0x4  }
0xc9: {  	[tilespmem:s29+$0x20] =	vst v9  }
0xca: {  	v9 =	vld [tilespmem:$0x10F70];
	_ =	sdelay $0x4  }
0xcb: {  	[tilespmem:s29+$0x30] =	vst v9  }
0xcc: {  	v9 =	vld [tilespmem:$0x10F80];
	_ =	sdelay $0x4  }
0xcd: {  	[tilespmem:s29+$0x40] =	vst v9  }
0xce: {  	v9 =	vld [tilespmem:$0x10F90];
	_ =	sdelay $0x4  }
0xcf: {  	[tilespmem:s29+$0x50] =	vst v9  }
0xd0: {  	v9 =	vld [tilespmem:$0x10FA0];
	_ =	sdelay $0x4  }
0xd1: {  	[tilespmem:s29+$0x60] =	vst v9  }
0xd2: {  	v9 =	vld [tilespmem:$0x10FB0];
	_ =	sdelay $0x4  }
0xd3: {  	[tilespmem:s29+$0x70] =	vst v9  }
0xd4: {  	v9 =	vld [tilespmem:$0x10FC0];
	_ =	sdelay $0x4  }
0xd5: {  	[tilespmem:s2+$0x12480] =	vst v9  }
0xd6: {  	v9 =	vld [tilespmem:$0x10FD0];
	_ =	sdelay $0x3  }
0xd7: {  	s30 =	sadd.s32 $0x12480, s2  }
0xd8: {  	[tilespmem:s30+$0x10] =	vst v9  }
0xd9: {  	v9 =	vld [tilespmem:$0x10FE0];
	_ =	sdelay $0x4  }
0xda: {  	[tilespmem:s30+$0x20] =	vst v9  }
0xdb: {  	v9 =	vld [tilespmem:$0x10FF0];
	_ =	sdelay $0x4  }
0xdc: {  	[tilespmem:s30+$0x30] =	vst v9  }
0xdd: {  	v9 =	vld [tilespmem:$0x11000];
	_ =	sdelay $0x4  }
0xde: {  	[tilespmem:s30+$0x40] =	vst v9  }
0xdf: {  	v9 =	vld [tilespmem:$0x11010];
	_ =	sdelay $0x4  }
0xe0: {  	[tilespmem:s30+$0x50] =	vst v9  }
0xe1: {  	v9 =	vld [tilespmem:$0x11020];
	_ =	sdelay $0x4  }
0xe2: {  	[tilespmem:s30+$0x60] =	vst v9  }
0xe3: {  	v9 =	vld [tilespmem:$0x11030];
	_ =	sdelay $0x4  }
0xe4: {  	[tilespmem:s30+$0x70] =	vst v9  }
0xe5: {  	v9 =	vld [tilespmem:$0x11040];
	_ =	sdelay $0x4  }
0xe6: {  	[tilespmem:s2+$0x12880] =	vst v9  }
0xe7: {  	v9 =	vld [tilespmem:$0x11050];
	_ =	sdelay $0x3  }
0xe8: {  	s9 =	sadd.s32 $0x12880, s2  }
0xe9: {  	[tilespmem:s9+$0x10] =	vst v9  }
0xea: {  	v9 =	vld [tilespmem:$0x11060];
	_ =	sdelay $0x4  }
0xeb: {  	s4 =	simm.s32 $0x1;
	[tilespmem:s9+$0x20] =	vst v9  }
0xec: {  	s10 =	simm.s32 $0x2;
	s5 =	simm.s32 $0x1;
	s1 =	simm.s32 $0x0;
	v9 =	vld [tilespmem:$0x11070]  }
.LBB2_6:
0xed: {  	_ =	sdelay $0x2  }
0xee: {  	s11 =	sshrl.u32 s5, $0x3  }
0xef: {  	s1 =	sadd.s32 $0x80, s1;
	s5 =	smov.u32 s10;
	s6 =	sadd.s32 $0x1, s10;
	[tilespmem:s9+$0x30] =	vst v9  }
0xf0: {  	p0 =	sne.s32 s10, $0xF;
	s9 =	smul.u32 $0x7000, s11;
	v9 =	vld [tilespmem:$0x10E80];
	_ =	sdelay $0x1  }
0xf1: {  	s10 =	sand.u32 $0x380, s1;
	s9 =	sshra.s32 s9, $0x2  }
0xf2: {  	s9 =	sor.u32 s10, s9  }
0xf3: {  	s10 =	sadd.s32 $0x11880, s9  }
0xf4: {  	[tilespmem:s10+$0x40] =	vst v9  }
0xf5: {  	v9 =	vld [tilespmem:$0x10E90];
	_ =	sdelay $0x4  }
0xf6: {  	[tilespmem:s10+$0x50] =	vst v9  }
0xf7: {  	v9 =	vld [tilespmem:$0x10EA0];
	_ =	sdelay $0x4  }
0xf8: {  	[tilespmem:s10+$0x60] =	vst v9  }
0xf9: {  	v9 =	vld [tilespmem:$0x10EB0];
	_ =	sdelay $0x4  }
0xfa: {  	[tilespmem:s10+$0x70] =	vst v9  }
0xfb: {  	v9 =	vld [tilespmem:$0x10EC0];
	_ =	sdelay $0x4  }
0xfc: {  	[tilespmem:s9+$0x11C80] =	vst v9  }
0xfd: {  	v9 =	vld [tilespmem:$0x10ED0];
	_ =	sdelay $0x3  }
0xfe: {  	s10 =	sadd.s32 $0x11C80, s9  }
0xff: {  	[tilespmem:s10+$0x10] =	vst v9  }
0x100: {  	v9 =	vld [tilespmem:$0x10EE0];
	_ =	sdelay $0x4  }
0x101: {  	[tilespmem:s10+$0x20] =	vst v9  }
0x102: {  	v9 =	vld [tilespmem:$0x10EF0];
	_ =	sdelay $0x4  }
0x103: {  	[tilespmem:s10+$0x30] =	vst v9  }
0x104: {  	v9 =	vld [tilespmem:$0x10F00];
	_ =	sdelay $0x4  }
0x105: {  	[tilespmem:s10+$0x40] =	vst v9  }
0x106: {  	v9 =	vld [tilespmem:$0x10F10];
	_ =	sdelay $0x4  }
0x107: {  	[tilespmem:s10+$0x50] =	vst v9  }
0x108: {  	v9 =	vld [tilespmem:$0x10F20];
	_ =	sdelay $0x4  }
0x109: {  	[tilespmem:s10+$0x60] =	vst v9  }
0x10a: {  	v9 =	vld [tilespmem:$0x10F30];
	_ =	sdelay $0x4  }
0x10b: {  	[tilespmem:s10+$0x70] =	vst v9  }
0x10c: {  	v9 =	vld [tilespmem:$0x10F40];
	_ =	sdelay $0x4  }
0x10d: {  	[tilespmem:s9+$0x12080] =	vst v9  }
0x10e: {  	v9 =	vld [tilespmem:$0x10F50];
	_ =	sdelay $0x3  }
0x10f: {  	s10 =	sadd.s32 $0x12080, s9  }
0x110: {  	[tilespmem:s10+$0x10] =	vst v9  }
0x111: {  	v9 =	vld [tilespmem:$0x10F60];
	_ =	sdelay $0x4  }
0x112: {  	[tilespmem:s10+$0x20] =	vst v9  }
0x113: {  	v9 =	vld [tilespmem:$0x10F70];
	_ =	sdelay $0x4  }
0x114: {  	[tilespmem:s10+$0x30] =	vst v9  }
0x115: {  	v9 =	vld [tilespmem:$0x10F80];
	_ =	sdelay $0x4  }
0x116: {  	[tilespmem:s10+$0x40] =	vst v9  }
0x117: {  	v9 =	vld [tilespmem:$0x10F90];
	_ =	sdelay $0x4  }
0x118: {  	[tilespmem:s10+$0x50] =	vst v9  }
0x119: {  	v9 =	vld [tilespmem:$0x10FA0];
	_ =	sdelay $0x4  }
0x11a: {  	[tilespmem:s10+$0x60] =	vst v9  }
0x11b: {  	v9 =	vld [tilespmem:$0x10FB0];
	_ =	sdelay $0x4  }
0x11c: {  	[tilespmem:s10+$0x70] =	vst v9  }
0x11d: {  	v9 =	vld [tilespmem:$0x10FC0];
	_ =	sdelay $0x4  }
0x11e: {  	[tilespmem:s9+$0x12480] =	vst v9  }
0x11f: {  	v9 =	vld [tilespmem:$0x10FD0];
	_ =	sdelay $0x3  }
0x120: {  	s10 =	sadd.s32 $0x12480, s9  }
0x121: {  	[tilespmem:s10+$0x10] =	vst v9  }
0x122: {  	v9 =	vld [tilespmem:$0x10FE0];
	_ =	sdelay $0x4  }
0x123: {  	[tilespmem:s10+$0x20] =	vst v9  }
0x124: {  	v9 =	vld [tilespmem:$0x10FF0];
	_ =	sdelay $0x4  }
0x125: {  	[tilespmem:s10+$0x30] =	vst v9  }
0x126: {  	v9 =	vld [tilespmem:$0x11000];
	_ =	sdelay $0x4  }
0x127: {  	[tilespmem:s10+$0x40] =	vst v9  }
0x128: {  	v9 =	vld [tilespmem:$0x11010];
	_ =	sdelay $0x4  }
0x129: {  	[tilespmem:s10+$0x50] =	vst v9  }
0x12a: {  	v9 =	vld [tilespmem:$0x11020];
	_ =	sdelay $0x4  }
0x12b: {  	[tilespmem:s10+$0x60] =	vst v9  }
0x12c: {  	v9 =	vld [tilespmem:$0x11030];
	_ =	sdelay $0x4  }
0x12d: {  	[tilespmem:s10+$0x70] =	vst v9  }
0x12e: {  	v9 =	vld [tilespmem:$0x11040];
	_ =	sdelay $0x4  }
0x12f: {  	[tilespmem:s9+$0x12880] =	vst v9  }
0x130: {  	v9 =	vld [tilespmem:$0x11050];
	_ =	sdelay $0x3  }
0x131: {  	s9 =	sadd.s32 $0x12880, s9  }
0x132: {  	[tilespmem:s9+$0x10] =	vst v9  }
0x133: {  	v9 =	vld [tilespmem:$0x11060];
	_ =	sdelay $0x1  }
.Ltmp2:
0x134: {  	(pc) =	sbr.rel @p0 .LBB2_6-.Ltmp2, $3  }
0x135: {  	_ =	sdelay $0x1  }
0x136: {  	[tilespmem:s9+$0x20] =	vst v9  }
0x137: {  	s10 =	smov.u32 s6;
	v9 =	vld [tilespmem:$0x11070]  }
0x138: {  	_ =	sdelay $0x3  }
0x139: {  	s5 =	sshrl.u32 s5, $0x3;
	[tilespmem:s9+$0x30] =	vst v9  }
0x13a: {  	s5 =	smul.u32 $0x7000, s5;
	v9 =	vld [tilespmem:$0x10E80]  }
0x13b: {  	s1 =	sadd.s32 $0x80, s1  }
0x13c: {  	s1 =	sand.u32 $0x380, s1;
	s5 =	sshra.s32 s5, $0x2  }
0x13d: {  	s1 =	sor.u32 s1, s5  }
0x13e: {  	s5 =	sadd.s32 $0x11880, s1  }
0x13f: {  	[tilespmem:s5+$0x40] =	vst v9  }
0x140: {  	v9 =	vld [tilespmem:$0x10E90];
	_ =	sdelay $0x4  }
0x141: {  	[tilespmem:s5+$0x50] =	vst v9  }
0x142: {  	v9 =	vld [tilespmem:$0x10EA0];
	_ =	sdelay $0x4  }
0x143: {  	[tilespmem:s5+$0x60] =	vst v9  }
0x144: {  	v9 =	vld [tilespmem:$0x10EB0];
	_ =	sdelay $0x4  }
0x145: {  	[tilespmem:s5+$0x70] =	vst v9  }
0x146: {  	v9 =	vld [tilespmem:$0x10EC0];
	_ =	sdelay $0x4  }
0x147: {  	[tilespmem:s1+$0x11C80] =	vst v9  }
0x148: {  	v9 =	vld [tilespmem:$0x10ED0];
	_ =	sdelay $0x3  }
0x149: {  	s23 =	sadd.s32 $0x11C80, s1  }
0x14a: {  	[tilespmem:s23+$0x10] =	vst v9  }
0x14b: {  	v9 =	vld [tilespmem:$0x10EE0];
	_ =	sdelay $0x4  }
0x14c: {  	[tilespmem:s23+$0x20] =	vst v9  }
0x14d: {  	v9 =	vld [tilespmem:$0x10EF0];
	_ =	sdelay $0x4  }
0x14e: {  	[tilespmem:s23+$0x30] =	vst v9  }
0x14f: {  	v9 =	vld [tilespmem:$0x10F00];
	_ =	sdelay $0x4  }
0x150: {  	[tilespmem:s23+$0x40] =	vst v9  }
0x151: {  	v9 =	vld [tilespmem:$0x10F10];
	_ =	sdelay $0x4  }
0x152: {  	[tilespmem:s23+$0x50] =	vst v9  }
0x153: {  	v9 =	vld [tilespmem:$0x10F20];
	_ =	sdelay $0x4  }
0x154: {  	[tilespmem:s23+$0x60] =	vst v9  }
0x155: {  	v9 =	vld [tilespmem:$0x10F30];
	_ =	sdelay $0x4  }
0x156: {  	[tilespmem:s23+$0x70] =	vst v9  }
0x157: {  	v9 =	vld [tilespmem:$0x10F40];
	_ =	sdelay $0x4  }
0x158: {  	[tilespmem:s1+$0x12080] =	vst v9  }
0x159: {  	v9 =	vld [tilespmem:$0x10F50];
	_ =	sdelay $0x3  }
0x15a: {  	s24 =	sadd.s32 $0x12080, s1  }
0x15b: {  	[tilespmem:s24+$0x10] =	vst v9  }
0x15c: {  	v9 =	vld [tilespmem:$0x10F60];
	_ =	sdelay $0x4  }
0x15d: {  	[tilespmem:s24+$0x20] =	vst v9  }
0x15e: {  	v9 =	vld [tilespmem:$0x10F70];
	_ =	sdelay $0x4  }
0x15f: {  	[tilespmem:s24+$0x30] =	vst v9  }
0x160: {  	v9 =	vld [tilespmem:$0x10F80];
	_ =	sdelay $0x4  }
0x161: {  	[tilespmem:s24+$0x40] =	vst v9  }
0x162: {  	v9 =	vld [tilespmem:$0x10F90];
	_ =	sdelay $0x4  }
0x163: {  	[tilespmem:s24+$0x50] =	vst v9  }
0x164: {  	v9 =	vld [tilespmem:$0x10FA0];
	_ =	sdelay $0x4  }
0x165: {  	[tilespmem:s24+$0x60] =	vst v9  }
0x166: {  	v9 =	vld [tilespmem:$0x10FB0];
	_ =	sdelay $0x4  }
0x167: {  	[tilespmem:s24+$0x70] =	vst v9  }
0x168: {  	v9 =	vld [tilespmem:$0x10FC0];
	_ =	sdelay $0x4  }
0x169: {  	[tilespmem:s1+$0x12480] =	vst v9  }
0x16a: {  	v9 =	vld [tilespmem:$0x10FD0];
	_ =	sdelay $0x3  }
0x16b: {  	s25 =	sadd.s32 $0x12480, s1  }
0x16c: {  	[tilespmem:s25+$0x10] =	vst v9  }
0x16d: {  	v9 =	vld [tilespmem:$0x10FE0];
	_ =	sdelay $0x4  }
0x16e: {  	[tilespmem:s25+$0x20] =	vst v9  }
0x16f: {  	v9 =	vld [tilespmem:$0x10FF0];
	_ =	sdelay $0x4  }
0x170: {  	[tilespmem:s25+$0x30] =	vst v9  }
0x171: {  	v9 =	vld [tilespmem:$0x11000];
	_ =	sdelay $0x4  }
0x172: {  	[tilespmem:s25+$0x40] =	vst v9  }
0x173: {  	v9 =	vld [tilespmem:$0x11010];
	_ =	sdelay $0x4  }
0x174: {  	[tilespmem:s25+$0x50] =	vst v9  }
0x175: {  	v9 =	vld [tilespmem:$0x11020];
	_ =	sdelay $0x4  }
0x176: {  	[tilespmem:s25+$0x60] =	vst v9  }
0x177: {  	v9 =	vld [tilespmem:$0x11030];
	_ =	sdelay $0x4  }
0x178: {  	[tilespmem:s25+$0x70] =	vst v9  }
0x179: {  	v9 =	vld [tilespmem:$0x11040];
	_ =	sdelay $0x4  }
0x17a: {  	[tilespmem:s1+$0x12880] =	vst v9  }
0x17b: {  	v9 =	vld [tilespmem:$0x11050];
	_ =	sdelay $0x3  }
0x17c: {  	s1 =	sadd.s32 $0x12880, s1  }
0x17d: {  	[tilespmem:s1+$0x10] =	vst v9  }
0x17e: {  	v9 =	vld [tilespmem:$0x11060];
	_ =	sdelay $0x4  }
0x17f: {  	[tilespmem:s1+$0x20] =	vst v9  }
0x180: {  	v9 =	vld [tilespmem:$0x11070];
	_ =	sdelay $0x4  }
0x181: {  	[tilespmem:s1+$0x30] =	vst v9  }
0x182: {  	v9 =	vld [tilespmem:$0x10E80];
	_ =	sdelay $0x3  }
0x183: {  	s26 =	sadd.s32 $0x15080, s2  }
0x184: {  	[tilespmem:s26+$0x40] =	vst v9  }
0x185: {  	v9 =	vld [tilespmem:$0x10E90];
	_ =	sdelay $0x4  }
0x186: {  	[tilespmem:s26+$0x50] =	vst v9  }
0x187: {  	v9 =	vld [tilespmem:$0x10EA0];
	_ =	sdelay $0x4  }
0x188: {  	[tilespmem:s26+$0x60] =	vst v9  }
0x189: {  	v9 =	vld [tilespmem:$0x10EB0];
	_ =	sdelay $0x4  }
0x18a: {  	[tilespmem:s26+$0x70] =	vst v9  }
0x18b: {  	v9 =	vld [tilespmem:$0x10EC0];
	_ =	sdelay $0x4  }
0x18c: {  	[tilespmem:s2+$0x15480] =	vst v9  }
0x18d: {  	v9 =	vld [tilespmem:$0x10ED0];
	_ =	sdelay $0x3  }
0x18e: {  	s28 =	sadd.s32 $0x15480, s2  }
0x18f: {  	[tilespmem:s28+$0x10] =	vst v9  }
0x190: {  	v9 =	vld [tilespmem:$0x10EE0];
	_ =	sdelay $0x4  }
0x191: {  	[tilespmem:s28+$0x20] =	vst v9  }
0x192: {  	v9 =	vld [tilespmem:$0x10EF0];
	_ =	sdelay $0x4  }
0x193: {  	[tilespmem:s28+$0x30] =	vst v9  }
0x194: {  	v9 =	vld [tilespmem:$0x10F00];
	_ =	sdelay $0x4  }
0x195: {  	[tilespmem:s28+$0x40] =	vst v9  }
0x196: {  	v9 =	vld [tilespmem:$0x10F10];
	_ =	sdelay $0x4  }
0x197: {  	[tilespmem:s28+$0x50] =	vst v9  }
0x198: {  	v9 =	vld [tilespmem:$0x10F20];
	_ =	sdelay $0x4  }
0x199: {  	[tilespmem:s28+$0x60] =	vst v9  }
0x19a: {  	v9 =	vld [tilespmem:$0x10F30];
	_ =	sdelay $0x4  }
0x19b: {  	[tilespmem:s28+$0x70] =	vst v9  }
0x19c: {  	v9 =	vld [tilespmem:$0x10F40];
	_ =	sdelay $0x4  }
0x19d: {  	[tilespmem:s2+$0x15880] =	vst v9  }
0x19e: {  	v9 =	vld [tilespmem:$0x10F50];
	_ =	sdelay $0x3  }
0x19f: {  	s29 =	sadd.s32 $0x15880, s2  }
0x1a0: {  	[tilespmem:s29+$0x10] =	vst v9  }
0x1a1: {  	v9 =	vld [tilespmem:$0x10F60];
	_ =	sdelay $0x4  }
0x1a2: {  	[tilespmem:s29+$0x20] =	vst v9  }
0x1a3: {  	v9 =	vld [tilespmem:$0x10F70];
	_ =	sdelay $0x4  }
0x1a4: {  	[tilespmem:s29+$0x30] =	vst v9  }
0x1a5: {  	v9 =	vld [tilespmem:$0x10F80];
	_ =	sdelay $0x4  }
0x1a6: {  	[tilespmem:s29+$0x40] =	vst v9  }
0x1a7: {  	v9 =	vld [tilespmem:$0x10F90];
	_ =	sdelay $0x4  }
0x1a8: {  	[tilespmem:s29+$0x50] =	vst v9  }
0x1a9: {  	v9 =	vld [tilespmem:$0x10FA0];
	_ =	sdelay $0x4  }
0x1aa: {  	[tilespmem:s29+$0x60] =	vst v9  }
0x1ab: {  	v9 =	vld [tilespmem:$0x10FB0];
	_ =	sdelay $0x4  }
0x1ac: {  	[tilespmem:s29+$0x70] =	vst v9  }
0x1ad: {  	v9 =	vld [tilespmem:$0x10FC0];
	_ =	sdelay $0x4  }
0x1ae: {  	[tilespmem:s2+$0x15C80] =	vst v9  }
0x1af: {  	v9 =	vld [tilespmem:$0x10FD0];
	_ =	sdelay $0x3  }
0x1b0: {  	s30 =	sadd.s32 $0x15C80, s2  }
0x1b1: {  	[tilespmem:s30+$0x10] =	vst v9  }
0x1b2: {  	v9 =	vld [tilespmem:$0x10FE0];
	_ =	sdelay $0x4  }
0x1b3: {  	[tilespmem:s30+$0x20] =	vst v9  }
0x1b4: {  	v9 =	vld [tilespmem:$0x10FF0];
	_ =	sdelay $0x4  }
0x1b5: {  	[tilespmem:s30+$0x30] =	vst v9  }
0x1b6: {  	v9 =	vld [tilespmem:$0x11000];
	_ =	sdelay $0x4  }
0x1b7: {  	[tilespmem:s30+$0x40] =	vst v9  }
0x1b8: {  	v9 =	vld [tilespmem:$0x11010];
	_ =	sdelay $0x4  }
0x1b9: {  	[tilespmem:s30+$0x50] =	vst v9  }
0x1ba: {  	v9 =	vld [tilespmem:$0x11020];
	_ =	sdelay $0x4  }
0x1bb: {  	[tilespmem:s30+$0x60] =	vst v9  }
0x1bc: {  	v9 =	vld [tilespmem:$0x11030];
	_ =	sdelay $0x4  }
0x1bd: {  	[tilespmem:s30+$0x70] =	vst v9  }
0x1be: {  	v9 =	vld [tilespmem:$0x11040];
	_ =	sdelay $0x4  }
0x1bf: {  	[tilespmem:s2+$0x16080] =	vst v9  }
0x1c0: {  	v9 =	vld [tilespmem:$0x11050];
	_ =	sdelay $0x3  }
0x1c1: {  	s2 =	sadd.s32 $0x16080, s2  }
0x1c2: {  	[tilespmem:s2+$0x10] =	vst v9  }
0x1c3: {  	v9 =	vld [tilespmem:$0x11060];
	_ =	sdelay $0x4  }
0x1c4: {  	[tilespmem:s2+$0x20] =	vst v9  }
0x1c5: {  	s5 =	simm.s32 $0x2;
	v9 =	vld [tilespmem:$0x11070]  }
.LBB2_8:
0x1c6: {  	_ =	sdelay $0x2  }
0x1c7: {  	s6 =	sshrl.u32 s4, $0x3  }
0x1c8: {  	s3 =	sadd.s32 $0x80, s3;
	s4 =	smov.u32 s5;
	s1 =	sadd.s32 $0x1, s5;
	[tilespmem:s2+$0x30] =	vst v9  }
0x1c9: {  	p0 =	sne.s32 s5, $0xF;
	s2 =	smul.u32 $0x7000, s6;
	v9 =	vld [tilespmem:$0x10E80];
	_ =	sdelay $0x1  }
0x1ca: {  	s5 =	sand.u32 $0x380, s3;
	s2 =	sshra.s32 s2, $0x2  }
0x1cb: {  	s2 =	sor.u32 s5, s2  }
0x1cc: {  	s5 =	sadd.s32 $0x15080, s2  }
0x1cd: {  	[tilespmem:s5+$0x40] =	vst v9  }
0x1ce: {  	v9 =	vld [tilespmem:$0x10E90];
	_ =	sdelay $0x4  }
0x1cf: {  	[tilespmem:s5+$0x50] =	vst v9  }
0x1d0: {  	v9 =	vld [tilespmem:$0x10EA0];
	_ =	sdelay $0x4  }
0x1d1: {  	[tilespmem:s5+$0x60] =	vst v9  }
0x1d2: {  	v9 =	vld [tilespmem:$0x10EB0];
	_ =	sdelay $0x4  }
0x1d3: {  	[tilespmem:s5+$0x70] =	vst v9  }
0x1d4: {  	v9 =	vld [tilespmem:$0x10EC0];
	_ =	sdelay $0x4  }
0x1d5: {  	[tilespmem:s2+$0x15480] =	vst v9  }
0x1d6: {  	v9 =	vld [tilespmem:$0x10ED0];
	_ =	sdelay $0x3  }
0x1d7: {  	s5 =	sadd.s32 $0x15480, s2  }
0x1d8: {  	[tilespmem:s5+$0x10] =	vst v9  }
0x1d9: {  	v9 =	vld [tilespmem:$0x10EE0];
	_ =	sdelay $0x4  }
0x1da: {  	[tilespmem:s5+$0x20] =	vst v9  }
0x1db: {  	v9 =	vld [tilespmem:$0x10EF0];
	_ =	sdelay $0x4  }
0x1dc: {  	[tilespmem:s5+$0x30] =	vst v9  }
0x1dd: {  	v9 =	vld [tilespmem:$0x10F00];
	_ =	sdelay $0x4  }
0x1de: {  	[tilespmem:s5+$0x40] =	vst v9  }
0x1df: {  	v9 =	vld [tilespmem:$0x10F10];
	_ =	sdelay $0x4  }
0x1e0: {  	[tilespmem:s5+$0x50] =	vst v9  }
0x1e1: {  	v9 =	vld [tilespmem:$0x10F20];
	_ =	sdelay $0x4  }
0x1e2: {  	[tilespmem:s5+$0x60] =	vst v9  }
0x1e3: {  	v9 =	vld [tilespmem:$0x10F30];
	_ =	sdelay $0x4  }
0x1e4: {  	[tilespmem:s5+$0x70] =	vst v9  }
0x1e5: {  	v9 =	vld [tilespmem:$0x10F40];
	_ =	sdelay $0x4  }
0x1e6: {  	[tilespmem:s2+$0x15880] =	vst v9  }
0x1e7: {  	v9 =	vld [tilespmem:$0x10F50];
	_ =	sdelay $0x3  }
0x1e8: {  	s5 =	sadd.s32 $0x15880, s2  }
0x1e9: {  	[tilespmem:s5+$0x10] =	vst v9  }
0x1ea: {  	v9 =	vld [tilespmem:$0x10F60];
	_ =	sdelay $0x4  }
0x1eb: {  	[tilespmem:s5+$0x20] =	vst v9  }
0x1ec: {  	v9 =	vld [tilespmem:$0x10F70];
	_ =	sdelay $0x4  }
0x1ed: {  	[tilespmem:s5+$0x30] =	vst v9  }
0x1ee: {  	v9 =	vld [tilespmem:$0x10F80];
	_ =	sdelay $0x4  }
0x1ef: {  	[tilespmem:s5+$0x40] =	vst v9  }
0x1f0: {  	v9 =	vld [tilespmem:$0x10F90];
	_ =	sdelay $0x4  }
0x1f1: {  	[tilespmem:s5+$0x50] =	vst v9  }
0x1f2: {  	v9 =	vld [tilespmem:$0x10FA0];
	_ =	sdelay $0x4  }
0x1f3: {  	[tilespmem:s5+$0x60] =	vst v9  }
0x1f4: {  	v9 =	vld [tilespmem:$0x10FB0];
	_ =	sdelay $0x4  }
0x1f5: {  	[tilespmem:s5+$0x70] =	vst v9  }
0x1f6: {  	v9 =	vld [tilespmem:$0x10FC0];
	_ =	sdelay $0x4  }
0x1f7: {  	[tilespmem:s2+$0x15C80] =	vst v9  }
0x1f8: {  	v9 =	vld [tilespmem:$0x10FD0];
	_ =	sdelay $0x3  }
0x1f9: {  	s5 =	sadd.s32 $0x15C80, s2  }
0x1fa: {  	[tilespmem:s5+$0x10] =	vst v9  }
0x1fb: {  	v9 =	vld [tilespmem:$0x10FE0];
	_ =	sdelay $0x4  }
0x1fc: {  	[tilespmem:s5+$0x20] =	vst v9  }
0x1fd: {  	v9 =	vld [tilespmem:$0x10FF0];
	_ =	sdelay $0x4  }
0x1fe: {  	[tilespmem:s5+$0x30] =	vst v9  }
0x1ff: {  	v9 =	vld [tilespmem:$0x11000];
	_ =	sdelay $0x4  }
0x200: {  	[tilespmem:s5+$0x40] =	vst v9  }
0x201: {  	v9 =	vld [tilespmem:$0x11010];
	_ =	sdelay $0x4  }
0x202: {  	[tilespmem:s5+$0x50] =	vst v9  }
0x203: {  	v9 =	vld [tilespmem:$0x11020];
	_ =	sdelay $0x4  }
0x204: {  	[tilespmem:s5+$0x60] =	vst v9  }
0x205: {  	v9 =	vld [tilespmem:$0x11030];
	_ =	sdelay $0x4  }
0x206: {  	[tilespmem:s5+$0x70] =	vst v9  }
0x207: {  	v9 =	vld [tilespmem:$0x11040];
	_ =	sdelay $0x4  }
0x208: {  	[tilespmem:s2+$0x16080] =	vst v9  }
0x209: {  	v9 =	vld [tilespmem:$0x11050];
	_ =	sdelay $0x3  }
0x20a: {  	s2 =	sadd.s32 $0x16080, s2  }
0x20b: {  	[tilespmem:s2+$0x10] =	vst v9  }
0x20c: {  	v9 =	vld [tilespmem:$0x11060];
	_ =	sdelay $0x1  }
.Ltmp3:
0x20d: {  	(pc) =	sbr.rel @p0 .LBB2_8-.Ltmp3, $3  }
0x20e: {  	_ =	sdelay $0x1  }
0x20f: {  	[tilespmem:s2+$0x20] =	vst v9  }
0x210: {  	s5 =	smov.u32 s1;
	v9 =	vld [tilespmem:$0x11070]  }
0x211: {  	_ =	sdelay $0x3  }
0x212: {  	s1 =	sshrl.u32 s4, $0x3;
	[tilespmem:s2+$0x30] =	vst v9  }
0x213: {  	s1 =	smul.u32 $0x7000, s1;
	v9 =	vld [tilespmem:$0x10E80]  }
0x214: {  	s20 =	sadd.s32 $0x80, s3  }
0x215: {  	s1 =	sshra.s32 s1, $0x2;
	s2 =	sand.u32 $0x380, s20  }
0x216: {  	s1 =	sor.u32 s2, s1  }
0x217: {  	s2 =	sadd.s32 $0x15080, s1  }
0x218: {  	[tilespmem:s2+$0x40] =	vst v9  }
0x219: {  	v9 =	vld [tilespmem:$0x10E90];
	_ =	sdelay $0x4  }
0x21a: {  	[tilespmem:s2+$0x50] =	vst v9  }
0x21b: {  	v9 =	vld [tilespmem:$0x10EA0];
	_ =	sdelay $0x4  }
0x21c: {  	[tilespmem:s2+$0x60] =	vst v9  }
0x21d: {  	v9 =	vld [tilespmem:$0x10EB0];
	_ =	sdelay $0x4  }
0x21e: {  	[tilespmem:s2+$0x70] =	vst v9  }
0x21f: {  	v9 =	vld [tilespmem:$0x10EC0];
	_ =	sdelay $0x4  }
0x220: {  	[tilespmem:s1+$0x15480] =	vst v9  }
0x221: {  	v9 =	vld [tilespmem:$0x10ED0];
	_ =	sdelay $0x3  }
0x222: {  	s21 =	sadd.s32 $0x15480, s1  }
0x223: {  	[tilespmem:s21+$0x10] =	vst v9  }
0x224: {  	v9 =	vld [tilespmem:$0x10EE0];
	_ =	sdelay $0x4  }
0x225: {  	[tilespmem:s21+$0x20] =	vst v9  }
0x226: {  	v9 =	vld [tilespmem:$0x10EF0];
	_ =	sdelay $0x4  }
0x227: {  	[tilespmem:s21+$0x30] =	vst v9  }
0x228: {  	v9 =	vld [tilespmem:$0x10F00];
	_ =	sdelay $0x4  }
0x229: {  	[tilespmem:s21+$0x40] =	vst v9  }
0x22a: {  	v9 =	vld [tilespmem:$0x10F10];
	_ =	sdelay $0x4  }
0x22b: {  	[tilespmem:s21+$0x50] =	vst v9  }
0x22c: {  	v9 =	vld [tilespmem:$0x10F20];
	_ =	sdelay $0x4  }
0x22d: {  	[tilespmem:s21+$0x60] =	vst v9  }
0x22e: {  	v9 =	vld [tilespmem:$0x10F30];
	_ =	sdelay $0x4  }
0x22f: {  	[tilespmem:s21+$0x70] =	vst v9  }
0x230: {  	v9 =	vld [tilespmem:$0x10F40];
	_ =	sdelay $0x4  }
0x231: {  	[tilespmem:s1+$0x15880] =	vst v9  }
0x232: {  	v9 =	vld [tilespmem:$0x10F50];
	_ =	sdelay $0x3  }
0x233: {  	s22 =	sadd.s32 $0x15880, s1  }
0x234: {  	[tilespmem:s22+$0x10] =	vst v9  }
0x235: {  	v9 =	vld [tilespmem:$0x10F60];
	_ =	sdelay $0x4  }
0x236: {  	[tilespmem:s22+$0x20] =	vst v9  }
0x237: {  	v9 =	vld [tilespmem:$0x10F70];
	_ =	sdelay $0x4  }
0x238: {  	[tilespmem:s22+$0x30] =	vst v9  }
0x239: {  	v9 =	vld [tilespmem:$0x10F80];
	_ =	sdelay $0x4  }
0x23a: {  	[tilespmem:s22+$0x40] =	vst v9  }
0x23b: {  	v9 =	vld [tilespmem:$0x10F90];
	_ =	sdelay $0x4  }
0x23c: {  	[tilespmem:s22+$0x50] =	vst v9  }
0x23d: {  	v9 =	vld [tilespmem:$0x10FA0];
	_ =	sdelay $0x4  }
0x23e: {  	[tilespmem:s22+$0x60] =	vst v9  }
0x23f: {  	v9 =	vld [tilespmem:$0x10FB0];
	_ =	sdelay $0x4  }
0x240: {  	[tilespmem:s22+$0x70] =	vst v9  }
0x241: {  	v9 =	vld [tilespmem:$0x10FC0];
	_ =	sdelay $0x4  }
0x242: {  	[tilespmem:s1+$0x15C80] =	vst v9  }
0x243: {  	v9 =	vld [tilespmem:$0x10FD0];
	_ =	sdelay $0x3  }
0x244: {  	s23 =	sadd.s32 $0x15C80, s1  }
0x245: {  	[tilespmem:s23+$0x10] =	vst v9  }
0x246: {  	v9 =	vld [tilespmem:$0x10FE0];
	_ =	sdelay $0x4  }
0x247: {  	[tilespmem:s23+$0x20] =	vst v9  }
0x248: {  	v9 =	vld [tilespmem:$0x10FF0];
	_ =	sdelay $0x4  }
0x249: {  	[tilespmem:s23+$0x30] =	vst v9  }
0x24a: {  	v9 =	vld [tilespmem:$0x11000];
	_ =	sdelay $0x4  }
0x24b: {  	[tilespmem:s23+$0x40] =	vst v9  }
0x24c: {  	v9 =	vld [tilespmem:$0x11010];
	_ =	sdelay $0x4  }
0x24d: {  	[tilespmem:s23+$0x50] =	vst v9  }
0x24e: {  	v9 =	vld [tilespmem:$0x11020];
	_ =	sdelay $0x4  }
0x24f: {  	[tilespmem:s23+$0x60] =	vst v9  }
0x250: {  	v9 =	vld [tilespmem:$0x11030];
	_ =	sdelay $0x4  }
0x251: {  	[tilespmem:s23+$0x70] =	vst v9  }
0x252: {  	v9 =	vld [tilespmem:$0x11040];
	_ =	sdelay $0x4  }
0x253: {  	[tilespmem:s1+$0x16080] =	vst v9  }
0x254: {  	v9 =	vld [tilespmem:$0x11050];
	_ =	sdelay $0x3  }
0x255: {  	s1 =	sadd.s32 $0x16080, s1  }
0x256: {  	[tilespmem:s1+$0x10] =	vst v9  }
0x257: {  	v9 =	vld [tilespmem:$0x11060];
	_ =	sdelay $0x4  }
0x258: {  	[tilespmem:s1+$0x20] =	vst v9  }
0x259: {  	v9 =	vld [tilespmem:$0x11070];
	_ =	sdelay $0x4  }
0x25a: {  	[tilespmem:s1+$0x30] =	vst v9  }
0x25b: {  	v9 =	vld [tilespmem:$0x480];
	_ =	sdelay $0x4  }
0x25c: {  	v10 =	vshll.u32 v9, $0x1  }
0x25d: {  	v9 =	vand.u32 $0x7, v9;
	v10 =	vand.u32 $0xFFFFFFF0, v10  }
0x25e: {  	v9 =	vor.u32 v9, v10  }
0x25f: {  	v10 =	vperm.xlane v9, v6;
	_ =	sdelay $0x1  }
0x260: {  	v9 =	vperm.xlane v9, v8;
	v10 =	vadd.s32 v7, v10;
	_ =	sdelay $0x1  }
0x261: {  	v9 =	vadd.s32 v7, v9;
	_ =	sdelay $0x1  }
0x262: {  	s5 =	simm.s32 $0x0;
	s24 =	rddreg [dreg:$0x0];
	s25 =	simm.s32 $0x18080  }
0x263: {  	[tilespmem:s25], [sflag:$0x1] =	stream.indirect_vreg.gather [hbm4b:s24+s5], $0x80, v10, vm0, $0xb8;
	[tilespmem:$0x1C080] =	vst v63  }
0x264: {  	s26 =	simm.s32 $0x18880  }
0x265: {  	[tilespmem:s26], [sflag:$0x1] =	stream.indirect_vreg.gather [hbm4b:s24+s5], $0x80, v9, vm0, $0xb8;
	[tilespmem:$0x1C080] =	vst v63  }
0x266: {  	v9 =	vld [tilespmem:$0x680];
	_ =	sdelay $0x4  }
0x267: {  	v10 =	vshll.u32 v9, $0x1  }
0x268: {  	v9 =	vand.u32 $0x7, v9;
	v10 =	vand.u32 $0xFFFFFFF0, v10  }
0x269: {  	v9 =	vor.u32 v9, v10  }
0x26a: {  	v10 =	vperm.xlane v9, v6;
	_ =	sdelay $0x1  }
0x26b: {  	v9 =	vperm.xlane v9, v8;
	v10 =	vadd.s32 v7, v10;
	_ =	sdelay $0x1  }
0x26c: {  	v9 =	vadd.s32 v7, v9;
	_ =	sdelay $0x1  }
0x26d: {  	s28 =	simm.s32 $0x1A080;
	s30 =	smul.u32 $0x70000, s8  }
0x26e: {  	[tilespmem:s28], [sflag:$0x1] =	stream.indirect_vreg.gather [hbm4b:s24+s5], $0x80, v10, vm0, $0xb8;
	[tilespmem:$0x1C080] =	vst v63  }
0x26f: {  	s29 =	simm.s32 $0x1A880;
	[dreg:$0xf] =	wrdreg s30;
	s21 =	simm.s32 $0x0  }
0x270: {  	[tilespmem:s29], [sflag:$0x1] =	stream.indirect_vreg.gather [hbm4b:s24+s5], $0x80, v9, vm0, $0xb8;
	[tilespmem:$0x1C080] =	vst v63  }
.LBB2_10:
0x271: {  	s1 =	sshllo.u32 s21, $0x1  }
0x272: {  	[dreg:$0x10] =	wrdreg s1;
	s1 =	sshll.u32 s1, $0x4  }
0x273: {  	v9 =	vld [tilespmem:s1+$0x480];
	_ =	sdelay $0x4  }
0x274: {  	v10 =	vshll.u32 v9, $0x1  }
0x275: {  	v9 =	vand.u32 $0x7, v9;
	v10 =	vand.u32 $0xFFFFFFF0, v10  }
0x276: {  	v9 =	vor.u32 v9, v10  }
0x277: {  	v10 =	vperm.xlane v9, v6;
	_ =	sdelay $0x1  }
0x278: {  	v9 =	vperm.xlane v9, v8;
	v10 =	vadd.s32 v7, v10;
	_ =	sdelay $0x1  }
0x279: {  	v9 =	vadd.s32 v7, v9;
	_ =	sdelay $0x1  }
0x27a: {  	s2 =	rddreg [dreg:$0x0];
	s3 =	simm.s32 $0x19080  }
0x27b: {  	[tilespmem:s3], [sflag:$0x1] =	stream.indirect_vreg.gather [hbm4b:s2+s12], $0x80, v10, vm0, $0xb8;
	[tilespmem:$0x1C080] =	vst v63  }
0x27c: {  	s10 =	simm.s32 $0x19880  }
0x27d: {  	[tilespmem:s10], [sflag:$0x1] =	stream.indirect_vreg.gather [hbm4b:s2+s12], $0x80, v9, vm0, $0xb8;
	[tilespmem:$0x1C080] =	vst v63  }
0x27e: {  	v9 =	vld [tilespmem:s1+$0x680];
	_ =	sdelay $0x4  }
0x27f: {  	v10 =	vshll.u32 v9, $0x1  }
0x280: {  	v9 =	vand.u32 $0x7, v9;
	v10 =	vand.u32 $0xFFFFFFF0, v10  }
0x281: {  	v9 =	vor.u32 v9, v10  }
0x282: {  	v10 =	vperm.xlane v9, v6;
	_ =	sdelay $0x1  }
0x283: {  	v9 =	vperm.xlane v9, v8;
	v10 =	vadd.s32 v7, v10;
	_ =	sdelay $0x1  }
0x284: {  	v9 =	vadd.s32 v7, v9;
	_ =	sdelay $0x1  }
0x285: {  	s11 =	simm.s32 $0x1B080  }
0x286: {  	[tilespmem:s11], [sflag:$0x1] =	stream.indirect_vreg.gather [hbm4b:s2+s12], $0x80, v10, vm0, $0xb8;
	[tilespmem:$0x1C080] =	vst v63  }
0x287: {  	s13 =	simm.s32 $0x1B880;
	s14 =	simm.s32 $0x1  }
0x288: {  	[tilespmem:s13], [sflag:$0x1] =	stream.indirect_vreg.gather [hbm4b:s2+s12], $0x80, v9, vm0, $0xb8;
	[tilespmem:$0x1C080] =	vst v63  }
0x289: {  	_ =	swait.ge [sflag:s14], $0x1000  }
0x28a: {  	[sflag:s14] =	ssyncset.done $0x0  }
0x28b: {  	[sflag:s14] =	ssyncadd.s32 $0xFFFFF000  }
0x28c: {  	_ =	swait.ge [sflag:s14], $0x1000  }
0x28d: {  	p0 =	seq.s32 s21, $0x0;
	[sflag:s14] =	ssyncset.done $0x0  }
0x28e: {  	s8 =	sadd.s32 $0x0, s5;
	s1 =	simm.s32 @!p0 $0x2;
	[sflag:s14] =	ssyncadd.s32 $0xFFFFF000  }
0x28f: {  	s15 =	simm.s32 $0x80;
	s16 =	sadd.s32 $0x1, s8;
	_ =	swait.ge @!p0 [sflag:s1], $0x3800  }
0x290: {  	s9 =	simm.s32 $0x0;
	v9 =	vmov s16;
	s2 =	sand.u32 $0x380, s15;
	[sflag:s1] =	ssyncset.done @!p0 $0x0  }
0x291: {  	s4 =	sor.u32 s9, s2;
	[sflag:s1] =	ssyncadd.s32 @!p0 $0xFFFFC800  }
0x292: {  	v11 =	vld [tilespmem:s4+$0x1A080]  }
0x293: {  	v12 =	vld [tilespmem:s4+$0x18080];
	_ =	sdelay $0x1  }
0x294: {  	v10 =	vld.idx.msk [tilespmem:v9+s31+$0x0], $0xffff;
	_ =	sdelay $0x2  }
0x295: {  	s17 =	simm.s32 $0x0;
	v11 =	vsub.f32 v11, v12  }
0x296: {  	s1 =	smul.u32 $0x7000, s17  }
0x297: {  	v11 =	vmul.f32 v11, v10  }
0x298: {  	s18 =	sshra.s32 s1, $0x2  }
0x299: {  	s10 =	sadd.s32 $0x11080, s18;
	v11 =	vadd.f32 v11, v12  }
0x29a: {  	s6 =	sadd.s32 s2, s10  }
0x29b: {  	[tilespmem:s6+$0x0] =	vst v11  }
0x29c: {  	v11 =	vld [tilespmem:s4+$0x1A090]  }
0x29d: {  	v12 =	vld [tilespmem:s4+$0x18090];
	_ =	sdelay $0x4  }
0x29e: {  	v11 =	vsub.f32 v11, v12;
	_ =	sdelay $0x1  }
0x29f: {  	v11 =	vmul.f32 v11, v10;
	_ =	sdelay $0x1  }
0x2a0: {  	v11 =	vadd.f32 v11, v12;
	_ =	sdelay $0x1  }
0x2a1: {  	[tilespmem:s6+$0x10] =	vst v11  }
0x2a2: {  	v11 =	vld [tilespmem:s4+$0x1A0A0]  }
0x2a3: {  	v12 =	vld [tilespmem:s4+$0x180A0];
	_ =	sdelay $0x4  }
0x2a4: {  	v11 =	vsub.f32 v11, v12;
	_ =	sdelay $0x1  }
0x2a5: {  	v11 =	vmul.f32 v11, v10;
	_ =	sdelay $0x1  }
0x2a6: {  	v11 =	vadd.f32 v11, v12;
	_ =	sdelay $0x1  }
0x2a7: {  	[tilespmem:s6+$0x20] =	vst v11  }
0x2a8: {  	v11 =	vld [tilespmem:s4+$0x180B0]  }
0x2a9: {  	v12 =	vld [tilespmem:s4+$0x1A0B0];
	_ =	sdelay $0x1  }
0x2aa: {  	v13 =	vmov s8  }
0x2ab: {  	v13 =	vand.u32 $0xFFFFFFFE, v13  }
0x2ac: {  	s22 =	simm.s32 $0x0;
	v20 =	vbroadcast v13, $0x0  }
0x2ad: {  	s12 =	sand.u32 $0x300, s22;
	v12 =	vsub.f32 v12, v11  }
0x2ae: {  	s1 =	sor.u32 s12, s9  }
0x2af: {  	v13 =	vld [tilespmem:s1+$0x18080];
	v12 =	vmul.f32 v12, v10  }
0x2b0: {  	v14 =	vld [tilespmem:s1+$0x1A080]  }
0x2b1: {  	v11 =	vadd.f32 v12, v11  }
0x2b2: {  	v21 =	vld.idx.msk [tilespmem:v20+s31+$0x0], $0xffff  }
0x2b3: {  	[tilespmem:s6+$0x30] =	vst v11  }
0x2b4: {  	v11 =	vld [tilespmem:s4+$0x180C0]  }
0x2b5: {  	v12 =	vsub.f32 v14, v13;
	v14 =	vld [tilespmem:s4+$0x1A0C0];
	_ =	sdelay $0x1  }
0x2b6: {  	v12 =	vmul.f32 v12, v21;
	_ =	sdelay $0x1  }
0x2b7: {  	v12 =	vadd.f32 v12, v13  }
0x2b8: {  	s10 =	sor.u32 s12, s10;
	v13 =	vsub.f32 v14, v11  }
0x2b9: {  	[tilespmem:s10+$0x0] =	vst v12  }
0x2ba: {  	v12 =	vld [tilespmem:s1+$0x18090];
	v13 =	vmul.f32 v13, v10  }
0x2bb: {  	v14 =	vld [tilespmem:s1+$0x1A090]  }
0x2bc: {  	v11 =	vadd.f32 v13, v11;
	_ =	sdelay $0x1  }
0x2bd: {  	[tilespmem:s6+$0x40] =	vst v11  }
0x2be: {  	v11 =	vld [tilespmem:s4+$0x1A0D0]  }
0x2bf: {  	v13 =	vsub.f32 v14, v12;
	v14 =	vld [tilespmem:s4+$0x180D0];
	_ =	sdelay $0x1  }
0x2c0: {  	v13 =	vmul.f32 v13, v21;
	_ =	sdelay $0x1  }
0x2c1: {  	v12 =	vadd.f32 v13, v12  }
0x2c2: {  	v11 =	vsub.f32 v11, v14  }
0x2c3: {  	[tilespmem:s10+$0x10] =	vst v12  }
0x2c4: {  	v12 =	vld [tilespmem:s1+$0x180A0];
	v11 =	vmul.f32 v11, v10  }
0x2c5: {  	v13 =	vld [tilespmem:s1+$0x1A0A0]  }
0x2c6: {  	v11 =	vadd.f32 v11, v14;
	_ =	sdelay $0x1  }
0x2c7: {  	[tilespmem:s6+$0x50] =	vst v11  }
0x2c8: {  	v11 =	vld [tilespmem:s4+$0x180E0]  }
0x2c9: {  	v13 =	vsub.f32 v13, v12;
	v14 =	vld [tilespmem:s4+$0x1A0E0];
	_ =	sdelay $0x1  }
0x2ca: {  	v13 =	vmul.f32 v13, v21;
	_ =	sdelay $0x1  }
0x2cb: {  	v12 =	vadd.f32 v13, v12  }
0x2cc: {  	v13 =	vsub.f32 v14, v11  }
0x2cd: {  	[tilespmem:s10+$0x20] =	vst v12  }
0x2ce: {  	v12 =	vld [tilespmem:s1+$0x180B0];
	v13 =	vmul.f32 v13, v10  }
0x2cf: {  	v14 =	vld [tilespmem:s1+$0x1A0B0]  }
0x2d0: {  	v11 =	vadd.f32 v13, v11;
	_ =	sdelay $0x1  }
0x2d1: {  	[tilespmem:s6+$0x60] =	vst v11  }
0x2d2: {  	v11 =	vld [tilespmem:s4+$0x180F0]  }
0x2d3: {  	v13 =	vsub.f32 v14, v12;
	v14 =	vld [tilespmem:s4+$0x1A0F0];
	_ =	sdelay $0x1  }
0x2d4: {  	v13 =	vmul.f32 v13, v21;
	_ =	sdelay $0x1  }
0x2d5: {  	v12 =	vadd.f32 v13, v12  }
0x2d6: {  	v13 =	vsub.f32 v14, v11  }
0x2d7: {  	[tilespmem:s10+$0x30] =	vst v12  }
0x2d8: {  	v12 =	vld [tilespmem:s1+$0x180C0];
	v13 =	vmul.f32 v13, v10  }
0x2d9: {  	v14 =	vld [tilespmem:s1+$0x1A0C0]  }
0x2da: {  	v11 =	vadd.f32 v13, v11;
	_ =	sdelay $0x1  }
0x2db: {  	[tilespmem:s6+$0x70] =	vst v11  }
0x2dc: {  	v11 =	vld [tilespmem:s4+$0x18480]  }
0x2dd: {  	v13 =	vsub.f32 v14, v12;
	v14 =	vld [tilespmem:s4+$0x1A480];
	_ =	sdelay $0x1  }
0x2de: {  	v13 =	vmul.f32 v13, v21;
	_ =	sdelay $0x1  }
0x2df: {  	v12 =	vadd.f32 v13, v12  }
0x2e0: {  	v13 =	vsub.f32 v14, v11  }
0x2e1: {  	[tilespmem:s10+$0x40] =	vst v12  }
0x2e2: {  	v12 =	vld [tilespmem:s1+$0x180D0];
	v13 =	vmul.f32 v13, v10  }
0x2e3: {  	v14 =	vld [tilespmem:s1+$0x1A0D0]  }
0x2e4: {  	s14 =	sadd.s32 $0x11480, s18;
	v11 =	vadd.f32 v13, v11  }
0x2e5: {  	s23 =	sadd.s32 s2, s14  }
0x2e6: {  	[tilespmem:s23+$0x0] =	vst v11  }
0x2e7: {  	s17 =	sadd.s32 $0x2, s5;
	v11 =	vld [tilespmem:s4+$0x1A490]  }
0x2e8: {  	s25 =	simm.s32 $0x180;
	s24 =	sadd.s32 $0x1, s17;
	v13 =	vsub.f32 v14, v12;
	v14 =	vld [tilespmem:s4+$0x18490]  }
0x2e9: {  	s8 =	sand.u32 $0x380, s25;
	s16 =	simm.s32 $0x0;
	v16 =	vmov s24  }
0x2ea: {  	s11 =	sor.u32 s16, s8;
	v13 =	vmul.f32 v13, v21  }
0x2eb: {  	v15 =	vld [tilespmem:s11+$0x1A080]  }
0x2ec: {  	v12 =	vadd.f32 v13, v12;
	v13 =	vld [tilespmem:s11+$0x18080]  }
0x2ed: {  	v11 =	vsub.f32 v11, v14  }
0x2ee: {  	v17 =	vld.idx.msk [tilespmem:v16+s31+$0x0], $0xffff;
	[tilespmem:s10+$0x50] =	vst v12  }
0x2ef: {  	v12 =	vld [tilespmem:s1+$0x180E0];
	v11 =	vmul.f32 v11, v10  }
0x2f0: {  	v18 =	vld [tilespmem:s1+$0x1A0E0]  }
0x2f1: {  	s26 =	simm.s32 $0x0;
	v11 =	vadd.f32 v11, v14;
	v14 =	vsub.f32 v15, v13  }
0x2f2: {  	s6 =	smul.u32 $0x7000, s26  }
0x2f3: {  	[tilespmem:s23+$0x10] =	vst v11;
	v11 =	vmul.f32 v14, v17  }
0x2f4: {  	s6 =	sshra.s32 s6, $0x2;
	v14 =	vld [tilespmem:s4+$0x184A0]  }
0x2f5: {  	s15 =	sadd.s32 $0x11080, s6;
	v15 =	vsub.f32 v18, v12;
	v18 =	vld [tilespmem:s4+$0x1A4A0];
	v11 =	vadd.f32 v11, v13  }
0x2f6: {  	s13 =	sadd.s32 s8, s15  }
0x2f7: {  	v13 =	vmul.f32 v15, v21;
	[tilespmem:s13+$0x0] =	vst v11  }
0x2f8: {  	v11 =	vld [tilespmem:s11+$0x1A090]  }
0x2f9: {  	v12 =	vadd.f32 v13, v12;
	v13 =	vld [tilespmem:s11+$0x18090]  }
0x2fa: {  	v15 =	vsub.f32 v18, v14  }
0x2fb: {  	[tilespmem:s10+$0x60] =	vst v12  }
0x2fc: {  	v12 =	vld [tilespmem:s1+$0x180F0];
	v15 =	vmul.f32 v15, v10  }
0x2fd: {  	v18 =	vld [tilespmem:s1+$0x1A0F0]  }
0x2fe: {  	v14 =	vadd.f32 v15, v14;
	v11 =	vsub.f32 v11, v13;
	_ =	sdelay $0x1  }
0x2ff: {  	[tilespmem:s23+$0x20] =	vst v14;
	v11 =	vmul.f32 v11, v17  }
0x300: {  	v14 =	vld [tilespmem:s4+$0x184B0]  }
0x301: {  	v18 =	vsub.f32 v18, v12;
	v15 =	vld [tilespmem:s4+$0x1A4B0];
	v11 =	vadd.f32 v11, v13;
	_ =	sdelay $0x1  }
0x302: {  	v13 =	vmul.f32 v18, v21;
	[tilespmem:s13+$0x10] =	vst v11  }
0x303: {  	v11 =	vmov s17;
	v19 =	vld [tilespmem:s11+$0x1A0A0]  }
0x304: {  	v12 =	vadd.f32 v13, v12;
	v11 =	vand.u32 $0xFFFFFFFE, v11;
	v13 =	vld [tilespmem:s11+$0x180A0]  }
0x305: {  	v18 =	vbroadcast v11, $0x0;
	v11 =	vsub.f32 v15, v14  }
0x306: {  	[tilespmem:s10+$0x70] =	vst v12  }
0x307: {  	v12 =	vld [tilespmem:s1+$0x18480];
	v11 =	vmul.f32 v11, v10  }
0x308: {  	s30 =	simm.s32 $0x100;
	v15 =	vld [tilespmem:s1+$0x1A480]  }
0x309: {  	s10 =	sand.u32 $0x300, s30;
	v11 =	vadd.f32 v11, v14;
	v14 =	vsub.f32 v19, v13  }
0x30a: {  	s24 =	sor.u32 s10, s16  }
0x30b: {  	v23 =	vld [tilespmem:s24+$0x1A080];
	[tilespmem:s23+$0x30] =	vst v11;
	v11 =	vmul.f32 v14, v17  }
0x30c: {  	v14 =	vld [tilespmem:s4+$0x1A4C0]  }
0x30d: {  	v15 =	vsub.f32 v15, v12;
	v22 =	vld [tilespmem:s4+$0x184C0];
	v11 =	vadd.f32 v11, v13  }
0x30e: {  	v19 =	vld.idx.msk [tilespmem:v18+s31+$0x0], $0xffff  }
0x30f: {  	v13 =	vld [tilespmem:s24+$0x18080];
	v15 =	vmul.f32 v15, v21;
	[tilespmem:s13+$0x20] =	vst v11  }
0x310: {  	v11 =	vld [tilespmem:s11+$0x180B0]  }
0x311: {  	v12 =	vadd.f32 v15, v12;
	v15 =	vld [tilespmem:s11+$0x1A0B0]  }
0x312: {  	s20 =	sor.u32 s12, s14;
	v14 =	vsub.f32 v14, v22  }
0x313: {  	[tilespmem:s20+$0x0] =	vst v12  }
0x314: {  	v12 =	vsub.f32 v23, v13;
	v23 =	vld [tilespmem:s1+$0x18490];
	v14 =	vmul.f32 v14, v10  }
0x315: {  	v24 =	vld [tilespmem:s1+$0x1A490]  }
0x316: {  	v12 =	vmul.f32 v12, v19;
	v14 =	vadd.f32 v14, v22;
	v15 =	vsub.f32 v15, v11;
	_ =	sdelay $0x1  }
0x317: {  	v12 =	vadd.f32 v12, v13;
	[tilespmem:s23+$0x40] =	vst v14;
	v13 =	vmul.f32 v15, v17  }
0x318: {  	s16 =	sor.u32 s10, s15;
	v14 =	vld [tilespmem:s4+$0x184D0]  }
0x319: {  	[tilespmem:s16+$0x0] =	vst v12;
	v12 =	vsub.f32 v24, v23;
	v15 =	vld [tilespmem:s4+$0x1A4D0];
	v11 =	vadd.f32 v13, v11  }
0x31a: {  	v13 =	vld [tilespmem:s24+$0x18090]  }
0x31b: {  	v22 =	vld [tilespmem:s24+$0x1A090];
	v12 =	vmul.f32 v12, v21;
	[tilespmem:s13+$0x30] =	vst v11  }
0x31c: {  	v11 =	vld [tilespmem:s11+$0x180C0]  }
0x31d: {  	v12 =	vadd.f32 v12, v23;
	v23 =	vld [tilespmem:s11+$0x1A0C0]  }
0x31e: {  	v15 =	vsub.f32 v15, v14  }
0x31f: {  	[tilespmem:s20+$0x10] =	vst v12  }
0x320: {  	v22 =	vsub.f32 v22, v13;
	v12 =	vld [tilespmem:s1+$0x184A0];
	v15 =	vmul.f32 v15, v10  }
0x321: {  	v24 =	vld [tilespmem:s1+$0x1A4A0]  }
0x322: {  	v14 =	vadd.f32 v15, v14;
	v15 =	vmul.f32 v22, v19;
	v22 =	vsub.f32 v23, v11;
	_ =	sdelay $0x1  }
0x323: {  	[tilespmem:s23+$0x50] =	vst v14;
	v13 =	vadd.f32 v15, v13;
	v14 =	vmul.f32 v22, v17  }
0x324: {  	v15 =	vld [tilespmem:s4+$0x184E0]  }
0x325: {  	v22 =	vsub.f32 v24, v12;
	v23 =	vld [tilespmem:s4+$0x1A4E0];
	[tilespmem:s16+$0x10] =	vst v13;
	v11 =	vadd.f32 v14, v11  }
0x326: {  	v13 =	vld [tilespmem:s24+$0x180A0]  }
0x327: {  	v14 =	vmul.f32 v22, v21;
	v22 =	vld [tilespmem:s24+$0x1A0A0];
	[tilespmem:s13+$0x40] =	vst v11  }
0x328: {  	v11 =	vld [tilespmem:s11+$0x1A0D0]  }
0x329: {  	v12 =	vadd.f32 v14, v12;
	v14 =	vld [tilespmem:s11+$0x180D0]  }
0x32a: {  	v23 =	vsub.f32 v23, v15  }
0x32b: {  	[tilespmem:s20+$0x20] =	vst v12  }
0x32c: {  	v12 =	vmul.f32 v23, v10;
	v22 =	vsub.f32 v22, v13;
	v23 =	vld [tilespmem:s1+$0x184B0]  }
0x32d: {  	v24 =	vld [tilespmem:s1+$0x1A4B0]  }
0x32e: {  	v12 =	vadd.f32 v12, v15;
	v15 =	vmul.f32 v22, v19;
	v11 =	vsub.f32 v11, v14;
	_ =	sdelay $0x1  }
0x32f: {  	[tilespmem:s23+$0x60] =	vst v12;
	v12 =	vadd.f32 v15, v13;
	v11 =	vmul.f32 v11, v17  }
0x330: {  	v13 =	vld [tilespmem:s4+$0x184F0]  }
0x331: {  	v15 =	vld [tilespmem:s4+$0x1A4F0];
	[tilespmem:s16+$0x20] =	vst v12;
	v11 =	vadd.f32 v11, v14;
	v12 =	vsub.f32 v24, v23  }
0x332: {  	v14 =	vld [tilespmem:s24+$0x180B0]  }
0x333: {  	v22 =	vld [tilespmem:s24+$0x1A0B0];
	[tilespmem:s13+$0x50] =	vst v11;
	v11 =	vmul.f32 v12, v21  }
0x334: {  	v12 =	vld [tilespmem:s11+$0x180E0]  }
0x335: {  	v24 =	vld [tilespmem:s11+$0x1A0E0];
	v11 =	vadd.f32 v11, v23;
	_ =	sdelay $0x1  }
0x336: {  	v15 =	vsub.f32 v15, v13;
	[tilespmem:s20+$0x30] =	vst v11  }
0x337: {  	v11 =	vsub.f32 v22, v14;
	v22 =	vld [tilespmem:s1+$0x184C0]  }
0x338: {  	v10 =	vmul.f32 v15, v10;
	v15 =	vld [tilespmem:s1+$0x1A4C0]  }
0x339: {  	v11 =	vmul.f32 v11, v19;
	v23 =	vsub.f32 v24, v12  }
0x33a: {  	v10 =	vadd.f32 v10, v13  }
0x33b: {  	v11 =	vadd.f32 v11, v14;
	v13 =	vmul.f32 v23, v17  }
0x33c: {  	[tilespmem:s23+$0x70] =	vst v10  }
0x33d: {  	v10 =	vld.idx.msk [tilespmem:v9+s7+$0x0], $0xffff;
	[tilespmem:s16+$0x30] =	vst v11;
	v11 =	vadd.f32 v13, v12;
	v12 =	vsub.f32 v15, v22  }
0x33e: {  	v14 =	vld [tilespmem:s24+$0x180C0]  }
0x33f: {  	v15 =	vld [tilespmem:s24+$0x1A0C0];
	[tilespmem:s13+$0x60] =	vst v11;
	v11 =	vmul.f32 v12, v21  }
0x340: {  	v12 =	vld [tilespmem:s11+$0x180F0]  }
0x341: {  	v23 =	vld [tilespmem:s11+$0x1A0F0];
	v11 =	vadd.f32 v11, v22  }
0x342: {  	v26 =	vshll.u32 v10, $0x7  }
0x343: {  	v13 =	vor.u32 $0x80, v4;
	v10 =	vor.u32 v4, v26;
	[tilespmem:s20+$0x40] =	vst v11  }
0x344: {  	v22 =	vadd.s32 v13, v26;
	v11 =	vsub.f32 v15, v14;
	v15 =	vld [tilespmem:s1+$0x184D0]  }
0x345: {  	v24 =	vld [tilespmem:s1+$0x1A4D0]  }
0x346: {  	v11 =	vmul.f32 v11, v19;
	v23 =	vsub.f32 v23, v12  }
0x347: {  	v25 =	vld.idx.msk [tilespmem:v9+s0+$0x0], $0xffff  }
0x348: {  	v9 =	vadd.f32 v11, v14;
	v11 =	vmul.f32 v23, v17;
	v10 =	vld.idx.msk [tilespmem:v10+s19+$0x0], $0xffff  }
0x349: {  	v14 =	vld.idx.msk [tilespmem:v22+s19+$0x0], $0xffff  }
0x34a: {  	[tilespmem:s16+$0x40] =	vst v9;
	v9 =	vadd.f32 v11, v12;
	v11 =	vsub.f32 v24, v15  }
0x34b: {  	v22 =	vld [tilespmem:s24+$0x180D0]  }
0x34c: {  	v23 =	vld [tilespmem:s24+$0x1A0D0];
	[tilespmem:s13+$0x70] =	vst v9;
	v9 =	vmul.f32 v11, v21  }
0x34d: {  	v11 =	vld [tilespmem:s11+$0x18480]  }
0x34e: {  	v24 =	vld [tilespmem:s11+$0x1A480];
	v14 =	vsub.f32 v14, v10;
	v12 =	vadd.f32 v9, v15;
	_ =	sdelay $0x1  }
0x34f: {  	v9 =	vor.u32 $0x90, v4;
	v14 =	vmul.f32 v14, v25;
	[tilespmem:s20+$0x50] =	vst v12  }
0x350: {  	v15 =	vadd.s32 v9, v26;
	v12 =	vor.u32 $0x10, v4;
	v23 =	vsub.f32 v23, v22;
	v27 =	vld [tilespmem:s1+$0x184E0]  }
0x351: {  	v28 =	vor.u32 v12, v26;
	v29 =	vld [tilespmem:s1+$0x1A4E0]  }
0x352: {  	s13 =	sadd.s32 $0x11880, s18;
	v10 =	vadd.f32 v14, v10;
	v14 =	vmul.f32 v23, v19;
	v23 =	vsub.f32 v24, v11  }
0x353: {  	s22 =	sadd.s32 s2, s13  }
0x354: {  	s26 =	simm.s32 $0x280;
	[tilespmem:s22+$0x0] =	vst v10;
	v10 =	vadd.f32 v14, v22;
	v14 =	vmul.f32 v23, v17  }
0x355: {  	s3 =	sand.u32 $0x380, s26;
	s4 =	simm.s32 $0x0;
	v15 =	vld.idx.msk [tilespmem:v15+s19+$0x0], $0xffff  }
0x356: {  	s9 =	sadd.s32 $0x11480, s6;
	s25 =	sor.u32 s4, s3;
	v33 =	vld.idx.msk [tilespmem:v28+s19+$0x0], $0xffff;
	[tilespmem:s16+$0x50] =	vst v10;
	v10 =	vadd.f32 v14, v11;
	v11 =	vsub.f32 v29, v27  }
0x357: {  	s15 =	sadd.s32 s8, s9;
	v30 =	vld [tilespmem:s25+$0x1A080]  }
0x358: {  	s17 =	sadd.s32 $0x4, s5;
	v35 =	vld [tilespmem:s25+$0x18080];
	[tilespmem:s15+$0x0] =	vst v10;
	v10 =	vmul.f32 v11, v21  }
0x359: {  	s18 =	sadd.s32 $0x1, s17;
	v14 =	vld [tilespmem:s11+$0x1A490]  }
0x35a: {  	v22 =	vmov s18;
	v32 =	vld [tilespmem:s11+$0x18490];
	v11 =	vadd.f32 v10, v27  }
0x35b: {  	s23 =	simm.s32 $0x0;
	v29 =	vld [tilespmem:s24+$0x180E0];
	v15 =	vsub.f32 v15, v33  }
0x35c: {  	s30 =	simm.s32 $0x200;
	v24 =	vmov s17;
	s18 =	smul.u32 $0x7000, s23;
	v34 =	vld [tilespmem:s24+$0x1A0E0];
	v10 =	vor.u32 $0x20, v4;
	[tilespmem:s20+$0x60] =	vst v11  }
0x35d: {  	s28 =	simm.s32 $0x6;
	s14 =	sadd.s32 $0x11880, s6;
	s2 =	sand.u32 $0x300, s30;
	v28 =	vor.u32 v10, v26;
	v11 =	vor.u32 $0xA0, v4;
	v31 =	vld [tilespmem:s1+$0x184F0];
	v15 =	vmul.f32 v15, v25  }
0x35e: {  	s4 =	sor.u32 s2, s4;
	v24 =	vand.u32 $0xFFFFFFFE, v24;
	s23 =	sshll.u32 s21, $0x5;
	s30 =	sshra.s32 s18, $0x2;
	v27 =	vadd.s32 v11, v26;
	v36 =	vld [tilespmem:s1+$0x1A4F0]  }
0x35f: {  	v24 =	vbroadcast v24, $0x0;
	s18 =	sadd.s32 $0x11080, s30;
	s29 =	sadd.s32 $0x11480, s30;
	s6 =	sadd.s32 $0x11880, s30;
	v23 =	vld.idx.msk [tilespmem:v22+s31+$0x0], $0xffff;
	v37 =	vsub.f32 v14, v32;
	v33 =	vadd.f32 v15, v33  }
.LBB2_11:
0x360: {  	p1 =	slt.u32 s28, $0xE;
	s1 =	smov.u32 s28;
	s28 =	sadd.s32 $0x2, s28  }
0x361: {  	v14 =	vsub.f32 v34, v29;
	v15 =	vmul.f32 v37, v17;
	[tilespmem:s22+$0x10] =	vst v33  }
0x362: {  	v28 =	vld.idx.msk [tilespmem:v28+s19+$0x0], $0xffff  }
0x363: {  	v14 =	vmul.f32 v14, v19;
	v15 =	vadd.f32 v15, v32;
	v32 =	vsub.f32 v36, v31;
	v27 =	vld.idx.msk [tilespmem:v27+s19+$0x0], $0xffff  }
0x364: {  	s30 =	sor.u32 s2, s18;
	v30 =	vsub.f32 v30, v35  }
0x365: {  	v14 =	vadd.f32 v14, v29;
	[tilespmem:s15+$0x10] =	vst v15;
	v15 =	vmul.f32 v32, v21;
	v21 =	vmov v19  }
0x366: {  	v19 =	vmul.f32 v30, v23;
	v29 =	vld [tilespmem:s11+$0x184A0]  }
0x367: {  	[tilespmem:s16+$0x60] =	vst v14;
	v30 =	vld [tilespmem:s11+$0x1A4A0];
	v14 =	vadd.f32 v15, v31  }
0x368: {  	v15 =	vadd.f32 v19, v35;
	v19 =	vld [tilespmem:s24+$0x180F0]  }
0x369: {  	s17 =	sadd.s32 s3, s18;
	v27 =	vsub.f32 v27, v28;
	[tilespmem:s20+$0x70] =	vst v14  }
0x36a: {  	v14 =	vor.u32 $0x30, v4;
	[tilespmem:s17+$0x0] =	vst v15;
	v31 =	vld.idx.msk [tilespmem:v20+s7+$0x0], $0xffff  }
0x36b: {  	v33 =	vmul.f32 v27, v25;
	v34 =	vor.u32 v14, v26;
	v32 =	vld [tilespmem:s25+$0x1A090]  }
0x36c: {  	v15 =	vor.u32 $0xB0, v4;
	v30 =	vsub.f32 v30, v29;
	v27 =	vld.idx.msk [tilespmem:v20+s0+$0x0], $0xffff;
	v20 =	vmovc v18;
	v18 =	vmov v24  }
0x36d: {  	v26 =	vadd.s32 v15, v26;
	v24 =	vadd.f32 v33, v28  }
0x36e: {  	v28 =	vld [tilespmem:s25+$0x18090];
	v30 =	vmul.f32 v30, v17  }
0x36f: {  	[tilespmem:s22+$0x20] =	vst v24  }
0x370: {  	v24 =	vshll.u32 v31, $0x7;
	v29 =	vadd.f32 v30, v29;
	v30 =	vld.idx.msk [tilespmem:v34+s19+$0x0], $0xffff  }
0x371: {  	v33 =	vor.u32 v4, v24;
	v34 =	vadd.s32 v13, v24;
	v31 =	vld [tilespmem:s24+$0x1A0F0]  }
0x372: {  	[tilespmem:s15+$0x20] =	vst v29;
	v26 =	vld.idx.msk [tilespmem:v26+s19+$0x0], $0xffff  }
0x373: {  	v29 =	vsub.f32 v32, v28;
	v32 =	vld [tilespmem:s11+$0x184B0]  }
0x374: {  	v35 =	vld [tilespmem:s11+$0x1A4B0]  }
0x375: {  	v29 =	vmul.f32 v29, v23  }
0x376: {  	v31 =	vsub.f32 v31, v19;
	v33 =	vld.idx.msk [tilespmem:v33+s19+$0x0], $0xffff  }
0x377: {  	v28 =	vadd.f32 v29, v28;
	v29 =	vld.idx.msk [tilespmem:v34+s19+$0x0], $0xffff  }
0x378: {  	v26 =	vsub.f32 v26, v30;
	v31 =	vmul.f32 v31, v21  }
0x379: {  	[tilespmem:s17+$0x10] =	vst v28  }
0x37a: {  	v25 =	vmul.f32 v26, v25;
	v28 =	vld [tilespmem:s25+$0x1A0A0];
	v19 =	vadd.f32 v31, v19  }
0x37b: {  	v31 =	vsub.f32 v35, v32;
	v26 =	vld [tilespmem:s25+$0x180A0]  }
0x37c: {  	[tilespmem:s16+$0x70] =	vst v19;
	v19 =	vadd.f32 v25, v30;
	s16 =	smov.u32 s30  }
0x37d: {  	v30 =	vmul.f32 v31, v17;
	v29 =	vsub.f32 v29, v33;
	v25 =	vld [tilespmem:s24+$0x18480]  }
0x37e: {  	v31 =	vld [tilespmem:s24+$0x1A480];
	[tilespmem:s22+$0x30] =	vst v19  }
0x37f: {  	v30 =	vadd.f32 v30, v32;
	v29 =	vmul.f32 v29, v27;
	v32 =	vor.u32 v12, v24;
	v19 =	vld.idx.msk [tilespmem:v18+s31+$0x0], $0xffff  }
0x380: {  	v35 =	vadd.s32 v9, v24;
	v34 =	vld [tilespmem:s4+$0x18080];
	v28 =	vsub.f32 v28, v26  }
0x381: {  	v29 =	vadd.f32 v29, v33;
	v36 =	vld [tilespmem:s4+$0x1A080];
	[tilespmem:s15+$0x30] =	vst v30  }
0x382: {  	s18 =	sor.u32 s12, s13;
	s12 =	smov.u32 s10;
	s10 =	smov.u32 s2;
	v28 =	vmul.f32 v28, v23;
	v30 =	vld [tilespmem:s11+$0x1A4C0]  }
0x383: {  	s13 =	smov.u32 s14;
	s14 =	smov.u32 s6;
	v31 =	vsub.f32 v31, v25;
	v33 =	vld [tilespmem:s11+$0x184C0];
	[tilespmem:s18+$0x0] =	vst v29  }
0x384: {  	v26 =	vadd.f32 v28, v26;
	v28 =	vld.idx.msk [tilespmem:v32+s19+$0x0], $0xffff  }
0x385: {  	v29 =	vmul.f32 v31, v21;
	v31 =	vld.idx.msk [tilespmem:v35+s19+$0x0], $0xffff  }
0x386: {  	[tilespmem:s17+$0x20] =	vst v26  }
0x387: {  	v26 =	vld [tilespmem:s25+$0x180B0];
	v25 =	vadd.f32 v29, v25  }
0x388: {  	s20 =	sor.u32 s12, s9;
	s9 =	smov.u32 s29;
	v29 =	vld [tilespmem:s25+$0x1A0B0];
	v30 =	vsub.f32 v30, v33  }
0x389: {  	v32 =	vsub.f32 v36, v34;
	[tilespmem:s20+$0x0] =	vst v25  }
0x38a: {  	v25 =	vld [tilespmem:s24+$0x18490];
	v30 =	vmul.f32 v30, v17  }
0x38b: {  	v32 =	vmul.f32 v32, v19;
	v31 =	vsub.f32 v31, v28;
	v35 =	vld [tilespmem:s24+$0x1A490]  }
0x38c: {  	v30 =	vadd.f32 v30, v33;
	v33 =	vor.u32 v10, v24  }
0x38d: {  	v32 =	vadd.f32 v32, v34;
	v31 =	vmul.f32 v31, v27;
	v29 =	vsub.f32 v29, v26  }
0x38e: {  	[tilespmem:s15+$0x40] =	vst v30  }
0x38f: {  	v28 =	vadd.f32 v31, v28;
	[tilespmem:s16+$0x0] =	vst v32;
	v29 =	vmul.f32 v29, v23;
	v30 =	vld [tilespmem:s11+$0x184D0]  }
0x390: {  	v31 =	vsub.f32 v35, v25;
	v32 =	vld [tilespmem:s11+$0x1A4D0]  }
0x391: {  	v34 =	vld [tilespmem:s4+$0x18090];
	v26 =	vadd.f32 v29, v26;
	[tilespmem:s18+$0x10] =	vst v28;
	v28 =	vadd.s32 v11, v24  }
0x392: {  	v29 =	vmul.f32 v31, v21;
	v31 =	vld.idx.msk [tilespmem:v33+s19+$0x0], $0xffff  }
0x393: {  	v33 =	vld [tilespmem:s4+$0x1A090];
	[tilespmem:s17+$0x30] =	vst v26  }
0x394: {  	v26 =	vld [tilespmem:s25+$0x180C0];
	v25 =	vadd.f32 v29, v25  }
0x395: {  	v29 =	vld [tilespmem:s25+$0x1A0C0];
	v32 =	vsub.f32 v32, v30  }
0x396: {  	[tilespmem:s20+$0x10] =	vst v25;
	v25 =	vld.idx.msk [tilespmem:v28+s19+$0x0], $0xffff  }
0x397: {  	v28 =	vld [tilespmem:s24+$0x184A0];
	v32 =	vmul.f32 v32, v17  }
0x398: {  	v33 =	vsub.f32 v33, v34;
	v35 =	vld [tilespmem:s24+$0x1A4A0]  }
0x399: {  	v30 =	vadd.f32 v32, v30  }
0x39a: {  	v32 =	vmul.f32 v33, v19;
	v29 =	vsub.f32 v29, v26  }
0x39b: {  	[tilespmem:s15+$0x50] =	vst v30  }
0x39c: {  	v25 =	vsub.f32 v25, v31;
	v30 =	vadd.f32 v32, v34;
	v29 =	vmul.f32 v29, v23;
	v32 =	vld [tilespmem:s11+$0x184E0]  }
0x39d: {  	v33 =	vsub.f32 v35, v28;
	v34 =	vld [tilespmem:s11+$0x1A4E0]  }
0x39e: {  	v25 =	vmul.f32 v25, v27;
	[tilespmem:s16+$0x10] =	vst v30;
	v26 =	vadd.f32 v29, v26;
	v29 =	vor.u32 v14, v24  }
0x39f: {  	v24 =	vadd.s32 v15, v24;
	v30 =	vld [tilespmem:s4+$0x180A0];
	v33 =	vmul.f32 v33, v21  }
0x3a0: {  	v25 =	vadd.f32 v25, v31;
	v35 =	vld [tilespmem:s4+$0x1A0A0];
	[tilespmem:s17+$0x40] =	vst v26  }
0x3a1: {  	v26 =	vld [tilespmem:s25+$0x1A0D0];
	v28 =	vadd.f32 v33, v28  }
0x3a2: {  	v31 =	vld [tilespmem:s25+$0x180D0];
	v33 =	vsub.f32 v34, v32;
	[tilespmem:s18+$0x20] =	vst v25  }
0x3a3: {  	[tilespmem:s20+$0x20] =	vst v28;
	v25 =	vld.idx.msk [tilespmem:v29+s19+$0x0], $0xffff  }
0x3a4: {  	v28 =	vmul.f32 v33, v17;
	v24 =	vld.idx.msk [tilespmem:v24+s19+$0x0], $0xffff  }
0x3a5: {  	v29 =	vsub.f32 v35, v30;
	v33 =	vld [tilespmem:s24+$0x184B0]  }
0x3a6: {  	v34 =	vld [tilespmem:s24+$0x1A4B0];
	v28 =	vadd.f32 v28, v32  }
0x3a7: {  	v29 =	vmul.f32 v29, v19;
	v26 =	vsub.f32 v26, v31  }
0x3a8: {  	[tilespmem:s15+$0x60] =	vst v28  }
0x3a9: {  	v28 =	vadd.f32 v29, v30;
	v26 =	vmul.f32 v26, v23;
	v29 =	vld [tilespmem:s11+$0x184F0]  }
0x3aa: {  	v24 =	vsub.f32 v24, v25;
	v30 =	vld [tilespmem:s11+$0x1A4F0];
	s11 =	smov.u32 s25  }
0x3ab: {  	[tilespmem:s16+$0x20] =	vst v28;
	v26 =	vadd.f32 v26, v31;
	v28 =	vsub.f32 v34, v33  }
0x3ac: {  	v24 =	vmul.f32 v24, v27;
	v31 =	vld [tilespmem:s4+$0x180B0]  }
0x3ad: {  	v27 =	vld [tilespmem:s4+$0x1A0B0];
	[tilespmem:s17+$0x50] =	vst v26;
	v26 =	vmul.f32 v28, v21  }
0x3ae: {  	v24 =	vadd.f32 v24, v25;
	v28 =	vld [tilespmem:s11+$0x180E0]  }
0x3af: {  	v25 =	vld [tilespmem:s11+$0x1A0E0];
	v26 =	vadd.f32 v26, v33;
	v30 =	vsub.f32 v30, v29  }
0x3b0: {  	[tilespmem:s18+$0x30] =	vst v24  }
0x3b1: {  	[tilespmem:s20+$0x30] =	vst v26;
	v24 =	vmul.f32 v30, v17;
	v17 =	vmov v23  }
0x3b2: {  	v23 =	vsub.f32 v27, v31;
	v26 =	vld [tilespmem:s24+$0x184C0]  }
0x3b3: {  	v27 =	vld [tilespmem:s24+$0x1A4C0];
	v24 =	vadd.f32 v24, v29  }
0x3b4: {  	v23 =	vmul.f32 v23, v19;
	v25 =	vsub.f32 v25, v28  }
0x3b5: {  	[tilespmem:s15+$0x70] =	vst v24  }
0x3b6: {  	v23 =	vadd.f32 v23, v31;
	v24 =	vmul.f32 v25, v17;
	v29 =	vld.idx.msk [tilespmem:v16+s7+$0x0], $0xffff  }
0x3b7: {  	v25 =	vld.idx.msk [tilespmem:v16+s0+$0x0], $0xffff;
	v16 =	vmov v22  }
0x3b8: {  	[tilespmem:s16+$0x30] =	vst v23;
	v22 =	vadd.f32 v24, v28;
	v23 =	vsub.f32 v27, v26  }
0x3b9: {  	v24 =	vld [tilespmem:s4+$0x180C0]  }
0x3ba: {  	v30 =	vld [tilespmem:s4+$0x1A0C0];
	[tilespmem:s17+$0x60] =	vst v22;
	v22 =	vmul.f32 v23, v21  }
0x3bb: {  	v23 =	vld [tilespmem:s11+$0x180F0]  }
0x3bc: {  	v31 =	vld [tilespmem:s11+$0x1A0F0];
	v22 =	vadd.f32 v22, v26;
	v26 =	vshll.u32 v29, $0x7  }
0x3bd: {  	v29 =	vor.u32 v4, v26;
	v32 =	vadd.s32 v13, v26;
	v28 =	vor.u32 v10, v26  }
0x3be: {  	v27 =	vadd.s32 v11, v26;
	[tilespmem:s20+$0x40] =	vst v22  }
0x3bf: {  	v22 =	vsub.f32 v30, v24;
	v30 =	vld [tilespmem:s24+$0x184D0]  }
0x3c0: {  	v33 =	vld [tilespmem:s24+$0x1A4D0]  }
0x3c1: {  	v22 =	vmul.f32 v22, v19;
	v31 =	vsub.f32 v31, v23  }
0x3c2: {  	v29 =	vld.idx.msk [tilespmem:v29+s19+$0x0], $0xffff  }
0x3c3: {  	v22 =	vadd.f32 v22, v24;
	v24 =	vmul.f32 v31, v17;
	v31 =	vld.idx.msk [tilespmem:v32+s19+$0x0], $0xffff;
	_ =	sdelay $0x1  }
0x3c4: {  	[tilespmem:s16+$0x40] =	vst v22;
	v22 =	vadd.f32 v24, v23;
	v23 =	vsub.f32 v33, v30  }
0x3c5: {  	v32 =	vld [tilespmem:s4+$0x180D0]  }
0x3c6: {  	v24 =	vld [tilespmem:s4+$0x1A0D0];
	[tilespmem:s17+$0x70] =	vst v22;
	v22 =	vmul.f32 v23, v21  }
0x3c7: {  	v23 =	vld [tilespmem:s11+$0x18480]  }
0x3c8: {  	v33 =	vld [tilespmem:s11+$0x1A480];
	v22 =	vadd.f32 v22, v30;
	v30 =	vsub.f32 v31, v29;
	_ =	sdelay $0x1  }
0x3c9: {  	[tilespmem:s20+$0x50] =	vst v22;
	v22 =	vmul.f32 v30, v25;
	v30 =	vadd.s32 v9, v26  }
0x3ca: {  	v34 =	vor.u32 v12, v26;
	v24 =	vsub.f32 v24, v32;
	v31 =	vld [tilespmem:s24+$0x184E0]  }
0x3cb: {  	s2 =	sadd.s32 s1, s5;
	v35 =	vld [tilespmem:s24+$0x1A4E0];
	v29 =	vadd.f32 v22, v29  }
0x3cc: {  	s22 =	sadd.s32 s8, s13;
	s8 =	smov.u32 s3;
	v22 =	vmov s2;
	s2 =	sadd.s32 $0x1, s2;
	v36 =	vmul.f32 v24, v19;
	v33 =	vsub.f32 v33, v23  }
0x3cd: {  	v24 =	vand.u32 $0xFFFFFFFE, v22;
	v22 =	vmov s2;
	[tilespmem:s22+$0x0] =	vst v29  }
0x3ce: {  	s26 =	sadd.s32 $0x100, s26;
	v24 =	vbroadcast v24, $0x0;
	v29 =	vadd.f32 v36, v32;
	v32 =	vmul.f32 v33, v17;
	v33 =	vld.idx.msk [tilespmem:v30+s19+$0x0], $0xffff  }
0x3cf: {  	s1 =	sshrl.u32 s1, $0x3;
	s3 =	sand.u32 $0x380, s26;
	v38 =	vld.idx.msk [tilespmem:v34+s19+$0x0], $0xffff  }
0x3d0: {  	s6 =	sshll.u32 s1, $0xB;
	s1 =	smul.u32 $0x7000, s1;
	s2 =	sadd.s32 $0xFFFFFF80, s26;
	[tilespmem:s16+$0x50] =	vst v29;
	v23 =	vadd.f32 v32, v23;
	v32 =	vsub.f32 v35, v31  }
0x3d1: {  	s25 =	sor.u32 s6, s3;
	s15 =	sadd.s32 s8, s9;
	s2 =	sand.u32 $0x300, s2;
	v29 =	vld [tilespmem:s4+$0x180E0]  }
0x3d2: {  	s1 =	sshra.s32 s1, $0x2;
	s17 =	sor.u32 s2, s6;
	v30 =	vld [tilespmem:s25+$0x1A080];
	[tilespmem:s15+$0x0] =	vst v23;
	v23 =	vmul.f32 v32, v21  }
0x3d3: {  	s29 =	sadd.s32 $0x11480, s1;
	s18 =	sadd.s32 $0x11080, s1;
	s6 =	sadd.s32 $0x11880, s1;
	v37 =	vld [tilespmem:s11+$0x1A490]  }
0x3d4: {  	v32 =	vld [tilespmem:s11+$0x18490];
	v31 =	vadd.f32 v23, v31  }
.Ltmp4:
0x3d5: {  	v33 =	vsub.f32 v33, v38;
	v23 =	vld.idx.msk [tilespmem:v22+s31+$0x0], $0xffff;
	(pc) =	sbr.rel @p1 .LBB2_11-.Ltmp4, $4  }
0x3d6: {  	v34 =	vld [tilespmem:s4+$0x1A0E0];
	[tilespmem:s20+$0x60] =	vst v31  }
0x3d7: {  	v33 =	vmul.f32 v33, v25;
	v31 =	vld [tilespmem:s24+$0x184F0]  }
0x3d8: {  	v36 =	vld [tilespmem:s24+$0x1A4F0];
	s24 =	smov.u32 s4;
	s4 =	smov.u32 s17  }
0x3d9: {  	v33 =	vadd.f32 v33, v38;
	v35 =	vld [tilespmem:s25+$0x18080];
	v37 =	vsub.f32 v37, v32  }
0x3da: {  	_ = 	snop  }
0x3db: {  	v37 =	vmul.f32 v37, v17;
	_ =	sdelay $0x1  }
0x3dc: {  	v32 =	vadd.f32 v37, v32;
	_ =	sdelay $0x1  }
0x3dd: {  	v36 =	vsub.f32 v36, v31;
	[tilespmem:s15+$0x10] =	vst v32  }
0x3de: {  	v30 =	vsub.f32 v30, v35;
	v32 =	vld [tilespmem:s11+$0x184A0]  }
0x3df: {  	v21 =	vmul.f32 v36, v21;
	v45 =	vld [tilespmem:s11+$0x1A4A0]  }
0x3e0: {  	v30 =	vmul.f32 v30, v23  }
0x3e1: {  	v34 =	vsub.f32 v34, v29;
	v21 =	vadd.f32 v21, v31  }
0x3e2: {  	v30 =	vadd.f32 v30, v35  }
0x3e3: {  	s17 =	sadd.s32 s3, s18;
	v31 =	vmul.f32 v34, v19;
	[tilespmem:s20+$0x70] =	vst v21  }
0x3e4: {  	[tilespmem:s17+$0x0] =	vst v30;
	v21 =	vld.idx.msk [tilespmem:v20+s7+$0x0], $0xffff;
	v30 =	vsub.f32 v45, v32  }
0x3e5: {  	v29 =	vadd.f32 v31, v29;
	v31 =	vld [tilespmem:s25+$0x1A090]  }
0x3e6: {  	v46 =	vld [tilespmem:s25+$0x18090];
	v30 =	vmul.f32 v30, v17;
	_ =	sdelay $0x1  }
0x3e7: {  	[tilespmem:s16+$0x60] =	vst v29;
	v30 =	vadd.f32 v30, v32  }
0x3e8: {  	v29 =	vld [tilespmem:s24+$0x180F0]  }
0x3e9: {  	v47 =	vld [tilespmem:s24+$0x1A0F0];
	v21 =	vshll.u32 v21, $0x7;
	[tilespmem:s15+$0x20] =	vst v30  }
0x3ea: {  	v31 =	vsub.f32 v31, v46;
	v49 =	vadd.s32 v13, v21;
	v48 =	vld [tilespmem:s11+$0x184B0]  }
0x3eb: {  	v30 =	vor.u32 v4, v21;
	v50 =	vld [tilespmem:s11+$0x1A4B0]  }
0x3ec: {  	v31 =	vmul.f32 v31, v23;
	_ =	sdelay $0x1  }
0x3ed: {  	v20 =	vld.idx.msk [tilespmem:v20+s0+$0x0], $0xffff;
	v32 =	vsub.f32 v47, v29;
	v31 =	vadd.f32 v31, v46  }
0x3ee: {  	v51 =	vld.idx.msk [tilespmem:v49+s19+$0x0], $0xffff  }
0x3ef: {  	v32 =	vmul.f32 v32, v19;
	v30 =	vld.idx.msk [tilespmem:v30+s19+$0x0], $0xffff;
	[tilespmem:s17+$0x10] =	vst v31;
	v31 =	vsub.f32 v50, v48  }
0x3f0: {  	v52 =	vld [tilespmem:s25+$0x1A0A0]  }
0x3f1: {  	v29 =	vadd.f32 v32, v29;
	v53 =	vld [tilespmem:s25+$0x180A0];
	v31 =	vmul.f32 v31, v17  }
0x3f2: {  	v39 =	vld [tilespmem:s4+$0x18080];
	[tilespmem:s22+$0x10] =	vst v33  }
0x3f3: {  	v56 =	vld.idx.msk [tilespmem:v27+s19+$0x0], $0xffff;
	[tilespmem:s16+$0x70] =	vst v29;
	v31 =	vadd.f32 v31, v48  }
0x3f4: {  	v29 =	vld [tilespmem:s24+$0x18480];
	v54 =	vsub.f32 v51, v30  }
0x3f5: {  	v55 =	vld [tilespmem:s24+$0x1A480];
	[tilespmem:s15+$0x30] =	vst v31  }
0x3f6: {  	v57 =	vsub.f32 v52, v53;
	v27 =	vmul.f32 v54, v20;
	v31 =	vor.u32 v12, v21;
	v58 =	vld [tilespmem:s11+$0x1A4C0]  }
0x3f7: {  	v59 =	vadd.s32 v9, v21;
	v38 =	vld [tilespmem:s11+$0x184C0]  }
0x3f8: {  	v40 =	vld [tilespmem:s4+$0x1A080];
	v33 =	vmul.f32 v57, v23;
	v30 =	vadd.f32 v27, v30  }
0x3f9: {  	s12 =	sor.u32 s12, s13;
	v28 =	vld.idx.msk [tilespmem:v28+s19+$0x0], $0xffff  }
0x3fa: {  	v34 =	vsub.f32 v55, v29;
	v27 =	vld.idx.msk [tilespmem:v24+s31+$0x0], $0xffff;
	[tilespmem:s12+$0x0] =	vst v30;
	v30 =	vadd.f32 v33, v53  }
0x3fb: {  	v31 =	vld.idx.msk [tilespmem:v31+s19+$0x0], $0xffff  }
0x3fc: {  	v60 =	vmul.f32 v34, v19;
	v61 =	vld.idx.msk [tilespmem:v59+s19+$0x0], $0xffff;
	[tilespmem:s17+$0x20] =	vst v30;
	v30 =	vsub.f32 v58, v38  }
0x3fd: {  	v62 =	vld [tilespmem:s25+$0x180B0]  }
0x3fe: {  	v41 =	vsub.f32 v40, v39;
	v29 =	vadd.f32 v60, v29;
	v63 =	vld [tilespmem:s25+$0x1A0B0];
	v30 =	vmul.f32 v30, v17  }
0x3ff: {  	s1 =	sor.u32 s10, s9  }
0x400: {  	[tilespmem:s1+$0x0] =	vst v29;
	v36 =	vmul.f32 v41, v27;
	v30 =	vadd.f32 v30, v38  }
0x401: {  	v35 =	vsub.f32 v56, v28;
	v29 =	vld [tilespmem:s24+$0x18490]  }
0x402: {  	v42 =	vld [tilespmem:s24+$0x1A490];
	v36 =	vadd.f32 v36, v39;
	v33 =	vsub.f32 v61, v31;
	[tilespmem:s15+$0x40] =	vst v30  }
0x403: {  	s16 =	sor.u32 s2, s18;
	v30 =	vmul.f32 v35, v25;
	v32 =	vsub.f32 v63, v62;
	v44 =	vld [tilespmem:s11+$0x184D0]  }
0x404: {  	v43 =	vor.u32 v14, v26;
	[tilespmem:s16+$0x0] =	vst v36;
	v33 =	vmul.f32 v33, v20;
	v46 =	vld [tilespmem:s11+$0x1A4D0]  }
0x405: {  	v47 =	vld [tilespmem:s4+$0x18090];
	v28 =	vadd.f32 v30, v28;
	v30 =	vmul.f32 v32, v23  }
0x406: {  	v49 =	vld [tilespmem:s4+$0x1A090];
	v31 =	vadd.f32 v33, v31  }
0x407: {  	v45 =	vor.u32 v10, v21;
	v48 =	vsub.f32 v42, v29;
	[tilespmem:s22+$0x20] =	vst v28;
	v28 =	vadd.f32 v30, v62  }
0x408: {  	v30 =	vadd.s32 v11, v21;
	[tilespmem:s12+$0x10] =	vst v31  }
0x409: {  	v31 =	vmul.f32 v48, v19;
	v50 =	vld.idx.msk [tilespmem:v43+s19+$0x0], $0xffff;
	[tilespmem:s17+$0x30] =	vst v28;
	v28 =	vsub.f32 v46, v44  }
0x40a: {  	v26 =	vadd.s32 v15, v26;
	v52 =	vld [tilespmem:s25+$0x180C0]  }
0x40b: {  	v53 =	vsub.f32 v49, v47;
	v29 =	vadd.f32 v31, v29;
	v31 =	vld [tilespmem:s25+$0x1A0C0];
	v28 =	vmul.f32 v28, v17  }
0x40c: {  	v51 =	vld.idx.msk [tilespmem:v45+s19+$0x0], $0xffff  }
0x40d: {  	v36 =	vmul.f32 v53, v27;
	[tilespmem:s1+$0x10] =	vst v29;
	v29 =	vld.idx.msk [tilespmem:v30+s19+$0x0], $0xffff;
	v28 =	vadd.f32 v28, v44  }
0x40e: {  	v30 =	vld [tilespmem:s24+$0x184A0]  }
0x40f: {  	v54 =	vld [tilespmem:s24+$0x1A4A0];
	[tilespmem:s15+$0x50] =	vst v28;
	v28 =	vadd.f32 v36, v47  }
0x410: {  	v26 =	vld.idx.msk [tilespmem:v26+s19+$0x0], $0xffff;
	v31 =	vsub.f32 v31, v52  }
0x411: {  	v55 =	vld [tilespmem:s11+$0x184E0];
	[tilespmem:s16+$0x10] =	vst v28  }
0x412: {  	v28 =	vmul.f32 v31, v23;
	v29 =	vsub.f32 v29, v51;
	v31 =	vld [tilespmem:s4+$0x180A0]  }
0x413: {  	v57 =	vld [tilespmem:s4+$0x1A0A0]  }
0x414: {  	v56 =	vld [tilespmem:s11+$0x1A4E0];
	v37 =	vsub.f32 v54, v30;
	v28 =	vadd.f32 v28, v52;
	v29 =	vmul.f32 v29, v20  }
0x415: {  	v59 =	vadd.s32 v15, v21;
	v58 =	vor.u32 v14, v21  }
0x416: {  	v21 =	vsub.f32 v26, v50;
	v26 =	vmul.f32 v37, v19;
	[tilespmem:s17+$0x40] =	vst v28;
	v28 =	vadd.f32 v29, v51;
	_ =	sdelay $0x1  }
0x417: {  	v26 =	vadd.f32 v26, v30;
	[tilespmem:s12+$0x20] =	vst v28;
	v28 =	vsub.f32 v57, v31  }
0x418: {  	v25 =	vmul.f32 v21, v25;
	v60 =	vsub.f32 v56, v55;
	v29 =	vld [tilespmem:s25+$0x1A0D0]  }
0x419: {  	v30 =	vld [tilespmem:s25+$0x180D0];
	[tilespmem:s1+$0x20] =	vst v26;
	v26 =	vmul.f32 v28, v27  }
0x41a: {  	v34 =	vadd.f32 v25, v50;
	v33 =	vmul.f32 v60, v17;
	v21 =	vld.idx.msk [tilespmem:v58+s19+$0x0], $0xffff  }
0x41b: {  	v25 =	vld.idx.msk [tilespmem:v59+s19+$0x0], $0xffff;
	v26 =	vadd.f32 v26, v31  }
0x41c: {  	[tilespmem:s22+$0x30] =	vst v34;
	v61 =	vld [tilespmem:s24+$0x1A4B0];
	v32 =	vadd.f32 v33, v55  }
0x41d: {  	v28 =	vld [tilespmem:s24+$0x184B0];
	[tilespmem:s16+$0x20] =	vst v26  }
0x41e: {  	[tilespmem:s15+$0x60] =	vst v32;
	v26 =	vld [tilespmem:s4+$0x180B0]  }
0x41f: {  	v31 =	vld [tilespmem:s4+$0x1A0B0];
	_ =	sdelay $0x4  }
0x420: {  	v31 =	vsub.f32 v31, v26;
	_ =	sdelay $0x1  }
0x421: {  	v31 =	vmul.f32 v31, v27;
	_ =	sdelay $0x1  }
0x422: {  	v26 =	vadd.f32 v31, v26;
	_ =	sdelay $0x1  }
0x423: {  	[tilespmem:s16+$0x30] =	vst v26  }
0x424: {  	v26 =	vld [tilespmem:s4+$0x180C0]  }
0x425: {  	v31 =	vld [tilespmem:s4+$0x1A0C0];
	_ =	sdelay $0x4  }
0x426: {  	v31 =	vsub.f32 v31, v26;
	_ =	sdelay $0x1  }
0x427: {  	v31 =	vmul.f32 v31, v27;
	_ =	sdelay $0x1  }
0x428: {  	v26 =	vadd.f32 v31, v26;
	_ =	sdelay $0x1  }
0x429: {  	[tilespmem:s16+$0x40] =	vst v26  }
0x42a: {  	v26 =	vld [tilespmem:s4+$0x180D0]  }
0x42b: {  	v31 =	vld [tilespmem:s4+$0x1A0D0];
	_ =	sdelay $0x2  }
0x42c: {  	v29 =	vsub.f32 v29, v30;
	_ =	sdelay $0x1  }
0x42d: {  	v29 =	vmul.f32 v29, v23;
	v31 =	vsub.f32 v31, v26;
	_ =	sdelay $0x1  }
0x42e: {  	v29 =	vadd.f32 v29, v30;
	v30 =	vmul.f32 v31, v27;
	_ =	sdelay $0x1  }
0x42f: {  	[tilespmem:s17+$0x50] =	vst v29;
	v26 =	vadd.f32 v30, v26  }
0x430: {  	v29 =	vld [tilespmem:s25+$0x180E0]  }
0x431: {  	v30 =	vld [tilespmem:s25+$0x1A0E0];
	[tilespmem:s16+$0x50] =	vst v26  }
0x432: {  	v26 =	vld [tilespmem:s4+$0x180E0]  }
0x433: {  	v31 =	vld [tilespmem:s4+$0x1A0E0];
	_ =	sdelay $0x2  }
0x434: {  	v30 =	vsub.f32 v30, v29;
	_ =	sdelay $0x1  }
0x435: {  	v30 =	vmul.f32 v30, v23;
	v31 =	vsub.f32 v31, v26;
	_ =	sdelay $0x1  }
0x436: {  	v29 =	vadd.f32 v30, v29;
	v30 =	vmul.f32 v31, v27;
	_ =	sdelay $0x1  }
0x437: {  	[tilespmem:s17+$0x60] =	vst v29;
	v26 =	vadd.f32 v30, v26  }
0x438: {  	v29 =	vld [tilespmem:s25+$0x180F0]  }
0x439: {  	v30 =	vld [tilespmem:s25+$0x1A0F0];
	[tilespmem:s16+$0x60] =	vst v26  }
0x43a: {  	v26 =	vld [tilespmem:s4+$0x180F0]  }
0x43b: {  	v31 =	vld [tilespmem:s4+$0x1A0F0];
	_ =	sdelay $0x2  }
0x43c: {  	v30 =	vsub.f32 v30, v29;
	_ =	sdelay $0x1  }
0x43d: {  	v30 =	vmul.f32 v30, v23;
	v31 =	vsub.f32 v31, v26;
	_ =	sdelay $0x1  }
0x43e: {  	v29 =	vadd.f32 v30, v29;
	v30 =	vmul.f32 v31, v27;
	_ =	sdelay $0x1  }
0x43f: {  	[tilespmem:s17+$0x70] =	vst v29;
	v26 =	vadd.f32 v30, v26  }
0x440: {  	v29 =	vld [tilespmem:s25+$0x18480]  }
0x441: {  	v30 =	vld [tilespmem:s25+$0x1A480];
	[tilespmem:s16+$0x70] =	vst v26  }
0x442: {  	v26 =	vld [tilespmem:s4+$0x18480]  }
0x443: {  	v31 =	vld [tilespmem:s4+$0x1A480];
	_ =	sdelay $0x2  }
0x444: {  	v30 =	vsub.f32 v30, v29;
	_ =	sdelay $0x1  }
0x445: {  	v30 =	vmul.f32 v30, v23;
	v31 =	vsub.f32 v31, v26;
	_ =	sdelay $0x1  }
0x446: {  	v29 =	vadd.f32 v30, v29;
	v30 =	vmul.f32 v31, v27  }
0x447: {  	s17 =	sadd.s32 s3, s29  }
0x448: {  	[tilespmem:s17+$0x0] =	vst v29;
	v26 =	vadd.f32 v30, v26  }
0x449: {  	s18 =	sor.u32 s2, s29;
	v29 =	vld [tilespmem:s25+$0x1A490]  }
0x44a: {  	v30 =	vld [tilespmem:s25+$0x18490];
	[tilespmem:s18+$0x0] =	vst v26  }
0x44b: {  	v26 =	vld [tilespmem:s4+$0x18490]  }
0x44c: {  	v31 =	vld [tilespmem:s4+$0x1A490];
	_ =	sdelay $0x2  }
0x44d: {  	v29 =	vsub.f32 v29, v30;
	_ =	sdelay $0x1  }
0x44e: {  	v29 =	vmul.f32 v29, v23;
	v31 =	vsub.f32 v31, v26;
	_ =	sdelay $0x1  }
0x44f: {  	v29 =	vadd.f32 v29, v30;
	v30 =	vmul.f32 v31, v27;
	_ =	sdelay $0x1  }
0x450: {  	[tilespmem:s17+$0x10] =	vst v29;
	v26 =	vadd.f32 v30, v26  }
0x451: {  	v29 =	vld [tilespmem:s25+$0x184A0]  }
0x452: {  	v30 =	vld [tilespmem:s25+$0x1A4A0];
	[tilespmem:s18+$0x10] =	vst v26  }
0x453: {  	v26 =	vld [tilespmem:s4+$0x184A0]  }
0x454: {  	v31 =	vld [tilespmem:s4+$0x1A4A0];
	_ =	sdelay $0x2  }
0x455: {  	v30 =	vsub.f32 v30, v29;
	_ =	sdelay $0x1  }
0x456: {  	v30 =	vmul.f32 v30, v23;
	v31 =	vsub.f32 v31, v26;
	_ =	sdelay $0x1  }
0x457: {  	v29 =	vadd.f32 v30, v29;
	v30 =	vmul.f32 v31, v27;
	_ =	sdelay $0x1  }
0x458: {  	[tilespmem:s17+$0x20] =	vst v29;
	v26 =	vadd.f32 v30, v26  }
0x459: {  	v29 =	vld [tilespmem:s25+$0x184B0]  }
0x45a: {  	v30 =	vld [tilespmem:s25+$0x1A4B0];
	[tilespmem:s18+$0x20] =	vst v26  }
0x45b: {  	v26 =	vld [tilespmem:s4+$0x184B0]  }
0x45c: {  	v31 =	vsub.f32 v61, v28;
	v62 =	vld [tilespmem:s4+$0x1A4B0];
	_ =	sdelay $0x1  }
0x45d: {  	v31 =	vmul.f32 v31, v19  }
0x45e: {  	v30 =	vsub.f32 v30, v29  }
0x45f: {  	v28 =	vadd.f32 v31, v28  }
0x460: {  	v30 =	vmul.f32 v30, v23;
	v31 =	vsub.f32 v62, v26  }
0x461: {  	[tilespmem:s1+$0x30] =	vst v28  }
0x462: {  	v28 =	vld [tilespmem:s24+$0x184C0];
	v29 =	vadd.f32 v30, v29;
	v30 =	vmul.f32 v31, v27  }
0x463: {  	v31 =	vld [tilespmem:s24+$0x1A4C0]  }
0x464: {  	[tilespmem:s17+$0x30] =	vst v29;
	v26 =	vadd.f32 v30, v26  }
0x465: {  	v29 =	vld [tilespmem:s25+$0x1A4C0]  }
0x466: {  	v30 =	vld [tilespmem:s25+$0x184C0];
	[tilespmem:s18+$0x30] =	vst v26  }
0x467: {  	v26 =	vld [tilespmem:s4+$0x184C0]  }
0x468: {  	v31 =	vsub.f32 v31, v28;
	v63 =	vld [tilespmem:s4+$0x1A4C0];
	_ =	sdelay $0x1  }
0x469: {  	v31 =	vmul.f32 v31, v19  }
0x46a: {  	v29 =	vsub.f32 v29, v30  }
0x46b: {  	v28 =	vadd.f32 v31, v28  }
0x46c: {  	v29 =	vmul.f32 v29, v23;
	v31 =	vsub.f32 v63, v26  }
0x46d: {  	[tilespmem:s1+$0x40] =	vst v28  }
0x46e: {  	v29 =	vadd.f32 v29, v30;
	v28 =	vld [tilespmem:s24+$0x184D0];
	v30 =	vmul.f32 v31, v27  }
0x46f: {  	v31 =	vld [tilespmem:s24+$0x1A4D0]  }
0x470: {  	[tilespmem:s17+$0x40] =	vst v29;
	v26 =	vadd.f32 v30, v26  }
0x471: {  	v29 =	vld [tilespmem:s25+$0x184D0]  }
0x472: {  	v30 =	vld [tilespmem:s25+$0x1A4D0];
	[tilespmem:s18+$0x40] =	vst v26  }
0x473: {  	v26 =	vld [tilespmem:s4+$0x184D0]  }
0x474: {  	v31 =	vsub.f32 v31, v28;
	v36 =	vld [tilespmem:s4+$0x1A4D0];
	_ =	sdelay $0x1  }
0x475: {  	v31 =	vmul.f32 v31, v19  }
0x476: {  	v30 =	vsub.f32 v30, v29  }
0x477: {  	v28 =	vadd.f32 v31, v28  }
0x478: {  	v30 =	vmul.f32 v30, v23;
	v31 =	vsub.f32 v36, v26  }
0x479: {  	[tilespmem:s1+$0x50] =	vst v28  }
0x47a: {  	v29 =	vadd.f32 v30, v29;
	v28 =	vld [tilespmem:s24+$0x184E0];
	v30 =	vmul.f32 v31, v27  }
0x47b: {  	v31 =	vld [tilespmem:s24+$0x1A4E0]  }
0x47c: {  	[tilespmem:s17+$0x50] =	vst v29;
	v26 =	vadd.f32 v30, v26  }
0x47d: {  	v29 =	vld [tilespmem:s25+$0x184E0]  }
0x47e: {  	v30 =	vld [tilespmem:s25+$0x1A4E0];
	[tilespmem:s18+$0x50] =	vst v26  }
0x47f: {  	v26 =	vld [tilespmem:s4+$0x184E0]  }
0x480: {  	v31 =	vsub.f32 v31, v28;
	v37 =	vld [tilespmem:s4+$0x1A4E0];
	_ =	sdelay $0x1  }
0x481: {  	v31 =	vmul.f32 v31, v19  }
0x482: {  	v30 =	vsub.f32 v30, v29  }
0x483: {  	v38 =	vld [tilespmem:s11+$0x184F0];
	v28 =	vadd.f32 v31, v28  }
0x484: {  	v31 =	vld [tilespmem:s11+$0x1A4F0];
	v30 =	vmul.f32 v30, v23;
	v32 =	vsub.f32 v37, v26  }
0x485: {  	[tilespmem:s1+$0x60] =	vst v28  }
0x486: {  	v29 =	vadd.f32 v30, v29;
	v28 =	vld [tilespmem:s24+$0x184F0];
	v30 =	vmul.f32 v32, v27  }
0x487: {  	v39 =	vld [tilespmem:s24+$0x1A4F0]  }
0x488: {  	[tilespmem:s17+$0x60] =	vst v29;
	v26 =	vadd.f32 v30, v26  }
0x489: {  	v29 =	vsub.f32 v31, v38;
	v30 =	vld [tilespmem:s25+$0x184F0]  }
0x48a: {  	v31 =	vld [tilespmem:s25+$0x1A4F0];
	[tilespmem:s18+$0x60] =	vst v26  }
0x48b: {  	v17 =	vmul.f32 v29, v17;
	v26 =	vld [tilespmem:s4+$0x184F0]  }
0x48c: {  	v29 =	vsub.f32 v39, v28;
	v40 =	vld [tilespmem:s4+$0x1A4F0]  }
0x48d: {  	v17 =	vadd.f32 v17, v38  }
0x48e: {  	v19 =	vmul.f32 v29, v19  }
0x48f: {  	[tilespmem:s15+$0x70] =	vst v17;
	v17 =	vsub.f32 v31, v30  }
0x490: {  	v19 =	vadd.f32 v19, v28  }
0x491: {  	v29 =	vld.idx.msk [tilespmem:v16+s7+$0x0], $0xffff;
	v17 =	vmul.f32 v17, v23;
	v23 =	vsub.f32 v40, v26  }
0x492: {  	[tilespmem:s1+$0x70] =	vst v19  }
0x493: {  	v19 =	vld.idx.msk [tilespmem:v18+s7+$0x0], $0xffff;
	v17 =	vadd.f32 v17, v30;
	v23 =	vmul.f32 v23, v27;
	_ =	sdelay $0x1  }
0x494: {  	[tilespmem:s17+$0x70] =	vst v17;
	v17 =	vadd.f32 v23, v26  }
0x495: {  	v27 =	vshll.u32 v29, $0x7;
	v26 =	vld.idx.msk [tilespmem:v22+s7+$0x0], $0xffff  }
0x496: {  	v23 =	vor.u32 v4, v27;
	[tilespmem:s18+$0x70] =	vst v17  }
0x497: {  	v28 =	vadd.s32 v13, v27;
	v17 =	vshll.u32 v19, $0x7;
	v19 =	vld.idx.msk [tilespmem:v24+s7+$0x0], $0xffff  }
0x498: {  	v29 =	vor.u32 v4, v17  }
0x499: {  	v16 =	vld.idx.msk [tilespmem:v16+s0+$0x0], $0xffff;
	v30 =	vadd.s32 v13, v17  }
0x49a: {  	v18 =	vld.idx.msk [tilespmem:v18+s0+$0x0], $0xffff;
	v26 =	vshll.u32 v26, $0x7  }
0x49b: {  	v23 =	vld.idx.msk [tilespmem:v23+s19+$0x0], $0xffff;
	v31 =	vor.u32 v4, v26  }
0x49c: {  	v28 =	vld.idx.msk [tilespmem:v28+s19+$0x0], $0xffff;
	v41 =	vadd.s32 v13, v26;
	v19 =	vshll.u32 v19, $0x7  }
0x49d: {  	v29 =	vld.idx.msk [tilespmem:v29+s19+$0x0], $0xffff;
	v42 =	vor.u32 v4, v19  }
0x49e: {  	v30 =	vld.idx.msk [tilespmem:v30+s19+$0x0], $0xffff;
	v43 =	vadd.s32 v13, v19  }
0x49f: {  	v22 =	vld.idx.msk [tilespmem:v22+s0+$0x0], $0xffff  }
0x4a0: {  	v31 =	vld.idx.msk [tilespmem:v31+s19+$0x0], $0xffff  }
0x4a1: {  	v28 =	vsub.f32 v28, v23;
	v32 =	vld.idx.msk [tilespmem:v41+s19+$0x0], $0xffff  }
0x4a2: {  	v33 =	vld.idx.msk [tilespmem:v42+s19+$0x0], $0xffff  }
0x4a3: {  	v44 =	vadd.s32 v9, v27;
	v28 =	vmul.f32 v28, v16;
	v30 =	vsub.f32 v30, v29;
	v34 =	vld.idx.msk [tilespmem:v43+s19+$0x0], $0xffff  }
0x4a4: {  	v45 =	vor.u32 v12, v27  }
0x4a5: {  	v24 =	vld.idx.msk [tilespmem:v24+s0+$0x0], $0xffff;
	v23 =	vadd.f32 v28, v23;
	v28 =	vmul.f32 v30, v18;
	v30 =	vor.u32 v12, v17  }
0x4a6: {  	s20 =	sadd.s32 s8, s14;
	v46 =	vadd.s32 v9, v17;
	v32 =	vsub.f32 v32, v31  }
0x4a7: {  	[tilespmem:s20+$0x0] =	vst v23;
	v23 =	vadd.f32 v28, v29  }
0x4a8: {  	s22 =	sor.u32 s10, s14;
	v47 =	vadd.s32 v9, v26;
	v28 =	vld.idx.msk [tilespmem:v44+s19+$0x0], $0xffff;
	v29 =	vmul.f32 v32, v22;
	v34 =	vsub.f32 v34, v33  }
0x4a9: {  	v48 =	vld.idx.msk [tilespmem:v45+s19+$0x0], $0xffff;
	[tilespmem:s22+$0x0] =	vst v23;
	v23 =	vor.u32 v12, v26  }
0x4aa: {  	v49 =	vor.u32 v12, v19;
	v30 =	vld.idx.msk [tilespmem:v30+s19+$0x0], $0xffff;
	v29 =	vadd.f32 v29, v31;
	v31 =	vmul.f32 v34, v24  }
0x4ab: {  	s24 =	sadd.s32 s3, s6;
	v51 =	vadd.s32 v9, v19;
	v50 =	vld.idx.msk [tilespmem:v46+s19+$0x0], $0xffff  }
0x4ac: {  	[tilespmem:s24+$0x0] =	vst v29;
	v29 =	vadd.f32 v31, v33  }
0x4ad: {  	s25 =	sor.u32 s2, s6;
	v31 =	vld.idx.msk [tilespmem:v47+s19+$0x0], $0xffff  }
0x4ae: {  	v28 =	vsub.f32 v28, v48;
	v23 =	vld.idx.msk [tilespmem:v23+s19+$0x0], $0xffff;
	[tilespmem:s25+$0x0] =	vst v29  }
0x4af: {  	v29 =	vld.idx.msk [tilespmem:v49+s19+$0x0], $0xffff  }
0x4b0: {  	v52 =	vor.u32 v10, v27;
	v28 =	vmul.f32 v28, v16;
	v53 =	vsub.f32 v50, v30;
	v54 =	vld.idx.msk [tilespmem:v51+s19+$0x0], $0xffff  }
0x4b1: {  	v55 =	vadd.s32 v11, v27  }
0x4b2: {  	v28 =	vadd.f32 v28, v48;
	v33 =	vmul.f32 v53, v18  }
0x4b3: {  	v56 =	vor.u32 v10, v17;
	v31 =	vsub.f32 v31, v23  }
0x4b4: {  	v57 =	vadd.s32 v11, v17;
	[tilespmem:s20+$0x10] =	vst v28;
	v28 =	vadd.f32 v33, v30  }
0x4b5: {  	v58 =	vor.u32 v10, v26;
	v30 =	vld.idx.msk [tilespmem:v52+s19+$0x0], $0xffff;
	v59 =	vsub.f32 v54, v29;
	v31 =	vmul.f32 v31, v22  }
0x4b6: {  	v60 =	vld.idx.msk [tilespmem:v55+s19+$0x0], $0xffff;
	[tilespmem:s22+$0x10] =	vst v28;
	v28 =	vadd.s32 v11, v26  }
0x4b7: {  	v33 =	vmul.f32 v59, v24;
	v23 =	vadd.f32 v31, v23;
	v31 =	vor.u32 v10, v19  }
0x4b8: {  	v62 =	vadd.s32 v11, v19;
	v35 =	vld.idx.msk [tilespmem:v56+s19+$0x0], $0xffff  }
0x4b9: {  	v61 =	vld.idx.msk [tilespmem:v57+s19+$0x0], $0xffff;
	[tilespmem:s24+$0x10] =	vst v23;
	v23 =	vadd.f32 v33, v29  }
0x4ba: {  	v29 =	vld.idx.msk [tilespmem:v58+s19+$0x0], $0xffff  }
0x4bb: {  	v63 =	vsub.f32 v60, v30;
	v28 =	vld.idx.msk [tilespmem:v28+s19+$0x0], $0xffff;
	[tilespmem:s25+$0x10] =	vst v23  }
0x4bc: {  	v23 =	vld.idx.msk [tilespmem:v31+s19+$0x0], $0xffff  }
0x4bd: {  	v38 =	vor.u32 v14, v27;
	v31 =	vmul.f32 v63, v16;
	v40 =	vld.idx.msk [tilespmem:v62+s19+$0x0], $0xffff  }
0x4be: {  	v27 =	vadd.s32 v15, v27;
	v39 =	vsub.f32 v61, v35  }
0x4bf: {  	v30 =	vadd.f32 v31, v30  }
0x4c0: {  	v41 =	vor.u32 v14, v17;
	v31 =	vmul.f32 v39, v18;
	v28 =	vsub.f32 v28, v29  }
0x4c1: {  	v42 =	vor.u32 v14, v26;
	v17 =	vadd.s32 v15, v17;
	[tilespmem:s20+$0x20] =	vst v30  }
0x4c2: {  	v30 =	vadd.f32 v31, v35;
	v31 =	vld.idx.msk [tilespmem:v38+s19+$0x0], $0xffff;
	v28 =	vmul.f32 v28, v22;
	v34 =	vsub.f32 v40, v23  }
0x4c3: {  	v26 =	vadd.s32 v15, v26;
	v27 =	vld.idx.msk [tilespmem:v27+s19+$0x0], $0xffff  }
0x4c4: {  	[tilespmem:s22+$0x20] =	vst v30;
	v30 =	vor.u32 v14, v19;
	v28 =	vadd.f32 v28, v29;
	v29 =	vmul.f32 v34, v24  }
0x4c5: {  	v19 =	vadd.s32 v15, v19;
	v33 =	vld.idx.msk [tilespmem:v41+s19+$0x0], $0xffff  }
0x4c6: {  	v17 =	vld.idx.msk [tilespmem:v17+s19+$0x0], $0xffff;
	[tilespmem:s24+$0x20] =	vst v28;
	v23 =	vadd.f32 v29, v23  }
0x4c7: {  	v28 =	vld.idx.msk [tilespmem:v42+s19+$0x0], $0xffff  }
0x4c8: {  	v26 =	vld.idx.msk [tilespmem:v26+s19+$0x0], $0xffff;
	[tilespmem:s25+$0x20] =	vst v23  }
0x4c9: {  	v23 =	vld.idx.msk [tilespmem:v30+s19+$0x0], $0xffff  }
0x4ca: {  	v19 =	vld.idx.msk [tilespmem:v19+s19+$0x0], $0xffff  }
0x4cb: {  	v25 =	vsub.f32 v25, v21  }
0x4cc: {  	v27 =	vsub.f32 v27, v31  }
0x4cd: {  	v20 =	vmul.f32 v25, v20;
	v17 =	vsub.f32 v17, v33  }
0x4ce: {  	v16 =	vmul.f32 v27, v16;
	v25 =	vsub.f32 v26, v28  }
0x4cf: {  	v20 =	vadd.f32 v20, v21;
	v17 =	vmul.f32 v17, v18;
	v18 =	vsub.f32 v19, v23  }
0x4d0: {  	v16 =	vadd.f32 v16, v31;
	v19 =	vmul.f32 v25, v22  }
0x4d1: {  	[tilespmem:s12+$0x30] =	vst v20;
	v17 =	vadd.f32 v17, v33;
	v18 =	vmul.f32 v18, v24  }
0x4d2: {  	[tilespmem:s20+$0x30] =	vst v16;
	v16 =	vadd.f32 v19, v28  }
0x4d3: {  	s26 =	smul.u32 $0x7000, s21;
	[tilespmem:s22+$0x30] =	vst v17;
	v17 =	vadd.f32 v18, v23  }
0x4d4: {  	s1 =	rddreg [dreg:$0xf];
	[tilespmem:s24+$0x30] =	vst v16  }
0x4d5: {  	s1 =	sadd.s32 s1, s26;
	[tilespmem:s25+$0x30] =	vst v17  }
0x4d6: {  	s30 =	simm.s32 $0x11080;
	s1 =	sshrl.u32 s1, $0x3;
	s2 =	rddreg [dreg:$0x8]  }
0x4d7: {  	p1 =	seq.s32 s21, $0xF;
	s29 =	simm.s32 $0x0;
	s1 =	sadd.s32 s2, s1  }
0x4d8: {  	[hbm4b:s1+s29] =	stream.linear.scatter [tilespmem:s30], [sflag:$0x2], $0x3800, $0x38;
	[tilespmem:$0x1C080] =	vst v63  }
0x4d9: {  	v16 =	vld @!p1 [tilespmem:s23+$0x4A0];
	_ =	sdelay $0x4  }
0x4da: {  	v17 =	vshll.u32 @!p1 v16, $0x1  }
0x4db: {  	v18 =	vlaneseq.u32 @!p1;
	v16 =	vand.u32 @!p1 $0x7, v16;
	v17 =	vand.u32 @!p1 $0xFFFFFFF0, v17  }
0x4dc: {  	v19 =	vshrl.u32 @!p1 v18, $0x3;
	v16 =	vor.u32 @!p1 v16, v17;
	v17 =	vand.u32 @!p1 $0x7, v18  }
0x4dd: {  	v19 =	vmul.u32 @!p1 $0x8, v19;
	v20 =	vperm.xlane @!p1 v16, v17  }
0x4de: {  	v18 =	vor.u32 @!p1 $0x8, v18  }
0x4df: {  	v16 =	vperm.xlane @!p1 v16, v18;
	v20 =	vadd.s32 @!p1 v19, v20;
	_ =	sdelay $0x1  }
0x4e0: {  	v16 =	vadd.s32 @!p1 v19, v16;
	_ =	sdelay $0x1  }
0x4e1: {  	vm1 =	vmmov @!p1 $0xffff;
	s3 =	rddreg [dreg:$0x0];
	s2 =	simm.s32 @!p1 $0x18080;
	s1 =	simm.s32 @!p1 $0x0  }
0x4e2: {  	[tilespmem:s2], [sflag:$0x1] =	stream.indirect_vreg.gather @!p1 [hbm4b:s3+s1], $0x80, v20, vm1, $0xb8;
	[tilespmem:$0x1C080] =	vst v63  }
0x4e3: {  	s2 =	simm.s32 @!p1 $0x18880  }
0x4e4: {  	[tilespmem:s2], [sflag:$0x1] =	stream.indirect_vreg.gather @!p1 [hbm4b:s3+s1], $0x80, v16, vm1, $0xb8;
	[tilespmem:$0x1C080] =	vst v63  }
0x4e5: {  	v16 =	vld @!p1 [tilespmem:s23+$0x6A0];
	_ =	sdelay $0x4  }
0x4e6: {  	v20 =	vshll.u32 @!p1 v16, $0x1  }
0x4e7: {  	v16 =	vand.u32 @!p1 $0x7, v16;
	v20 =	vand.u32 @!p1 $0xFFFFFFF0, v20  }
0x4e8: {  	v16 =	vor.u32 @!p1 v16, v20  }
0x4e9: {  	v17 =	vperm.xlane @!p1 v16, v17;
	_ =	sdelay $0x1  }
0x4ea: {  	v16 =	vperm.xlane @!p1 v16, v18;
	v17 =	vadd.s32 @!p1 v19, v17;
	_ =	sdelay $0x1  }
0x4eb: {  	v16 =	vadd.s32 @!p1 v19, v16;
	_ =	sdelay $0x1  }
0x4ec: {  	s2 =	simm.s32 @!p1 $0x1A080  }
0x4ed: {  	[tilespmem:s2], [sflag:$0x1] =	stream.indirect_vreg.gather @!p1 [hbm4b:s3+s1], $0x80, v17, vm1, $0xb8;
	[tilespmem:$0x1C080] =	vst v63  }
0x4ee: {  	s4 =	simm.s32 $0x1;
	s2 =	simm.s32 @!p1 $0x1A880  }
0x4ef: {  	[tilespmem:s2], [sflag:$0x1] =	stream.indirect_vreg.gather @!p1 [hbm4b:s3+s1], $0x80, v16, vm1, $0xb8;
	[tilespmem:$0x1C080] =	vst v63  }
0x4f0: {  	_ =	swait.ge [sflag:s4], $0x1000  }
0x4f1: {  	[sflag:s4] =	ssyncset.done $0x0  }
0x4f2: {  	s6 =	sadd.s32 $0xFFFFFFFE, s5;
	[sflag:s4] =	ssyncadd.s32 $0xFFFFF000  }
0x4f3: {  	s8 =	sadd.s32 $0x12, s6;
	_ =	swait.ge [sflag:s4], $0x1000  }
0x4f4: {  	v16 =	vmov s8;
	[sflag:s4] =	ssyncset.done $0x0  }
0x4f5: {  	s1 =	simm.s32 @!p0 $0x2;
	v16 =	vand.u32 $0xFFFFFFFE, v16;
	[sflag:s4] =	ssyncadd.s32 $0xFFFFF000  }
0x4f6: {  	s9 =	simm.s32 $0x0;
	v22 =	vbroadcast v16, $0x0;
	_ =	swait.ge @!p0 [sflag:s1], $0x3800  }
0x4f7: {  	s10 =	simm.s32 $0x0;
	s3 =	sand.u32 $0x300, s9;
	[sflag:s1] =	ssyncset.done @!p0 $0x0  }
0x4f8: {  	[sflag:s1] =	ssyncadd.s32 @!p0 $0xFFFFC800;
	s1 =	sor.u32 s3, s10  }
0x4f9: {  	v16 =	vld [tilespmem:s1+$0x19080]  }
0x4fa: {  	v17 =	vld [tilespmem:s1+$0x1B080];
	_ =	sdelay $0x1  }
0x4fb: {  	v23 =	vld.idx.msk [tilespmem:v22+s31+$0x0], $0xffff;
	_ =	sdelay $0x2  }
0x4fc: {  	s11 =	simm.s32 $0x0;
	v17 =	vsub.f32 v17, v16  }
0x4fd: {  	s4 =	smul.u32 $0x7000, s11  }
0x4fe: {  	v17 =	vmul.f32 v17, v23  }
0x4ff: {  	s4 =	sshra.s32 s4, $0x2  }
0x500: {  	s12 =	sadd.s32 $0x14880, s4;
	v16 =	vadd.f32 v17, v16  }
0x501: {  	s13 =	sor.u32 s3, s12  }
0x502: {  	[tilespmem:s13+$0x0] =	vst v16  }
0x503: {  	v16 =	vld [tilespmem:s1+$0x19090]  }
0x504: {  	v17 =	vld [tilespmem:s1+$0x1B090];
	_ =	sdelay $0x4  }
0x505: {  	v17 =	vsub.f32 v17, v16;
	_ =	sdelay $0x1  }
0x506: {  	v17 =	vmul.f32 v17, v23;
	_ =	sdelay $0x1  }
0x507: {  	v16 =	vadd.f32 v17, v16;
	_ =	sdelay $0x1  }
0x508: {  	[tilespmem:s13+$0x10] =	vst v16  }
0x509: {  	s14 =	simm.s32 $0x80;
	s2 =	sadd.s32 $0x13, s6;
	v16 =	vld [tilespmem:s1+$0x190A0]  }
0x50a: {  	s14 =	sand.u32 $0x380, s14;
	v20 =	vmov s2;
	v17 =	vld [tilespmem:s1+$0x1B0A0]  }
0x50b: {  	s9 =	sor.u32 s10, s14  }
0x50c: {  	v18 =	vld [tilespmem:s9+$0x19080]  }
0x50d: {  	v19 =	vld [tilespmem:s9+$0x1B080];
	_ =	sdelay $0x1  }
0x50e: {  	v21 =	vld.idx.msk [tilespmem:v20+s31+$0x0], $0xffff;
	v17 =	vsub.f32 v17, v16;
	_ =	sdelay $0x1  }
0x50f: {  	v17 =	vmul.f32 v17, v23  }
0x510: {  	v19 =	vsub.f32 v19, v18  }
0x511: {  	v16 =	vadd.f32 v17, v16  }
0x512: {  	v17 =	vmul.f32 v19, v21  }
0x513: {  	[tilespmem:s13+$0x20] =	vst v16  }
0x514: {  	v16 =	vadd.f32 v17, v18;
	v17 =	vld [tilespmem:s1+$0x190B0]  }
0x515: {  	s8 =	sadd.s32 s14, s12;
	v18 =	vld [tilespmem:s1+$0x1B0B0]  }
0x516: {  	[tilespmem:s8+$0x0] =	vst v16  }
0x517: {  	v16 =	vld [tilespmem:s9+$0x19090]  }
0x518: {  	v19 =	vld [tilespmem:s9+$0x1B090];
	_ =	sdelay $0x1  }
0x519: {  	v18 =	vsub.f32 v18, v17;
	_ =	sdelay $0x1  }
0x51a: {  	v18 =	vmul.f32 v18, v23  }
0x51b: {  	v19 =	vsub.f32 v19, v16  }
0x51c: {  	v17 =	vadd.f32 v18, v17  }
0x51d: {  	v18 =	vmul.f32 v19, v21  }
0x51e: {  	[tilespmem:s13+$0x30] =	vst v17  }
0x51f: {  	v16 =	vadd.f32 v18, v16;
	v17 =	vld [tilespmem:s1+$0x190C0]  }
0x520: {  	v18 =	vld [tilespmem:s1+$0x1B0C0]  }
0x521: {  	[tilespmem:s8+$0x10] =	vst v16  }
0x522: {  	v16 =	vld [tilespmem:s9+$0x190A0]  }
0x523: {  	v19 =	vld [tilespmem:s9+$0x1B0A0];
	_ =	sdelay $0x1  }
0x524: {  	v18 =	vsub.f32 v18, v17;
	_ =	sdelay $0x1  }
0x525: {  	v18 =	vmul.f32 v18, v23  }
0x526: {  	v19 =	vsub.f32 v19, v16  }
0x527: {  	v17 =	vadd.f32 v18, v17  }
0x528: {  	v18 =	vmul.f32 v19, v21  }
0x529: {  	[tilespmem:s13+$0x40] =	vst v17  }
0x52a: {  	v16 =	vadd.f32 v18, v16;
	v17 =	vld [tilespmem:s1+$0x190D0]  }
0x52b: {  	v18 =	vld [tilespmem:s1+$0x1B0D0]  }
0x52c: {  	[tilespmem:s8+$0x20] =	vst v16  }
0x52d: {  	v16 =	vld [tilespmem:s9+$0x190B0]  }
0x52e: {  	v19 =	vld [tilespmem:s9+$0x1B0B0];
	_ =	sdelay $0x1  }
0x52f: {  	v18 =	vsub.f32 v18, v17;
	_ =	sdelay $0x1  }
0x530: {  	v18 =	vmul.f32 v18, v23  }
0x531: {  	v19 =	vsub.f32 v19, v16  }
0x532: {  	v17 =	vadd.f32 v18, v17  }
0x533: {  	v18 =	vmul.f32 v19, v21  }
0x534: {  	[tilespmem:s13+$0x50] =	vst v17  }
0x535: {  	v16 =	vadd.f32 v18, v16;
	v17 =	vld [tilespmem:s1+$0x190E0]  }
0x536: {  	v18 =	vld [tilespmem:s1+$0x1B0E0]  }
0x537: {  	s15 =	sadd.s32 $0x0, s5;
	[tilespmem:s8+$0x30] =	vst v16  }
0x538: {  	s16 =	sadd.s32 $0x12, s15;
	v16 =	vld [tilespmem:s9+$0x190C0]  }
0x539: {  	v19 =	vmov s16;
	v24 =	vld [tilespmem:s9+$0x1B0C0]  }
0x53a: {  	v19 =	vand.u32 $0xFFFFFFFE, v19  }
0x53b: {  	s17 =	simm.s32 $0x100;
	v25 =	vbroadcast v19, $0x0;
	v18 =	vsub.f32 v18, v17  }
0x53c: {  	s18 =	simm.s32 $0x0;
	s2 =	sand.u32 $0x300, s17  }
0x53d: {  	s25 =	sor.u32 s2, s18;
	v18 =	vmul.f32 v18, v23  }
0x53e: {  	v26 =	vld [tilespmem:s25+$0x1B080];
	v24 =	vsub.f32 v24, v16  }
0x53f: {  	v19 =	vld [tilespmem:s25+$0x19080];
	v17 =	vadd.f32 v18, v17  }
0x540: {  	v18 =	vmul.f32 v24, v21  }
0x541: {  	v27 =	vld.idx.msk [tilespmem:v25+s31+$0x0], $0xffff;
	[tilespmem:s13+$0x60] =	vst v17  }
0x542: {  	v16 =	vadd.f32 v18, v16;
	v17 =	vld [tilespmem:s1+$0x190F0]  }
0x543: {  	v18 =	vld [tilespmem:s1+$0x1B0F0]  }
0x544: {  	s22 =	simm.s32 $0x0;
	v24 =	vsub.f32 v26, v19;
	[tilespmem:s8+$0x40] =	vst v16  }
0x545: {  	s12 =	smul.u32 $0x7000, s22;
	v16 =	vld [tilespmem:s9+$0x190D0]  }
0x546: {  	v24 =	vmul.f32 v24, v27;
	v28 =	vld [tilespmem:s9+$0x1B0D0]  }
0x547: {  	s23 =	simm.s32 $0x180;
	s6 =	sadd.s32 $0x13, s15;
	s20 =	sshra.s32 s12, $0x2  }
0x548: {  	s29 =	sand.u32 $0x380, s23;
	s12 =	sadd.s32 $0x14880, s20;
	v26 =	vmov s6;
	v19 =	vadd.f32 v24, v19;
	v18 =	vsub.f32 v18, v17  }
0x549: {  	s16 =	sor.u32 s2, s12;
	s6 =	sor.u32 s18, s29  }
0x54a: {  	v30 =	vld [tilespmem:s6+$0x1B080];
	[tilespmem:s16+$0x0] =	vst v19;
	v18 =	vmul.f32 v18, v23  }
0x54b: {  	v19 =	vld [tilespmem:s25+$0x19090];
	v24 =	vsub.f32 v28, v16  }
0x54c: {  	v29 =	vld [tilespmem:s25+$0x1B090];
	v17 =	vadd.f32 v18, v17  }
0x54d: {  	v28 =	vld.idx.msk [tilespmem:v26+s31+$0x0], $0xffff;
	v18 =	vmul.f32 v24, v21  }
0x54e: {  	v24 =	vld [tilespmem:s6+$0x19080];
	[tilespmem:s13+$0x70] =	vst v17  }
0x54f: {  	v16 =	vadd.f32 v18, v16;
	v17 =	vld [tilespmem:s1+$0x19480]  }
0x550: {  	v18 =	vld [tilespmem:s1+$0x1B480]  }
0x551: {  	v29 =	vsub.f32 v29, v19;
	[tilespmem:s8+$0x50] =	vst v16  }
0x552: {  	v16 =	vld [tilespmem:s9+$0x190E0]  }
0x553: {  	v29 =	vmul.f32 v29, v27;
	v31 =	vld [tilespmem:s9+$0x1B0E0];
	v30 =	vsub.f32 v30, v24;
	_ =	sdelay $0x1  }
0x554: {  	v19 =	vadd.f32 v29, v19;
	v29 =	vmul.f32 v30, v28;
	v18 =	vsub.f32 v18, v17;
	_ =	sdelay $0x1  }
0x555: {  	[tilespmem:s16+$0x10] =	vst v19;
	v19 =	vadd.f32 v29, v24;
	v18 =	vmul.f32 v18, v23  }
0x556: {  	s13 =	sadd.s32 s29, s12;
	v30 =	vld [tilespmem:s25+$0x1B0A0];
	v29 =	vsub.f32 v31, v16  }
0x557: {  	s24 =	sadd.s32 $0x14C80, s4;
	v24 =	vld [tilespmem:s25+$0x190A0];
	[tilespmem:s13+$0x0] =	vst v19;
	v17 =	vadd.f32 v18, v17  }
0x558: {  	s15 =	sor.u32 s3, s24;
	v18 =	vmul.f32 v29, v21;
	v19 =	vld [tilespmem:s6+$0x19090]  }
0x559: {  	v29 =	vld [tilespmem:s6+$0x1B090];
	[tilespmem:s15+$0x0] =	vst v17  }
0x55a: {  	v16 =	vadd.f32 v18, v16;
	v17 =	vld [tilespmem:s1+$0x19490]  }
0x55b: {  	v18 =	vld [tilespmem:s1+$0x1B490]  }
0x55c: {  	v30 =	vsub.f32 v30, v24;
	[tilespmem:s8+$0x60] =	vst v16  }
0x55d: {  	v16 =	vld [tilespmem:s9+$0x190F0]  }
0x55e: {  	v30 =	vmul.f32 v30, v27;
	v31 =	vld [tilespmem:s9+$0x1B0F0];
	v29 =	vsub.f32 v29, v19;
	_ =	sdelay $0x1  }
0x55f: {  	v24 =	vadd.f32 v30, v24;
	v29 =	vmul.f32 v29, v28;
	v18 =	vsub.f32 v18, v17;
	_ =	sdelay $0x1  }
0x560: {  	[tilespmem:s16+$0x20] =	vst v24;
	v19 =	vadd.f32 v29, v19;
	v18 =	vmul.f32 v18, v23  }
0x561: {  	v24 =	vld [tilespmem:s25+$0x190B0];
	v29 =	vsub.f32 v31, v16  }
0x562: {  	v30 =	vld [tilespmem:s25+$0x1B0B0];
	[tilespmem:s13+$0x10] =	vst v19;
	v17 =	vadd.f32 v18, v17  }
0x563: {  	v18 =	vmul.f32 v29, v21;
	v19 =	vld [tilespmem:s6+$0x190A0]  }
0x564: {  	v29 =	vld [tilespmem:s6+$0x1B0A0];
	[tilespmem:s15+$0x10] =	vst v17  }
0x565: {  	v16 =	vadd.f32 v18, v16;
	v17 =	vld [tilespmem:s1+$0x194A0]  }
0x566: {  	v18 =	vld [tilespmem:s1+$0x1B4A0]  }
0x567: {  	v30 =	vsub.f32 v30, v24;
	[tilespmem:s8+$0x70] =	vst v16  }
0x568: {  	v16 =	vld [tilespmem:s9+$0x19480]  }
0x569: {  	v30 =	vmul.f32 v30, v27;
	v31 =	vld [tilespmem:s9+$0x1B480];
	v29 =	vsub.f32 v29, v19;
	_ =	sdelay $0x1  }
0x56a: {  	v24 =	vadd.f32 v30, v24;
	v29 =	vmul.f32 v29, v28;
	v18 =	vsub.f32 v18, v17;
	_ =	sdelay $0x1  }
0x56b: {  	[tilespmem:s16+$0x30] =	vst v24;
	v19 =	vadd.f32 v29, v19;
	v18 =	vmul.f32 v18, v23  }
0x56c: {  	v24 =	vld [tilespmem:s25+$0x190C0];
	v29 =	vsub.f32 v31, v16  }
0x56d: {  	v30 =	vld [tilespmem:s25+$0x1B0C0];
	[tilespmem:s13+$0x20] =	vst v19;
	v17 =	vadd.f32 v18, v17  }
0x56e: {  	v18 =	vmul.f32 v29, v21;
	v19 =	vld [tilespmem:s6+$0x190B0]  }
0x56f: {  	v29 =	vld [tilespmem:s6+$0x1B0B0];
	[tilespmem:s15+$0x20] =	vst v17  }
0x570: {  	v16 =	vadd.f32 v18, v16;
	v17 =	vld [tilespmem:s1+$0x194B0]  }
0x571: {  	s12 =	sadd.s32 s14, s24;
	v18 =	vld [tilespmem:s1+$0x1B4B0]  }
0x572: {  	v30 =	vsub.f32 v30, v24;
	[tilespmem:s12+$0x0] =	vst v16  }
0x573: {  	v16 =	vld [tilespmem:s9+$0x19490]  }
0x574: {  	v30 =	vmul.f32 v30, v27;
	v31 =	vld [tilespmem:s9+$0x1B490];
	v29 =	vsub.f32 v29, v19;
	_ =	sdelay $0x1  }
0x575: {  	v24 =	vadd.f32 v30, v24;
	v29 =	vmul.f32 v29, v28;
	v18 =	vsub.f32 v18, v17;
	_ =	sdelay $0x1  }
0x576: {  	[tilespmem:s16+$0x40] =	vst v24;
	v19 =	vadd.f32 v29, v19;
	v18 =	vmul.f32 v18, v23  }
0x577: {  	v24 =	vld [tilespmem:s25+$0x190D0];
	v29 =	vsub.f32 v31, v16  }
0x578: {  	v30 =	vld [tilespmem:s25+$0x1B0D0];
	[tilespmem:s13+$0x30] =	vst v19;
	v17 =	vadd.f32 v18, v17  }
0x579: {  	v18 =	vmul.f32 v29, v21;
	v19 =	vld [tilespmem:s6+$0x190C0]  }
0x57a: {  	v29 =	vld [tilespmem:s6+$0x1B0C0];
	[tilespmem:s15+$0x30] =	vst v17  }
0x57b: {  	v16 =	vadd.f32 v18, v16;
	v17 =	vld [tilespmem:s1+$0x194C0]  }
0x57c: {  	v18 =	vld [tilespmem:s1+$0x1B4C0]  }
0x57d: {  	v30 =	vsub.f32 v30, v24;
	[tilespmem:s12+$0x10] =	vst v16  }
0x57e: {  	v16 =	vld [tilespmem:s9+$0x194A0]  }
0x57f: {  	v30 =	vmul.f32 v30, v27;
	v31 =	vld [tilespmem:s9+$0x1B4A0]  }
0x580: {  	v29 =	vsub.f32 v29, v19  }
0x581: {  	v24 =	vadd.f32 v30, v24;
	v18 =	vsub.f32 v18, v17  }
0x582: {  	v29 =	vmul.f32 v29, v28  }
0x583: {  	[tilespmem:s16+$0x50] =	vst v24;
	v18 =	vmul.f32 v18, v23  }
0x584: {  	s11 =	simm.s32 $0x200;
	v24 =	vld [tilespmem:s25+$0x190E0];
	v19 =	vadd.f32 v29, v19;
	v29 =	vsub.f32 v31, v16  }
0x585: {  	s26 =	sadd.s32 $0x2, s5;
	s17 =	simm.s32 $0x0;
	s23 =	sand.u32 $0x300, s11;
	v30 =	vld [tilespmem:s25+$0x1B0E0];
	v17 =	vadd.f32 v18, v17  }
0x586: {  	s30 =	sadd.s32 $0x12, s26;
	s10 =	sor.u32 s23, s17;
	[tilespmem:s13+$0x40] =	vst v19;
	v18 =	vmul.f32 v29, v21  }
0x587: {  	v44 =	vld [tilespmem:s10+$0x19080];
	v19 =	vmov s30;
	[tilespmem:s15+$0x40] =	vst v17  }
0x588: {  	v17 =	vadd.f32 v18, v16;
	v16 =	vand.u32 $0xFFFFFFFE, v19;
	v31 =	vld [tilespmem:s1+$0x194D0]  }
0x589: {  	v16 =	vbroadcast v16, $0x0;
	v18 =	vld [tilespmem:s1+$0x1B4D0]  }
0x58a: {  	v29 =	vld [tilespmem:s6+$0x190D0];
	v19 =	vsub.f32 v30, v24  }
0x58b: {  	v30 =	vld [tilespmem:s6+$0x1B0D0]  }
0x58c: {  	v45 =	vld [tilespmem:s10+$0x1B080];
	[tilespmem:s12+$0x20] =	vst v17;
	v19 =	vmul.f32 v19, v27  }
0x58d: {  	s18 =	simm.s32 $0x280;
	s8 =	sadd.s32 $0x13, s26;
	v43 =	vld [tilespmem:s9+$0x194B0]  }
0x58e: {  	s24 =	sand.u32 $0x380, s18;
	v17 =	vmov s8;
	v19 =	vadd.f32 v19, v24;
	v24 =	vld [tilespmem:s9+$0x1B4B0];
	v46 =	vsub.f32 v18, v31  }
0x58f: {  	s11 =	sor.u32 s17, s24;
	v18 =	vld.idx.msk [tilespmem:v16+s31+$0x0], $0xffff  }
0x590: {  	v49 =	vld [tilespmem:s11+$0x19080];
	v30 =	vsub.f32 v30, v29;
	[tilespmem:s16+$0x60] =	vst v19;
	v35 =	vmul.f32 v46, v23  }
0x591: {  	v47 =	vld [tilespmem:s25+$0x190F0]  }
0x592: {  	s22 =	simm.s32 $0x0;
	v34 =	vsub.f32 v45, v44;
	v48 =	vld [tilespmem:s25+$0x1B0F0];
	v30 =	vmul.f32 v30, v28;
	v31 =	vadd.f32 v35, v31  }
0x593: {  	s8 =	smul.u32 $0x7000, s22;
	v19 =	vld.idx.msk [tilespmem:v17+s31+$0x0], $0xffff  }
0x594: {  	v29 =	vadd.f32 v30, v29;
	v24 =	vsub.f32 v24, v43;
	v30 =	vld [tilespmem:s11+$0x1B080];
	[tilespmem:s15+$0x50] =	vst v31;
	v31 =	vmul.f32 v34, v18  }
0x595: {  	s8 =	sshra.s32 s8, $0x2;
	v50 =	vld [tilespmem:s1+$0x194E0]  }
0x596: {  	s26 =	sadd.s32 $0x14880, s8;
	[tilespmem:s13+$0x50] =	vst v29;
	v24 =	vmul.f32 v24, v21;
	v29 =	vld [tilespmem:s1+$0x1B4E0];
	v31 =	vadd.f32 v31, v44  }
0x597: {  	s18 =	sor.u32 s23, s26;
	v51 =	vsub.f32 v48, v47;
	v52 =	vld [tilespmem:s6+$0x190E0]  }
0x598: {  	v53 =	vld [tilespmem:s6+$0x1B0E0];
	v24 =	vadd.f32 v24, v43;
	[tilespmem:s18+$0x0] =	vst v31  }
0x599: {  	v30 =	vsub.f32 v30, v49;
	v31 =	vmul.f32 v51, v27;
	v54 =	vld [tilespmem:s10+$0x19090]  }
0x59a: {  	[tilespmem:s12+$0x30] =	vst v24;
	v24 =	vld [tilespmem:s10+$0x1B090]  }
0x59b: {  	v30 =	vmul.f32 v30, v19;
	v31 =	vadd.f32 v31, v47;
	v29 =	vsub.f32 v29, v50  }
0x59c: {  	v55 =	vld [tilespmem:s9+$0x194C0]  }
0x59d: {  	v56 =	vld [tilespmem:s9+$0x1B4C0];
	v30 =	vadd.f32 v30, v49;
	[tilespmem:s16+$0x70] =	vst v31;
	v31 =	vsub.f32 v53, v52;
	v29 =	vmul.f32 v29, v23  }
0x59e: {  	s26 =	sadd.s32 s24, s26;
	v57 =	vld [tilespmem:s25+$0x19480]  }
0x59f: {  	[tilespmem:s26+$0x0] =	vst v30;
	v58 =	vld [tilespmem:s25+$0x1B480];
	v30 =	vmul.f32 v31, v28;
	v29 =	vadd.f32 v29, v50;
	v24 =	vsub.f32 v24, v54  }
0x5a0: {  	v60 =	vld [tilespmem:s11+$0x1B090]  }
0x5a1: {  	v31 =	vld [tilespmem:s11+$0x19090];
	v30 =	vadd.f32 v30, v52;
	[tilespmem:s15+$0x60] =	vst v29;
	v24 =	vmul.f32 v24, v18  }
0x5a2: {  	v59 =	vsub.f32 v56, v55;
	v29 =	vld [tilespmem:s1+$0x194F0]  }
0x5a3: {  	[tilespmem:s13+$0x60] =	vst v30;
	v30 =	vld [tilespmem:s1+$0x1B4F0];
	v24 =	vadd.f32 v24, v54  }
0x5a4: {  	v34 =	vmul.f32 v59, v21;
	v61 =	vsub.f32 v58, v57;
	v62 =	vld [tilespmem:s6+$0x190F0]  }
0x5a5: {  	v63 =	vld [tilespmem:s6+$0x1B0F0];
	[tilespmem:s18+$0x10] =	vst v24  }
0x5a6: {  	v34 =	vadd.f32 v34, v55;
	v40 =	vsub.f32 v60, v31;
	v24 =	vmul.f32 v61, v27;
	v41 =	vld [tilespmem:s10+$0x190A0]  }
0x5a7: {  	v42 =	vld [tilespmem:s10+$0x1B0A0]  }
0x5a8: {  	s30 =	sadd.s32 $0x14C80, s20;
	[tilespmem:s12+$0x40] =	vst v34;
	v33 =	vmul.f32 v40, v19;
	v24 =	vadd.f32 v24, v57  }
0x5a9: {  	s17 =	sor.u32 s2, s30;
	v43 =	vld [tilespmem:s9+$0x194D0];
	v30 =	vsub.f32 v30, v29  }
0x5aa: {  	v44 =	vld [tilespmem:s9+$0x1B4D0];
	[tilespmem:s17+$0x0] =	vst v24;
	v24 =	vadd.f32 v33, v31  }
0x5ab: {  	v45 =	vsub.f32 v63, v62;
	v31 =	vld [tilespmem:s25+$0x19490];
	v23 =	vmul.f32 v30, v23  }
0x5ac: {  	v30 =	vld [tilespmem:s25+$0x1B490];
	[tilespmem:s26+$0x10] =	vst v24;
	v24 =	vsub.f32 v42, v41  }
0x5ad: {  	v33 =	vmul.f32 v45, v28;
	v23 =	vadd.f32 v23, v29;
	v29 =	vld [tilespmem:s11+$0x190A0]  }
0x5ae: {  	v46 =	vld [tilespmem:s11+$0x1B0A0];
	v24 =	vmul.f32 v24, v18  }
0x5af: {  	v33 =	vadd.f32 v33, v62;
	[tilespmem:s15+$0x70] =	vst v23;
	v23 =	vsub.f32 v44, v43  }
0x5b0: {  	v24 =	vadd.f32 v24, v41  }
0x5b1: {  	v47 =	vld.idx.msk [tilespmem:v22+s7+$0x0], $0xffff;
	v30 =	vsub.f32 v30, v31;
	[tilespmem:s13+$0x70] =	vst v33;
	v23 =	vmul.f32 v23, v21  }
0x5b2: {  	v33 =	vld [tilespmem:s6+$0x19480];
	[tilespmem:s18+$0x20] =	vst v24  }
0x5b3: {  	v24 =	vmul.f32 v30, v27;
	v30 =	vsub.f32 v46, v29;
	v23 =	vadd.f32 v23, v43;
	v48 =	vld [tilespmem:s10+$0x190B0]  }
0x5b4: {  	v49 =	vld [tilespmem:s10+$0x1B0B0]  }
0x5b5: {  	v24 =	vadd.f32 v24, v31;
	v31 =	vld [tilespmem:s6+$0x1B480];
	[tilespmem:s12+$0x50] =	vst v23;
	v23 =	vmul.f32 v30, v19  }
0x5b6: {  	v30 =	vshll.u32 v47, $0x7;
	v50 =	vld [tilespmem:s9+$0x194E0]  }
0x5b7: {  	v35 =	vor.u32 v4, v30;
	[tilespmem:s17+$0x10] =	vst v24;
	v52 =	vld [tilespmem:s9+$0x1B4E0];
	v23 =	vadd.f32 v23, v29  }
0x5b8: {  	v24 =	vadd.s32 v13, v30;
	v51 =	vld [tilespmem:s25+$0x194A0]  }
0x5b9: {  	v29 =	vld [tilespmem:s25+$0x1B4A0];
	[tilespmem:s26+$0x20] =	vst v23;
	v23 =	vsub.f32 v49, v48  }
0x5ba: {  	v53 =	vld [tilespmem:s11+$0x190B0]  }
0x5bb: {  	v31 =	vsub.f32 v31, v33;
	v54 =	vld [tilespmem:s11+$0x1B0B0];
	v23 =	vmul.f32 v23, v18  }
0x5bc: {  	v35 =	vld.idx.msk [tilespmem:v35+s19+$0x0], $0xffff  }
0x5bd: {  	v24 =	vld.idx.msk [tilespmem:v24+s19+$0x0], $0xffff;
	v31 =	vmul.f32 v31, v28;
	v38 =	vsub.f32 v52, v50;
	v23 =	vadd.f32 v23, v48  }
0x5be: {  	v55 =	vsub.f32 v29, v51  }
0x5bf: {  	v29 =	vld.idx.msk [tilespmem:v22+s0+$0x0], $0xffff;
	v22 =	vadd.f32 v31, v33;
	v31 =	vmul.f32 v38, v21;
	[tilespmem:s18+$0x30] =	vst v23  }
0x5c0: {  	s22 =	sadd.s32 s29, s30;
	v23 =	vmul.f32 v55, v27;
	v56 =	vld [tilespmem:s10+$0x190C0]  }
0x5c1: {  	[tilespmem:s22+$0x0] =	vst v22;
	v31 =	vadd.f32 v31, v50;
	v59 =	vsub.f32 v54, v53;
	v22 =	vld [tilespmem:s10+$0x1B0C0]  }
0x5c2: {  	v24 =	vsub.f32 v24, v35;
	v57 =	vld [tilespmem:s6+$0x19490];
	v23 =	vadd.f32 v23, v51  }
0x5c3: {  	v58 =	vld [tilespmem:s6+$0x1B490];
	[tilespmem:s12+$0x60] =	vst v31;
	v31 =	vmul.f32 v59, v19  }
0x5c4: {  	v63 =	vld [tilespmem:s9+$0x194F0];
	[tilespmem:s17+$0x20] =	vst v23;
	v23 =	vmul.f32 v24, v29;
	v24 =	vor.u32 v12, v30  }
0x5c5: {  	v61 =	vadd.s32 v9, v30;
	v44 =	vld [tilespmem:s9+$0x1B4F0];
	v31 =	vadd.f32 v31, v53  }
0x5c6: {  	s30 =	sadd.s32 $0x15080, s4;
	v60 =	vld [tilespmem:s25+$0x194B0];
	v23 =	vadd.f32 v23, v35;
	v22 =	vsub.f32 v22, v56  }
0x5c7: {  	s1 =	sor.u32 s3, s30;
	v62 =	vld [tilespmem:s25+$0x1B4B0];
	[tilespmem:s26+$0x30] =	vst v31  }
0x5c8: {  	v45 =	vld [tilespmem:s11+$0x190C0];
	[tilespmem:s1+$0x0] =	vst v23;
	v23 =	vsub.f32 v58, v57;
	v22 =	vmul.f32 v22, v18  }
0x5c9: {  	v24 =	vld.idx.msk [tilespmem:v24+s19+$0x0], $0xffff  }
0x5ca: {  	v31 =	vld.idx.msk [tilespmem:v61+s19+$0x0], $0xffff;
	v23 =	vmul.f32 v23, v28;
	v22 =	vadd.f32 v22, v56  }
0x5cb: {  	v47 =	vld [tilespmem:s11+$0x1B0C0]  }
0x5cc: {  	v46 =	vsub.f32 v62, v60;
	v23 =	vadd.f32 v23, v57;
	[tilespmem:s18+$0x40] =	vst v22  }
0x5cd: {  	v48 =	vsub.f32 v44, v63;
	v49 =	vld [tilespmem:s10+$0x190D0]  }
0x5ce: {  	v22 =	vmul.f32 v46, v27;
	[tilespmem:s22+$0x10] =	vst v23;
	v23 =	vld [tilespmem:s10+$0x1B0D0]  }
0x5cf: {  	v21 =	vmul.f32 v48, v21;
	v31 =	vsub.f32 v31, v24  }
0x5d0: {  	v36 =	vsub.f32 v47, v45;
	v22 =	vadd.f32 v22, v60;
	v50 =	vld [tilespmem:s6+$0x194A0]  }
0x5d1: {  	v52 =	vor.u32 v10, v30;
	v21 =	vadd.f32 v21, v63;
	v51 =	vld [tilespmem:s6+$0x1B4A0];
	v31 =	vmul.f32 v31, v29  }
0x5d2: {  	v54 =	vadd.s32 v11, v30;
	v36 =	vmul.f32 v36, v19;
	[tilespmem:s17+$0x30] =	vst v22  }
0x5d3: {  	[tilespmem:s12+$0x70] =	vst v21;
	v22 =	vld [tilespmem:s25+$0x194C0];
	v21 =	vsub.f32 v23, v49;
	v23 =	vadd.f32 v31, v24  }
0x5d4: {  	v53 =	vld [tilespmem:s25+$0x1B4C0];
	v24 =	vadd.f32 v36, v45  }
0x5d5: {  	v55 =	vld.idx.msk [tilespmem:v20+s7+$0x0], $0xffff;
	[tilespmem:s1+$0x10] =	vst v23  }
0x5d6: {  	s15 =	sadd.s32 $0x4, s5;
	v31 =	vsub.f32 v51, v50;
	v21 =	vmul.f32 v21, v18;
	[tilespmem:s26+$0x40] =	vst v24;
	v24 =	vld.idx.msk [tilespmem:v52+s19+$0x0], $0xffff  }
0x5d7: {  	s28 =	simm.s32 $0x380;
	s4 =	simm.s32 $0x300;
	s16 =	sadd.s32 $0x12, s15;
	v56 =	vld.idx.msk [tilespmem:v54+s19+$0x0], $0xffff  }
0x5d8: {  	s3 =	sadd.s32 $0x13, s15;
	s15 =	sand.u32 $0x380, s28;
	s9 =	simm.s32 $0x0;
	v23 =	vmul.f32 v31, v28;
	v57 =	vld [tilespmem:s11+$0x190D0];
	v21 =	vadd.f32 v21, v49  }
0x5d9: {  	s12 =	sand.u32 $0x300, s4;
	s4 =	sor.u32 s9, s15;
	v31 =	vsub.f32 v53, v22;
	v58 =	vld [tilespmem:s11+$0x1B0D0]  }
0x5da: {  	v53 =	vld [tilespmem:s4+$0x1B080];
	v23 =	vadd.f32 v23, v50;
	[tilespmem:s18+$0x50] =	vst v21  }
0x5db: {  	v31 =	vmul.f32 v31, v27;
	v59 =	vld [tilespmem:s10+$0x190E0]  }
0x5dc: {  	[tilespmem:s22+$0x20] =	vst v23;
	v60 =	vld [tilespmem:s10+$0x1B0E0]  }
0x5dd: {  	v23 =	vmov s16;
	v31 =	vadd.f32 v31, v22;
	v61 =	vld [tilespmem:s6+$0x194B0]  }
0x5de: {  	v21 =	vmov s3;
	s16 =	sor.u32 s12, s9;
	v22 =	vand.u32 $0xFFFFFFFE, v23;
	v62 =	vld [tilespmem:s6+$0x1B4B0];
	v23 =	vsub.f32 v56, v24  }
0x5df: {  	v42 =	vld [tilespmem:s16+$0x19080];
	v22 =	vbroadcast v22, $0x0;
	[tilespmem:s17+$0x40] =	vst v31  }
0x5e0: {  	v33 =	vsub.f32 v58, v57;
	v63 =	vld [tilespmem:s25+$0x194D0];
	v45 =	vmul.f32 v23, v29  }
0x5e1: {  	v41 =	vor.u32 v14, v30;
	v31 =	vld [tilespmem:s25+$0x1B4D0]  }
0x5e2: {  	v43 =	vld [tilespmem:s16+$0x1B080];
	v33 =	vmul.f32 v33, v19;
	v36 =	vsub.f32 v60, v59;
	v39 =	vadd.f32 v45, v24  }
0x5e3: {  	v23 =	vld.idx.msk [tilespmem:v21+s31+$0x0], $0xffff  }
0x5e4: {  	v33 =	vadd.f32 v33, v57;
	v36 =	vmul.f32 v36, v18;
	[tilespmem:s1+$0x20] =	vst v39;
	v39 =	vld [tilespmem:s4+$0x19080]  }
0x5e5: {  	v48 =	vsub.f32 v62, v61;
	v24 =	vld.idx.msk [tilespmem:v22+s31+$0x0], $0xffff  }
0x5e6: {  	[tilespmem:s26+$0x50] =	vst v33;
	v46 =	vsub.f32 v31, v63;
	v31 =	vld.idx.msk [tilespmem:v41+s19+$0x0], $0xffff;
	v35 =	vadd.f32 v36, v59  }
0x5e7: {  	v51 =	vmul.f32 v48, v28;
	v41 =	vld [tilespmem:s11+$0x190E0]  }
0x5e8: {  	v59 =	vld [tilespmem:s11+$0x1B0E0];
	v47 =	vmul.f32 v46, v27;
	[tilespmem:s18+$0x60] =	vst v35  }
0x5e9: {  	s13 =	simm.s32 $0x0;
	v52 =	vsub.f32 v43, v42;
	v33 =	vadd.f32 v51, v61;
	v49 =	vld [tilespmem:s10+$0x190F0]  }
0x5ea: {  	s3 =	smul.u32 $0x7000, s13;
	v50 =	vld [tilespmem:s10+$0x1B0F0];
	v32 =	vadd.f32 v47, v63  }
0x5eb: {  	[tilespmem:s22+$0x30] =	vst v33;
	v35 =	vsub.f32 v53, v39;
	v34 =	vmul.f32 v52, v24  }
0x5ec: {  	s3 =	sshra.s32 s3, $0x2;
	v44 =	vld [tilespmem:s6+$0x194C0];
	[tilespmem:s17+$0x50] =	vst v32;
	v32 =	vshll.u32 v55, $0x7  }
0x5ed: {  	s9 =	sadd.s32 $0x14880, s3;
	v62 =	vld [tilespmem:s6+$0x1B4C0];
	v35 =	vmul.f32 v35, v23;
	v38 =	vsub.f32 v59, v41;
	v57 =	vadd.f32 v34, v42  }
0x5ee: {  	s13 =	sor.u32 s12, s9;
	v54 =	vld [tilespmem:s25+$0x194E0];
	v56 =	vor.u32 v4, v32  }
0x5ef: {  	v55 =	vld [tilespmem:s25+$0x1B4E0];
	v35 =	vadd.f32 v35, v39;
	v58 =	vsub.f32 v50, v49;
	[tilespmem:s13+$0x0] =	vst v57;
	v50 =	vmul.f32 v38, v19  }
0x5f0: {  	s9 =	sadd.s32 s15, s9;
	v45 =	vld [tilespmem:s16+$0x19090]  }
0x5f1: {  	v46 =	vld [tilespmem:s16+$0x1B090];
	[tilespmem:s9+$0x0] =	vst v35;
	v61 =	vmul.f32 v58, v18;
	v35 =	vadd.f32 v50, v41  }
0x5f2: {  	v53 =	vld [tilespmem:s4+$0x19090]  }
0x5f3: {  	v60 =	vadd.s32 v13, v32;
	v39 =	vld.idx.msk [tilespmem:v56+s19+$0x0], $0xffff;
	v33 =	vadd.f32 v61, v49;
	[tilespmem:s26+$0x60] =	vst v35  }
0x5f4: {  	v63 =	vsub.f32 v55, v54;
	v58 =	vld [tilespmem:s11+$0x190F0]  }
0x5f5: {  	v34 =	vsub.f32 v62, v44;
	v59 =	vld [tilespmem:s11+$0x1B0F0];
	[tilespmem:s18+$0x70] =	vst v33  }
0x5f6: {  	v47 =	vmul.f32 v63, v27;
	v49 =	vld [tilespmem:s10+$0x19480]  }
0x5f7: {  	v34 =	vmul.f32 v34, v28;
	v51 =	vld [tilespmem:s10+$0x1B480]  }
0x5f8: {  	v48 =	vld.idx.msk [tilespmem:v60+s19+$0x0], $0xffff;
	v52 =	vsub.f32 v46, v45;
	v33 =	vadd.f32 v47, v54  }
0x5f9: {  	v34 =	vadd.f32 v34, v44;
	v54 =	vld [tilespmem:s4+$0x1B090]  }
0x5fa: {  	v20 =	vld.idx.msk [tilespmem:v20+s0+$0x0], $0xffff;
	v55 =	vmul.f32 v52, v24;
	[tilespmem:s17+$0x60] =	vst v33  }
0x5fb: {  	[tilespmem:s22+$0x40] =	vst v34;
	v56 =	vld [tilespmem:s25+$0x194F0];
	v34 =	vsub.f32 v59, v58  }
0x5fc: {  	v30 =	vadd.s32 v15, v30;
	v57 =	vld [tilespmem:s25+$0x1B4F0];
	v33 =	vadd.f32 v55, v45;
	v38 =	vsub.f32 v51, v49  }
0x5fd: {  	v61 =	vld [tilespmem:s6+$0x194D0];
	v34 =	vmul.f32 v34, v19  }
0x5fe: {  	v36 =	vsub.f32 v48, v39;
	v48 =	vld [tilespmem:s6+$0x1B4D0];
	[tilespmem:s13+$0x10] =	vst v33;
	v60 =	vsub.f32 v54, v53;
	v38 =	vmul.f32 v38, v18  }
0x5ff: {  	v62 =	vld [tilespmem:s16+$0x190A0];
	v34 =	vadd.f32 v34, v58  }
0x600: {  	s18 =	sadd.s32 $0x14C80, s8;
	v63 =	vld [tilespmem:s16+$0x1B0A0];
	v33 =	vmul.f32 v60, v23;
	v38 =	vadd.f32 v38, v49  }
0x601: {  	v30 =	vld.idx.msk [tilespmem:v30+s19+$0x0], $0xffff;
	s25 =	sor.u32 s23, s18;
	v35 =	vsub.f32 v57, v56;
	[tilespmem:s26+$0x70] =	vst v34  }
0x602: {  	v36 =	vmul.f32 v36, v20;
	v33 =	vadd.f32 v33, v53;
	v57 =	vld [tilespmem:s11+$0x19480];
	[tilespmem:s25+$0x0] =	vst v38  }
0x603: {  	v40 =	vsub.f32 v48, v61;
	v49 =	vor.u32 v12, v32;
	v27 =	vmul.f32 v35, v27;
	v38 =	vld [tilespmem:s10+$0x19490]  }
0x604: {  	v36 =	vadd.f32 v36, v39;
	[tilespmem:s9+$0x10] =	vst v33;
	v50 =	vld [tilespmem:s10+$0x1B490]  }
0x605: {  	v51 =	vsub.f32 v63, v62;
	v27 =	vadd.f32 v27, v56;
	v52 =	vld [tilespmem:s4+$0x190A0];
	v56 =	vmul.f32 v40, v28  }
0x606: {  	s14 =	sadd.s32 s14, s30;
	v53 =	vld [tilespmem:s4+$0x1B0A0]  }
0x607: {  	[tilespmem:s14+$0x0] =	vst v36;
	v58 =	vld [tilespmem:s11+$0x1B480];
	v54 =	vmul.f32 v51, v24;
	v34 =	vadd.f32 v56, v61  }
0x608: {  	[tilespmem:s17+$0x70] =	vst v27;
	v27 =	vadd.s32 v9, v32;
	v35 =	vld.idx.msk [tilespmem:v49+s19+$0x0], $0xffff  }
0x609: {  	v55 =	vld.idx.msk [tilespmem:v25+s7+$0x0], $0xffff;
	v36 =	vadd.f32 v54, v62;
	[tilespmem:s22+$0x50] =	vst v34;
	v33 =	vsub.f32 v50, v38  }
0x60a: {  	v63 =	vld [tilespmem:s6+$0x194E0]  }
0x60b: {  	[tilespmem:s13+$0x20] =	vst v36;
	v59 =	vsub.f32 v53, v52;
	v50 =	vld [tilespmem:s6+$0x1B4E0];
	v33 =	vmul.f32 v33, v18  }
0x60c: {  	v61 =	vld [tilespmem:s16+$0x190B0]  }
0x60d: {  	v62 =	vld [tilespmem:s16+$0x1B0B0];
	v36 =	vmul.f32 v59, v23;
	v33 =	vadd.f32 v33, v38  }
0x60e: {  	v48 =	vsub.f32 v58, v57;
	v60 =	vld.idx.msk [tilespmem:v27+s19+$0x0], $0xffff;
	v27 =	vshll.u32 v55, $0x7  }
0x60f: {  	v25 =	vld.idx.msk [tilespmem:v25+s0+$0x0], $0xffff;
	v37 =	vor.u32 v4, v27;
	v36 =	vadd.f32 v36, v52;
	[tilespmem:s25+$0x10] =	vst v33  }
0x610: {  	v49 =	vadd.s32 v13, v27;
	v51 =	vld [tilespmem:s10+$0x194A0]  }
0x611: {  	v54 =	vsub.f32 v50, v63;
	[tilespmem:s9+$0x20] =	vst v36;
	v33 =	vmul.f32 v48, v19;
	v53 =	vld [tilespmem:s10+$0x1B4A0]  }
0x612: {  	v45 =	vld [tilespmem:s4+$0x190B0]  }
0x613: {  	v34 =	vsub.f32 v62, v61;
	v55 =	vld [tilespmem:s4+$0x1B0B0];
	v58 =	vmul.f32 v54, v28;
	v33 =	vadd.f32 v33, v57  }
0x614: {  	s26 =	sadd.s32 s24, s18;
	v59 =	vsub.f32 v60, v35;
	v37 =	vld.idx.msk [tilespmem:v37+s19+$0x0], $0xffff  }
0x615: {  	v34 =	vmul.f32 v34, v24;
	v39 =	vld.idx.msk [tilespmem:v49+s19+$0x0], $0xffff;
	v36 =	vadd.f32 v58, v63;
	[tilespmem:s26+$0x0] =	vst v33  }
0x616: {  	v62 =	vmul.f32 v59, v20;
	v41 =	vld [tilespmem:s11+$0x19490]  }
0x617: {  	v63 =	vor.u32 v10, v32;
	v56 =	vadd.f32 v34, v61;
	v61 =	vld [tilespmem:s11+$0x1B490];
	[tilespmem:s22+$0x60] =	vst v36;
	v57 =	vsub.f32 v53, v51  }
0x618: {  	v53 =	vadd.s32 v11, v32;
	v38 =	vld [tilespmem:s6+$0x194F0]  }
0x619: {  	v35 =	vadd.f32 v62, v35;
	[tilespmem:s13+$0x30] =	vst v56;
	v54 =	vld [tilespmem:s6+$0x1B4F0];
	v60 =	vmul.f32 v57, v18  }
0x61a: {  	v43 =	vsub.f32 v55, v45;
	v40 =	vld [tilespmem:s16+$0x190C0]  }
0x61b: {  	v52 =	vld [tilespmem:s16+$0x1B0C0];
	[tilespmem:s14+$0x10] =	vst v35;
	v33 =	vadd.f32 v60, v51  }
0x61c: {  	v39 =	vsub.f32 v39, v37;
	v57 =	vmul.f32 v43, v23;
	v42 =	vld.idx.msk [tilespmem:v63+s19+$0x0], $0xffff  }
0x61d: {  	v48 =	vadd.s32 v9, v27;
	v60 =	vld.idx.msk [tilespmem:v53+s19+$0x0], $0xffff;
	[tilespmem:s25+$0x20] =	vst v33  }
0x61e: {  	v55 =	vmul.f32 v39, v25;
	v34 =	vsub.f32 v61, v41;
	v35 =	vadd.f32 v57, v45;
	v47 =	vld [tilespmem:s10+$0x194B0]  }
0x61f: {  	v56 =	vor.u32 v12, v27;
	v58 =	vld [tilespmem:s10+$0x1B4B0]  }
0x620: {  	s30 =	sadd.s32 $0x15080, s20;
	v33 =	vadd.f32 v55, v37;
	v59 =	vsub.f32 v52, v40;
	v34 =	vmul.f32 v34, v19;
	[tilespmem:s9+$0x30] =	vst v35  }
0x621: {  	s2 =	sor.u32 s2, s30;
	v49 =	vld [tilespmem:s4+$0x190C0]  }
0x622: {  	v51 =	vld [tilespmem:s4+$0x1B0C0];
	[tilespmem:s2+$0x0] =	vst v33;
	v61 =	vmul.f32 v59, v24;
	v34 =	vadd.f32 v34, v41  }
0x623: {  	v63 =	vld.idx.msk [tilespmem:v48+s19+$0x0], $0xffff;
	v48 =	vsub.f32 v54, v38  }
0x624: {  	v62 =	vld.idx.msk [tilespmem:v56+s19+$0x0], $0xffff;
	v36 =	vadd.f32 v61, v40;
	[tilespmem:s26+$0x10] =	vst v34;
	v50 =	vsub.f32 v58, v47  }
0x625: {  	v28 =	vmul.f32 v48, v28;
	v53 =	vld [tilespmem:s11+$0x194A0]  }
0x626: {  	v33 =	vsub.f32 v60, v42;
	v57 =	vld [tilespmem:s11+$0x1B4A0];
	[tilespmem:s13+$0x40] =	vst v36;
	v52 =	vmul.f32 v50, v18  }
0x627: {  	v56 =	vor.u32 v14, v32;
	v54 =	vld [tilespmem:s16+$0x190D0];
	v28 =	vadd.f32 v28, v38  }
0x628: {  	v32 =	vadd.s32 v15, v32;
	v33 =	vmul.f32 v33, v20;
	v55 =	vld [tilespmem:s16+$0x1B0D0];
	v36 =	vadd.f32 v52, v47  }
0x629: {  	[tilespmem:s22+$0x70] =	vst v28;
	v28 =	vsub.f32 v63, v62  }
0x62a: {  	v34 =	vsub.f32 v51, v49;
	v33 =	vadd.f32 v33, v42;
	v58 =	vld.idx.msk [tilespmem:v26+s7+$0x0], $0xffff;
	[tilespmem:s25+$0x30] =	vst v36  }
0x62b: {  	v30 =	vsub.f32 v30, v31;
	v59 =	vor.u32 v10, v27;
	v28 =	vmul.f32 v28, v25;
	v41 =	vld [tilespmem:s10+$0x194C0]  }
0x62c: {  	v61 =	vadd.s32 v11, v27;
	v34 =	vmul.f32 v34, v23;
	[tilespmem:s14+$0x20] =	vst v33;
	v63 =	vsub.f32 v57, v53;
	v60 =	vld [tilespmem:s10+$0x1B4C0]  }
0x62d: {  	v29 =	vmul.f32 v30, v29;
	v30 =	vld.idx.msk [tilespmem:v32+s19+$0x0], $0xffff;
	v38 =	vsub.f32 v55, v54;
	v37 =	vadd.f32 v28, v62  }
0x62e: {  	v28 =	vld.idx.msk [tilespmem:v26+s0+$0x0], $0xffff;
	v62 =	vadd.f32 v34, v49;
	v34 =	vmul.f32 v63, v19  }
0x62f: {  	v26 =	vld.idx.msk [tilespmem:v56+s19+$0x0], $0xffff;
	v38 =	vmul.f32 v38, v24;
	[tilespmem:s2+$0x10] =	vst v37  }
0x630: {  	v29 =	vadd.f32 v29, v31;
	v34 =	vadd.f32 v34, v53;
	v31 =	vld.idx.msk [tilespmem:v59+s19+$0x0], $0xffff  }
0x631: {  	[tilespmem:s9+$0x40] =	vst v62;
	v32 =	vshll.u32 v58, $0x7;
	v38 =	vadd.f32 v38, v54;
	v35 =	vld.idx.msk [tilespmem:v61+s19+$0x0], $0xffff;
	v33 =	vsub.f32 v60, v41  }
0x632: {  	s20 =	simm.s32 $0x6;
	[tilespmem:s1+$0x30] =	vst v29;
	s6 =	sadd.s32 s29, s30;
	v36 =	vor.u32 v4, v32;
	v42 =	vld [tilespmem:s4+$0x190D0];
	v37 =	vadd.s32 v13, v32;
	v29 =	vor.u32 v12, v32  }
.LBB2_13:
0x633: {  	s1 =	sadd.s32 s20, s5;
	[tilespmem:s13+$0x50] =	vst v38;
	v43 =	vld [tilespmem:s4+$0x1B0D0];
	v44 =	vmul.f32 v33, v18;
	v40 =	vadd.s32 v9, v32;
	v38 =	vor.u32 v10, v32  }
0x634: {  	v39 =	vadd.s32 v11, v32;
	v33 =	vor.u32 v14, v32;
	v32 =	vadd.s32 v15, v32;
	s17 =	sadd.s32 $0x12, s1;
	s1 =	sadd.s32 $0x13, s1;
	v45 =	vld [tilespmem:s16+$0x190E0];
	[tilespmem:s26+$0x20] =	vst v34  }
0x635: {  	v46 =	vmov s17;
	v34 =	vmov s1;
	v47 =	vld [tilespmem:s16+$0x1B0E0];
	v41 =	vadd.f32 v44, v41  }
0x636: {  	v48 =	vsub.f32 v30, v26;
	v44 =	vand.u32 $0xFFFFFFFE, v46;
	v46 =	vld [tilespmem:s11+$0x194B0]  }
0x637: {  	s20 =	sadd.s32 $0x2, s20;
	s28 =	sadd.s32 $0x100, s28;
	v35 =	vsub.f32 v35, v31;
	v30 =	vbroadcast v44, $0x0;
	[tilespmem:s25+$0x40] =	vst v41;
	v41 =	vld [tilespmem:s11+$0x1B4B0]  }
0x638: {  	s29 =	sshrl.u32 s20, $0x3;
	s17 =	sadd.s32 $0xFFFFFF80, s28;
	s1 =	sand.u32 $0x380, s28;
	v48 =	vmul.f32 v48, v20;
	v20 =	vmov v28;
	v43 =	vsub.f32 v43, v42;
	v44 =	vld [tilespmem:s10+$0x194D0]  }
0x639: {  	v50 =	vor.u32 v14, v27;
	p0 =	slt.u32 s20, $0xE;
	s18 =	sshll.u32 s29, $0xB;
	s17 =	sand.u32 $0x300, s17;
	v35 =	vmul.f32 v35, v25;
	v49 =	vld [tilespmem:s10+$0x1B4D0]  }
0x63a: {  	v27 =	vadd.s32 v15, v27;
	s22 =	sor.u32 s17, s18;
	s18 =	sor.u32 s18, s1;
	v28 =	vld.idx.msk [tilespmem:v34+s31+$0x0], $0xffff;
	v47 =	vsub.f32 v47, v45;
	v43 =	vmul.f32 v43, v23  }
0x63b: {  	v31 =	vadd.f32 v35, v31;
	v35 =	vadd.f32 v48, v26;
	v51 =	vld [tilespmem:s22+$0x19080]  }
0x63c: {  	v48 =	vld [tilespmem:s22+$0x1B080];
	v47 =	vmul.f32 v47, v24;
	v42 =	vadd.f32 v43, v42;
	v41 =	vsub.f32 v41, v46  }
0x63d: {  	v26 =	vld.idx.msk [tilespmem:v30+s31+$0x0], $0xffff;
	[tilespmem:s2+$0x20] =	vst v31  }
0x63e: {  	v31 =	vadd.f32 v47, v45;
	[tilespmem:s9+$0x50] =	vst v42;
	v42 =	vsub.f32 v49, v44;
	v43 =	vld.idx.msk [tilespmem:v50+s19+$0x0], $0xffff  }
0x63f: {  	v41 =	vmul.f32 v41, v19;
	v27 =	vld.idx.msk [tilespmem:v27+s19+$0x0], $0xffff;
	[tilespmem:s14+$0x30] =	vst v35;
	s14 =	smov.u32 s6  }
0x640: {  	v35 =	vld [tilespmem:s18+$0x19080];
	[tilespmem:s13+$0x60] =	vst v31;
	v31 =	vmul.f32 v42, v18  }
0x641: {  	v41 =	vadd.f32 v41, v46;
	v42 =	vld [tilespmem:s16+$0x190F0]  }
0x642: {  	v45 =	vld [tilespmem:s16+$0x1B0F0];
	v31 =	vadd.f32 v31, v44  }
0x643: {  	v44 =	vsub.f32 v48, v51;
	v46 =	vld [tilespmem:s18+$0x1B080];
	[tilespmem:s26+$0x30] =	vst v41  }
0x644: {  	s6 =	smul.u32 $0x7000, s29;
	v41 =	vld [tilespmem:s4+$0x190E0];
	[tilespmem:s25+$0x50] =	vst v31  }
0x645: {  	v31 =	vmul.f32 v44, v26;
	v27 =	vsub.f32 v27, v43;
	v44 =	vld [tilespmem:s10+$0x194E0]  }
0x646: {  	s6 =	sshra.s32 s6, $0x2;
	v47 =	vld [tilespmem:s10+$0x1B4E0]  }
0x647: {  	s29 =	sadd.s32 $0x14880, s6;
	v31 =	vadd.f32 v31, v51;
	v25 =	vmul.f32 v27, v25;
	v45 =	vsub.f32 v45, v42;
	v48 =	vld [tilespmem:s4+$0x1B0E0]  }
0x648: {  	s30 =	sor.u32 s17, s29;
	s29 =	sadd.s32 s1, s29;
	v27 =	vsub.f32 v46, v35;
	v46 =	vld [tilespmem:s11+$0x194C0]  }
0x649: {  	v25 =	vadd.f32 v25, v43;
	[tilespmem:s30+$0x0] =	vst v31;
	v31 =	vmul.f32 v45, v24;
	v45 =	vld [tilespmem:s11+$0x1B4C0]  }
0x64a: {  	v43 =	vld [tilespmem:s22+$0x19090];
	v27 =	vmul.f32 v27, v28  }
0x64b: {  	v49 =	vld [tilespmem:s22+$0x1B090];
	v31 =	vadd.f32 v31, v42;
	v42 =	vsub.f32 v47, v44;
	[tilespmem:s2+$0x30] =	vst v25  }
0x64c: {  	v25 =	vadd.f32 v27, v35;
	v27 =	vsub.f32 v48, v41;
	v35 =	vld.idx.msk [tilespmem:v36+s19+$0x0], $0xffff  }
0x64d: {  	[tilespmem:s13+$0x70] =	vst v31;
	v31 =	vmul.f32 v42, v18;
	v36 =	vld.idx.msk [tilespmem:v37+s19+$0x0], $0xffff;
	s13 =	smov.u32 s30  }
0x64e: {  	[tilespmem:s29+$0x0] =	vst v25;
	v25 =	vld [tilespmem:s16+$0x19480];
	v27 =	vmul.f32 v27, v23;
	v37 =	vsub.f32 v45, v46  }
0x64f: {  	v42 =	vld [tilespmem:s16+$0x1B480];
	v31 =	vadd.f32 v31, v44  }
0x650: {  	v44 =	vsub.f32 v49, v43;
	v45 =	vld [tilespmem:s18+$0x19090];
	v27 =	vadd.f32 v27, v41;
	v37 =	vmul.f32 v37, v19  }
0x651: {  	v41 =	vld [tilespmem:s18+$0x1B090];
	[tilespmem:s25+$0x60] =	vst v31  }
0x652: {  	v31 =	vmul.f32 v44, v26;
	[tilespmem:s9+$0x60] =	vst v27;
	v27 =	vld [tilespmem:s10+$0x194F0];
	v37 =	vadd.f32 v37, v46  }
0x653: {  	v36 =	vsub.f32 v36, v35;
	v44 =	vld [tilespmem:s10+$0x1B4F0];
	s10 =	smov.u32 s16;
	s16 =	smov.u32 s22  }
0x654: {  	v31 =	vadd.f32 v31, v43;
	v42 =	vsub.f32 v42, v25;
	v43 =	vld [tilespmem:s4+$0x190F0];
	[tilespmem:s26+$0x40] =	vst v37  }
0x655: {  	v36 =	vmul.f32 v36, v20;
	v37 =	vld [tilespmem:s4+$0x1B0F0]  }
0x656: {  	[tilespmem:s13+$0x10] =	vst v31;
	v31 =	vsub.f32 v41, v45;
	v41 =	vmul.f32 v42, v24;
	v42 =	vld [tilespmem:s11+$0x194D0]  }
0x657: {  	v35 =	vadd.f32 v36, v35;
	v46 =	vld [tilespmem:s16+$0x190A0]  }
0x658: {  	s2 =	sadd.s32 $0x14C80, s3;
	v36 =	vld [tilespmem:s16+$0x1B0A0];
	v31 =	vmul.f32 v31, v28;
	v25 =	vadd.f32 v41, v25;
	v41 =	vsub.f32 v44, v27  }
0x659: {  	s30 =	sor.u32 s12, s2;
	s22 =	sadd.s32 s15, s2;
	v44 =	vld [tilespmem:s11+$0x1B4D0];
	[tilespmem:s14+$0x0] =	vst v35  }
0x65a: {  	v31 =	vadd.f32 v31, v45;
	[tilespmem:s30+$0x0] =	vst v25;
	v25 =	vsub.f32 v37, v43;
	v35 =	vmul.f32 v41, v18  }
0x65b: {  	v18 =	vmov v24;
	v24 =	vmov v26;
	v37 =	vld [tilespmem:s10+$0x19490]  }
0x65c: {  	[tilespmem:s29+$0x10] =	vst v31;
	v26 =	vld [tilespmem:s10+$0x1B490];
	v25 =	vmul.f32 v25, v23;
	v27 =	vadd.f32 v35, v27  }
0x65d: {  	v31 =	vsub.f32 v36, v46;
	v35 =	vld [tilespmem:s18+$0x190A0]  }
0x65e: {  	v36 =	vld [tilespmem:s18+$0x1B0A0];
	v25 =	vadd.f32 v25, v43;
	[tilespmem:s25+$0x70] =	vst v27;
	v27 =	vsub.f32 v44, v42;
	s25 =	smov.u32 s30  }
0x65f: {  	v31 =	vmul.f32 v31, v24;
	v41 =	vld.idx.msk [tilespmem:v16+s7+$0x0], $0xffff  }
0x660: {  	[tilespmem:s9+$0x70] =	vst v25;
	v25 =	vmul.f32 v27, v19;
	v29 =	vld.idx.msk [tilespmem:v29+s19+$0x0], $0xffff;
	s9 =	smov.u32 s29  }
0x661: {  	v27 =	vadd.f32 v31, v46;
	v26 =	vsub.f32 v26, v37;
	v31 =	vld [tilespmem:s4+$0x19480]  }
0x662: {  	v43 =	vld [tilespmem:s4+$0x1B480];
	v25 =	vadd.f32 v25, v42  }
0x663: {  	[tilespmem:s13+$0x20] =	vst v27;
	v27 =	vsub.f32 v36, v35;
	v26 =	vmul.f32 v26, v18;
	v36 =	vld.idx.msk [tilespmem:v40+s19+$0x0], $0xffff  }
0x664: {  	v40 =	vld [tilespmem:s16+$0x190B0];
	[tilespmem:s26+$0x50] =	vst v25  }
0x665: {  	v25 =	vld [tilespmem:s16+$0x1B0B0];
	v42 =	vmul.f32 v27, v28;
	v26 =	vadd.f32 v26, v37;
	v27 =	vshll.u32 v41, $0x7  }
0x666: {  	v37 =	vor.u32 v4, v27;
	v41 =	vld [tilespmem:s11+$0x194E0]  }
0x667: {  	v35 =	vadd.f32 v42, v35;
	[tilespmem:s25+$0x10] =	vst v26;
	v26 =	vsub.f32 v43, v31;
	v42 =	vadd.s32 v13, v27;
	v43 =	vld [tilespmem:s11+$0x1B4E0]  }
0x668: {  	v44 =	vld [tilespmem:s10+$0x194A0]  }
0x669: {  	v36 =	vsub.f32 v36, v29;
	[tilespmem:s9+$0x20] =	vst v35;
	v35 =	vld [tilespmem:s10+$0x1B4A0];
	v26 =	vmul.f32 v26, v23  }
0x66a: {  	v25 =	vsub.f32 v25, v40;
	v45 =	vld [tilespmem:s18+$0x190B0]  }
0x66b: {  	v36 =	vmul.f32 v36, v20;
	v26 =	vadd.f32 v26, v31;
	v31 =	vld.idx.msk [tilespmem:v37+s19+$0x0], $0xffff  }
0x66c: {  	v25 =	vmul.f32 v25, v24;
	v37 =	vld.idx.msk [tilespmem:v42+s19+$0x0], $0xffff;
	v42 =	vsub.f32 v43, v41  }
0x66d: {  	v43 =	vld [tilespmem:s18+$0x1B0B0];
	[tilespmem:s22+$0x0] =	vst v26;
	v26 =	vadd.f32 v36, v29  }
0x66e: {  	v29 =	vadd.f32 v25, v40;
	v35 =	vsub.f32 v35, v44;
	v25 =	vld.idx.msk [tilespmem:v16+s0+$0x0], $0xffff;
	v36 =	vmul.f32 v42, v19  }
0x66f: {  	v16 =	vmov v22;
	v22 =	vmov v30;
	v40 =	vld [tilespmem:s4+$0x19490];
	[tilespmem:s14+$0x10] =	vst v26  }
0x670: {  	[tilespmem:s13+$0x30] =	vst v29;
	v26 =	vmul.f32 v35, v18;
	v29 =	vld [tilespmem:s4+$0x1B490];
	v30 =	vadd.f32 v36, v41  }
0x671: {  	v35 =	vld [tilespmem:s16+$0x190C0]  }
0x672: {  	v37 =	vsub.f32 v37, v31;
	v36 =	vld [tilespmem:s16+$0x1B0C0];
	v26 =	vadd.f32 v26, v44;
	[tilespmem:s26+$0x60] =	vst v30  }
0x673: {  	v30 =	vsub.f32 v43, v45;
	v41 =	vld [tilespmem:s11+$0x194F0]  }
0x674: {  	[tilespmem:s25+$0x20] =	vst v26;
	v26 =	vmul.f32 v37, v25;
	v37 =	vor.u32 v12, v27;
	v42 =	vld [tilespmem:s11+$0x1B4F0];
	s11 =	smov.u32 s4;
	s4 =	smov.u32 s18  }
0x675: {  	v44 =	vadd.s32 v9, v27;
	v30 =	vmul.f32 v30, v28;
	v43 =	vld [tilespmem:s10+$0x194B0];
	v29 =	vsub.f32 v29, v40  }
0x676: {  	s18 =	sadd.s32 $0x15080, s8;
	s8 =	smov.u32 s3;
	s3 =	smov.u32 s6;
	v46 =	vld [tilespmem:s10+$0x1B4B0];
	v26 =	vadd.f32 v26, v31  }
0x677: {  	s2 =	sor.u32 s23, s18;
	s6 =	sadd.s32 s24, s18;
	s24 =	smov.u32 s15;
	v30 =	vadd.f32 v30, v45;
	v31 =	vsub.f32 v36, v35;
	v29 =	vmul.f32 v29, v23;
	v36 =	vld.idx.msk [tilespmem:v38+s19+$0x0], $0xffff  }
0x678: {  	s15 =	smov.u32 s1;
	s23 =	smov.u32 s12;
	s12 =	smov.u32 s17;
	[tilespmem:s2+$0x0] =	vst v26;
	v26 =	vld.idx.msk [tilespmem:v39+s19+$0x0], $0xffff  }
0x679: {  	v31 =	vmul.f32 v31, v24;
	[tilespmem:s9+$0x30] =	vst v30;
	v29 =	vadd.f32 v29, v40;
	v30 =	vld.idx.msk [tilespmem:v37+s19+$0x0], $0xffff  }
0x67a: {  	v38 =	vsub.f32 v42, v41;
	v37 =	vld.idx.msk [tilespmem:v44+s19+$0x0], $0xffff  }
0x67b: {  	v31 =	vadd.f32 v31, v35;
	v35 =	vld [tilespmem:s4+$0x190C0];
	v39 =	vsub.f32 v46, v43;
	[tilespmem:s22+$0x10] =	vst v29  }
0x67c: {  	v38 =	vmul.f32 v38, v19;
	v19 =	vmov v23;
	v23 =	vmov v28;
	v29 =	vld [tilespmem:s4+$0x1B0C0]  }
0x67d: {  	[tilespmem:s13+$0x40] =	vst v31;
	v28 =	vmul.f32 v39, v18;
	v39 =	vld [tilespmem:s11+$0x194A0]  }
0x67e: {  	v31 =	vadd.f32 v38, v41;
	v26 =	vsub.f32 v26, v36;
	v40 =	vld [tilespmem:s16+$0x190D0]  }
0x67f: {  	v38 =	vld [tilespmem:s16+$0x1B0D0];
	v28 =	vadd.f32 v28, v43  }
0x680: {  	v37 =	vsub.f32 v37, v30;
	v26 =	vmul.f32 v26, v20;
	v42 =	vld [tilespmem:s11+$0x1B4A0];
	[tilespmem:s26+$0x70] =	vst v31;
	s26 =	smov.u32 s22  }
0x681: {  	v29 =	vsub.f32 v29, v35;
	[tilespmem:s25+$0x30] =	vst v28;
	v43 =	vld.idx.msk [tilespmem:v17+s7+$0x0], $0xffff  }
0x682: {  	v31 =	vor.u32 v10, v27;
	v28 =	vmul.f32 v37, v25;
	v26 =	vadd.f32 v26, v36;
	v41 =	vld [tilespmem:s10+$0x194C0]  }
0x683: {  	v37 =	vadd.s32 v11, v27;
	v29 =	vmul.f32 v29, v23;
	v36 =	vld [tilespmem:s10+$0x1B4C0]  }
0x684: {  	v30 =	vadd.f32 v28, v30;
	v38 =	vsub.f32 v38, v40;
	v28 =	vld.idx.msk [tilespmem:v17+s0+$0x0], $0xffff;
	[tilespmem:s14+$0x20] =	vst v26;
	v17 =	vmov v21  }
.Ltmp5:
0x685: {  	v21 =	vmov v34;
	v29 =	vadd.f32 v29, v35;
	v35 =	vsub.f32 v42, v39;
	v26 =	vld.idx.msk [tilespmem:v33+s19+$0x0], $0xffff;
	(pc) =	sbr.rel @p0 .LBB2_13-.Ltmp5, $4  }
0x686: {  	v33 =	vmul.f32 v38, v24;
	[tilespmem:s2+$0x10] =	vst v30;
	v30 =	vld.idx.msk [tilespmem:v32+s19+$0x0], $0xffff  }
0x687: {  	v32 =	vshll.u32 v43, $0x7;
	[tilespmem:s9+$0x40] =	vst v29;
	v29 =	vmul.f32 v35, v19;
	v31 =	vld.idx.msk [tilespmem:v31+s19+$0x0], $0xffff  }
0x688: {  	v38 =	vadd.f32 v33, v40;
	v33 =	vsub.f32 v36, v41;
	v35 =	vld.idx.msk [tilespmem:v37+s19+$0x0], $0xffff;
	v36 =	vor.u32 v4, v32  }
0x689: {  	v37 =	vadd.s32 v13, v32;
	v42 =	vld [tilespmem:s4+$0x190D0];
	v34 =	vadd.f32 v29, v39;
	v29 =	vor.u32 v12, v32  }
0x68a: {  	v39 =	vld [tilespmem:s4+$0x1B0D0];
	_ =	sdelay $0x4  }
0x68b: {  	v39 =	vsub.f32 v39, v42;
	_ =	sdelay $0x1  }
0x68c: {  	v39 =	vmul.f32 v39, v23  }
0x68d: {  	[tilespmem:s13+$0x50] =	vst v38  }
0x68e: {  	v38 =	vld [tilespmem:s16+$0x190E0];
	v39 =	vadd.f32 v39, v42  }
0x68f: {  	v40 =	vld [tilespmem:s16+$0x1B0E0]  }
0x690: {  	[tilespmem:s9+$0x50] =	vst v39  }
0x691: {  	v39 =	vld [tilespmem:s4+$0x190E0]  }
0x692: {  	v57 =	vld [tilespmem:s4+$0x1B0E0];
	_ =	sdelay $0x1  }
0x693: {  	v40 =	vsub.f32 v40, v38;
	_ =	sdelay $0x1  }
0x694: {  	v40 =	vmul.f32 v40, v24  }
0x695: {  	v42 =	vsub.f32 v57, v39  }
0x696: {  	v38 =	vadd.f32 v40, v38  }
0x697: {  	v58 =	vmul.f32 v42, v23  }
0x698: {  	[tilespmem:s13+$0x60] =	vst v38  }
0x699: {  	v38 =	vld [tilespmem:s16+$0x190F0];
	v39 =	vadd.f32 v58, v39  }
0x69a: {  	v59 =	vld [tilespmem:s16+$0x1B0F0]  }
0x69b: {  	[tilespmem:s9+$0x60] =	vst v39  }
0x69c: {  	v39 =	vld [tilespmem:s4+$0x190F0]  }
0x69d: {  	v60 =	vld [tilespmem:s4+$0x1B0F0];
	_ =	sdelay $0x1  }
0x69e: {  	v40 =	vsub.f32 v59, v38;
	_ =	sdelay $0x1  }
0x69f: {  	v40 =	vmul.f32 v40, v24  }
0x6a0: {  	v42 =	vsub.f32 v60, v39  }
0x6a1: {  	v38 =	vadd.f32 v40, v38  }
0x6a2: {  	v61 =	vmul.f32 v42, v23  }
0x6a3: {  	[tilespmem:s13+$0x70] =	vst v38  }
0x6a4: {  	v38 =	vld [tilespmem:s16+$0x19480];
	v39 =	vadd.f32 v61, v39  }
0x6a5: {  	v62 =	vld [tilespmem:s16+$0x1B480]  }
0x6a6: {  	[tilespmem:s9+$0x70] =	vst v39  }
0x6a7: {  	v39 =	vld [tilespmem:s4+$0x19480]  }
0x6a8: {  	v63 =	vld [tilespmem:s4+$0x1B480];
	_ =	sdelay $0x1  }
0x6a9: {  	v40 =	vsub.f32 v62, v38;
	_ =	sdelay $0x1  }
0x6aa: {  	v40 =	vmul.f32 v40, v24  }
0x6ab: {  	v42 =	vsub.f32 v63, v39  }
0x6ac: {  	s1 =	sadd.s32 $0x14C80, s3;
	v38 =	vadd.f32 v40, v38  }
0x6ad: {  	s22 =	sor.u32 s12, s1;
	v45 =	vmul.f32 v42, v23  }
0x6ae: {  	[tilespmem:s22+$0x0] =	vst v38  }
0x6af: {  	v38 =	vld [tilespmem:s16+$0x19490];
	v39 =	vadd.f32 v45, v39  }
0x6b0: {  	s1 =	sadd.s32 s15, s1;
	v46 =	vld [tilespmem:s16+$0x1B490]  }
0x6b1: {  	[tilespmem:s1+$0x0] =	vst v39  }
0x6b2: {  	v39 =	vld [tilespmem:s4+$0x19490]  }
0x6b3: {  	v47 =	vld [tilespmem:s4+$0x1B490];
	_ =	sdelay $0x1  }
0x6b4: {  	v40 =	vsub.f32 v46, v38;
	_ =	sdelay $0x1  }
0x6b5: {  	v40 =	vmul.f32 v40, v24  }
0x6b6: {  	v42 =	vsub.f32 v47, v39  }
0x6b7: {  	v38 =	vadd.f32 v40, v38  }
0x6b8: {  	v48 =	vmul.f32 v42, v23  }
0x6b9: {  	[tilespmem:s22+$0x10] =	vst v38  }
0x6ba: {  	v38 =	vld [tilespmem:s16+$0x194A0];
	v39 =	vadd.f32 v48, v39  }
0x6bb: {  	v49 =	vld [tilespmem:s16+$0x1B4A0]  }
0x6bc: {  	[tilespmem:s1+$0x10] =	vst v39  }
0x6bd: {  	v39 =	vld [tilespmem:s4+$0x194A0]  }
0x6be: {  	v50 =	vld [tilespmem:s4+$0x1B4A0];
	_ =	sdelay $0x1  }
0x6bf: {  	v40 =	vsub.f32 v49, v38;
	_ =	sdelay $0x1  }
0x6c0: {  	v40 =	vmul.f32 v40, v24  }
0x6c1: {  	v42 =	vsub.f32 v50, v39  }
0x6c2: {  	[tilespmem:s26+$0x20] =	vst v34;
	v51 =	vadd.f32 v40, v38  }
0x6c3: {  	v52 =	vld [tilespmem:s11+$0x194B0];
	v53 =	vmul.f32 v42, v23  }
0x6c4: {  	v54 =	vld [tilespmem:s11+$0x1B4B0];
	[tilespmem:s22+$0x20] =	vst v51  }
0x6c5: {  	v34 =	vld [tilespmem:s16+$0x194B0];
	v39 =	vadd.f32 v53, v39  }
0x6c6: {  	v55 =	vld [tilespmem:s16+$0x1B4B0]  }
0x6c7: {  	[tilespmem:s1+$0x20] =	vst v39  }
0x6c8: {  	v39 =	vld [tilespmem:s4+$0x194B0]  }
0x6c9: {  	v42 =	vsub.f32 v54, v52;
	v43 =	vld [tilespmem:s4+$0x1B4B0];
	_ =	sdelay $0x1  }
0x6ca: {  	v40 =	vsub.f32 v55, v34;
	v42 =	vmul.f32 v42, v19;
	_ =	sdelay $0x1  }
0x6cb: {  	v40 =	vmul.f32 v40, v24;
	v38 =	vadd.f32 v42, v52  }
0x6cc: {  	v56 =	vsub.f32 v43, v39  }
0x6cd: {  	v34 =	vadd.f32 v40, v34;
	[tilespmem:s26+$0x30] =	vst v38  }
0x6ce: {  	v38 =	vld [tilespmem:s11+$0x194C0];
	v57 =	vmul.f32 v56, v23  }
0x6cf: {  	[tilespmem:s22+$0x30] =	vst v34;
	v58 =	vld [tilespmem:s11+$0x1B4C0]  }
0x6d0: {  	v34 =	vld [tilespmem:s16+$0x194C0];
	v39 =	vadd.f32 v57, v39  }
0x6d1: {  	v59 =	vld [tilespmem:s16+$0x1B4C0]  }
0x6d2: {  	[tilespmem:s1+$0x30] =	vst v39  }
0x6d3: {  	v39 =	vld [tilespmem:s4+$0x194C0]  }
0x6d4: {  	v33 =	vmul.f32 v33, v18;
	v60 =	vsub.f32 v58, v38;
	v61 =	vld [tilespmem:s4+$0x1B4C0];
	_ =	sdelay $0x1  }
0x6d5: {  	v33 =	vadd.f32 v33, v41;
	v40 =	vsub.f32 v59, v34;
	v62 =	vmul.f32 v60, v19;
	_ =	sdelay $0x1  }
0x6d6: {  	[tilespmem:s25+$0x40] =	vst v33;
	v46 =	vmul.f32 v40, v24;
	v33 =	vadd.f32 v62, v38  }
0x6d7: {  	v63 =	vld [tilespmem:s10+$0x194D0];
	v47 =	vsub.f32 v61, v39  }
0x6d8: {  	v45 =	vld [tilespmem:s10+$0x1B4D0];
	v48 =	vadd.f32 v46, v34;
	[tilespmem:s26+$0x40] =	vst v33  }
0x6d9: {  	v49 =	vld [tilespmem:s11+$0x194D0];
	v50 =	vmul.f32 v47, v23  }
0x6da: {  	[tilespmem:s22+$0x40] =	vst v48;
	v51 =	vld [tilespmem:s11+$0x1B4D0]  }
0x6db: {  	v53 =	vld [tilespmem:s16+$0x194D0];
	v38 =	vadd.f32 v50, v39  }
0x6dc: {  	v54 =	vld [tilespmem:s16+$0x1B4D0]  }
0x6dd: {  	v52 =	vsub.f32 v45, v63;
	[tilespmem:s1+$0x40] =	vst v38  }
0x6de: {  	v38 =	vld [tilespmem:s4+$0x194D0]  }
0x6df: {  	v33 =	vmul.f32 v52, v18;
	v40 =	vsub.f32 v51, v49;
	v55 =	vld [tilespmem:s4+$0x1B4D0];
	_ =	sdelay $0x1  }
0x6e0: {  	v33 =	vadd.f32 v33, v63;
	v56 =	vmul.f32 v40, v19;
	v39 =	vsub.f32 v54, v53;
	_ =	sdelay $0x1  }
0x6e1: {  	[tilespmem:s25+$0x50] =	vst v33;
	v33 =	vadd.f32 v56, v49;
	v59 =	vmul.f32 v39, v24  }
0x6e2: {  	v57 =	vld [tilespmem:s10+$0x194E0];
	v60 =	vsub.f32 v55, v38  }
0x6e3: {  	v58 =	vld [tilespmem:s10+$0x1B4E0];
	[tilespmem:s26+$0x50] =	vst v33;
	v61 =	vadd.f32 v59, v53  }
0x6e4: {  	v62 =	vld [tilespmem:s11+$0x194E0];
	v39 =	vmul.f32 v60, v23  }
0x6e5: {  	v63 =	vld [tilespmem:s11+$0x1B4E0];
	[tilespmem:s22+$0x50] =	vst v61  }
0x6e6: {  	v46 =	vld [tilespmem:s16+$0x194E0];
	v38 =	vadd.f32 v39, v38  }
0x6e7: {  	v47 =	vld [tilespmem:s16+$0x1B4E0]  }
0x6e8: {  	v45 =	vsub.f32 v58, v57;
	[tilespmem:s1+$0x50] =	vst v38  }
0x6e9: {  	v38 =	vld [tilespmem:s4+$0x194E0]  }
0x6ea: {  	v33 =	vmul.f32 v45, v18;
	v48 =	vsub.f32 v63, v62;
	v49 =	vld [tilespmem:s4+$0x1B4E0];
	_ =	sdelay $0x1  }
0x6eb: {  	v33 =	vadd.f32 v33, v57;
	v50 =	vmul.f32 v48, v19;
	v39 =	vsub.f32 v47, v46;
	_ =	sdelay $0x1  }
0x6ec: {  	[tilespmem:s25+$0x60] =	vst v33;
	v33 =	vadd.f32 v50, v62;
	v53 =	vmul.f32 v39, v24  }
0x6ed: {  	v51 =	vld [tilespmem:s10+$0x194F0];
	v54 =	vsub.f32 v49, v38  }
0x6ee: {  	v52 =	vld [tilespmem:s10+$0x1B4F0];
	[tilespmem:s26+$0x60] =	vst v33;
	v55 =	vadd.f32 v53, v46  }
0x6ef: {  	v56 =	vld [tilespmem:s11+$0x194F0];
	v39 =	vmul.f32 v54, v23  }
0x6f0: {  	v57 =	vld [tilespmem:s11+$0x1B4F0];
	[tilespmem:s22+$0x60] =	vst v55  }
0x6f1: {  	v59 =	vld [tilespmem:s16+$0x194F0];
	v38 =	vadd.f32 v39, v38  }
0x6f2: {  	v60 =	vld [tilespmem:s16+$0x1B4F0]  }
0x6f3: {  	v58 =	vsub.f32 v52, v51;
	[tilespmem:s1+$0x60] =	vst v38  }
0x6f4: {  	v38 =	vld [tilespmem:s4+$0x194F0]  }
0x6f5: {  	v61 =	vmul.f32 v58, v18;
	v63 =	vsub.f32 v57, v56;
	v62 =	vld [tilespmem:s4+$0x1B4F0];
	_ =	sdelay $0x1  }
0x6f6: {  	v18 =	vadd.f32 v61, v51;
	v44 =	vmul.f32 v63, v19;
	v45 =	vsub.f32 v60, v59;
	_ =	sdelay $0x1  }
0x6f7: {  	[tilespmem:s25+$0x70] =	vst v18;
	v18 =	vadd.f32 v44, v56;
	v19 =	vmul.f32 v45, v24  }
0x6f8: {  	v46 =	vld.idx.msk [tilespmem:v16+s7+$0x0], $0xffff;
	v47 =	vsub.f32 v62, v38  }
0x6f9: {  	[tilespmem:s26+$0x70] =	vst v18;
	v48 =	vadd.f32 v19, v59  }
0x6fa: {  	v49 =	vld.idx.msk [tilespmem:v17+s7+$0x0], $0xffff;
	v50 =	vmul.f32 v47, v23  }
0x6fb: {  	[tilespmem:s22+$0x70] =	vst v48  }
0x6fc: {  	v52 =	vld.idx.msk [tilespmem:v22+s7+$0x0], $0xffff;
	v23 =	vadd.f32 v50, v38  }
0x6fd: {  	v33 =	vshll.u32 v46, $0x7  }
0x6fe: {  	v36 =	vld.idx.msk [tilespmem:v36+s19+$0x0], $0xffff;
	v51 =	vor.u32 v4, v33;
	[tilespmem:s1+$0x70] =	vst v23  }
0x6ff: {  	v53 =	vadd.s32 v13, v33;
	v24 =	vshll.u32 v49, $0x7;
	v55 =	vld.idx.msk [tilespmem:v21+s7+$0x0], $0xffff  }
0x700: {  	v54 =	vld.idx.msk [tilespmem:v37+s19+$0x0], $0xffff;
	v56 =	vor.u32 v4, v24  }
0x701: {  	v18 =	vld.idx.msk [tilespmem:v16+s0+$0x0], $0xffff;
	v58 =	vadd.s32 v13, v24;
	v19 =	vshll.u32 v52, $0x7  }
0x702: {  	v16 =	vld.idx.msk [tilespmem:v17+s0+$0x0], $0xffff;
	v60 =	vor.u32 v4, v19  }
0x703: {  	v57 =	vld.idx.msk [tilespmem:v51+s19+$0x0], $0xffff;
	v61 =	vadd.s32 v13, v19  }
0x704: {  	v59 =	vld.idx.msk [tilespmem:v53+s19+$0x0], $0xffff;
	v23 =	vshll.u32 v55, $0x7  }
0x705: {  	v63 =	vld.idx.msk [tilespmem:v56+s19+$0x0], $0xffff;
	v46 =	vor.u32 v4, v23  }
0x706: {  	v41 =	vld.idx.msk [tilespmem:v58+s19+$0x0], $0xffff;
	v48 =	vadd.s32 v13, v23  }
0x707: {  	v62 =	vsub.f32 v54, v36;
	v38 =	vld.idx.msk [tilespmem:v60+s19+$0x0], $0xffff  }
0x708: {  	v49 =	vld.idx.msk [tilespmem:v61+s19+$0x0], $0xffff  }
0x709: {  	v47 =	vmul.f32 v62, v28;
	v34 =	vsub.f32 v59, v57;
	v13 =	vld.idx.msk [tilespmem:v22+s0+$0x0], $0xffff  }
0x70a: {  	v53 =	vor.u32 v12, v33;
	v50 =	vadd.s32 v9, v32;
	v51 =	vld.idx.msk [tilespmem:v46+s19+$0x0], $0xffff  }
0x70b: {  	v36 =	vadd.f32 v47, v36;
	v52 =	vmul.f32 v34, v18;
	v54 =	vsub.f32 v41, v63;
	v55 =	vld.idx.msk [tilespmem:v48+s19+$0x0], $0xffff  }
0x70c: {  	v44 =	vor.u32 v12, v24;
	v56 =	vadd.s32 v9, v33  }
0x70d: {  	s25 =	sadd.s32 $0x15080, s8;
	[tilespmem:s6+$0x0] =	vst v36;
	v17 =	vld.idx.msk [tilespmem:v21+s0+$0x0], $0xffff;
	v40 =	vadd.f32 v52, v57;
	v36 =	vmul.f32 v54, v16  }
0x70e: {  	s26 =	sor.u32 s23, s25;
	v29 =	vld.idx.msk [tilespmem:v29+s19+$0x0], $0xffff;
	v58 =	vadd.s32 v9, v24;
	v39 =	vsub.f32 v49, v38  }
0x70f: {  	v57 =	vld.idx.msk [tilespmem:v50+s19+$0x0], $0xffff;
	[tilespmem:s26+$0x0] =	vst v40;
	v36 =	vadd.f32 v36, v63  }
0x710: {  	s4 =	sadd.s32 s24, s25;
	v60 =	vor.u32 v12, v19;
	v34 =	vld.idx.msk [tilespmem:v53+s19+$0x0], $0xffff;
	v59 =	vmul.f32 v39, v13;
	v61 =	vsub.f32 v55, v51  }
0x711: {  	v62 =	vld.idx.msk [tilespmem:v56+s19+$0x0], $0xffff;
	v63 =	vadd.s32 v9, v19;
	[tilespmem:s4+$0x0] =	vst v36  }
0x712: {  	s28 =	sadd.s32 $0x15080, s3;
	v46 =	vor.u32 v12, v23;
	v45 =	vld.idx.msk [tilespmem:v44+s19+$0x0], $0xffff;
	v37 =	vadd.f32 v59, v38;
	v47 =	vmul.f32 v61, v17  }
0x713: {  	s3 =	sor.u32 s12, s28;
	v9 =	vadd.s32 v9, v23;
	v48 =	vld.idx.msk [tilespmem:v58+s19+$0x0], $0xffff  }
0x714: {  	v21 =	vsub.f32 v57, v29;
	[tilespmem:s3+$0x0] =	vst v37;
	v22 =	vadd.f32 v47, v51  }
0x715: {  	s8 =	sadd.s32 s15, s28;
	v49 =	vor.u32 v10, v32;
	v50 =	vld.idx.msk [tilespmem:v60+s19+$0x0], $0xffff  }
0x716: {  	v21 =	vmul.f32 v21, v28;
	v41 =	vsub.f32 v62, v34;
	v36 =	vld.idx.msk [tilespmem:v63+s19+$0x0], $0xffff;
	[tilespmem:s8+$0x0] =	vst v22  }
0x717: {  	v53 =	vor.u32 v10, v33;
	v51 =	vadd.s32 v11, v32;
	v12 =	vld.idx.msk [tilespmem:v46+s19+$0x0], $0xffff  }
0x718: {  	v21 =	vadd.f32 v21, v29;
	v52 =	vmul.f32 v41, v18;
	v40 =	vsub.f32 v48, v45;
	v9 =	vld.idx.msk [tilespmem:v9+s19+$0x0], $0xffff  }
0x719: {  	v54 =	vadd.s32 v11, v33  }
0x71a: {  	[tilespmem:s6+$0x10] =	vst v21;
	v55 =	vor.u32 v10, v24;
	v40 =	vmul.f32 v40, v16;
	v22 =	vadd.f32 v52, v34  }
0x71b: {  	v56 =	vadd.s32 v11, v24;
	v37 =	vld.idx.msk [tilespmem:v49+s19+$0x0], $0xffff;
	v36 =	vsub.f32 v36, v50  }
0x71c: {  	v57 =	vadd.f32 v40, v45;
	[tilespmem:s26+$0x10] =	vst v22;
	v39 =	vld.idx.msk [tilespmem:v51+s19+$0x0], $0xffff  }
0x71d: {  	v58 =	vor.u32 v10, v19;
	v36 =	vmul.f32 v36, v13;
	v29 =	vld.idx.msk [tilespmem:v53+s19+$0x0], $0xffff;
	v9 =	vsub.f32 v9, v12  }
0x71e: {  	v59 =	vadd.s32 v11, v19;
	[tilespmem:s4+$0x10] =	vst v57;
	v21 =	vld.idx.msk [tilespmem:v54+s19+$0x0], $0xffff  }
0x71f: {  	v10 =	vor.u32 v10, v23;
	v34 =	vld.idx.msk [tilespmem:v55+s19+$0x0], $0xffff;
	v36 =	vadd.f32 v36, v50;
	v9 =	vmul.f32 v9, v17  }
0x720: {  	v35 =	vsub.f32 v35, v31;
	v11 =	vadd.s32 v11, v23;
	v61 =	vld.idx.msk [tilespmem:v56+s19+$0x0], $0xffff  }
0x721: {  	[tilespmem:s3+$0x10] =	vst v36;
	v9 =	vadd.f32 v9, v12  }
0x722: {  	v35 =	vmul.f32 v35, v25;
	v62 =	vor.u32 v14, v27;
	v44 =	vld.idx.msk [tilespmem:v58+s19+$0x0], $0xffff;
	v60 =	vsub.f32 v39, v37  }
0x723: {  	v63 =	vadd.s32 v15, v27;
	v22 =	vld.idx.msk [tilespmem:v59+s19+$0x0], $0xffff;
	v21 =	vsub.f32 v21, v29;
	[tilespmem:s8+$0x10] =	vst v9  }
0x724: {  	v42 =	vadd.f32 v35, v31;
	v45 =	vor.u32 v14, v32;
	v43 =	vmul.f32 v60, v28;
	v10 =	vld.idx.msk [tilespmem:v10+s19+$0x0], $0xffff  }
0x725: {  	v47 =	vor.u32 v14, v33;
	v48 =	vsub.f32 v61, v34;
	v21 =	vmul.f32 v21, v18;
	v11 =	vld.idx.msk [tilespmem:v11+s19+$0x0], $0xffff  }
0x726: {  	[tilespmem:s2+$0x20] =	vst v42;
	v33 =	vadd.s32 v15, v33;
	v52 =	vor.u32 v14, v24;
	v46 =	vadd.f32 v43, v37  }
0x727: {  	v49 =	vld.idx.msk [tilespmem:v62+s19+$0x0], $0xffff;
	v24 =	vadd.s32 v15, v24;
	v50 =	vmul.f32 v48, v16;
	v21 =	vadd.f32 v21, v29  }
0x728: {  	v55 =	vor.u32 v14, v19;
	v12 =	vld.idx.msk [tilespmem:v63+s19+$0x0], $0xffff;
	v22 =	vsub.f32 v22, v44;
	[tilespmem:s6+$0x20] =	vst v46  }
0x729: {  	v9 =	vadd.s32 v15, v32;
	v53 =	vadd.f32 v50, v34;
	[tilespmem:s26+$0x20] =	vst v21;
	v51 =	vld.idx.msk [tilespmem:v45+s19+$0x0], $0xffff  }
0x72a: {  	v19 =	vadd.s32 v15, v19;
	v22 =	vmul.f32 v22, v13;
	v54 =	vld.idx.msk [tilespmem:v47+s19+$0x0], $0xffff;
	v11 =	vsub.f32 v11, v10  }
0x72b: {  	[tilespmem:s4+$0x20] =	vst v53;
	v33 =	vld.idx.msk [tilespmem:v33+s19+$0x0], $0xffff  }
0x72c: {  	v56 =	vor.u32 v14, v23;
	v57 =	vadd.f32 v22, v44;
	v58 =	vld.idx.msk [tilespmem:v52+s19+$0x0], $0xffff;
	v11 =	vmul.f32 v11, v17  }
0x72d: {  	v59 =	vadd.s32 v15, v23;
	v60 =	vld.idx.msk [tilespmem:v24+s19+$0x0], $0xffff  }
0x72e: {  	v9 =	vld.idx.msk [tilespmem:v9+s19+$0x0], $0xffff;
	[tilespmem:s3+$0x20] =	vst v57;
	v10 =	vadd.f32 v11, v10  }
0x72f: {  	v19 =	vld.idx.msk [tilespmem:v19+s19+$0x0], $0xffff  }
0x730: {  	v11 =	vld.idx.msk [tilespmem:v55+s19+$0x0], $0xffff;
	[tilespmem:s8+$0x20] =	vst v10  }
0x731: {  	v10 =	vsub.f32 v30, v26;
	v14 =	vld.idx.msk [tilespmem:v56+s19+$0x0], $0xffff  }
0x732: {  	v12 =	vsub.f32 v12, v49;
	v15 =	vld.idx.msk [tilespmem:v59+s19+$0x0], $0xffff  }
0x733: {  	v9 =	vsub.f32 v9, v51;
	v10 =	vmul.f32 v10, v20  }
0x734: {  	v12 =	vmul.f32 v12, v25;
	v61 =	vsub.f32 v33, v54  }
0x735: {  	v62 =	vsub.f32 v60, v58;
	v9 =	vmul.f32 v9, v28;
	v10 =	vadd.f32 v10, v26  }
0x736: {  	v12 =	vadd.f32 v12, v49;
	v18 =	vmul.f32 v61, v18;
	v19 =	vsub.f32 v19, v11  }
0x737: {  	v9 =	vadd.f32 v9, v51;
	[tilespmem:s14+$0x30] =	vst v10;
	v10 =	vmul.f32 v62, v16;
	v15 =	vsub.f32 v15, v14  }
0x738: {  	[tilespmem:s2+$0x30] =	vst v12;
	v63 =	vadd.f32 v18, v54;
	v13 =	vmul.f32 v19, v13  }
0x739: {  	[tilespmem:s6+$0x30] =	vst v9;
	v9 =	vadd.f32 v10, v58;
	v10 =	vmul.f32 v15, v17  }
0x73a: {  	s21 =	sadd.s32 $0x1, s21;
	s2 =	rddreg [dreg:$0x10];
	[tilespmem:s26+$0x30] =	vst v63;
	v11 =	vadd.f32 v13, v11  }
0x73b: {  	p0 =	sne.s32 s21, $0x10;
	s2 =	smul.u32 $0x3800, s2;
	[tilespmem:s4+$0x30] =	vst v9;
	v9 =	vadd.f32 v10, v14  }
.Ltmp6:
0x73c: {  	s1 =	rddreg [dreg:$0xf];
	[tilespmem:s3+$0x30] =	vst v11;
	(pc) =	sbr.rel @p0 .LBB2_10-.Ltmp6, $4  }
0x73d: {  	s1 =	sadd.s32 s1, s2;
	[tilespmem:s8+$0x30] =	vst v9  }
0x73e: {  	s30 =	simm.s32 $0x14880;
	s1 =	sshrl.u32 s1, $0x3;
	s29 =	rddreg [dreg:$0x8]  }
0x73f: {  	s5 =	sadd.s32 $0x20, s5;
	s12 =	simm.s32 $0x0;
	s1 =	sadd.s32 s29, s1  }
0x740: {  	[hbm4b:s1+s12] =	stream.linear.scatter [tilespmem:s30], [sflag:$0x2], $0x3800, $0x38;
	[tilespmem:$0x1C080] =	vst v63  }
0x741: {  	s1 =	simm.s32 $0x2  }
0x742: {  	_ =	swait.ge [sflag:s1], $0x3800  }
0x743: {  	[sflag:s1] =	ssyncset.done $0x0  }
0x744: {  	[sflag:s1] =	ssyncadd.s32 $0xFFFFC800  }
0x745: {  	_ =	swait.ge [sflag:s1], $0x3800  }
0x746: {  	s2 =	rddreg [dreg:$0xe]  }
0x747: {  	s2 =	sadd.s32 $0x1, s2  }
0x748: {  	p0 =	sne.s32 s2, $0x4  }
.Ltmp7:
0x749: {  	_ = 	snop;
	(pc) =	sbr.rel @p0 .LBB2_2-.Ltmp7, $3  }
0x74a: {  	_ =	sdelay $0x1  }
0x74b: {  	[sflag:s1] =	ssyncset.done $0x0  }
0x74c: {  	s11 =	simm.s32 $0x200;
	s13 =	simm.s32 $0x280;
	[sflag:s1] =	ssyncadd.s32 $0xFFFFC800  }
0x74d: {  	s2 =	rddreg [dreg:$0xd]  }
0x74e: {  	s1 =	rddreg [dreg:$0xc];
	s2 =	sadd.s32 $0x1, s2  }
0x74f: {  	p0 =	sne.s32 s2, s1  }
.Ltmp8:
0x750: {  	_ = 	snop;
	(pc) =	sbr.rel @p0 .LBB2_1-.Ltmp8, $1  }
0x751: {  	_ =	sdelay $0x3  }
0x752: {  	_ =	sfence.sel $0x180000  }
0x753: {  	[bflag:$0x0] =	sbarrier.arrive $0xFFFF  }
0x754: {  	_ =	strace $0x90000047  }
0x755: {  	s0 =	stileid.u32;
	[bflag:$0x2] =	sbarrier.arrive $0xFFFF  }
0x756: {  	p0 =	sne.s32 s0, $0x0;
	s0 =	rddreg [dreg:$0x6]  }
0x757: {  	s0 =	sadd.s32 @!p0 $0x100000, s0  }
0x758: {  	[sflag:s0] =	ssyncadd.tile.s32 @!p0 $0x1;
	_ =	shalt  }
.Lfunc_end2:
_tile_overlayer_lowered:
.L_overlay_start_2:
0x759: {  	(tag) =	ssettag $0x2  }
0x75a: {  	s0 =	rddreg [dreg:$0x0];
	s2 =	stileid.u32  }
0x75b: {  	s1 =	rddreg [dreg:$0x1];
	p0 =	sne.s32 s2, $0x0  }
0x75c: {  	s3 =	rddreg [dreg:$0x2];
	[bflag:$0x3] =	sbarrier.arrive $0xFFFF;
	s2 =	simm.s32 @!p0 $0x1C03  }
0x75d: {  	[timem:s3], [sflag:s2] =	dma.local @!p0 [hbm:s0], s1  }
0x75e: {  	s0 =	simm.s32 @!p0 $0x3  }
0x75f: {  	_ =	swait.ge @!p0 [sflag:s0], s1  }
0x760: {  	s1 =	ssub.s32 @!p0 $0x0, s1;
	[sflag:s0] =	ssyncset.done @!p0 $0x0  }
0x761: {  	[sflag:s0] =	ssyncadd.s32 @!p0 s1  }
0x762: {  	[bflag:$0x3] =	sbarrier.arrive $0xFFFF  }
0x763: {  	_ =	shalt  }

</sc_bundles>
